<compile_context>
chip_gen: v7x
topology: tpu7x:2x2x1
jax: 0.10.2.dev20260603
libtpu: 0.0.44.dev20260713+nightly
codegen_flags: <defaults>
</compile_context>

<pallas_src>
import functools

import jax
import jax.numpy as jnp
from jax import lax
from jax.experimental import pallas as pl
from jax.experimental.pallas import tpu as pltpu
from jax.experimental.pallas import tpu_sc as plsc

N = 10000
E = 320000
D = 128
H = 8
DH = 16
HOP = 5
ALPHA = 0.15
D_FF = 4 * D

BN = 1000

NC = 2
NS = 16
NW = NC * NS
EW = E // NW
K = 80
NCH = EW // K

_NRCH = N // K

_mesh = plsc.VectorSubcoreMesh(core_axis_name="c", subcore_axis_name="s")


def _pre_body(x_ref, w_ref, aht_ref, g_ref, b_ref, h_ref, feat_ref, eht_ref):
    x = x_ref[...]
    m = jnp.mean(x, axis=-1, keepdims=True)
    xc = x - m
    var = jnp.mean(xc * xc, axis=-1, keepdims=True)
    h = xc * lax.rsqrt(var + 1e-5) * g_ref[...] + b_ref[...]
    h_ref[...] = h
    feat = lax.dot_general(h, w_ref[...], (((1,), (1,)), ((), ())),
                           preferred_element_type=jnp.float32)
    feat_ref[...] = feat
    eht_ref[...] = jnp.dot(feat, aht_ref[...], preferred_element_type=jnp.float32)


def _pre(x, W_ent, Aht, ln1_g, ln1_b):
    return pl.pallas_call(
        _pre_body,
        grid=(N // BN,),
        in_specs=[
            pl.BlockSpec((BN, D), lambda i: (i, 0)),
            pl.BlockSpec((D, D), lambda i: (0, 0)),
            pl.BlockSpec((D, 2 * H), lambda i: (0, 0)),
            pl.BlockSpec((1, D), lambda i: (0, 0)),
            pl.BlockSpec((1, D), lambda i: (0, 0)),
        ],
        out_specs=[
            pl.BlockSpec((BN, D), lambda i: (i, 0)),
            pl.BlockSpec((BN, D), lambda i: (i, 0)),
            pl.BlockSpec((BN, 2 * H), lambda i: (i, 0)),
        ],
        out_shape=[
            jax.ShapeDtypeStruct((N, D), jnp.float32),
            jax.ShapeDtypeStruct((N, D), jnp.float32),
            jax.ShapeDtypeStruct((N, 2 * H), jnp.float32),
        ],
    )(x, W_ent, Aht, ln1_g.reshape(1, D), ln1_b.reshape(1, D))


def _zero_rows(buf_ref, nrows, width):
    z = jnp.zeros((16,), jnp.float32)

    def body(i, _):
        for t in range(width // 16):
            buf_ref[i, pl.ds(16 * t, 16)] = z
        return 0

    lax.fori_loop(0, nrows, body, 0)


def _spmem_rows_to_hbm(shared_ref, bounce_ref, hbm_view, s):

    def body(t, _):
        k = (s + t * NS) * K
        pltpu.sync_copy(shared_ref.at[pl.ds(k, K)], bounce_ref)
        pltpu.sync_copy(bounce_ref, hbm_view.at[pl.ds(k, K)])
        return 0

    lax.fori_loop(0, (_NRCH - s + NS - 1) // NS, body, 0)


def _zero_shared(shared_ref, bounce_ref, s, width):
    _zero_rows(bounce_ref, K, width)

    def body(t, _):
        pltpu.sync_copy(bounce_ref, shared_ref.at[pl.ds((s + t * NS) * K, K)])
        return 0

    lax.fori_loop(0, (_NRCH - s + NS - 1) // NS, body, 0)


@functools.partial(
    pl.kernel,
    out_type=[
        jax.ShapeDtypeStruct((E, 2 * H), jnp.float32),
        jax.ShapeDtypeStruct((NC, N, 2 * H), jnp.float32),
    ],
    mesh=_mesh,
    compiler_params=pltpu.CompilerParams(use_tc_tiling_on_sc=False),
    scratch_types=[
        pltpu.VMEM((NCH, K), jnp.int32),
        pltpu.VMEM((NCH, K), jnp.int32),
        pltpu.VMEM((K, 2 * H), jnp.float32),
        pltpu.VMEM((K, 2 * H), jnp.float32),
        pltpu.VMEM((K, 2 * H), jnp.float32),
        pltpu.VMEM_SHARED((N, 2 * H), jnp.float32),
    ],
)
def _edge_logits(src_hbm, dst_hbm, ts_hbm, td_hbm, ee_hbm, dp_hbm,
                 srcv, dstv, rs, rd, eev, dsh):
    c = lax.axis_index("c")
    s = lax.axis_index("s")
    wid = c * NS + s

    _zero_shared(dsh, eev, s, 2 * H)
    pltpu.sync_copy(src_hbm.at[wid], srcv)
    pltpu.sync_copy(dst_hbm.at[wid], dstv)
    plsc.subcore_barrier()

    ebase = wid * EW

    def chunk(j, _):
        pltpu.sync_copy(ts_hbm.at[srcv.at[j]], rs)
        pltpu.sync_copy(td_hbm.at[dstv.at[j]], rd)

        def edge(i, _):
            t = rs[i] + rd[i]
            t = jnp.where(t >= 0.0, t, 0.2 * t)
            eev[i] = jnp.exp(t)
            return 0

        lax.fori_loop(0, K, edge, 0)
        pltpu.sync_copy(eev, dsh.at[dstv.at[j]], add=True)
        pltpu.sync_copy(eev, ee_hbm.at[pl.ds(ebase + j * K, K)])
        return 0

    lax.fori_loop(0, NCH, chunk, 0)
    plsc.subcore_barrier()
    _spmem_rows_to_hbm(dsh, eev, dp_hbm.at[c], s)


@functools.partial(
    pl.kernel,
    out_type=jax.ShapeDtypeStruct((E, 2 * H), jnp.float32),
    mesh=_mesh,
    compiler_params=pltpu.CompilerParams(use_tc_tiling_on_sc=False),
    scratch_types=[
        pltpu.VMEM((NCH, K), jnp.int32),
        pltpu.VMEM((K, 2 * H), jnp.float32),
        pltpu.VMEM((K, 2 * H), jnp.float32),
        pltpu.VMEM((K, 2 * H), jnp.float32),
    ],
)
def _edge_norm(dst_hbm, ee_hbm, p0_hbm, p1_hbm, a_hbm, dstv, r0, r1, eev):
    c = lax.axis_index("c")
    s = lax.axis_index("s")
    wid = c * NS + s
    pltpu.sync_copy(dst_hbm.at[wid], dstv)
    ebase = wid * EW

    def chunk(j, _):
        pltpu.sync_copy(ee_hbm.at[pl.ds(ebase + j * K, K)], eev)
        pltpu.sync_copy(p0_hbm.at[dstv.at[j]], r0)
        pltpu.sync_copy(p1_hbm.at[dstv.at[j]], r1)

        def edge(i, _):
            eev[i] = eev[i] / (r0[i] + r1[i])
            return 0

        lax.fori_loop(0, K, edge, 0)
        pltpu.sync_copy(eev, a_hbm.at[pl.ds(ebase + j * K, K)])
        return 0

    lax.fori_loop(0, NCH, chunk, 0)


@functools.partial(
    pl.kernel,
    out_type=jax.ShapeDtypeStruct((NC, N, D), jnp.float32),
    mesh=_mesh,
    compiler_params=pltpu.CompilerParams(use_tc_tiling_on_sc=False),
    scratch_types=[
        pltpu.VMEM((NCH, K), jnp.int32),
        pltpu.VMEM((NCH, K), jnp.int32),
        pltpu.VMEM((K, 2 * H), jnp.float32),
        pltpu.VMEM((K, D), jnp.float32),
        pltpu.VMEM_SHARED((N, D), jnp.float32),
    ],
)
def _hop(src_hbm, dst_hbm, a_hbm, f_hbm, agg_hbm, srcv, dstv, av, rows, ash):
    c = lax.axis_index("c")
    s = lax.axis_index("s")
    wid = c * NS + s

    _zero_shared(ash, rows, s, D)
    pltpu.sync_copy(src_hbm.at[wid], srcv)
    pltpu.sync_copy(dst_hbm.at[wid], dstv)
    plsc.subcore_barrier()

    ebase = wid * EW

    def chunk(j, _):
        pltpu.sync_copy(f_hbm.at[srcv.at[j]], rows)
        pltpu.sync_copy(a_hbm.at[pl.ds(ebase + j * K, K)], av)

        def edge(i, _):
            arow = av[i]
            for h_ in range(H):
                sl = pl.ds(h_ * DH, DH)
                rows[i, sl] = rows[i, sl] * arow[h_]
            return 0

        lax.fori_loop(0, K, edge, 0)
        pltpu.sync_copy(rows, ash.at[dstv.at[j]], add=True)
        return 0

    lax.fori_loop(0, NCH, chunk, 0)
    plsc.subcore_barrier()
    _spmem_rows_to_hbm(ash, rows, agg_hbm.at[c], s)


def _combine_body(p0_ref, p1_ref, f0_ref, o_ref):
    o_ref[...] = ((1.0 - ALPHA) * (p0_ref[...] + p1_ref[...])
                  + ALPHA * f0_ref[...])


def _combine(p0, p1, feat0):
    return pl.pallas_call(
        _combine_body,
        grid=(N // BN,),
        in_specs=[pl.BlockSpec((BN, D), lambda i: (i, 0))] * 3,
        out_specs=pl.BlockSpec((BN, D), lambda i: (i, 0)),
        out_shape=jax.ShapeDtypeStruct((N, D), jnp.float32),
    )(p0, p1, feat0)


def _post_body(p0_ref, p1_ref, f0_ref, h_ref, g_ref, b_ref,
               w1_ref, b1_ref, w2_ref, b2_ref, o_ref):
    f = ((1.0 - ALPHA) * (p0_ref[...] + p1_ref[...]) + ALPHA * f0_ref[...])
    rst = f + h_ref[...]
    m = jnp.mean(rst, axis=-1, keepdims=True)
    xc = rst - m
    var = jnp.mean(xc * xc, axis=-1, keepdims=True)
    h2 = xc * lax.rsqrt(var + 1e-5) * g_ref[...] + b_ref[...]
    z = lax.dot_general(h2, w1_ref[...], (((1,), (1,)), ((), ())),
                        preferred_element_type=jnp.float32) + b1_ref[...]
    z = jnp.maximum(z, 0.0)
    ff = lax.dot_general(z, w2_ref[...], (((1,), (1,)), ((), ())),
                         preferred_element_type=jnp.float32) + b2_ref[...]
    o_ref[...] = ff + rst


def _post(p0, p1, feat0, h, ln2_g, ln2_b, w1, b1, w2, b2):
    return pl.pallas_call(
        _post_body,
        grid=(N // BN,),
        in_specs=[
            pl.BlockSpec((BN, D), lambda i: (i, 0)),
            pl.BlockSpec((BN, D), lambda i: (i, 0)),
            pl.BlockSpec((BN, D), lambda i: (i, 0)),
            pl.BlockSpec((BN, D), lambda i: (i, 0)),
            pl.BlockSpec((1, D), lambda i: (0, 0)),
            pl.BlockSpec((1, D), lambda i: (0, 0)),
            pl.BlockSpec((D_FF, D), lambda i: (0, 0)),
            pl.BlockSpec((1, D_FF), lambda i: (0, 0)),
            pl.BlockSpec((D, D_FF), lambda i: (0, 0)),
            pl.BlockSpec((1, D), lambda i: (0, 0)),
        ],
        out_specs=pl.BlockSpec((BN, D), lambda i: (i, 0)),
        out_shape=jax.ShapeDtypeStruct((N, D), jnp.float32),
    )(p0, p1, feat0, h, ln2_g.reshape(1, D), ln2_b.reshape(1, D),
      w1, b1.reshape(1, D_FF), w2, b2.reshape(1, D))


def kernel(ent_feat, edge_index, ln1_g, ln1_b, W_ent, attn_h, attn_t,
           ln2_g, ln2_b, w1, b1, w2, b2):
    eye = jnp.eye(H, dtype=jnp.float32)
    Ah = (attn_h.reshape(H, DH)[:, :, None] * eye[:, None, :]).reshape(D, H)
    At = (attn_t.reshape(H, DH)[:, :, None] * eye[:, None, :]).reshape(D, H)
    Aht = jnp.concatenate([Ah, At], axis=1)

    h, feat, eht = _pre(ent_feat, W_ent, Aht, ln1_g, ln1_b)
    eh = eht[:, :H]
    et = eht[:, H:]
    t_src = jnp.concatenate([eh, eh], axis=1)
    t_dst = jnp.concatenate([et, et], axis=1)

    src3 = edge_index[0].reshape(NW, NCH, K)
    dst3 = edge_index[1].reshape(NW, NCH, K)

    ee, dp = _edge_logits(src3, dst3, t_src, t_dst)
    a = _edge_norm(dst3, ee, dp[0], dp[1])

    f = feat
    for hop in range(HOP):
        agg = _hop(src3, dst3, a, f)
        if hop < HOP - 1:
            f = _combine(agg[0], agg[1], feat)
    return _post(agg[0], agg[1], feat, h, ln2_g, ln2_b, w1, b1, w2, b2)

# --- scband reference (transcript-rebuilt; emitter-appended) ---
"""Pipeline reference for scband-gdtlayer-5952824672823 (READ-ONLY COPY).

The authoritative reference and input builder live on the scoring server;
editing this copy changes nothing except your own understanding.
"""

import jax, jax.numpy as jnp
import numpy as np

N = 10000
E = 320000
D = 128
H = 8
DH = 16
HOP = 5
ALPHA = 0.15
D_FF = 4 * D


def setup_inputs(seed: int = 0) -> dict:
    key = jax.random.key(seed)
    ks = jax.random.split(key, 16)
    x = jax.random.normal(ks[0], (N, D), dtype=jnp.float32)
    edge_index = jax.random.randint(ks[1], (2, E), 0, N, dtype=jnp.int32)
    s = 0.02
    W_ent = jax.random.normal(ks[2], (D, D), dtype=jnp.float32) * s
    attn_h = jax.random.normal(ks[3], (1, H, DH), dtype=jnp.float32) * s
    attn_t = jax.random.normal(ks[4], (1, H, DH), dtype=jnp.float32) * s
    ln1_g = jnp.ones((D,), dtype=jnp.float32)
    ln1_b = jnp.zeros((D,), dtype=jnp.float32)
    ln2_g = jnp.ones((D,), dtype=jnp.float32)
    ln2_b = jnp.zeros((D,), dtype=jnp.float32)
    w1 = jax.random.normal(ks[5], (D_FF, D), dtype=jnp.float32) * s
    b1 = jnp.zeros((D_FF,), dtype=jnp.float32)
    w2 = jax.random.normal(ks[6], (D, D_FF), dtype=jnp.float32) * s
    b2 = jnp.zeros((D,), dtype=jnp.float32)
    return {"ent_feat": x, "edge_index": edge_index, "ln1_g": ln1_g, "ln1_b": ln1_b,
            "W_ent": W_ent, "attn_h": attn_h, "attn_t": attn_t,
            "ln2_g": ln2_g, "ln2_b": ln2_b, "w1": w1, "b1": b1, "w2": w2, "b2": b2}


def _layer_norm(v, g, b):
    m = v.mean(axis=-1, keepdims=True)
    var = v.var(axis=-1, keepdims=True)
    return (v - m) / jnp.sqrt(var + 1e-5) * g + b


def reference(ent_feat, edge_index, ln1_g, ln1_b, W_ent, attn_h, attn_t, ln2_g, ln2_b, w1, b1, w2, b2):
    # graph layer norm (feat_drop is identity in eval)
    h = _layer_norm(ent_feat, ln1_g, ln1_b)
    # shared head/tail projection
    feat = (h @ W_ent.T).reshape(N, H, DH)
    eh = (feat * attn_h).sum(axis=-1)  # (N, H)
    et = (feat * attn_t).sum(axis=-1)  # (N, H)
    src = edge_index[0]
    dst = edge_index[1]
    e = jax.nn.leaky_relu(eh[src] + et[dst], negative_slope=0.2)  # (E, H)
    # edge softmax grouped by destination node
    emax = jax.ops.segment_max(e, dst, num_segments=N)
    ee = jnp.exp(e - emax[dst])
    denom = jax.ops.segment_sum(ee, dst, num_segments=N)
    a = (ee / denom[dst])[:, :, None]  # (E, H, 1)
    # PPR diffusion: hop_num rounds of attention-weighted propagation
    feat0 = feat
    f = feat0
    for _ in range(HOP):
        msg = f[src] * a  # (E, H, DH)
        agg = jax.ops.segment_sum(msg, dst, num_segments=N)
        f = (1.0 - ALPHA) * agg + ALPHA * feat0
    # residual (in == out -> identity on the layer-normed input)
    rst = f + h.reshape(N, H, DH)
    rst = rst.reshape(N, H * DH)
    # feed forward with pre-LN and residual
    h2 = _layer_norm(rst, ln2_g, ln2_b)
    ff = jax.nn.relu(h2 @ w1.T + b1) @ w2.T + b2
    return ff + rst

if __name__ == "__main__":
    import jax
    _d = setup_inputs()
    print(jax.jit(kernel)(*tuple(_d.values())))

</pallas_src>

<mosaic_0001>
#map = affine_map<(d0, d1) -> (0, 0, 0)>
#map1 = affine_map<(d0, d1) -> (0, 0)>
module attributes {stable_mosaic.version = 14 : i64} {
  func.func @_edge_logits(%arg0: i32, %arg1: i32, %arg2: memref<32x125x80xi32, #tpu.memory_space<hbm>>, %arg3: memref<32x125x80xi32, #tpu.memory_space<hbm>>, %arg4: memref<10000x16xf32, #tpu.memory_space<hbm>>, %arg5: memref<10000x16xf32, #tpu.memory_space<hbm>>, %arg6: memref<320000x16xf32, #tpu.memory_space<hbm>>, %arg7: memref<2x10000x16xf32, #tpu.memory_space<hbm>>, %arg8: memref<125x80xi32, #tpu.memory_space<vmem>>, %arg9: memref<125x80xi32, #tpu.memory_space<vmem>>, %arg10: memref<80x16xf32, #tpu.memory_space<vmem>>, %arg11: memref<80x16xf32, #tpu.memory_space<vmem>>, %arg12: memref<80x16xf32, #tpu.memory_space<vmem>>, %arg13: memref<10000x16xf32, #tpu.memory_space<vmem_shared>>) attributes {dimension_semantics = [#tpu.dimension_semantics<core_parallel>, #tpu.dimension_semantics<subcore_parallel>], iteration_bounds = array<i64: 2, 16>, scalar_prefetch = 0 : i64, scratch_operands = 6 : i64, tpu.core_type = #tpu.core_type<sc_vector_subcore>, window_params = [{transform_indices = #map}, {transform_indices = #map}, {transform_indices = #map1}, {transform_indices = #map1}, {transform_indices = #map1}, {transform_indices = #map}]} {
    %mul3A = arith.constant 16 : i32
    %mul3A_0 = arith.muli %arg0, %mul3A : i32
    %add3A = arith.addi %mul3A_0, %arg1 : i32
    %broadcast_in_dim3A = arith.constant 0.000000e+00 : f32
    %broadcast_in_dim3A_1 = vector.broadcast %broadcast_in_dim3A : f32 to vector<16xf32>
    %scan3A = arith.constant 0 : i32
    %scan3A_2 = arith.constant 0 : i32
    %scan3A_3 = arith.constant 80 : i32
    %scan3A_4 = arith.addi %scan3A_2, %scan3A_3 : i32
    %scan3A_5 = arith.constant 1 : i32
    %scan3A_6 = scf.for %scan3A_93 = %scan3A_2 to %scan3A_4 step %scan3A_5 iter_args(%scan3A_94 = %scan3A) -> (i32)  : i32 {
      %swap3A = arith.index_cast %scan3A_93 : i32 to index
      %swap3A_95 = arith.constant 0 : index
      %swap3A_96 = tpu.vector_load %arg12[%swap3A, %swap3A_95] {strides = array<i32>} : memref<80x16xf32, #tpu.memory_space<vmem>>, vector<1x16xf32>,
      %swap3A_97 = vector.shape_cast %swap3A_96 : vector<1x16xf32> to vector<16xf32>
      %swap3A_98 = vector.shape_cast %broadcast_in_dim3A_1 : vector<16xf32> to vector<1x16xf32>
      tpu.vector_store %arg12[%swap3A, %swap3A_95], %swap3A_98 {strides = array<i32>} : memref<80x16xf32, #tpu.memory_space<vmem>>, vector<1x16xf32>,
      %scan3A_99 = arith.constant 0 : i32
      scf.yield %scan3A_99 : i32
    }
    %scan3A_7 = arith.constant 80 : i32
    %sub3A = arith.constant 125 : i32
    %sub3A_8 = arith.subi %sub3A, %arg1 : i32
    %add3A_9 = arith.constant 16 : i32
    %add3A_10 = arith.addi %sub3A_8, %add3A_9 : i32
    %sub3A_11 = arith.constant 1 : i32
    %sub3A_12 = arith.subi %add3A_10, %sub3A_11 : i32
    %jit3A = arith.constant 16 : i32
    %div3A = arith.divsi %sub3A_12, %jit3A : i32
    %sign3A = arith.constant 0 : i32
    %sign3A_13 = arith.cmpi sgt, %sub3A_12, %sign3A : i32
    %sign3A_14 = arith.extui %sign3A_13 : i1 to i32
    %sign3A_15 = arith.constant 0 : i32
    %sign3A_16 = arith.cmpi slt, %sub3A_12, %sign3A_15 : i32
    %sign3A_17 = arith.extui %sign3A_16 : i1 to i32
    %sign3A_18 = arith.subi %sign3A_14, %sign3A_17 : i32
    %sign3A_19 = arith.constant 0 : i32
    %sign3A_20 = arith.cmpi sgt, %jit3A, %sign3A_19 : i32
    %sign3A_21 = arith.extui %sign3A_20 : i1 to i32
    %sign3A_22 = arith.constant 0 : i32
    %sign3A_23 = arith.cmpi slt, %jit3A, %sign3A_22 : i32
    %sign3A_24 = arith.extui %sign3A_23 : i1 to i32
    %sign3A_25 = arith.subi %sign3A_21, %sign3A_24 : i32
    %ne3A = arith.cmpi ne, %sign3A_18, %sign3A_25 : i32
    %rem3A = arith.remsi %sub3A_12, %jit3A : i32
    %ne3A_26 = arith.constant 0 : i32
    %ne3A_27 = arith.cmpi ne, %rem3A, %ne3A_26 : i32
    %and3A = arith.andi %ne3A, %ne3A_27 : i1
    %sub3A_28 = arith.constant 1 : i32
    %sub3A_29 = arith.subi %div3A, %sub3A_28 : i32
    %select_n3A = arith.select %and3A, %sub3A_29, %div3A : i32
    %while3A = arith.constant 0 : i32
    %while3A_30 = arith.constant 0 : i32
    %while3A_31 = arith.subi %select_n3A, %while3A : i32
    %while3A_32 = arith.addi %while3A, %while3A_31 : i32
    %while3A_33 = arith.constant 1 : i32
    %while3A_34 = arith.divsi %while3A_31, %while3A_33 : i32
    %while3A_35 = arith.muli %while3A_34, %while3A_33 : i32
    %while3A_36 = arith.addi %while3A, %while3A_35 : i32
    %while3A_37 = arith.constant 1 : i32
    %while3A_38 = scf.for %while3A_93 = %while3A to %while3A_36 step %while3A_37 iter_args(%while3A_94 = %while3A_30) -> (i32)  : i32 {
      %mul3A_95 = arith.constant 16 : i32
      %mul3A_96 = arith.muli %while3A_93, %mul3A_95 : i32
      %add3A_97 = arith.addi %arg1, %mul3A_96 : i32
      %mul3A_98 = arith.constant 80 : i32
      %mul3A_99 = arith.muli %add3A_97, %mul3A_98 : i32
      "tpu.region"() ({
        %run_scoped3A = tpu.sem_alloc : memref<!tpu.dma_semaphore, #tpu.memory_space<semaphore_mem>>
        %dma_start3A = arith.constant 0 : i32
        %dma_start3A_101 = tpu.memref_slice %arg13[%mul3A_99, %dma_start3A] : memref<10000x16xf32, #tpu.memory_space<vmem_shared>> -> memref<80x16xf32, #tpu.memory_space<vmem_shared>>
        %dma_start3A_102 = arith.constant 0 : i32
        %dma_start3A_103 = tpu.memref_slice %arg13[%mul3A_99, %dma_start3A_102] : memref<10000x16xf32, #tpu.memory_space<vmem_shared>> -> memref<80x16xf32, #tpu.memory_space<vmem_shared>>
        tpu.enqueue_dma source(%arg12 : memref<80x16xf32, #tpu.memory_space<vmem>>) target(%dma_start3A_103 : memref<80x16xf32, #tpu.memory_space<vmem_shared>>) target_semaphore(%run_scoped3A : memref<!tpu.dma_semaphore, #tpu.memory_space<semaphore_mem>>)
        %dma_wait3A = arith.constant 0 : i32
        %dma_wait3A_104 = tpu.memref_slice %arg13[%mul3A_99, %dma_wait3A] : memref<10000x16xf32, #tpu.memory_space<vmem_shared>> -> memref<80x16xf32, #tpu.memory_space<vmem_shared>>
        %dma_wait3A_105 = arith.constant 0 : i32
        %dma_wait3A_106 = tpu.memref_slice %arg13[%mul3A_99, %dma_wait3A_105] : memref<10000x16xf32, #tpu.memory_space<vmem_shared>> -> memref<80x16xf32, #tpu.memory_space<vmem_shared>>
        tpu.wait_dma2 semaphore(%run_scoped3A : memref<!tpu.dma_semaphore, #tpu.memory_space<semaphore_mem>>) src(%arg12 : memref<80x16xf32, #tpu.memory_space<vmem>>) dst(%dma_wait3A_106 : memref<80x16xf32, #tpu.memory_space<vmem_shared>>)
        tpu.yield
      }) : () -> ()
      %while3A_100 = arith.constant 0 : i32
      scf.yield %while3A_100 : i32
    }
    %while3A_39 = arith.constant 1 : i32
    %while3A_40 = scf.for %while3A_93 = %while3A_36 to %while3A_32 step %while3A_39 iter_args(%while3A_94 = %while3A_38) -> (i32)  : i32 {
      %mul3A_95 = arith.constant 16 : i32
      %mul3A_96 = arith.muli %while3A_93, %mul3A_95 : i32
      %add3A_97 = arith.addi %arg1, %mul3A_96 : i32
      %mul3A_98 = arith.constant 80 : i32
      %mul3A_99 = arith.muli %add3A_97, %mul3A_98 : i32
      "tpu.region"() ({
        %run_scoped3A = tpu.sem_alloc : memref<!tpu.dma_semaphore, #tpu.memory_space<semaphore_mem>>
        %dma_start3A = arith.constant 0 : i32
        %dma_start3A_101 = tpu.memref_slice %arg13[%mul3A_99, %dma_start3A] : memref<10000x16xf32, #tpu.memory_space<vmem_shared>> -> memref<80x16xf32, #tpu.memory_space<vmem_shared>>
        %dma_start3A_102 = arith.constant 0 : i32
        %dma_start3A_103 = tpu.memref_slice %arg13[%mul3A_99, %dma_start3A_102] : memref<10000x16xf32, #tpu.memory_space<vmem_shared>> -> memref<80x16xf32, #tpu.memory_space<vmem_shared>>
        tpu.enqueue_dma source(%arg12 : memref<80x16xf32, #tpu.memory_space<vmem>>) target(%dma_start3A_103 : memref<80x16xf32, #tpu.memory_space<vmem_shared>>) target_semaphore(%run_scoped3A : memref<!tpu.dma_semaphore, #tpu.memory_space<semaphore_mem>>)
        %dma_wait3A = arith.constant 0 : i32
        %dma_wait3A_104 = tpu.memref_slice %arg13[%mul3A_99, %dma_wait3A] : memref<10000x16xf32, #tpu.memory_space<vmem_shared>> -> memref<80x16xf32, #tpu.memory_space<vmem_shared>>
        %dma_wait3A_105 = arith.constant 0 : i32
        %dma_wait3A_106 = tpu.memref_slice %arg13[%mul3A_99, %dma_wait3A_105] : memref<10000x16xf32, #tpu.memory_space<vmem_shared>> -> memref<80x16xf32, #tpu.memory_space<vmem_shared>>
        tpu.wait_dma2 semaphore(%run_scoped3A : memref<!tpu.dma_semaphore, #tpu.memory_space<semaphore_mem>>) src(%arg12 : memref<80x16xf32, #tpu.memory_space<vmem>>) dst(%dma_wait3A_106 : memref<80x16xf32, #tpu.memory_space<vmem_shared>>)
        tpu.yield
      }) : () -> ()
      %while3A_100 = arith.constant 0 : i32
      scf.yield %while3A_100 : i32
    }
    "tpu.region"() ({
      %run_scoped3A = tpu.sem_alloc : memref<!tpu.dma_semaphore, #tpu.memory_space<semaphore_mem>>
      %dma_start3A = arith.constant 0 : i32
      %dma_start3A_93 = arith.constant 0 : i32
      %dma_start3A_94 = tpu.memref_slice %arg2[%add3A, %dma_start3A, %dma_start3A_93] : memref<32x125x80xi32, #tpu.memory_space<hbm>> -> memref<1x125x80xi32, #tpu.memory_space<hbm>>
      %dma_start3A_95 = tpu.memref_squeeze %dma_start3A_94 : memref<1x125x80xi32, #tpu.memory_space<hbm>> -> memref<125x80xi32, #tpu.memory_space<hbm>>
      %dma_start3A_96 = arith.constant 0 : i32
      %dma_start3A_97 = arith.constant 0 : i32
      %dma_start3A_98 = tpu.memref_slice %arg2[%add3A, %dma_start3A_96, %dma_start3A_97] : memref<32x125x80xi32, #tpu.memory_space<hbm>> -> memref<1x125x80xi32, #tpu.memory_space<hbm>>
      %dma_start3A_99 = tpu.memref_squeeze %dma_start3A_98 : memref<1x125x80xi32, #tpu.memory_space<hbm>> -> memref<125x80xi32, #tpu.memory_space<hbm>>
      tpu.enqueue_dma source(%dma_start3A_99 : memref<125x80xi32, #tpu.memory_space<hbm>>) target(%arg8 : memref<125x80xi32, #tpu.memory_space<vmem>>) target_semaphore(%run_scoped3A : memref<!tpu.dma_semaphore, #tpu.memory_space<semaphore_mem>>)
      %dma_wait3A = arith.constant 0 : i32
      %dma_wait3A_100 = arith.constant 0 : i32
      %dma_wait3A_101 = tpu.memref_slice %arg2[%add3A, %dma_wait3A, %dma_wait3A_100] : memref<32x125x80xi32, #tpu.memory_space<hbm>> -> memref<1x125x80xi32, #tpu.memory_space<hbm>>
      %dma_wait3A_102 = tpu.memref_squeeze %dma_wait3A_101 : memref<1x125x80xi32, #tpu.memory_space<hbm>> -> memref<125x80xi32, #tpu.memory_space<hbm>>
      %dma_wait3A_103 = arith.constant 0 : i32
      %dma_wait3A_104 = arith.constant 0 : i32
      %dma_wait3A_105 = tpu.memref_slice %arg2[%add3A, %dma_wait3A_103, %dma_wait3A_104] : memref<32x125x80xi32, #tpu.memory_space<hbm>> -> memref<1x125x80xi32, #tpu.memory_space<hbm>>
      %dma_wait3A_106 = tpu.memref_squeeze %dma_wait3A_105 : memref<1x125x80xi32, #tpu.memory_space<hbm>> -> memref<125x80xi32, #tpu.memory_space<hbm>>
      tpu.wait_dma2 semaphore(%run_scoped3A : memref<!tpu.dma_semaphore, #tpu.memory_space<semaphore_mem>>) src(%dma_wait3A_106 : memref<125x80xi32, #tpu.memory_space<hbm>>) dst(%arg8 : memref<125x80xi32, #tpu.memory_space<vmem>>)
      tpu.yield
    }) : () -> ()
    "tpu.region"() ({
      %run_scoped3A = tpu.sem_alloc : memref<!tpu.dma_semaphore, #tpu.memory_space<semaphore_mem>>
      %dma_start3A = arith.constant 0 : i32
      %dma_start3A_93 = arith.constant 0 : i32
      %dma_start3A_94 = tpu.memref_slice %arg3[%add3A, %dma_start3A, %dma_start3A_93] : memref<32x125x80xi32, #tpu.memory_space<hbm>> -> memref<1x125x80xi32, #tpu.memory_space<hbm>>
      %dma_start3A_95 = tpu.memref_squeeze %dma_start3A_94 : memref<1x125x80xi32, #tpu.memory_space<hbm>> -> memref<125x80xi32, #tpu.memory_space<hbm>>
      %dma_start3A_96 = arith.constant 0 : i32
      %dma_start3A_97 = arith.constant 0 : i32
      %dma_start3A_98 = tpu.memref_slice %arg3[%add3A, %dma_start3A_96, %dma_start3A_97] : memref<32x125x80xi32, #tpu.memory_space<hbm>> -> memref<1x125x80xi32, #tpu.memory_space<hbm>>
      %dma_start3A_99 = tpu.memref_squeeze %dma_start3A_98 : memref<1x125x80xi32, #tpu.memory_space<hbm>> -> memref<125x80xi32, #tpu.memory_space<hbm>>
      tpu.enqueue_dma source(%dma_start3A_99 : memref<125x80xi32, #tpu.memory_space<hbm>>) target(%arg9 : memref<125x80xi32, #tpu.memory_space<vmem>>) target_semaphore(%run_scoped3A : memref<!tpu.dma_semaphore, #tpu.memory_space<semaphore_mem>>)
      %dma_wait3A = arith.constant 0 : i32
      %dma_wait3A_100 = arith.constant 0 : i32
      %dma_wait3A_101 = tpu.memref_slice %arg3[%add3A, %dma_wait3A, %dma_wait3A_100] : memref<32x125x80xi32, #tpu.memory_space<hbm>> -> memref<1x125x80xi32, #tpu.memory_space<hbm>>
      %dma_wait3A_102 = tpu.memref_squeeze %dma_wait3A_101 : memref<1x125x80xi32, #tpu.memory_space<hbm>> -> memref<125x80xi32, #tpu.memory_space<hbm>>
      %dma_wait3A_103 = arith.constant 0 : i32
      %dma_wait3A_104 = arith.constant 0 : i32
      %dma_wait3A_105 = tpu.memref_slice %arg3[%add3A, %dma_wait3A_103, %dma_wait3A_104] : memref<32x125x80xi32, #tpu.memory_space<hbm>> -> memref<1x125x80xi32, #tpu.memory_space<hbm>>
      %dma_wait3A_106 = tpu.memref_squeeze %dma_wait3A_105 : memref<1x125x80xi32, #tpu.memory_space<hbm>> -> memref<125x80xi32, #tpu.memory_space<hbm>>
      tpu.wait_dma2 semaphore(%run_scoped3A : memref<!tpu.dma_semaphore, #tpu.memory_space<semaphore_mem>>) src(%dma_wait3A_106 : memref<125x80xi32, #tpu.memory_space<hbm>>) dst(%arg9 : memref<125x80xi32, #tpu.memory_space<vmem>>)
      tpu.yield
    }) : () -> ()
    %barrier3A = arith.constant 0 : index
    tpu.barrier barrier_id(%barrier3A)
    %mul3A_41 = arith.constant 10000 : i32
    %mul3A_42 = arith.muli %add3A, %mul3A_41 : i32
    %scan3A_43 = arith.constant 0 : i32
    %scan3A_44 = arith.constant 0 : i32
    %scan3A_45 = arith.constant 125 : i32
    %scan3A_46 = arith.addi %scan3A_44, %scan3A_45 : i32
    %scan3A_47 = arith.constant 1 : i32
    %scan3A_48 = scf.for %scan3A_93 = %scan3A_44 to %scan3A_46 step %scan3A_47 iter_args(%scan3A_94 = %scan3A_43) -> (i32)  : i32 {
      "tpu.region"() ({
        %run_scoped3A = tpu.sem_alloc : memref<!tpu.dma_semaphore, #tpu.memory_space<semaphore_mem>>
        %dma_start3A = arith.constant 0 : i32
        %dma_start3A_106 = tpu.memref_slice %arg8[%scan3A_93, %dma_start3A] : memref<125x80xi32, #tpu.memory_space<vmem>> -> memref<1x80xi32, #tpu.memory_space<vmem>>
        %dma_start3A_107 = tpu.memref_squeeze %dma_start3A_106 : memref<1x80xi32, #tpu.memory_space<vmem>> -> memref<80xi32, #tpu.memory_space<vmem>>
        %dma_start3A_108 = arith.constant 0 : i32
        %dma_start3A_109 = arith.constant 0 : i32
        %dma_start3A_110 = tpu.memref_slice %arg4[%dma_start3A_108, %dma_start3A_109] : memref<10000x16xf32, #tpu.memory_space<hbm>> -> memref<10000x16xf32, #tpu.memory_space<hbm>>
        tpu.enqueue_indirect_dma source(%dma_start3A_110 : memref<10000x16xf32, #tpu.memory_space<hbm>>) target(%arg10 : memref<80x16xf32, #tpu.memory_space<vmem>>) offsets(%dma_start3A_107 : memref<80xi32, #tpu.memory_space<vmem>>) semaphore(%run_scoped3A : memref<!tpu.dma_semaphore, #tpu.memory_space<semaphore_mem>>)
        %dma_wait3A = arith.constant 0 : i32
        %dma_wait3A_111 = tpu.memref_slice %arg8[%scan3A_93, %dma_wait3A] : memref<125x80xi32, #tpu.memory_space<vmem>> -> memref<1x80xi32, #tpu.memory_space<vmem>>
        %dma_wait3A_112 = tpu.memref_squeeze %dma_wait3A_111 : memref<1x80xi32, #tpu.memory_space<vmem>> -> memref<80xi32, #tpu.memory_space<vmem>>
        %dma_wait3A_113 = arith.constant 0 : i32
        %dma_wait3A_114 = arith.constant 0 : i32
        %dma_wait3A_115 = tpu.memref_slice %arg4[%dma_wait3A_113, %dma_wait3A_114] : memref<10000x16xf32, #tpu.memory_space<hbm>> -> memref<10000x16xf32, #tpu.memory_space<hbm>>
        tpu.wait_indirect_dma semaphore(%run_scoped3A : memref<!tpu.dma_semaphore, #tpu.memory_space<semaphore_mem>>) src(%dma_wait3A_115 : memref<10000x16xf32, #tpu.memory_space<hbm>>) dst(%arg10 : memref<80x16xf32, #tpu.memory_space<vmem>>)
        tpu.yield
      }) : () -> ()
      "tpu.region"() ({
        %run_scoped3A = tpu.sem_alloc : memref<!tpu.dma_semaphore, #tpu.memory_space<semaphore_mem>>
        %dma_start3A = arith.constant 0 : i32
        %dma_start3A_106 = tpu.memref_slice %arg9[%scan3A_93, %dma_start3A] : memref<125x80xi32, #tpu.memory_space<vmem>> -> memref<1x80xi32, #tpu.memory_space<vmem>>
        %dma_start3A_107 = tpu.memref_squeeze %dma_start3A_106 : memref<1x80xi32, #tpu.memory_space<vmem>> -> memref<80xi32, #tpu.memory_space<vmem>>
        %dma_start3A_108 = arith.constant 0 : i32
        %dma_start3A_109 = arith.constant 0 : i32
        %dma_start3A_110 = tpu.memref_slice %arg5[%dma_start3A_108, %dma_start3A_109] : memref<10000x16xf32, #tpu.memory_space<hbm>> -> memref<10000x16xf32, #tpu.memory_space<hbm>>
        tpu.enqueue_indirect_dma source(%dma_start3A_110 : memref<10000x16xf32, #tpu.memory_space<hbm>>) target(%arg11 : memref<80x16xf32, #tpu.memory_space<vmem>>) offsets(%dma_start3A_107 : memref<80xi32, #tpu.memory_space<vmem>>) semaphore(%run_scoped3A : memref<!tpu.dma_semaphore, #tpu.memory_space<semaphore_mem>>)
        %dma_wait3A = arith.constant 0 : i32
        %dma_wait3A_111 = tpu.memref_slice %arg9[%scan3A_93, %dma_wait3A] : memref<125x80xi32, #tpu.memory_space<vmem>> -> memref<1x80xi32, #tpu.memory_space<vmem>>
        %dma_wait3A_112 = tpu.memref_squeeze %dma_wait3A_111 : memref<1x80xi32, #tpu.memory_space<vmem>> -> memref<80xi32, #tpu.memory_space<vmem>>
        %dma_wait3A_113 = arith.constant 0 : i32
        %dma_wait3A_114 = arith.constant 0 : i32
        %dma_wait3A_115 = tpu.memref_slice %arg5[%dma_wait3A_113, %dma_wait3A_114] : memref<10000x16xf32, #tpu.memory_space<hbm>> -> memref<10000x16xf32, #tpu.memory_space<hbm>>
        tpu.wait_indirect_dma semaphore(%run_scoped3A : memref<!tpu.dma_semaphore, #tpu.memory_space<semaphore_mem>>) src(%dma_wait3A_115 : memref<10000x16xf32, #tpu.memory_space<hbm>>) dst(%arg11 : memref<80x16xf32, #tpu.memory_space<vmem>>)
        tpu.yield
      }) : () -> ()
      %scan3A_95 = arith.constant 0 : i32
      %scan3A_96 = arith.constant 0 : i32
      %scan3A_97 = arith.constant 80 : i32
      %scan3A_98 = arith.addi %scan3A_96, %scan3A_97 : i32
      %scan3A_99 = arith.constant 1 : i32
      %scan3A_100 = scf.for %scan3A_106 = %scan3A_96 to %scan3A_98 step %scan3A_99 iter_args(%scan3A_107 = %scan3A_95) -> (i32)  : i32 {
        %get3A = arith.index_cast %scan3A_106 : i32 to index
        %get3A_108 = arith.constant 0 : index
        %get3A_109 = tpu.vector_load %arg10[%get3A, %get3A_108] {strides = array<i32>} : memref<80x16xf32, #tpu.memory_space<vmem>>, vector<1x16xf32>,
        %get3A_110 = vector.shape_cast %get3A_109 : vector<1x16xf32> to vector<16xf32>
        %get3A_111 = arith.index_cast %scan3A_106 : i32 to index
        %get3A_112 = arith.constant 0 : index
        %get3A_113 = tpu.vector_load %arg11[%get3A_111, %get3A_112] {strides = array<i32>} : memref<80x16xf32, #tpu.memory_space<vmem>>, vector<1x16xf32>,
        %get3A_114 = vector.shape_cast %get3A_113 : vector<1x16xf32> to vector<16xf32>
        %add3A_115 = arith.addf %get3A_110, %get3A_114 : vector<16xf32>
        %ge3A = arith.constant 0.000000e+00 : f32
        %ge3A_116 = vector.broadcast %ge3A : f32 to vector<16xf32>
        %ge3A_117 = arith.cmpf oge, %add3A_115, %ge3A_116 : vector<16xf32>
        %mul3A_118 = arith.constant 2.000000e-01 : f32
        %mul3A_119 = vector.broadcast %mul3A_118 : f32 to vector<16xf32>
        %mul3A_120 = arith.mulf %mul3A_119, %add3A_115 : vector<16xf32>
        %select_n3A_121 = arith.select %ge3A_117, %add3A_115, %mul3A_120 : vector<16xi1>, vector<16xf32>
        %exp3A = math.exp %select_n3A_121 : vector<16xf32>
        %swap3A = arith.index_cast %scan3A_106 : i32 to index
        %swap3A_122 = arith.constant 0 : index
        %swap3A_123 = tpu.vector_load %arg12[%swap3A, %swap3A_122] {strides = array<i32>} : memref<80x16xf32, #tpu.memory_space<vmem>>, vector<1x16xf32>,
        %swap3A_124 = vector.shape_cast %swap3A_123 : vector<1x16xf32> to vector<16xf32>
        %swap3A_125 = vector.shape_cast %exp3A : vector<16xf32> to vector<1x16xf32>
        tpu.vector_store %arg12[%swap3A, %swap3A_122], %swap3A_125 {strides = array<i32>} : memref<80x16xf32, #tpu.memory_space<vmem>>, vector<1x16xf32>,
        %scan3A_126 = arith.constant 0 : i32
        scf.yield %scan3A_126 : i32
      }
      %scan3A_101 = arith.constant 80 : i32
      "tpu.region"() ({
        %run_scoped3A = tpu.sem_alloc : memref<!tpu.dma_semaphore, #tpu.memory_space<semaphore_mem>>
        %dma_start3A = arith.constant 0 : i32
        %dma_start3A_106 = tpu.memref_slice %arg9[%scan3A_93, %dma_start3A] : memref<125x80xi32, #tpu.memory_space<vmem>> -> memref<1x80xi32, #tpu.memory_space<vmem>>
        %dma_start3A_107 = tpu.memref_squeeze %dma_start3A_106 : memref<1x80xi32, #tpu.memory_space<vmem>> -> memref<80xi32, #tpu.memory_space<vmem>>
        %dma_start3A_108 = arith.constant 0 : i32
        %dma_start3A_109 = arith.constant 0 : i32
        %dma_start3A_110 = tpu.memref_slice %arg13[%dma_start3A_108, %dma_start3A_109] : memref<10000x16xf32, #tpu.memory_space<vmem_shared>> -> memref<10000x16xf32, #tpu.memory_space<vmem_shared>>
        tpu.enqueue_indirect_dma source(%arg12 : memref<80x16xf32, #tpu.memory_space<vmem>>) target(%dma_start3A_110 : memref<10000x16xf32, #tpu.memory_space<vmem_shared>>) offsets(%dma_start3A_107 : memref<80xi32, #tpu.memory_space<vmem>>) semaphore(%run_scoped3A : memref<!tpu.dma_semaphore, #tpu.memory_space<semaphore_mem>>) {add = true}
        %dma_wait3A = arith.constant 0 : i32
        %dma_wait3A_111 = tpu.memref_slice %arg9[%scan3A_93, %dma_wait3A] : memref<125x80xi32, #tpu.memory_space<vmem>> -> memref<1x80xi32, #tpu.memory_space<vmem>>
        %dma_wait3A_112 = tpu.memref_squeeze %dma_wait3A_111 : memref<1x80xi32, #tpu.memory_space<vmem>> -> memref<80xi32, #tpu.memory_space<vmem>>
        %dma_wait3A_113 = arith.constant 0 : i32
        %dma_wait3A_114 = arith.constant 0 : i32
        %dma_wait3A_115 = tpu.memref_slice %arg13[%dma_wait3A_113, %dma_wait3A_114] : memref<10000x16xf32, #tpu.memory_space<vmem_shared>> -> memref<10000x16xf32, #tpu.memory_space<vmem_shared>>
        tpu.wait_indirect_dma semaphore(%run_scoped3A : memref<!tpu.dma_semaphore, #tpu.memory_space<semaphore_mem>>) src(%arg12 : memref<80x16xf32, #tpu.memory_space<vmem>>) dst(%dma_wait3A_115 : memref<10000x16xf32, #tpu.memory_space<vmem_shared>>)
        tpu.yield
      }) : () -> ()
      %mul3A_102 = arith.constant 80 : i32
      %mul3A_103 = arith.muli %scan3A_93, %mul3A_102 : i32
      %add3A_104 = arith.addi %mul3A_42, %mul3A_103 : i32
      "tpu.region"() ({
        %run_scoped3A = tpu.sem_alloc : memref<!tpu.dma_semaphore, #tpu.memory_space<semaphore_mem>>
        %dma_start3A = arith.constant 0 : i32
        %dma_start3A_106 = tpu.memref_slice %arg6[%add3A_104, %dma_start3A] : memref<320000x16xf32, #tpu.memory_space<hbm>> -> memref<80x16xf32, #tpu.memory_space<hbm>>
        %dma_start3A_107 = arith.constant 0 : i32
        %dma_start3A_108 = tpu.memref_slice %arg6[%add3A_104, %dma_start3A_107] : memref<320000x16xf32, #tpu.memory_space<hbm>> -> memref<80x16xf32, #tpu.memory_space<hbm>>
        tpu.enqueue_dma source(%arg12 : memref<80x16xf32, #tpu.memory_space<vmem>>) target(%dma_start3A_108 : memref<80x16xf32, #tpu.memory_space<hbm>>) target_semaphore(%run_scoped3A : memref<!tpu.dma_semaphore, #tpu.memory_space<semaphore_mem>>)
        %dma_wait3A = arith.constant 0 : i32
        %dma_wait3A_109 = tpu.memref_slice %arg6[%add3A_104, %dma_wait3A] : memref<320000x16xf32, #tpu.memory_space<hbm>> -> memref<80x16xf32, #tpu.memory_space<hbm>>
        %dma_wait3A_110 = arith.constant 0 : i32
        %dma_wait3A_111 = tpu.memref_slice %arg6[%add3A_104, %dma_wait3A_110] : memref<320000x16xf32, #tpu.memory_space<hbm>> -> memref<80x16xf32, #tpu.memory_space<hbm>>
        tpu.wait_dma2 semaphore(%run_scoped3A : memref<!tpu.dma_semaphore, #tpu.memory_space<semaphore_mem>>) src(%arg12 : memref<80x16xf32, #tpu.memory_space<vmem>>) dst(%dma_wait3A_111 : memref<80x16xf32, #tpu.memory_space<hbm>>)
        tpu.yield
      }) : () -> ()
      %scan3A_105 = arith.constant 0 : i32
      scf.yield %scan3A_105 : i32
    }
    %scan3A_49 = arith.constant 125 : i32
    %barrier3A_50 = arith.constant 0 : index
    tpu.barrier barrier_id(%barrier3A_50)
    %sub3A_51 = arith.constant 125 : i32
    %sub3A_52 = arith.subi %sub3A_51, %arg1 : i32
    %add3A_53 = arith.constant 16 : i32
    %add3A_54 = arith.addi %sub3A_52, %add3A_53 : i32
    %sub3A_55 = arith.constant 1 : i32
    %sub3A_56 = arith.subi %add3A_54, %sub3A_55 : i32
    %jit3A_57 = arith.constant 16 : i32
    %div3A_58 = arith.divsi %sub3A_56, %jit3A_57 : i32
    %sign3A_59 = arith.constant 0 : i32
    %sign3A_60 = arith.cmpi sgt, %sub3A_56, %sign3A_59 : i32
    %sign3A_61 = arith.extui %sign3A_60 : i1 to i32
    %sign3A_62 = arith.constant 0 : i32
    %sign3A_63 = arith.cmpi slt, %sub3A_56, %sign3A_62 : i32
    %sign3A_64 = arith.extui %sign3A_63 : i1 to i32
    %sign3A_65 = arith.subi %sign3A_61, %sign3A_64 : i32
    %sign3A_66 = arith.constant 0 : i32
    %sign3A_67 = arith.cmpi sgt, %jit3A_57, %sign3A_66 : i32
    %sign3A_68 = arith.extui %sign3A_67 : i1 to i32
    %sign3A_69 = arith.constant 0 : i32
    %sign3A_70 = arith.cmpi slt, %jit3A_57, %sign3A_69 : i32
    %sign3A_71 = arith.extui %sign3A_70 : i1 to i32
    %sign3A_72 = arith.subi %sign3A_68, %sign3A_71 : i32
    %ne3A_73 = arith.cmpi ne, %sign3A_65, %sign3A_72 : i32
    %rem3A_74 = arith.remsi %sub3A_56, %jit3A_57 : i32
    %ne3A_75 = arith.constant 0 : i32
    %ne3A_76 = arith.cmpi ne, %rem3A_74, %ne3A_75 : i32
    %and3A_77 = arith.andi %ne3A_73, %ne3A_76 : i1
    %sub3A_78 = arith.constant 1 : i32
    %sub3A_79 = arith.subi %div3A_58, %sub3A_78 : i32
    %select_n3A_80 = arith.select %and3A_77, %sub3A_79, %div3A_58 : i32
    %while3A_81 = arith.constant 0 : i32
    %while3A_82 = arith.constant 0 : i32
    %while3A_83 = arith.subi %select_n3A_80, %while3A_81 : i32
    %while3A_84 = arith.addi %while3A_81, %while3A_83 : i32
    %while3A_85 = arith.constant 1 : i32
    %while3A_86 = arith.divsi %while3A_83, %while3A_85 : i32
    %while3A_87 = arith.muli %while3A_86, %while3A_85 : i32
    %while3A_88 = arith.addi %while3A_81, %while3A_87 : i32
    %while3A_89 = arith.constant 1 : i32
    %while3A_90 = scf.for %while3A_93 = %while3A_81 to %while3A_88 step %while3A_89 iter_args(%while3A_94 = %while3A_82) -> (i32)  : i32 {
      %mul3A_95 = arith.constant 16 : i32
      %mul3A_96 = arith.muli %while3A_93, %mul3A_95 : i32
      %add3A_97 = arith.addi %arg1, %mul3A_96 : i32
      %mul3A_98 = arith.constant 80 : i32
      %mul3A_99 = arith.muli %add3A_97, %mul3A_98 : i32
      "tpu.region"() ({
        %run_scoped3A = tpu.sem_alloc : memref<!tpu.dma_semaphore, #tpu.memory_space<semaphore_mem>>
        %dma_start3A = arith.constant 0 : i32
        %dma_start3A_101 = tpu.memref_slice %arg13[%mul3A_99, %dma_start3A] : memref<10000x16xf32, #tpu.memory_space<vmem_shared>> -> memref<80x16xf32, #tpu.memory_space<vmem_shared>>
        %dma_start3A_102 = arith.constant 0 : i32
        %dma_start3A_103 = tpu.memref_slice %arg13[%mul3A_99, %dma_start3A_102] : memref<10000x16xf32, #tpu.memory_space<vmem_shared>> -> memref<80x16xf32, #tpu.memory_space<vmem_shared>>
        tpu.enqueue_dma source(%dma_start3A_103 : memref<80x16xf32, #tpu.memory_space<vmem_shared>>) target(%arg12 : memref<80x16xf32, #tpu.memory_space<vmem>>) target_semaphore(%run_scoped3A : memref<!tpu.dma_semaphore, #tpu.memory_space<semaphore_mem>>)
        %dma_wait3A = arith.constant 0 : i32
        %dma_wait3A_104 = tpu.memref_slice %arg13[%mul3A_99, %dma_wait3A] : memref<10000x16xf32, #tpu.memory_space<vmem_shared>> -> memref<80x16xf32, #tpu.memory_space<vmem_shared>>
        %dma_wait3A_105 = arith.constant 0 : i32
        %dma_wait3A_106 = tpu.memref_slice %arg13[%mul3A_99, %dma_wait3A_105] : memref<10000x16xf32, #tpu.memory_space<vmem_shared>> -> memref<80x16xf32, #tpu.memory_space<vmem_shared>>
        tpu.wait_dma2 semaphore(%run_scoped3A : memref<!tpu.dma_semaphore, #tpu.memory_space<semaphore_mem>>) src(%dma_wait3A_106 : memref<80x16xf32, #tpu.memory_space<vmem_shared>>) dst(%arg12 : memref<80x16xf32, #tpu.memory_space<vmem>>)
        tpu.yield
      }) : () -> ()
      "tpu.region"() ({
        %run_scoped3A = tpu.sem_alloc : memref<!tpu.dma_semaphore, #tpu.memory_space<semaphore_mem>>
        %dma_start3A = arith.constant 0 : i32
        %dma_start3A_101 = arith.constant 0 : i32
        %dma_start3A_102 = tpu.memref_slice %arg7[%arg0, %dma_start3A, %dma_start3A_101] : memref<2x10000x16xf32, #tpu.memory_space<hbm>> -> memref<1x10000x16xf32, #tpu.memory_space<hbm>>
        %dma_start3A_103 = tpu.memref_squeeze %dma_start3A_102 : memref<1x10000x16xf32, #tpu.memory_space<hbm>> -> memref<10000x16xf32, #tpu.memory_space<hbm>>
        %dma_start3A_104 = arith.constant 0 : i32
        %dma_start3A_105 = tpu.memref_slice %dma_start3A_103[%mul3A_99, %dma_start3A_104] : memref<10000x16xf32, #tpu.memory_space<hbm>> -> memref<80x16xf32, #tpu.memory_space<hbm>>
        %dma_start3A_106 = arith.constant 0 : i32
        %dma_start3A_107 = arith.constant 0 : i32
        %dma_start3A_108 = tpu.memref_slice %arg7[%arg0, %dma_start3A_106, %dma_start3A_107] : memref<2x10000x16xf32, #tpu.memory_space<hbm>> -> memref<1x10000x16xf32, #tpu.memory_space<hbm>>
        %dma_start3A_109 = tpu.memref_squeeze %dma_start3A_108 : memref<1x10000x16xf32, #tpu.memory_space<hbm>> -> memref<10000x16xf32, #tpu.memory_space<hbm>>
        %dma_start3A_110 = arith.constant 0 : i32
        %dma_start3A_111 = tpu.memref_slice %dma_start3A_109[%mul3A_99, %dma_start3A_110] : memref<10000x16xf32, #tpu.memory_space<hbm>> -> memref<80x16xf32, #tpu.memory_space<hbm>>
        tpu.enqueue_dma source(%arg12 : memref<80x16xf32, #tpu.memory_space<vmem>>) target(%dma_start3A_111 : memref<80x16xf32, #tpu.memory_space<hbm>>) target_semaphore(%run_scoped3A : memref<!tpu.dma_semaphore, #tpu.memory_space<semaphore_mem>>)
        %dma_wait3A = arith.constant 0 : i32
        %dma_wait3A_112 = arith.constant 0 : i32
        %dma_wait3A_113 = tpu.memref_slice %arg7[%arg0, %dma_wait3A, %dma_wait3A_112] : memref<2x10000x16xf32, #tpu.memory_space<hbm>> -> memref<1x10000x16xf32, #tpu.memory_space<hbm>>
        %dma_wait3A_114 = tpu.memref_squeeze %dma_wait3A_113 : memref<1x10000x16xf32, #tpu.memory_space<hbm>> -> memref<10000x16xf32, #tpu.memory_space<hbm>>
        %dma_wait3A_115 = arith.constant 0 : i32
        %dma_wait3A_116 = tpu.memref_slice %dma_wait3A_114[%mul3A_99, %dma_wait3A_115] : memref<10000x16xf32, #tpu.memory_space<hbm>> -> memref<80x16xf32, #tpu.memory_space<hbm>>
        %dma_wait3A_117 = arith.constant 0 : i32
        %dma_wait3A_118 = arith.constant 0 : i32
        %dma_wait3A_119 = tpu.memref_slice %arg7[%arg0, %dma_wait3A_117, %dma_wait3A_118] : memref<2x10000x16xf32, #tpu.memory_space<hbm>> -> memref<1x10000x16xf32, #tpu.memory_space<hbm>>
        %dma_wait3A_120 = tpu.memref_squeeze %dma_wait3A_119 : memref<1x10000x16xf32, #tpu.memory_space<hbm>> -> memref<10000x16xf32, #tpu.memory_space<hbm>>
        %dma_wait3A_121 = arith.constant 0 : i32
        %dma_wait3A_122 = tpu.memref_slice %dma_wait3A_120[%mul3A_99, %dma_wait3A_121] : memref<10000x16xf32, #tpu.memory_space<hbm>> -> memref<80x16xf32, #tpu.memory_space<hbm>>
        tpu.wait_dma2 semaphore(%run_scoped3A : memref<!tpu.dma_semaphore, #tpu.memory_space<semaphore_mem>>) src(%arg12 : memref<80x16xf32, #tpu.memory_space<vmem>>) dst(%dma_wait3A_122 : memref<80x16xf32, #tpu.memory_space<hbm>>)
        tpu.yield
      }) : () -> ()
      %while3A_100 = arith.constant 0 : i32
      scf.yield %while3A_100 : i32
    }
    %while3A_91 = arith.constant 1 : i32
    %while3A_92 = scf.for %while3A_93 = %while3A_88 to %while3A_84 step %while3A_91 iter_args(%while3A_94 = %while3A_90) -> (i32)  : i32 {
      %mul3A_95 = arith.constant 16 : i32
      %mul3A_96 = arith.muli %while3A_93, %mul3A_95 : i32
      %add3A_97 = arith.addi %arg1, %mul3A_96 : i32
      %mul3A_98 = arith.constant 80 : i32
      %mul3A_99 = arith.muli %add3A_97, %mul3A_98 : i32
      "tpu.region"() ({
        %run_scoped3A = tpu.sem_alloc : memref<!tpu.dma_semaphore, #tpu.memory_space<semaphore_mem>>
        %dma_start3A = arith.constant 0 : i32
        %dma_start3A_101 = tpu.memref_slice %arg13[%mul3A_99, %dma_start3A] : memref<10000x16xf32, #tpu.memory_space<vmem_shared>> -> memref<80x16xf32, #tpu.memory_space<vmem_shared>>
        %dma_start3A_102 = arith.constant 0 : i32
        %dma_start3A_103 = tpu.memref_slice %arg13[%mul3A_99, %dma_start3A_102] : memref<10000x16xf32, #tpu.memory_space<vmem_shared>> -> memref<80x16xf32, #tpu.memory_space<vmem_shared>>
        tpu.enqueue_dma source(%dma_start3A_103 : memref<80x16xf32, #tpu.memory_space<vmem_shared>>) target(%arg12 : memref<80x16xf32, #tpu.memory_space<vmem>>) target_semaphore(%run_scoped3A : memref<!tpu.dma_semaphore, #tpu.memory_space<semaphore_mem>>)
        %dma_wait3A = arith.constant 0 : i32
        %dma_wait3A_104 = tpu.memref_slice %arg13[%mul3A_99, %dma_wait3A] : memref<10000x16xf32, #tpu.memory_space<vmem_shared>> -> memref<80x16xf32, #tpu.memory_space<vmem_shared>>
        %dma_wait3A_105 = arith.constant 0 : i32
        %dma_wait3A_106 = tpu.memref_slice %arg13[%mul3A_99, %dma_wait3A_105] : memref<10000x16xf32, #tpu.memory_space<vmem_shared>> -> memref<80x16xf32, #tpu.memory_space<vmem_shared>>
        tpu.wait_dma2 semaphore(%run_scoped3A : memref<!tpu.dma_semaphore, #tpu.memory_space<semaphore_mem>>) src(%dma_wait3A_106 : memref<80x16xf32, #tpu.memory_space<vmem_shared>>) dst(%arg12 : memref<80x16xf32, #tpu.memory_space<vmem>>)
        tpu.yield
      }) : () -> ()
      "tpu.region"() ({
        %run_scoped3A = tpu.sem_alloc : memref<!tpu.dma_semaphore, #tpu.memory_space<semaphore_mem>>
        %dma_start3A = arith.constant 0 : i32
        %dma_start3A_101 = arith.constant 0 : i32
        %dma_start3A_102 = tpu.memref_slice %arg7[%arg0, %dma_start3A, %dma_start3A_101] : memref<2x10000x16xf32, #tpu.memory_space<hbm>> -> memref<1x10000x16xf32, #tpu.memory_space<hbm>>
        %dma_start3A_103 = tpu.memref_squeeze %dma_start3A_102 : memref<1x10000x16xf32, #tpu.memory_space<hbm>> -> memref<10000x16xf32, #tpu.memory_space<hbm>>
        %dma_start3A_104 = arith.constant 0 : i32
        %dma_start3A_105 = tpu.memref_slice %dma_start3A_103[%mul3A_99, %dma_start3A_104] : memref<10000x16xf32, #tpu.memory_space<hbm>> -> memref<80x16xf32, #tpu.memory_space<hbm>>
        %dma_start3A_106 = arith.constant 0 : i32
        %dma_start3A_107 = arith.constant 0 : i32
        %dma_start3A_108 = tpu.memref_slice %arg7[%arg0, %dma_start3A_106, %dma_start3A_107] : memref<2x10000x16xf32, #tpu.memory_space<hbm>> -> memref<1x10000x16xf32, #tpu.memory_space<hbm>>
        %dma_start3A_109 = tpu.memref_squeeze %dma_start3A_108 : memref<1x10000x16xf32, #tpu.memory_space<hbm>> -> memref<10000x16xf32, #tpu.memory_space<hbm>>
        %dma_start3A_110 = arith.constant 0 : i32
        %dma_start3A_111 = tpu.memref_slice %dma_start3A_109[%mul3A_99, %dma_start3A_110] : memref<10000x16xf32, #tpu.memory_space<hbm>> -> memref<80x16xf32, #tpu.memory_space<hbm>>
        tpu.enqueue_dma source(%arg12 : memref<80x16xf32, #tpu.memory_space<vmem>>) target(%dma_start3A_111 : memref<80x16xf32, #tpu.memory_space<hbm>>) target_semaphore(%run_scoped3A : memref<!tpu.dma_semaphore, #tpu.memory_space<semaphore_mem>>)
        %dma_wait3A = arith.constant 0 : i32
        %dma_wait3A_112 = arith.constant 0 : i32
        %dma_wait3A_113 = tpu.memref_slice %arg7[%arg0, %dma_wait3A, %dma_wait3A_112] : memref<2x10000x16xf32, #tpu.memory_space<hbm>> -> memref<1x10000x16xf32, #tpu.memory_space<hbm>>
        %dma_wait3A_114 = tpu.memref_squeeze %dma_wait3A_113 : memref<1x10000x16xf32, #tpu.memory_space<hbm>> -> memref<10000x16xf32, #tpu.memory_space<hbm>>
        %dma_wait3A_115 = arith.constant 0 : i32
        %dma_wait3A_116 = tpu.memref_slice %dma_wait3A_114[%mul3A_99, %dma_wait3A_115] : memref<10000x16xf32, #tpu.memory_space<hbm>> -> memref<80x16xf32, #tpu.memory_space<hbm>>
        %dma_wait3A_117 = arith.constant 0 : i32
        %dma_wait3A_118 = arith.constant 0 : i32
        %dma_wait3A_119 = tpu.memref_slice %arg7[%arg0, %dma_wait3A_117, %dma_wait3A_118] : memref<2x10000x16xf32, #tpu.memory_space<hbm>> -> memref<1x10000x16xf32, #tpu.memory_space<hbm>>
        %dma_wait3A_120 = tpu.memref_squeeze %dma_wait3A_119 : memref<1x10000x16xf32, #tpu.memory_space<hbm>> -> memref<10000x16xf32, #tpu.memory_space<hbm>>
        %dma_wait3A_121 = arith.constant 0 : i32
        %dma_wait3A_122 = tpu.memref_slice %dma_wait3A_120[%mul3A_99, %dma_wait3A_121] : memref<10000x16xf32, #tpu.memory_space<hbm>> -> memref<80x16xf32, #tpu.memory_space<hbm>>
        tpu.wait_dma2 semaphore(%run_scoped3A : memref<!tpu.dma_semaphore, #tpu.memory_space<semaphore_mem>>) src(%arg12 : memref<80x16xf32, #tpu.memory_space<vmem>>) dst(%dma_wait3A_122 : memref<80x16xf32, #tpu.memory_space<hbm>>)
        tpu.yield
      }) : () -> ()
      %while3A_100 = arith.constant 0 : i32
      scf.yield %while3A_100 : i32
    }
    return
  }
}

#map = affine_map<(d0, d1) -> (0, 0, 0)>
#map1 = affine_map<(d0, d1) -> (0, 0)>
module attributes {stable_mosaic.version = 14 : i64} {
  func.func @_hop(%arg0: i32, %arg1: i32, %arg2: memref<32x125x80xi32, #tpu.memory_space<hbm>>, %arg3: memref<32x125x80xi32, #tpu.memory_space<hbm>>, %arg4: memref<320000x16xf32, #tpu.memory_space<hbm>>, %arg5: memref<10000x128xf32, #tpu.memory_space<hbm>>, %arg6: memref<2x10000x128xf32, #tpu.memory_space<hbm>>, %arg7: memref<125x80xi32, #tpu.memory_space<vmem>>, %arg8: memref<125x80xi32, #tpu.memory_space<vmem>>, %arg9: memref<80x16xf32, #tpu.memory_space<vmem>>, %arg10: memref<80x128xf32, #tpu.memory_space<vmem>>, %arg11: memref<10000x128xf32, #tpu.memory_space<vmem_shared>>) attributes {dimension_semantics = [#tpu.dimension_semantics<core_parallel>, #tpu.dimension_semantics<subcore_parallel>], iteration_bounds = array<i64: 2, 16>, scalar_prefetch = 0 : i64, scratch_operands = 5 : i64, tpu.core_type = #tpu.core_type<sc_vector_subcore>, window_params = [{transform_indices = #map}, {transform_indices = #map}, {transform_indices = #map1}, {transform_indices = #map1}, {transform_indices = #map}]} {
    %mul3A = arith.constant 16 : i32
    %mul3A_0 = arith.muli %arg0, %mul3A : i32
    %add3A = arith.addi %mul3A_0, %arg1 : i32
    %broadcast_in_dim3A = arith.constant 0.000000e+00 : f32
    %broadcast_in_dim3A_1 = vector.broadcast %broadcast_in_dim3A : f32 to vector<16xf32>
    %scan3A = arith.constant 0 : i32
    %scan3A_2 = arith.constant 0 : i32
    %scan3A_3 = arith.constant 80 : i32
    %scan3A_4 = arith.addi %scan3A_2, %scan3A_3 : i32
    %scan3A_5 = arith.constant 1 : i32
    %scan3A_6 = scf.for %scan3A_93 = %scan3A_2 to %scan3A_4 step %scan3A_5 iter_args(%scan3A_94 = %scan3A) -> (i32)  : i32 {
      %swap3A = arith.index_cast %scan3A_93 : i32 to index
      %swap3A_95 = arith.constant 0 : index
      %swap3A_96 = tpu.vector_load %arg10[%swap3A, %swap3A_95] {strides = array<i32>} : memref<80x128xf32, #tpu.memory_space<vmem>>, vector<1x16xf32>,
      %swap3A_97 = vector.shape_cast %swap3A_96 : vector<1x16xf32> to vector<16xf32>
      %swap3A_98 = vector.shape_cast %broadcast_in_dim3A_1 : vector<16xf32> to vector<1x16xf32>
      tpu.vector_store %arg10[%swap3A, %swap3A_95], %swap3A_98 {strides = array<i32>} : memref<80x128xf32, #tpu.memory_space<vmem>>, vector<1x16xf32>,
      %swap3A_99 = arith.index_cast %scan3A_93 : i32 to index
      %swap3A_100 = arith.constant 16 : index
      %swap3A_101 = tpu.vector_load %arg10[%swap3A_99, %swap3A_100] {strides = array<i32>} : memref<80x128xf32, #tpu.memory_space<vmem>>, vector<1x16xf32>,
      %swap3A_102 = vector.shape_cast %swap3A_101 : vector<1x16xf32> to vector<16xf32>
      %swap3A_103 = vector.shape_cast %broadcast_in_dim3A_1 : vector<16xf32> to vector<1x16xf32>
      tpu.vector_store %arg10[%swap3A_99, %swap3A_100], %swap3A_103 {strides = array<i32>} : memref<80x128xf32, #tpu.memory_space<vmem>>, vector<1x16xf32>,
      %swap3A_104 = arith.index_cast %scan3A_93 : i32 to index
      %swap3A_105 = arith.constant 32 : index
      %swap3A_106 = tpu.vector_load %arg10[%swap3A_104, %swap3A_105] {strides = array<i32>} : memref<80x128xf32, #tpu.memory_space<vmem>>, vector<1x16xf32>,
      %swap3A_107 = vector.shape_cast %swap3A_106 : vector<1x16xf32> to vector<16xf32>
      %swap3A_108 = vector.shape_cast %broadcast_in_dim3A_1 : vector<16xf32> to vector<1x16xf32>
      tpu.vector_store %arg10[%swap3A_104, %swap3A_105], %swap3A_108 {strides = array<i32>} : memref<80x128xf32, #tpu.memory_space<vmem>>, vector<1x16xf32>,
      %swap3A_109 = arith.index_cast %scan3A_93 : i32 to index
      %swap3A_110 = arith.constant 48 : index
      %swap3A_111 = tpu.vector_load %arg10[%swap3A_109, %swap3A_110] {strides = array<i32>} : memref<80x128xf32, #tpu.memory_space<vmem>>, vector<1x16xf32>,
      %swap3A_112 = vector.shape_cast %swap3A_111 : vector<1x16xf32> to vector<16xf32>
      %swap3A_113 = vector.shape_cast %broadcast_in_dim3A_1 : vector<16xf32> to vector<1x16xf32>
      tpu.vector_store %arg10[%swap3A_109, %swap3A_110], %swap3A_113 {strides = array<i32>} : memref<80x128xf32, #tpu.memory_space<vmem>>, vector<1x16xf32>,
      %swap3A_114 = arith.index_cast %scan3A_93 : i32 to index
      %swap3A_115 = arith.constant 64 : index
      %swap3A_116 = tpu.vector_load %arg10[%swap3A_114, %swap3A_115] {strides = array<i32>} : memref<80x128xf32, #tpu.memory_space<vmem>>, vector<1x16xf32>,
      %swap3A_117 = vector.shape_cast %swap3A_116 : vector<1x16xf32> to vector<16xf32>
      %swap3A_118 = vector.shape_cast %broadcast_in_dim3A_1 : vector<16xf32> to vector<1x16xf32>
      tpu.vector_store %arg10[%swap3A_114, %swap3A_115], %swap3A_118 {strides = array<i32>} : memref<80x128xf32, #tpu.memory_space<vmem>>, vector<1x16xf32>,
      %swap3A_119 = arith.index_cast %scan3A_93 : i32 to index
      %swap3A_120 = arith.constant 80 : index
      %swap3A_121 = tpu.vector_load %arg10[%swap3A_119, %swap3A_120] {strides = array<i32>} : memref<80x128xf32, #tpu.memory_space<vmem>>, vector<1x16xf32>,
      %swap3A_122 = vector.shape_cast %swap3A_121 : vector<1x16xf32> to vector<16xf32>
      %swap3A_123 = vector.shape_cast %broadcast_in_dim3A_1 : vector<16xf32> to vector<1x16xf32>
      tpu.vector_store %arg10[%swap3A_119, %swap3A_120], %swap3A_123 {strides = array<i32>} : memref<80x128xf32, #tpu.memory_space<vmem>>, vector<1x16xf32>,
      %swap3A_124 = arith.index_cast %scan3A_93 : i32 to index
      %swap3A_125 = arith.constant 96 : index
      %swap3A_126 = tpu.vector_load %arg10[%swap3A_124, %swap3A_125] {strides = array<i32>} : memref<80x128xf32, #tpu.memory_space<vmem>>, vector<1x16xf32>,
      %swap3A_127 = vector.shape_cast %swap3A_126 : vector<1x16xf32> to vector<16xf32>
      %swap3A_128 = vector.shape_cast %broadcast_in_dim3A_1 : vector<16xf32> to vector<1x16xf32>
      tpu.vector_store %arg10[%swap3A_124, %swap3A_125], %swap3A_128 {strides = array<i32>} : memref<80x128xf32, #tpu.memory_space<vmem>>, vector<1x16xf32>,
      %swap3A_129 = arith.index_cast %scan3A_93 : i32 to index
      %swap3A_130 = arith.constant 112 : index
      %swap3A_131 = tpu.vector_load %arg10[%swap3A_129, %swap3A_130] {strides = array<i32>} : memref<80x128xf32, #tpu.memory_space<vmem>>, vector<1x16xf32>,
      %swap3A_132 = vector.shape_cast %swap3A_131 : vector<1x16xf32> to vector<16xf32>
      %swap3A_133 = vector.shape_cast %broadcast_in_dim3A_1 : vector<16xf32> to vector<1x16xf32>
      tpu.vector_store %arg10[%swap3A_129, %swap3A_130], %swap3A_133 {strides = array<i32>} : memref<80x128xf32, #tpu.memory_space<vmem>>, vector<1x16xf32>,
      %scan3A_134 = arith.constant 0 : i32
      scf.yield %scan3A_134 : i32
    }
    %scan3A_7 = arith.constant 80 : i32
    %sub3A = arith.constant 125 : i32
    %sub3A_8 = arith.subi %sub3A, %arg1 : i32
    %add3A_9 = arith.constant 16 : i32
    %add3A_10 = arith.addi %sub3A_8, %add3A_9 : i32
    %sub3A_11 = arith.constant 1 : i32
    %sub3A_12 = arith.subi %add3A_10, %sub3A_11 : i32
    %jit3A = arith.constant 16 : i32
    %div3A = arith.divsi %sub3A_12, %jit3A : i32
    %sign3A = arith.constant 0 : i32
    %sign3A_13 = arith.cmpi sgt, %sub3A_12, %sign3A : i32
    %sign3A_14 = arith.extui %sign3A_13 : i1 to i32
    %sign3A_15 = arith.constant 0 : i32
    %sign3A_16 = arith.cmpi slt, %sub3A_12, %sign3A_15 : i32
    %sign3A_17 = arith.extui %sign3A_16 : i1 to i32
    %sign3A_18 = arith.subi %sign3A_14, %sign3A_17 : i32
    %sign3A_19 = arith.constant 0 : i32
    %sign3A_20 = arith.cmpi sgt, %jit3A, %sign3A_19 : i32
    %sign3A_21 = arith.extui %sign3A_20 : i1 to i32
    %sign3A_22 = arith.constant 0 : i32
    %sign3A_23 = arith.cmpi slt, %jit3A, %sign3A_22 : i32
    %sign3A_24 = arith.extui %sign3A_23 : i1 to i32
    %sign3A_25 = arith.subi %sign3A_21, %sign3A_24 : i32
    %ne3A = arith.cmpi ne, %sign3A_18, %sign3A_25 : i32
    %rem3A = arith.remsi %sub3A_12, %jit3A : i32
    %ne3A_26 = arith.constant 0 : i32
    %ne3A_27 = arith.cmpi ne, %rem3A, %ne3A_26 : i32
    %and3A = arith.andi %ne3A, %ne3A_27 : i1
    %sub3A_28 = arith.constant 1 : i32
    %sub3A_29 = arith.subi %div3A, %sub3A_28 : i32
    %select_n3A = arith.select %and3A, %sub3A_29, %div3A : i32
    %while3A = arith.constant 0 : i32
    %while3A_30 = arith.constant 0 : i32
    %while3A_31 = arith.subi %select_n3A, %while3A : i32
    %while3A_32 = arith.addi %while3A, %while3A_31 : i32
    %while3A_33 = arith.constant 1 : i32
    %while3A_34 = arith.divsi %while3A_31, %while3A_33 : i32
    %while3A_35 = arith.muli %while3A_34, %while3A_33 : i32
    %while3A_36 = arith.addi %while3A, %while3A_35 : i32
    %while3A_37 = arith.constant 1 : i32
    %while3A_38 = scf.for %while3A_93 = %while3A to %while3A_36 step %while3A_37 iter_args(%while3A_94 = %while3A_30) -> (i32)  : i32 {
      %mul3A_95 = arith.constant 16 : i32
      %mul3A_96 = arith.muli %while3A_93, %mul3A_95 : i32
      %add3A_97 = arith.addi %arg1, %mul3A_96 : i32
      %mul3A_98 = arith.constant 80 : i32
      %mul3A_99 = arith.muli %add3A_97, %mul3A_98 : i32
      "tpu.region"() ({
        %run_scoped3A = tpu.sem_alloc : memref<!tpu.dma_semaphore, #tpu.memory_space<semaphore_mem>>
        %dma_start3A = arith.constant 0 : i32
        %dma_start3A_101 = tpu.memref_slice %arg11[%mul3A_99, %dma_start3A] : memref<10000x128xf32, #tpu.memory_space<vmem_shared>> -> memref<80x128xf32, #tpu.memory_space<vmem_shared>>
        %dma_start3A_102 = arith.constant 0 : i32
        %dma_start3A_103 = tpu.memref_slice %arg11[%mul3A_99, %dma_start3A_102] : memref<10000x128xf32, #tpu.memory_space<vmem_shared>> -> memref<80x128xf32, #tpu.memory_space<vmem_shared>>
        tpu.enqueue_dma source(%arg10 : memref<80x128xf32, #tpu.memory_space<vmem>>) target(%dma_start3A_103 : memref<80x128xf32, #tpu.memory_space<vmem_shared>>) target_semaphore(%run_scoped3A : memref<!tpu.dma_semaphore, #tpu.memory_space<semaphore_mem>>)
        %dma_wait3A = arith.constant 0 : i32
        %dma_wait3A_104 = tpu.memref_slice %arg11[%mul3A_99, %dma_wait3A] : memref<10000x128xf32, #tpu.memory_space<vmem_shared>> -> memref<80x128xf32, #tpu.memory_space<vmem_shared>>
        %dma_wait3A_105 = arith.constant 0 : i32
        %dma_wait3A_106 = tpu.memref_slice %arg11[%mul3A_99, %dma_wait3A_105] : memref<10000x128xf32, #tpu.memory_space<vmem_shared>> -> memref<80x128xf32, #tpu.memory_space<vmem_shared>>
        tpu.wait_dma2 semaphore(%run_scoped3A : memref<!tpu.dma_semaphore, #tpu.memory_space<semaphore_mem>>) src(%arg10 : memref<80x128xf32, #tpu.memory_space<vmem>>) dst(%dma_wait3A_106 : memref<80x128xf32, #tpu.memory_space<vmem_shared>>)
        tpu.yield
      }) : () -> ()
      %while3A_100 = arith.constant 0 : i32
      scf.yield %while3A_100 : i32
    }
    %while3A_39 = arith.constant 1 : i32
    %while3A_40 = scf.for %while3A_93 = %while3A_36 to %while3A_32 step %while3A_39 iter_args(%while3A_94 = %while3A_38) -> (i32)  : i32 {
      %mul3A_95 = arith.constant 16 : i32
      %mul3A_96 = arith.muli %while3A_93, %mul3A_95 : i32
      %add3A_97 = arith.addi %arg1, %mul3A_96 : i32
      %mul3A_98 = arith.constant 80 : i32
      %mul3A_99 = arith.muli %add3A_97, %mul3A_98 : i32
      "tpu.region"() ({
        %run_scoped3A = tpu.sem_alloc : memref<!tpu.dma_semaphore, #tpu.memory_space<semaphore_mem>>
        %dma_start3A = arith.constant 0 : i32
        %dma_start3A_101 = tpu.memref_slice %arg11[%mul3A_99, %dma_start3A] : memref<10000x128xf32, #tpu.memory_space<vmem_shared>> -> memref<80x128xf32, #tpu.memory_space<vmem_shared>>
        %dma_start3A_102 = arith.constant 0 : i32
        %dma_start3A_103 = tpu.memref_slice %arg11[%mul3A_99, %dma_start3A_102] : memref<10000x128xf32, #tpu.memory_space<vmem_shared>> -> memref<80x128xf32, #tpu.memory_space<vmem_shared>>
        tpu.enqueue_dma source(%arg10 : memref<80x128xf32, #tpu.memory_space<vmem>>) target(%dma_start3A_103 : memref<80x128xf32, #tpu.memory_space<vmem_shared>>) target_semaphore(%run_scoped3A : memref<!tpu.dma_semaphore, #tpu.memory_space<semaphore_mem>>)
        %dma_wait3A = arith.constant 0 : i32
        %dma_wait3A_104 = tpu.memref_slice %arg11[%mul3A_99, %dma_wait3A] : memref<10000x128xf32, #tpu.memory_space<vmem_shared>> -> memref<80x128xf32, #tpu.memory_space<vmem_shared>>
        %dma_wait3A_105 = arith.constant 0 : i32
        %dma_wait3A_106 = tpu.memref_slice %arg11[%mul3A_99, %dma_wait3A_105] : memref<10000x128xf32, #tpu.memory_space<vmem_shared>> -> memref<80x128xf32, #tpu.memory_space<vmem_shared>>
        tpu.wait_dma2 semaphore(%run_scoped3A : memref<!tpu.dma_semaphore, #tpu.memory_space<semaphore_mem>>) src(%arg10 : memref<80x128xf32, #tpu.memory_space<vmem>>) dst(%dma_wait3A_106 : memref<80x128xf32, #tpu.memory_space<vmem_shared>>)
        tpu.yield
      }) : () -> ()
      %while3A_100 = arith.constant 0 : i32
      scf.yield %while3A_100 : i32
    }
    "tpu.region"() ({
      %run_scoped3A = tpu.sem_alloc : memref<!tpu.dma_semaphore, #tpu.memory_space<semaphore_mem>>
      %dma_start3A = arith.constant 0 : i32
      %dma_start3A_93 = arith.constant 0 : i32
      %dma_start3A_94 = tpu.memref_slice %arg2[%add3A, %dma_start3A, %dma_start3A_93] : memref<32x125x80xi32, #tpu.memory_space<hbm>> -> memref<1x125x80xi32, #tpu.memory_space<hbm>>
      %dma_start3A_95 = tpu.memref_squeeze %dma_start3A_94 : memref<1x125x80xi32, #tpu.memory_space<hbm>> -> memref<125x80xi32, #tpu.memory_space<hbm>>
      %dma_start3A_96 = arith.constant 0 : i32
      %dma_start3A_97 = arith.constant 0 : i32
      %dma_start3A_98 = tpu.memref_slice %arg2[%add3A, %dma_start3A_96, %dma_start3A_97] : memref<32x125x80xi32, #tpu.memory_space<hbm>> -> memref<1x125x80xi32, #tpu.memory_space<hbm>>
      %dma_start3A_99 = tpu.memref_squeeze %dma_start3A_98 : memref<1x125x80xi32, #tpu.memory_space<hbm>> -> memref<125x80xi32, #tpu.memory_space<hbm>>
      tpu.enqueue_dma source(%dma_start3A_99 : memref<125x80xi32, #tpu.memory_space<hbm>>) target(%arg7 : memref<125x80xi32, #tpu.memory_space<vmem>>) target_semaphore(%run_scoped3A : memref<!tpu.dma_semaphore, #tpu.memory_space<semaphore_mem>>)
      %dma_wait3A = arith.constant 0 : i32
      %dma_wait3A_100 = arith.constant 0 : i32
      %dma_wait3A_101 = tpu.memref_slice %arg2[%add3A, %dma_wait3A, %dma_wait3A_100] : memref<32x125x80xi32, #tpu.memory_space<hbm>> -> memref<1x125x80xi32, #tpu.memory_space<hbm>>
      %dma_wait3A_102 = tpu.memref_squeeze %dma_wait3A_101 : memref<1x125x80xi32, #tpu.memory_space<hbm>> -> memref<125x80xi32, #tpu.memory_space<hbm>>
      %dma_wait3A_103 = arith.constant 0 : i32
      %dma_wait3A_104 = arith.constant 0 : i32
      %dma_wait3A_105 = tpu.memref_slice %arg2[%add3A, %dma_wait3A_103, %dma_wait3A_104] : memref<32x125x80xi32, #tpu.memory_space<hbm>> -> memref<1x125x80xi32, #tpu.memory_space<hbm>>
      %dma_wait3A_106 = tpu.memref_squeeze %dma_wait3A_105 : memref<1x125x80xi32, #tpu.memory_space<hbm>> -> memref<125x80xi32, #tpu.memory_space<hbm>>
      tpu.wait_dma2 semaphore(%run_scoped3A : memref<!tpu.dma_semaphore, #tpu.memory_space<semaphore_mem>>) src(%dma_wait3A_106 : memref<125x80xi32, #tpu.memory_space<hbm>>) dst(%arg7 : memref<125x80xi32, #tpu.memory_space<vmem>>)
      tpu.yield
    }) : () -> ()
    "tpu.region"() ({
      %run_scoped3A = tpu.sem_alloc : memref<!tpu.dma_semaphore, #tpu.memory_space<semaphore_mem>>
      %dma_start3A = arith.constant 0 : i32
      %dma_start3A_93 = arith.constant 0 : i32
      %dma_start3A_94 = tpu.memref_slice %arg3[%add3A, %dma_start3A, %dma_start3A_93] : memref<32x125x80xi32, #tpu.memory_space<hbm>> -> memref<1x125x80xi32, #tpu.memory_space<hbm>>
      %dma_start3A_95 = tpu.memref_squeeze %dma_start3A_94 : memref<1x125x80xi32, #tpu.memory_space<hbm>> -> memref<125x80xi32, #tpu.memory_space<hbm>>
      %dma_start3A_96 = arith.constant 0 : i32
      %dma_start3A_97 = arith.constant 0 : i32
      %dma_start3A_98 = tpu.memref_slice %arg3[%add3A, %dma_start3A_96, %dma_start3A_97] : memref<32x125x80xi32, #tpu.memory_space<hbm>> -> memref<1x125x80xi32, #tpu.memory_space<hbm>>
      %dma_start3A_99 = tpu.memref_squeeze %dma_start3A_98 : memref<1x125x80xi32, #tpu.memory_space<hbm>> -> memref<125x80xi32, #tpu.memory_space<hbm>>
      tpu.enqueue_dma source(%dma_start3A_99 : memref<125x80xi32, #tpu.memory_space<hbm>>) target(%arg8 : memref<125x80xi32, #tpu.memory_space<vmem>>) target_semaphore(%run_scoped3A : memref<!tpu.dma_semaphore, #tpu.memory_space<semaphore_mem>>)
      %dma_wait3A = arith.constant 0 : i32
      %dma_wait3A_100 = arith.constant 0 : i32
      %dma_wait3A_101 = tpu.memref_slice %arg3[%add3A, %dma_wait3A, %dma_wait3A_100] : memref<32x125x80xi32, #tpu.memory_space<hbm>> -> memref<1x125x80xi32, #tpu.memory_space<hbm>>
      %dma_wait3A_102 = tpu.memref_squeeze %dma_wait3A_101 : memref<1x125x80xi32, #tpu.memory_space<hbm>> -> memref<125x80xi32, #tpu.memory_space<hbm>>
      %dma_wait3A_103 = arith.constant 0 : i32
      %dma_wait3A_104 = arith.constant 0 : i32
      %dma_wait3A_105 = tpu.memref_slice %arg3[%add3A, %dma_wait3A_103, %dma_wait3A_104] : memref<32x125x80xi32, #tpu.memory_space<hbm>> -> memref<1x125x80xi32, #tpu.memory_space<hbm>>
      %dma_wait3A_106 = tpu.memref_squeeze %dma_wait3A_105 : memref<1x125x80xi32, #tpu.memory_space<hbm>> -> memref<125x80xi32, #tpu.memory_space<hbm>>
      tpu.wait_dma2 semaphore(%run_scoped3A : memref<!tpu.dma_semaphore, #tpu.memory_space<semaphore_mem>>) src(%dma_wait3A_106 : memref<125x80xi32, #tpu.memory_space<hbm>>) dst(%arg8 : memref<125x80xi32, #tpu.memory_space<vmem>>)
      tpu.yield
    }) : () -> ()
    %barrier3A = arith.constant 0 : index
    tpu.barrier barrier_id(%barrier3A)
    %mul3A_41 = arith.constant 10000 : i32
    %mul3A_42 = arith.muli %add3A, %mul3A_41 : i32
    %scan3A_43 = arith.constant 0 : i32
    %scan3A_44 = arith.constant 0 : i32
    %scan3A_45 = arith.constant 125 : i32
    %scan3A_46 = arith.addi %scan3A_44, %scan3A_45 : i32
    %scan3A_47 = arith.constant 1 : i32
    %scan3A_48 = scf.for %scan3A_93 = %scan3A_44 to %scan3A_46 step %scan3A_47 iter_args(%scan3A_94 = %scan3A_43) -> (i32)  : i32 {
      "tpu.region"() ({
        %run_scoped3A = tpu.sem_alloc : memref<!tpu.dma_semaphore, #tpu.memory_space<semaphore_mem>>
        %dma_start3A = arith.constant 0 : i32
        %dma_start3A_106 = tpu.memref_slice %arg7[%scan3A_93, %dma_start3A] : memref<125x80xi32, #tpu.memory_space<vmem>> -> memref<1x80xi32, #tpu.memory_space<vmem>>
        %dma_start3A_107 = tpu.memref_squeeze %dma_start3A_106 : memref<1x80xi32, #tpu.memory_space<vmem>> -> memref<80xi32, #tpu.memory_space<vmem>>
        %dma_start3A_108 = arith.constant 0 : i32
        %dma_start3A_109 = arith.constant 0 : i32
        %dma_start3A_110 = tpu.memref_slice %arg5[%dma_start3A_108, %dma_start3A_109] : memref<10000x128xf32, #tpu.memory_space<hbm>> -> memref<10000x128xf32, #tpu.memory_space<hbm>>
        tpu.enqueue_indirect_dma source(%dma_start3A_110 : memref<10000x128xf32, #tpu.memory_space<hbm>>) target(%arg10 : memref<80x128xf32, #tpu.memory_space<vmem>>) offsets(%dma_start3A_107 : memref<80xi32, #tpu.memory_space<vmem>>) semaphore(%run_scoped3A : memref<!tpu.dma_semaphore, #tpu.memory_space<semaphore_mem>>)
        %dma_wait3A = arith.constant 0 : i32
        %dma_wait3A_111 = tpu.memref_slice %arg7[%scan3A_93, %dma_wait3A] : memref<125x80xi32, #tpu.memory_space<vmem>> -> memref<1x80xi32, #tpu.memory_space<vmem>>
        %dma_wait3A_112 = tpu.memref_squeeze %dma_wait3A_111 : memref<1x80xi32, #tpu.memory_space<vmem>> -> memref<80xi32, #tpu.memory_space<vmem>>
        %dma_wait3A_113 = arith.constant 0 : i32
        %dma_wait3A_114 = arith.constant 0 : i32
        %dma_wait3A_115 = tpu.memref_slice %arg5[%dma_wait3A_113, %dma_wait3A_114] : memref<10000x128xf32, #tpu.memory_space<hbm>> -> memref<10000x128xf32, #tpu.memory_space<hbm>>
        tpu.wait_indirect_dma semaphore(%run_scoped3A : memref<!tpu.dma_semaphore, #tpu.memory_space<semaphore_mem>>) src(%dma_wait3A_115 : memref<10000x128xf32, #tpu.memory_space<hbm>>) dst(%arg10 : memref<80x128xf32, #tpu.memory_space<vmem>>)
        tpu.yield
      }) : () -> ()
      %mul3A_95 = arith.constant 80 : i32
      %mul3A_96 = arith.muli %scan3A_93, %mul3A_95 : i32
      %add3A_97 = arith.addi %mul3A_42, %mul3A_96 : i32
      "tpu.region"() ({
        %run_scoped3A = tpu.sem_alloc : memref<!tpu.dma_semaphore, #tpu.memory_space<semaphore_mem>>
        %dma_start3A = arith.constant 0 : i32
        %dma_start3A_106 = tpu.memref_slice %arg4[%add3A_97, %dma_start3A] : memref<320000x16xf32, #tpu.memory_space<hbm>> -> memref<80x16xf32, #tpu.memory_space<hbm>>
        %dma_start3A_107 = arith.constant 0 : i32
        %dma_start3A_108 = tpu.memref_slice %arg4[%add3A_97, %dma_start3A_107] : memref<320000x16xf32, #tpu.memory_space<hbm>> -> memref<80x16xf32, #tpu.memory_space<hbm>>
        tpu.enqueue_dma source(%dma_start3A_108 : memref<80x16xf32, #tpu.memory_space<hbm>>) target(%arg9 : memref<80x16xf32, #tpu.memory_space<vmem>>) target_semaphore(%run_scoped3A : memref<!tpu.dma_semaphore, #tpu.memory_space<semaphore_mem>>)
        %dma_wait3A = arith.constant 0 : i32
        %dma_wait3A_109 = tpu.memref_slice %arg4[%add3A_97, %dma_wait3A] : memref<320000x16xf32, #tpu.memory_space<hbm>> -> memref<80x16xf32, #tpu.memory_space<hbm>>
        %dma_wait3A_110 = arith.constant 0 : i32
        %dma_wait3A_111 = tpu.memref_slice %arg4[%add3A_97, %dma_wait3A_110] : memref<320000x16xf32, #tpu.memory_space<hbm>> -> memref<80x16xf32, #tpu.memory_space<hbm>>
        tpu.wait_dma2 semaphore(%run_scoped3A : memref<!tpu.dma_semaphore, #tpu.memory_space<semaphore_mem>>) src(%dma_wait3A_111 : memref<80x16xf32, #tpu.memory_space<hbm>>) dst(%arg9 : memref<80x16xf32, #tpu.memory_space<vmem>>)
        tpu.yield
      }) : () -> ()
      %scan3A_98 = arith.constant 0 : i32
      %scan3A_99 = arith.constant 0 : i32
      %scan3A_100 = arith.constant 80 : i32
      %scan3A_101 = arith.addi %scan3A_99, %scan3A_100 : i32
      %scan3A_102 = arith.constant 1 : i32
      %scan3A_103 = scf.for %scan3A_106 = %scan3A_99 to %scan3A_101 step %scan3A_102 iter_args(%scan3A_107 = %scan3A_98) -> (i32)  : i32 {
        %get3A = arith.index_cast %scan3A_106 : i32 to index
        %get3A_108 = arith.constant 0 : index
        %get3A_109 = tpu.vector_load %arg9[%get3A, %get3A_108] {strides = array<i32>} : memref<80x16xf32, #tpu.memory_space<vmem>>, vector<1x16xf32>,
        %get3A_110 = vector.shape_cast %get3A_109 : vector<1x16xf32> to vector<16xf32>
        %get3A_111 = arith.index_cast %scan3A_106 : i32 to index
        %get3A_112 = arith.constant 0 : index
        %get3A_113 = tpu.vector_load %arg10[%get3A_111, %get3A_112] {strides = array<i32>} : memref<80x128xf32, #tpu.memory_space<vmem>>, vector<1x16xf32>,
        %get3A_114 = vector.shape_cast %get3A_113 : vector<1x16xf32> to vector<16xf32>
        %slice3A = vector.extract_strided_slice %get3A_110 {offsets = [0], sizes = [1], strides = [1]} : vector<16xf32> to vector<1xf32>
        %squeeze3A = vector.extract %slice3A[0] : f32 from vector<1xf32>
        %mul3A_115 = vector.broadcast %squeeze3A : f32 to vector<16xf32>
        %mul3A_116 = arith.mulf %get3A_114, %mul3A_115 : vector<16xf32>
        %swap3A = arith.index_cast %scan3A_106 : i32 to index
        %swap3A_117 = arith.constant 0 : index
        %swap3A_118 = tpu.vector_load %arg10[%swap3A, %swap3A_117] {strides = array<i32>} : memref<80x128xf32, #tpu.memory_space<vmem>>, vector<1x16xf32>,
        %swap3A_119 = vector.shape_cast %swap3A_118 : vector<1x16xf32> to vector<16xf32>
        %swap3A_120 = vector.shape_cast %mul3A_116 : vector<16xf32> to vector<1x16xf32>
        tpu.vector_store %arg10[%swap3A, %swap3A_117], %swap3A_120 {strides = array<i32>} : memref<80x128xf32, #tpu.memory_space<vmem>>, vector<1x16xf32>,
        %get3A_121 = arith.index_cast %scan3A_106 : i32 to index
        %get3A_122 = arith.constant 16 : index
        %get3A_123 = tpu.vector_load %arg10[%get3A_121, %get3A_122] {strides = array<i32>} : memref<80x128xf32, #tpu.memory_space<vmem>>, vector<1x16xf32>,
        %get3A_124 = vector.shape_cast %get3A_123 : vector<1x16xf32> to vector<16xf32>
        %slice3A_125 = vector.extract_strided_slice %get3A_110 {offsets = [1], sizes = [1], strides = [1]} : vector<16xf32> to vector<1xf32>
        %squeeze3A_126 = vector.extract %slice3A_125[0] : f32 from vector<1xf32>
        %mul3A_127 = vector.broadcast %squeeze3A_126 : f32 to vector<16xf32>
        %mul3A_128 = arith.mulf %get3A_124, %mul3A_127 : vector<16xf32>
        %swap3A_129 = arith.index_cast %scan3A_106 : i32 to index
        %swap3A_130 = arith.constant 16 : index
        %swap3A_131 = tpu.vector_load %arg10[%swap3A_129, %swap3A_130] {strides = array<i32>} : memref<80x128xf32, #tpu.memory_space<vmem>>, vector<1x16xf32>,
        %swap3A_132 = vector.shape_cast %swap3A_131 : vector<1x16xf32> to vector<16xf32>
        %swap3A_133 = vector.shape_cast %mul3A_128 : vector<16xf32> to vector<1x16xf32>
        tpu.vector_store %arg10[%swap3A_129, %swap3A_130], %swap3A_133 {strides = array<i32>} : memref<80x128xf32, #tpu.memory_space<vmem>>, vector<1x16xf32>,
        %get3A_134 = arith.index_cast %scan3A_106 : i32 to index
        %get3A_135 = arith.constant 32 : index
        %get3A_136 = tpu.vector_load %arg10[%get3A_134, %get3A_135] {strides = array<i32>} : memref<80x128xf32, #tpu.memory_space<vmem>>, vector<1x16xf32>,
        %get3A_137 = vector.shape_cast %get3A_136 : vector<1x16xf32> to vector<16xf32>
        %slice3A_138 = vector.extract_strided_slice %get3A_110 {offsets = [2], sizes = [1], strides = [1]} : vector<16xf32> to vector<1xf32>
        %squeeze3A_139 = vector.extract %slice3A_138[0] : f32 from vector<1xf32>
        %mul3A_140 = vector.broadcast %squeeze3A_139 : f32 to vector<16xf32>
        %mul3A_141 = arith.mulf %get3A_137, %mul3A_140 : vector<16xf32>
        %swap3A_142 = arith.index_cast %scan3A_106 : i32 to index
        %swap3A_143 = arith.constant 32 : index
        %swap3A_144 = tpu.vector_load %arg10[%swap3A_142, %swap3A_143] {strides = array<i32>} : memref<80x128xf32, #tpu.memory_space<vmem>>, vector<1x16xf32>,
        %swap3A_145 = vector.shape_cast %swap3A_144 : vector<1x16xf32> to vector<16xf32>
        %swap3A_146 = vector.shape_cast %mul3A_141 : vector<16xf32> to vector<1x16xf32>
        tpu.vector_store %arg10[%swap3A_142, %swap3A_143], %swap3A_146 {strides = array<i32>} : memref<80x128xf32, #tpu.memory_space<vmem>>, vector<1x16xf32>,
        %get3A_147 = arith.index_cast %scan3A_106 : i32 to index
        %get3A_148 = arith.constant 48 : index
        %get3A_149 = tpu.vector_load %arg10[%get3A_147, %get3A_148] {strides = array<i32>} : memref<80x128xf32, #tpu.memory_space<vmem>>, vector<1x16xf32>,
        %get3A_150 = vector.shape_cast %get3A_149 : vector<1x16xf32> to vector<16xf32>
        %slice3A_151 = vector.extract_strided_slice %get3A_110 {offsets = [3], sizes = [1], strides = [1]} : vector<16xf32> to vector<1xf32>
        %squeeze3A_152 = vector.extract %slice3A_151[0] : f32 from vector<1xf32>
        %mul3A_153 = vector.broadcast %squeeze3A_152 : f32 to vector<16xf32>
        %mul3A_154 = arith.mulf %get3A_150, %mul3A_153 : vector<16xf32>
        %swap3A_155 = arith.index_cast %scan3A_106 : i32 to index
        %swap3A_156 = arith.constant 48 : index
        %swap3A_157 = tpu.vector_load %arg10[%swap3A_155, %swap3A_156] {strides = array<i32>} : memref<80x128xf32, #tpu.memory_space<vmem>>, vector<1x16xf32>,
        %swap3A_158 = vector.shape_cast %swap3A_157 : vector<1x16xf32> to vector<16xf32>
        %swap3A_159 = vector.shape_cast %mul3A_154 : vector<16xf32> to vector<1x16xf32>
        tpu.vector_store %arg10[%swap3A_155, %swap3A_156], %swap3A_159 {strides = array<i32>} : memref<80x128xf32, #tpu.memory_space<vmem>>, vector<1x16xf32>,
        %get3A_160 = arith.index_cast %scan3A_106 : i32 to index
        %get3A_161 = arith.constant 64 : index
        %get3A_162 = tpu.vector_load %arg10[%get3A_160, %get3A_161] {strides = array<i32>} : memref<80x128xf32, #tpu.memory_space<vmem>>, vector<1x16xf32>,
        %get3A_163 = vector.shape_cast %get3A_162 : vector<1x16xf32> to vector<16xf32>
        %slice3A_164 = vector.extract_strided_slice %get3A_110 {offsets = [4], sizes = [1], strides = [1]} : vector<16xf32> to vector<1xf32>
        %squeeze3A_165 = vector.extract %slice3A_164[0] : f32 from vector<1xf32>
        %mul3A_166 = vector.broadcast %squeeze3A_165 : f32 to vector<16xf32>
        %mul3A_167 = arith.mulf %get3A_163, %mul3A_166 : vector<16xf32>
        %swap3A_168 = arith.index_cast %scan3A_106 : i32 to index
        %swap3A_169 = arith.constant 64 : index
        %swap3A_170 = tpu.vector_load %arg10[%swap3A_168, %swap3A_169] {strides = array<i32>} : memref<80x128xf32, #tpu.memory_space<vmem>>, vector<1x16xf32>,
        %swap3A_171 = vector.shape_cast %swap3A_170 : vector<1x16xf32> to vector<16xf32>
        %swap3A_172 = vector.shape_cast %mul3A_167 : vector<16xf32> to vector<1x16xf32>
        tpu.vector_store %arg10[%swap3A_168, %swap3A_169], %swap3A_172 {strides = array<i32>} : memref<80x128xf32, #tpu.memory_space<vmem>>, vector<1x16xf32>,
        %get3A_173 = arith.index_cast %scan3A_106 : i32 to index
        %get3A_174 = arith.constant 80 : index
        %get3A_175 = tpu.vector_load %arg10[%get3A_173, %get3A_174] {strides = array<i32>} : memref<80x128xf32, #tpu.memory_space<vmem>>, vector<1x16xf32>,
        %get3A_176 = vector.shape_cast %get3A_175 : vector<1x16xf32> to vector<16xf32>
        %slice3A_177 = vector.extract_strided_slice %get3A_110 {offsets = [5], sizes = [1], strides = [1]} : vector<16xf32> to vector<1xf32>
        %squeeze3A_178 = vector.extract %slice3A_177[0] : f32 from vector<1xf32>
        %mul3A_179 = vector.broadcast %squeeze3A_178 : f32 to vector<16xf32>
        %mul3A_180 = arith.mulf %get3A_176, %mul3A_179 : vector<16xf32>
        %swap3A_181 = arith.index_cast %scan3A_106 : i32 to index
        %swap3A_182 = arith.constant 80 : index
        %swap3A_183 = tpu.vector_load %arg10[%swap3A_181, %swap3A_182] {strides = array<i32>} : memref<80x128xf32, #tpu.memory_space<vmem>>, vector<1x16xf32>,
        %swap3A_184 = vector.shape_cast %swap3A_183 : vector<1x16xf32> to vector<16xf32>
        %swap3A_185 = vector.shape_cast %mul3A_180 : vector<16xf32> to vector<1x16xf32>
        tpu.vector_store %arg10[%swap3A_181, %swap3A_182], %swap3A_185 {strides = array<i32>} : memref<80x128xf32, #tpu.memory_space<vmem>>, vector<1x16xf32>,
        %get3A_186 = arith.index_cast %scan3A_106 : i32 to index
        %get3A_187 = arith.constant 96 : index
        %get3A_188 = tpu.vector_load %arg10[%get3A_186, %get3A_187] {strides = array<i32>} : memref<80x128xf32, #tpu.memory_space<vmem>>, vector<1x16xf32>,
        %get3A_189 = vector.shape_cast %get3A_188 : vector<1x16xf32> to vector<16xf32>
        %slice3A_190 = vector.extract_strided_slice %get3A_110 {offsets = [6], sizes = [1], strides = [1]} : vector<16xf32> to vector<1xf32>
        %squeeze3A_191 = vector.extract %slice3A_190[0] : f32 from vector<1xf32>
        %mul3A_192 = vector.broadcast %squeeze3A_191 : f32 to vector<16xf32>
        %mul3A_193 = arith.mulf %get3A_189, %mul3A_192 : vector<16xf32>
        %swap3A_194 = arith.index_cast %scan3A_106 : i32 to index
        %swap3A_195 = arith.constant 96 : index
        %swap3A_196 = tpu.vector_load %arg10[%swap3A_194, %swap3A_195] {strides = array<i32>} : memref<80x128xf32, #tpu.memory_space<vmem>>, vector<1x16xf32>,
        %swap3A_197 = vector.shape_cast %swap3A_196 : vector<1x16xf32> to vector<16xf32>
        %swap3A_198 = vector.shape_cast %mul3A_193 : vector<16xf32> to vector<1x16xf32>
        tpu.vector_store %arg10[%swap3A_194, %swap3A_195], %swap3A_198 {strides = array<i32>} : memref<80x128xf32, #tpu.memory_space<vmem>>, vector<1x16xf32>,
        %get3A_199 = arith.index_cast %scan3A_106 : i32 to index
        %get3A_200 = arith.constant 112 : index
        %get3A_201 = tpu.vector_load %arg10[%get3A_199, %get3A_200] {strides = array<i32>} : memref<80x128xf32, #tpu.memory_space<vmem>>, vector<1x16xf32>,
        %get3A_202 = vector.shape_cast %get3A_201 : vector<1x16xf32> to vector<16xf32>
        %slice3A_203 = vector.extract_strided_slice %get3A_110 {offsets = [7], sizes = [1], strides = [1]} : vector<16xf32> to vector<1xf32>
        %squeeze3A_204 = vector.extract %slice3A_203[0] : f32 from vector<1xf32>
        %mul3A_205 = vector.broadcast %squeeze3A_204 : f32 to vector<16xf32>
        %mul3A_206 = arith.mulf %get3A_202, %mul3A_205 : vector<16xf32>
        %swap3A_207 = arith.index_cast %scan3A_106 : i32 to index
        %swap3A_208 = arith.constant 112 : index
        %swap3A_209 = tpu.vector_load %arg10[%swap3A_207, %swap3A_208] {strides = array<i32>} : memref<80x128xf32, #tpu.memory_space<vmem>>, vector<1x16xf32>,
        %swap3A_210 = vector.shape_cast %swap3A_209 : vector<1x16xf32> to vector<16xf32>
        %swap3A_211 = vector.shape_cast %mul3A_206 : vector<16xf32> to vector<1x16xf32>
        tpu.vector_store %arg10[%swap3A_207, %swap3A_208], %swap3A_211 {strides = array<i32>} : memref<80x128xf32, #tpu.memory_space<vmem>>, vector<1x16xf32>,
        %scan3A_212 = arith.constant 0 : i32
        scf.yield %scan3A_212 : i32
      }
      %scan3A_104 = arith.constant 80 : i32
      "tpu.region"() ({
        %run_scoped3A = tpu.sem_alloc : memref<!tpu.dma_semaphore, #tpu.memory_space<semaphore_mem>>
        %dma_start3A = arith.constant 0 : i32
        %dma_start3A_106 = tpu.memref_slice %arg8[%scan3A_93, %dma_start3A] : memref<125x80xi32, #tpu.memory_space<vmem>> -> memref<1x80xi32, #tpu.memory_space<vmem>>
        %dma_start3A_107 = tpu.memref_squeeze %dma_start3A_106 : memref<1x80xi32, #tpu.memory_space<vmem>> -> memref<80xi32, #tpu.memory_space<vmem>>
        %dma_start3A_108 = arith.constant 0 : i32
        %dma_start3A_109 = arith.constant 0 : i32
        %dma_start3A_110 = tpu.memref_slice %arg11[%dma_start3A_108, %dma_start3A_109] : memref<10000x128xf32, #tpu.memory_space<vmem_shared>> -> memref<10000x128xf32, #tpu.memory_space<vmem_shared>>
        tpu.enqueue_indirect_dma source(%arg10 : memref<80x128xf32, #tpu.memory_space<vmem>>) target(%dma_start3A_110 : memref<10000x128xf32, #tpu.memory_space<vmem_shared>>) offsets(%dma_start3A_107 : memref<80xi32, #tpu.memory_space<vmem>>) semaphore(%run_scoped3A : memref<!tpu.dma_semaphore, #tpu.memory_space<semaphore_mem>>) {add = true}
        %dma_wait3A = arith.constant 0 : i32
        %dma_wait3A_111 = tpu.memref_slice %arg8[%scan3A_93, %dma_wait3A] : memref<125x80xi32, #tpu.memory_space<vmem>> -> memref<1x80xi32, #tpu.memory_space<vmem>>
        %dma_wait3A_112 = tpu.memref_squeeze %dma_wait3A_111 : memref<1x80xi32, #tpu.memory_space<vmem>> -> memref<80xi32, #tpu.memory_space<vmem>>
        %dma_wait3A_113 = arith.constant 0 : i32
        %dma_wait3A_114 = arith.constant 0 : i32
        %dma_wait3A_115 = tpu.memref_slice %arg11[%dma_wait3A_113, %dma_wait3A_114] : memref<10000x128xf32, #tpu.memory_space<vmem_shared>> -> memref<10000x128xf32, #tpu.memory_space<vmem_shared>>
        tpu.wait_indirect_dma semaphore(%run_scoped3A : memref<!tpu.dma_semaphore, #tpu.memory_space<semaphore_mem>>) src(%arg10 : memref<80x128xf32, #tpu.memory_space<vmem>>) dst(%dma_wait3A_115 : memref<10000x128xf32, #tpu.memory_space<vmem_shared>>)
        tpu.yield
      }) : () -> ()
      %scan3A_105 = arith.constant 0 : i32
      scf.yield %scan3A_105 : i32
    }
    %scan3A_49 = arith.constant 125 : i32
    %barrier3A_50 = arith.constant 0 : index
    tpu.barrier barrier_id(%barrier3A_50)
    %sub3A_51 = arith.constant 125 : i32
    %sub3A_52 = arith.subi %sub3A_51, %arg1 : i32
    %add3A_53 = arith.constant 16 : i32
    %add3A_54 = arith.addi %sub3A_52, %add3A_53 : i32
    %sub3A_55 = arith.constant 1 : i32
    %sub3A_56 = arith.subi %add3A_54, %sub3A_55 : i32
    %jit3A_57 = arith.constant 16 : i32
    %div3A_58 = arith.divsi %sub3A_56, %jit3A_57 : i32
    %sign3A_59 = arith.constant 0 : i32
    %sign3A_60 = arith.cmpi sgt, %sub3A_56, %sign3A_59 : i32
    %sign3A_61 = arith.extui %sign3A_60 : i1 to i32
    %sign3A_62 = arith.constant 0 : i32
    %sign3A_63 = arith.cmpi slt, %sub3A_56, %sign3A_62 : i32
    %sign3A_64 = arith.extui %sign3A_63 : i1 to i32
    %sign3A_65 = arith.subi %sign3A_61, %sign3A_64 : i32
    %sign3A_66 = arith.constant 0 : i32
    %sign3A_67 = arith.cmpi sgt, %jit3A_57, %sign3A_66 : i32
    %sign3A_68 = arith.extui %sign3A_67 : i1 to i32
    %sign3A_69 = arith.constant 0 : i32
    %sign3A_70 = arith.cmpi slt, %jit3A_57, %sign3A_69 : i32
    %sign3A_71 = arith.extui %sign3A_70 : i1 to i32
    %sign3A_72 = arith.subi %sign3A_68, %sign3A_71 : i32
    %ne3A_73 = arith.cmpi ne, %sign3A_65, %sign3A_72 : i32
    %rem3A_74 = arith.remsi %sub3A_56, %jit3A_57 : i32
    %ne3A_75 = arith.constant 0 : i32
    %ne3A_76 = arith.cmpi ne, %rem3A_74, %ne3A_75 : i32
    %and3A_77 = arith.andi %ne3A_73, %ne3A_76 : i1
    %sub3A_78 = arith.constant 1 : i32
    %sub3A_79 = arith.subi %div3A_58, %sub3A_78 : i32
    %select_n3A_80 = arith.select %and3A_77, %sub3A_79, %div3A_58 : i32
    %while3A_81 = arith.constant 0 : i32
    %while3A_82 = arith.constant 0 : i32
    %while3A_83 = arith.subi %select_n3A_80, %while3A_81 : i32
    %while3A_84 = arith.addi %while3A_81, %while3A_83 : i32
    %while3A_85 = arith.constant 1 : i32
    %while3A_86 = arith.divsi %while3A_83, %while3A_85 : i32
    %while3A_87 = arith.muli %while3A_86, %while3A_85 : i32
    %while3A_88 = arith.addi %while3A_81, %while3A_87 : i32
    %while3A_89 = arith.constant 1 : i32
    %while3A_90 = scf.for %while3A_93 = %while3A_81 to %while3A_88 step %while3A_89 iter_args(%while3A_94 = %while3A_82) -> (i32)  : i32 {
      %mul3A_95 = arith.constant 16 : i32
      %mul3A_96 = arith.muli %while3A_93, %mul3A_95 : i32
      %add3A_97 = arith.addi %arg1, %mul3A_96 : i32
      %mul3A_98 = arith.constant 80 : i32
      %mul3A_99 = arith.muli %add3A_97, %mul3A_98 : i32
      "tpu.region"() ({
        %run_scoped3A = tpu.sem_alloc : memref<!tpu.dma_semaphore, #tpu.memory_space<semaphore_mem>>
        %dma_start3A = arith.constant 0 : i32
        %dma_start3A_101 = tpu.memref_slice %arg11[%mul3A_99, %dma_start3A] : memref<10000x128xf32, #tpu.memory_space<vmem_shared>> -> memref<80x128xf32, #tpu.memory_space<vmem_shared>>
        %dma_start3A_102 = arith.constant 0 : i32
        %dma_start3A_103 = tpu.memref_slice %arg11[%mul3A_99, %dma_start3A_102] : memref<10000x128xf32, #tpu.memory_space<vmem_shared>> -> memref<80x128xf32, #tpu.memory_space<vmem_shared>>
        tpu.enqueue_dma source(%dma_start3A_103 : memref<80x128xf32, #tpu.memory_space<vmem_shared>>) target(%arg10 : memref<80x128xf32, #tpu.memory_space<vmem>>) target_semaphore(%run_scoped3A : memref<!tpu.dma_semaphore, #tpu.memory_space<semaphore_mem>>)
        %dma_wait3A = arith.constant 0 : i32
        %dma_wait3A_104 = tpu.memref_slice %arg11[%mul3A_99, %dma_wait3A] : memref<10000x128xf32, #tpu.memory_space<vmem_shared>> -> memref<80x128xf32, #tpu.memory_space<vmem_shared>>
        %dma_wait3A_105 = arith.constant 0 : i32
        %dma_wait3A_106 = tpu.memref_slice %arg11[%mul3A_99, %dma_wait3A_105] : memref<10000x128xf32, #tpu.memory_space<vmem_shared>> -> memref<80x128xf32, #tpu.memory_space<vmem_shared>>
        tpu.wait_dma2 semaphore(%run_scoped3A : memref<!tpu.dma_semaphore, #tpu.memory_space<semaphore_mem>>) src(%dma_wait3A_106 : memref<80x128xf32, #tpu.memory_space<vmem_shared>>) dst(%arg10 : memref<80x128xf32, #tpu.memory_space<vmem>>)
        tpu.yield
      }) : () -> ()
      "tpu.region"() ({
        %run_scoped3A = tpu.sem_alloc : memref<!tpu.dma_semaphore, #tpu.memory_space<semaphore_mem>>
        %dma_start3A = arith.constant 0 : i32
        %dma_start3A_101 = arith.constant 0 : i32
        %dma_start3A_102 = tpu.memref_slice %arg6[%arg0, %dma_start3A, %dma_start3A_101] : memref<2x10000x128xf32, #tpu.memory_space<hbm>> -> memref<1x10000x128xf32, #tpu.memory_space<hbm>>
        %dma_start3A_103 = tpu.memref_squeeze %dma_start3A_102 : memref<1x10000x128xf32, #tpu.memory_space<hbm>> -> memref<10000x128xf32, #tpu.memory_space<hbm>>
        %dma_start3A_104 = arith.constant 0 : i32
        %dma_start3A_105 = tpu.memref_slice %dma_start3A_103[%mul3A_99, %dma_start3A_104] : memref<10000x128xf32, #tpu.memory_space<hbm>> -> memref<80x128xf32, #tpu.memory_space<hbm>>
        %dma_start3A_106 = arith.constant 0 : i32
        %dma_start3A_107 = arith.constant 0 : i32
        %dma_start3A_108 = tpu.memref_slice %arg6[%arg0, %dma_start3A_106, %dma_start3A_107] : memref<2x10000x128xf32, #tpu.memory_space<hbm>> -> memref<1x10000x128xf32, #tpu.memory_space<hbm>>
        %dma_start3A_109 = tpu.memref_squeeze %dma_start3A_108 : memref<1x10000x128xf32, #tpu.memory_space<hbm>> -> memref<10000x128xf32, #tpu.memory_space<hbm>>
        %dma_start3A_110 = arith.constant 0 : i32
        %dma_start3A_111 = tpu.memref_slice %dma_start3A_109[%mul3A_99, %dma_start3A_110] : memref<10000x128xf32, #tpu.memory_space<hbm>> -> memref<80x128xf32, #tpu.memory_space<hbm>>
        tpu.enqueue_dma source(%arg10 : memref<80x128xf32, #tpu.memory_space<vmem>>) target(%dma_start3A_111 : memref<80x128xf32, #tpu.memory_space<hbm>>) target_semaphore(%run_scoped3A : memref<!tpu.dma_semaphore, #tpu.memory_space<semaphore_mem>>)
        %dma_wait3A = arith.constant 0 : i32
        %dma_wait3A_112 = arith.constant 0 : i32
        %dma_wait3A_113 = tpu.memref_slice %arg6[%arg0, %dma_wait3A, %dma_wait3A_112] : memref<2x10000x128xf32, #tpu.memory_space<hbm>> -> memref<1x10000x128xf32, #tpu.memory_space<hbm>>
        %dma_wait3A_114 = tpu.memref_squeeze %dma_wait3A_113 : memref<1x10000x128xf32, #tpu.memory_space<hbm>> -> memref<10000x128xf32, #tpu.memory_space<hbm>>
        %dma_wait3A_115 = arith.constant 0 : i32
        %dma_wait3A_116 = tpu.memref_slice %dma_wait3A_114[%mul3A_99, %dma_wait3A_115] : memref<10000x128xf32, #tpu.memory_space<hbm>> -> memref<80x128xf32, #tpu.memory_space<hbm>>
        %dma_wait3A_117 = arith.constant 0 : i32
        %dma_wait3A_118 = arith.constant 0 : i32
        %dma_wait3A_119 = tpu.memref_slice %arg6[%arg0, %dma_wait3A_117, %dma_wait3A_118] : memref<2x10000x128xf32, #tpu.memory_space<hbm>> -> memref<1x10000x128xf32, #tpu.memory_space<hbm>>
        %dma_wait3A_120 = tpu.memref_squeeze %dma_wait3A_119 : memref<1x10000x128xf32, #tpu.memory_space<hbm>> -> memref<10000x128xf32, #tpu.memory_space<hbm>>
        %dma_wait3A_121 = arith.constant 0 : i32
        %dma_wait3A_122 = tpu.memref_slice %dma_wait3A_120[%mul3A_99, %dma_wait3A_121] : memref<10000x128xf32, #tpu.memory_space<hbm>> -> memref<80x128xf32, #tpu.memory_space<hbm>>
        tpu.wait_dma2 semaphore(%run_scoped3A : memref<!tpu.dma_semaphore, #tpu.memory_space<semaphore_mem>>) src(%arg10 : memref<80x128xf32, #tpu.memory_space<vmem>>) dst(%dma_wait3A_122 : memref<80x128xf32, #tpu.memory_space<hbm>>)
        tpu.yield
      }) : () -> ()
      %while3A_100 = arith.constant 0 : i32
      scf.yield %while3A_100 : i32
    }
    %while3A_91 = arith.constant 1 : i32
    %while3A_92 = scf.for %while3A_93 = %while3A_88 to %while3A_84 step %while3A_91 iter_args(%while3A_94 = %while3A_90) -> (i32)  : i32 {
      %mul3A_95 = arith.constant 16 : i32
      %mul3A_96 = arith.muli %while3A_93, %mul3A_95 : i32
      %add3A_97 = arith.addi %arg1, %mul3A_96 : i32
      %mul3A_98 = arith.constant 80 : i32
      %mul3A_99 = arith.muli %add3A_97, %mul3A_98 : i32
      "tpu.region"() ({
        %run_scoped3A = tpu.sem_alloc : memref<!tpu.dma_semaphore, #tpu.memory_space<semaphore_mem>>
        %dma_start3A = arith.constant 0 : i32
        %dma_start3A_101 = tpu.memref_slice %arg11[%mul3A_99, %dma_start3A] : memref<10000x128xf32, #tpu.memory_space<vmem_shared>> -> memref<80x128xf32, #tpu.memory_space<vmem_shared>>
        %dma_start3A_102 = arith.constant 0 : i32
        %dma_start3A_103 = tpu.memref_slice %arg11[%mul3A_99, %dma_start3A_102] : memref<10000x128xf32, #tpu.memory_space<vmem_shared>> -> memref<80x128xf32, #tpu.memory_space<vmem_shared>>
        tpu.enqueue_dma source(%dma_start3A_103 : memref<80x128xf32, #tpu.memory_space<vmem_shared>>) target(%arg10 : memref<80x128xf32, #tpu.memory_space<vmem>>) target_semaphore(%run_scoped3A : memref<!tpu.dma_semaphore, #tpu.memory_space<semaphore_mem>>)
        %dma_wait3A = arith.constant 0 : i32
        %dma_wait3A_104 = tpu.memref_slice %arg11[%mul3A_99, %dma_wait3A] : memref<10000x128xf32, #tpu.memory_space<vmem_shared>> -> memref<80x128xf32, #tpu.memory_space<vmem_shared>>
        %dma_wait3A_105 = arith.constant 0 : i32
        %dma_wait3A_106 = tpu.memref_slice %arg11[%mul3A_99, %dma_wait3A_105] : memref<10000x128xf32, #tpu.memory_space<vmem_shared>> -> memref<80x128xf32, #tpu.memory_space<vmem_shared>>
        tpu.wait_dma2 semaphore(%run_scoped3A : memref<!tpu.dma_semaphore, #tpu.memory_space<semaphore_mem>>) src(%dma_wait3A_106 : memref<80x128xf32, #tpu.memory_space<vmem_shared>>) dst(%arg10 : memref<80x128xf32, #tpu.memory_space<vmem>>)
        tpu.yield
      }) : () -> ()
      "tpu.region"() ({
        %run_scoped3A = tpu.sem_alloc : memref<!tpu.dma_semaphore, #tpu.memory_space<semaphore_mem>>
        %dma_start3A = arith.constant 0 : i32
        %dma_start3A_101 = arith.constant 0 : i32
        %dma_start3A_102 = tpu.memref_slice %arg6[%arg0, %dma_start3A, %dma_start3A_101] : memref<2x10000x128xf32, #tpu.memory_space<hbm>> -> memref<1x10000x128xf32, #tpu.memory_space<hbm>>
        %dma_start3A_103 = tpu.memref_squeeze %dma_start3A_102 : memref<1x10000x128xf32, #tpu.memory_space<hbm>> -> memref<10000x128xf32, #tpu.memory_space<hbm>>
        %dma_start3A_104 = arith.constant 0 : i32
        %dma_start3A_105 = tpu.memref_slice %dma_start3A_103[%mul3A_99, %dma_start3A_104] : memref<10000x128xf32, #tpu.memory_space<hbm>> -> memref<80x128xf32, #tpu.memory_space<hbm>>
        %dma_start3A_106 = arith.constant 0 : i32
        %dma_start3A_107 = arith.constant 0 : i32
        %dma_start3A_108 = tpu.memref_slice %arg6[%arg0, %dma_start3A_106, %dma_start3A_107] : memref<2x10000x128xf32, #tpu.memory_space<hbm>> -> memref<1x10000x128xf32, #tpu.memory_space<hbm>>
        %dma_start3A_109 = tpu.memref_squeeze %dma_start3A_108 : memref<1x10000x128xf32, #tpu.memory_space<hbm>> -> memref<10000x128xf32, #tpu.memory_space<hbm>>
        %dma_start3A_110 = arith.constant 0 : i32
        %dma_start3A_111 = tpu.memref_slice %dma_start3A_109[%mul3A_99, %dma_start3A_110] : memref<10000x128xf32, #tpu.memory_space<hbm>> -> memref<80x128xf32, #tpu.memory_space<hbm>>
        tpu.enqueue_dma source(%arg10 : memref<80x128xf32, #tpu.memory_space<vmem>>) target(%dma_start3A_111 : memref<80x128xf32, #tpu.memory_space<hbm>>) target_semaphore(%run_scoped3A : memref<!tpu.dma_semaphore, #tpu.memory_space<semaphore_mem>>)
        %dma_wait3A = arith.constant 0 : i32
        %dma_wait3A_112 = arith.constant 0 : i32
        %dma_wait3A_113 = tpu.memref_slice %arg6[%arg0, %dma_wait3A, %dma_wait3A_112] : memref<2x10000x128xf32, #tpu.memory_space<hbm>> -> memref<1x10000x128xf32, #tpu.memory_space<hbm>>
        %dma_wait3A_114 = tpu.memref_squeeze %dma_wait3A_113 : memref<1x10000x128xf32, #tpu.memory_space<hbm>> -> memref<10000x128xf32, #tpu.memory_space<hbm>>
        %dma_wait3A_115 = arith.constant 0 : i32
        %dma_wait3A_116 = tpu.memref_slice %dma_wait3A_114[%mul3A_99, %dma_wait3A_115] : memref<10000x128xf32, #tpu.memory_space<hbm>> -> memref<80x128xf32, #tpu.memory_space<hbm>>
        %dma_wait3A_117 = arith.constant 0 : i32
        %dma_wait3A_118 = arith.constant 0 : i32
        %dma_wait3A_119 = tpu.memref_slice %arg6[%arg0, %dma_wait3A_117, %dma_wait3A_118] : memref<2x10000x128xf32, #tpu.memory_space<hbm>> -> memref<1x10000x128xf32, #tpu.memory_space<hbm>>
        %dma_wait3A_120 = tpu.memref_squeeze %dma_wait3A_119 : memref<1x10000x128xf32, #tpu.memory_space<hbm>> -> memref<10000x128xf32, #tpu.memory_space<hbm>>
        %dma_wait3A_121 = arith.constant 0 : i32
        %dma_wait3A_122 = tpu.memref_slice %dma_wait3A_120[%mul3A_99, %dma_wait3A_121] : memref<10000x128xf32, #tpu.memory_space<hbm>> -> memref<80x128xf32, #tpu.memory_space<hbm>>
        tpu.wait_dma2 semaphore(%run_scoped3A : memref<!tpu.dma_semaphore, #tpu.memory_space<semaphore_mem>>) src(%arg10 : memref<80x128xf32, #tpu.memory_space<vmem>>) dst(%dma_wait3A_122 : memref<80x128xf32, #tpu.memory_space<hbm>>)
        tpu.yield
      }) : () -> ()
      %while3A_100 = arith.constant 0 : i32
      scf.yield %while3A_100 : i32
    }
    return
  }
}

#map = affine_map<(d0, d1) -> (0, 0, 0)>
#map1 = affine_map<(d0, d1) -> (0, 0)>
module attributes {stable_mosaic.version = 14 : i64} {
  func.func @_edge_norm(%arg0: i32, %arg1: i32, %arg2: memref<32x125x80xi32, #tpu.memory_space<hbm>>, %arg3: memref<320000x16xf32, #tpu.memory_space<hbm>>, %arg4: memref<10000x16xf32, #tpu.memory_space<hbm>>, %arg5: memref<10000x16xf32, #tpu.memory_space<hbm>>, %arg6: memref<320000x16xf32, #tpu.memory_space<hbm>>, %arg7: memref<125x80xi32, #tpu.memory_space<vmem>>, %arg8: memref<80x16xf32, #tpu.memory_space<vmem>>, %arg9: memref<80x16xf32, #tpu.memory_space<vmem>>, %arg10: memref<80x16xf32, #tpu.memory_space<vmem>>) attributes {dimension_semantics = [#tpu.dimension_semantics<core_parallel>, #tpu.dimension_semantics<subcore_parallel>], iteration_bounds = array<i64: 2, 16>, scalar_prefetch = 0 : i64, scratch_operands = 4 : i64, tpu.core_type = #tpu.core_type<sc_vector_subcore>, window_params = [{transform_indices = #map}, {transform_indices = #map1}, {transform_indices = #map1}, {transform_indices = #map1}, {transform_indices = #map1}]} {
    %mul3A = arith.constant 16 : i32
    %mul3A_0 = arith.muli %arg0, %mul3A : i32
    %add3A = arith.addi %mul3A_0, %arg1 : i32
    "tpu.region"() ({
      %run_scoped3A = tpu.sem_alloc : memref<!tpu.dma_semaphore, #tpu.memory_space<semaphore_mem>>
      %dma_start3A = arith.constant 0 : i32
      %dma_start3A_9 = arith.constant 0 : i32
      %dma_start3A_10 = tpu.memref_slice %arg2[%add3A, %dma_start3A, %dma_start3A_9] : memref<32x125x80xi32, #tpu.memory_space<hbm>> -> memref<1x125x80xi32, #tpu.memory_space<hbm>>
      %dma_start3A_11 = tpu.memref_squeeze %dma_start3A_10 : memref<1x125x80xi32, #tpu.memory_space<hbm>> -> memref<125x80xi32, #tpu.memory_space<hbm>>
      %dma_start3A_12 = arith.constant 0 : i32
      %dma_start3A_13 = arith.constant 0 : i32
      %dma_start3A_14 = tpu.memref_slice %arg2[%add3A, %dma_start3A_12, %dma_start3A_13] : memref<32x125x80xi32, #tpu.memory_space<hbm>> -> memref<1x125x80xi32, #tpu.memory_space<hbm>>
      %dma_start3A_15 = tpu.memref_squeeze %dma_start3A_14 : memref<1x125x80xi32, #tpu.memory_space<hbm>> -> memref<125x80xi32, #tpu.memory_space<hbm>>
      tpu.enqueue_dma source(%dma_start3A_15 : memref<125x80xi32, #tpu.memory_space<hbm>>) target(%arg7 : memref<125x80xi32, #tpu.memory_space<vmem>>) target_semaphore(%run_scoped3A : memref<!tpu.dma_semaphore, #tpu.memory_space<semaphore_mem>>)
      %dma_wait3A = arith.constant 0 : i32
      %dma_wait3A_16 = arith.constant 0 : i32
      %dma_wait3A_17 = tpu.memref_slice %arg2[%add3A, %dma_wait3A, %dma_wait3A_16] : memref<32x125x80xi32, #tpu.memory_space<hbm>> -> memref<1x125x80xi32, #tpu.memory_space<hbm>>
      %dma_wait3A_18 = tpu.memref_squeeze %dma_wait3A_17 : memref<1x125x80xi32, #tpu.memory_space<hbm>> -> memref<125x80xi32, #tpu.memory_space<hbm>>
      %dma_wait3A_19 = arith.constant 0 : i32
      %dma_wait3A_20 = arith.constant 0 : i32
      %dma_wait3A_21 = tpu.memref_slice %arg2[%add3A, %dma_wait3A_19, %dma_wait3A_20] : memref<32x125x80xi32, #tpu.memory_space<hbm>> -> memref<1x125x80xi32, #tpu.memory_space<hbm>>
      %dma_wait3A_22 = tpu.memref_squeeze %dma_wait3A_21 : memref<1x125x80xi32, #tpu.memory_space<hbm>> -> memref<125x80xi32, #tpu.memory_space<hbm>>
      tpu.wait_dma2 semaphore(%run_scoped3A : memref<!tpu.dma_semaphore, #tpu.memory_space<semaphore_mem>>) src(%dma_wait3A_22 : memref<125x80xi32, #tpu.memory_space<hbm>>) dst(%arg7 : memref<125x80xi32, #tpu.memory_space<vmem>>)
      tpu.yield
    }) : () -> ()
    %mul3A_1 = arith.constant 10000 : i32
    %mul3A_2 = arith.muli %add3A, %mul3A_1 : i32
    %scan3A = arith.constant 0 : i32
    %scan3A_3 = arith.constant 0 : i32
    %scan3A_4 = arith.constant 125 : i32
    %scan3A_5 = arith.addi %scan3A_3, %scan3A_4 : i32
    %scan3A_6 = arith.constant 1 : i32
    %scan3A_7 = scf.for %scan3A_9 = %scan3A_3 to %scan3A_5 step %scan3A_6 iter_args(%scan3A_10 = %scan3A) -> (i32)  : i32 {
      %mul3A_11 = arith.constant 80 : i32
      %mul3A_12 = arith.muli %scan3A_9, %mul3A_11 : i32
      %add3A_13 = arith.addi %mul3A_2, %mul3A_12 : i32
      "tpu.region"() ({
        %run_scoped3A = tpu.sem_alloc : memref<!tpu.dma_semaphore, #tpu.memory_space<semaphore_mem>>
        %dma_start3A = arith.constant 0 : i32
        %dma_start3A_25 = tpu.memref_slice %arg3[%add3A_13, %dma_start3A] : memref<320000x16xf32, #tpu.memory_space<hbm>> -> memref<80x16xf32, #tpu.memory_space<hbm>>
        %dma_start3A_26 = arith.constant 0 : i32
        %dma_start3A_27 = tpu.memref_slice %arg3[%add3A_13, %dma_start3A_26] : memref<320000x16xf32, #tpu.memory_space<hbm>> -> memref<80x16xf32, #tpu.memory_space<hbm>>
        tpu.enqueue_dma source(%dma_start3A_27 : memref<80x16xf32, #tpu.memory_space<hbm>>) target(%arg10 : memref<80x16xf32, #tpu.memory_space<vmem>>) target_semaphore(%run_scoped3A : memref<!tpu.dma_semaphore, #tpu.memory_space<semaphore_mem>>)
        %dma_wait3A = arith.constant 0 : i32
        %dma_wait3A_28 = tpu.memref_slice %arg3[%add3A_13, %dma_wait3A] : memref<320000x16xf32, #tpu.memory_space<hbm>> -> memref<80x16xf32, #tpu.memory_space<hbm>>
        %dma_wait3A_29 = arith.constant 0 : i32
        %dma_wait3A_30 = tpu.memref_slice %arg3[%add3A_13, %dma_wait3A_29] : memref<320000x16xf32, #tpu.memory_space<hbm>> -> memref<80x16xf32, #tpu.memory_space<hbm>>
        tpu.wait_dma2 semaphore(%run_scoped3A : memref<!tpu.dma_semaphore, #tpu.memory_space<semaphore_mem>>) src(%dma_wait3A_30 : memref<80x16xf32, #tpu.memory_space<hbm>>) dst(%arg10 : memref<80x16xf32, #tpu.memory_space<vmem>>)
        tpu.yield
      }) : () -> ()
      "tpu.region"() ({
        %run_scoped3A = tpu.sem_alloc : memref<!tpu.dma_semaphore, #tpu.memory_space<semaphore_mem>>
        %dma_start3A = arith.constant 0 : i32
        %dma_start3A_25 = tpu.memref_slice %arg7[%scan3A_9, %dma_start3A] : memref<125x80xi32, #tpu.memory_space<vmem>> -> memref<1x80xi32, #tpu.memory_space<vmem>>
        %dma_start3A_26 = tpu.memref_squeeze %dma_start3A_25 : memref<1x80xi32, #tpu.memory_space<vmem>> -> memref<80xi32, #tpu.memory_space<vmem>>
        %dma_start3A_27 = arith.constant 0 : i32
        %dma_start3A_28 = arith.constant 0 : i32
        %dma_start3A_29 = tpu.memref_slice %arg4[%dma_start3A_27, %dma_start3A_28] : memref<10000x16xf32, #tpu.memory_space<hbm>> -> memref<10000x16xf32, #tpu.memory_space<hbm>>
        tpu.enqueue_indirect_dma source(%dma_start3A_29 : memref<10000x16xf32, #tpu.memory_space<hbm>>) target(%arg8 : memref<80x16xf32, #tpu.memory_space<vmem>>) offsets(%dma_start3A_26 : memref<80xi32, #tpu.memory_space<vmem>>) semaphore(%run_scoped3A : memref<!tpu.dma_semaphore, #tpu.memory_space<semaphore_mem>>)
        %dma_wait3A = arith.constant 0 : i32
        %dma_wait3A_30 = tpu.memref_slice %arg7[%scan3A_9, %dma_wait3A] : memref<125x80xi32, #tpu.memory_space<vmem>> -> memref<1x80xi32, #tpu.memory_space<vmem>>
        %dma_wait3A_31 = tpu.memref_squeeze %dma_wait3A_30 : memref<1x80xi32, #tpu.memory_space<vmem>> -> memref<80xi32, #tpu.memory_space<vmem>>
        %dma_wait3A_32 = arith.constant 0 : i32
        %dma_wait3A_33 = arith.constant 0 : i32
        %dma_wait3A_34 = tpu.memref_slice %arg4[%dma_wait3A_32, %dma_wait3A_33] : memref<10000x16xf32, #tpu.memory_space<hbm>> -> memref<10000x16xf32, #tpu.memory_space<hbm>>
        tpu.wait_indirect_dma semaphore(%run_scoped3A : memref<!tpu.dma_semaphore, #tpu.memory_space<semaphore_mem>>) src(%dma_wait3A_34 : memref<10000x16xf32, #tpu.memory_space<hbm>>) dst(%arg8 : memref<80x16xf32, #tpu.memory_space<vmem>>)
        tpu.yield
      }) : () -> ()
      "tpu.region"() ({
        %run_scoped3A = tpu.sem_alloc : memref<!tpu.dma_semaphore, #tpu.memory_space<semaphore_mem>>
        %dma_start3A = arith.constant 0 : i32
        %dma_start3A_25 = tpu.memref_slice %arg7[%scan3A_9, %dma_start3A] : memref<125x80xi32, #tpu.memory_space<vmem>> -> memref<1x80xi32, #tpu.memory_space<vmem>>
        %dma_start3A_26 = tpu.memref_squeeze %dma_start3A_25 : memref<1x80xi32, #tpu.memory_space<vmem>> -> memref<80xi32, #tpu.memory_space<vmem>>
        %dma_start3A_27 = arith.constant 0 : i32
        %dma_start3A_28 = arith.constant 0 : i32
        %dma_start3A_29 = tpu.memref_slice %arg5[%dma_start3A_27, %dma_start3A_28] : memref<10000x16xf32, #tpu.memory_space<hbm>> -> memref<10000x16xf32, #tpu.memory_space<hbm>>
        tpu.enqueue_indirect_dma source(%dma_start3A_29 : memref<10000x16xf32, #tpu.memory_space<hbm>>) target(%arg9 : memref<80x16xf32, #tpu.memory_space<vmem>>) offsets(%dma_start3A_26 : memref<80xi32, #tpu.memory_space<vmem>>) semaphore(%run_scoped3A : memref<!tpu.dma_semaphore, #tpu.memory_space<semaphore_mem>>)
        %dma_wait3A = arith.constant 0 : i32
        %dma_wait3A_30 = tpu.memref_slice %arg7[%scan3A_9, %dma_wait3A] : memref<125x80xi32, #tpu.memory_space<vmem>> -> memref<1x80xi32, #tpu.memory_space<vmem>>
        %dma_wait3A_31 = tpu.memref_squeeze %dma_wait3A_30 : memref<1x80xi32, #tpu.memory_space<vmem>> -> memref<80xi32, #tpu.memory_space<vmem>>
        %dma_wait3A_32 = arith.constant 0 : i32
        %dma_wait3A_33 = arith.constant 0 : i32
        %dma_wait3A_34 = tpu.memref_slice %arg5[%dma_wait3A_32, %dma_wait3A_33] : memref<10000x16xf32, #tpu.memory_space<hbm>> -> memref<10000x16xf32, #tpu.memory_space<hbm>>
        tpu.wait_indirect_dma semaphore(%run_scoped3A : memref<!tpu.dma_semaphore, #tpu.memory_space<semaphore_mem>>) src(%dma_wait3A_34 : memref<10000x16xf32, #tpu.memory_space<hbm>>) dst(%arg9 : memref<80x16xf32, #tpu.memory_space<vmem>>)
        tpu.yield
      }) : () -> ()
      %scan3A_14 = arith.constant 0 : i32
      %scan3A_15 = arith.constant 0 : i32
      %scan3A_16 = arith.constant 80 : i32
      %scan3A_17 = arith.addi %scan3A_15, %scan3A_16 : i32
      %scan3A_18 = arith.constant 1 : i32
      %scan3A_19 = scf.for %scan3A_25 = %scan3A_15 to %scan3A_17 step %scan3A_18 iter_args(%scan3A_26 = %scan3A_14) -> (i32)  : i32 {
        %get3A = arith.index_cast %scan3A_25 : i32 to index
        %get3A_27 = arith.constant 0 : index
        %get3A_28 = tpu.vector_load %arg10[%get3A, %get3A_27] {strides = array<i32>} : memref<80x16xf32, #tpu.memory_space<vmem>>, vector<1x16xf32>,
        %get3A_29 = vector.shape_cast %get3A_28 : vector<1x16xf32> to vector<16xf32>
        %get3A_30 = arith.index_cast %scan3A_25 : i32 to index
        %get3A_31 = arith.constant 0 : index
        %get3A_32 = tpu.vector_load %arg8[%get3A_30, %get3A_31] {strides = array<i32>} : memref<80x16xf32, #tpu.memory_space<vmem>>, vector<1x16xf32>,
        %get3A_33 = vector.shape_cast %get3A_32 : vector<1x16xf32> to vector<16xf32>
        %get3A_34 = arith.index_cast %scan3A_25 : i32 to index
        %get3A_35 = arith.constant 0 : index
        %get3A_36 = tpu.vector_load %arg9[%get3A_34, %get3A_35] {strides = array<i32>} : memref<80x16xf32, #tpu.memory_space<vmem>>, vector<1x16xf32>,
        %get3A_37 = vector.shape_cast %get3A_36 : vector<1x16xf32> to vector<16xf32>
        %add3A_38 = arith.addf %get3A_33, %get3A_37 : vector<16xf32>
        %div3A = arith.divf %get3A_29, %add3A_38 : vector<16xf32>
        %swap3A = arith.index_cast %scan3A_25 : i32 to index
        %swap3A_39 = arith.constant 0 : index
        %swap3A_40 = tpu.vector_load %arg10[%swap3A, %swap3A_39] {strides = array<i32>} : memref<80x16xf32, #tpu.memory_space<vmem>>, vector<1x16xf32>,
        %swap3A_41 = vector.shape_cast %swap3A_40 : vector<1x16xf32> to vector<16xf32>
        %swap3A_42 = vector.shape_cast %div3A : vector<16xf32> to vector<1x16xf32>
        tpu.vector_store %arg10[%swap3A, %swap3A_39], %swap3A_42 {strides = array<i32>} : memref<80x16xf32, #tpu.memory_space<vmem>>, vector<1x16xf32>,
        %scan3A_43 = arith.constant 0 : i32
        scf.yield %scan3A_43 : i32
      }
      %scan3A_20 = arith.constant 80 : i32
      %mul3A_21 = arith.constant 80 : i32
      %mul3A_22 = arith.muli %scan3A_9, %mul3A_21 : i32
      %add3A_23 = arith.addi %mul3A_2, %mul3A_22 : i32
      "tpu.region"() ({
        %run_scoped3A = tpu.sem_alloc : memref<!tpu.dma_semaphore, #tpu.memory_space<semaphore_mem>>
        %dma_start3A = arith.constant 0 : i32
        %dma_start3A_25 = tpu.memref_slice %arg6[%add3A_23, %dma_start3A] : memref<320000x16xf32, #tpu.memory_space<hbm>> -> memref<80x16xf32, #tpu.memory_space<hbm>>
        %dma_start3A_26 = arith.constant 0 : i32
        %dma_start3A_27 = tpu.memref_slice %arg6[%add3A_23, %dma_start3A_26] : memref<320000x16xf32, #tpu.memory_space<hbm>> -> memref<80x16xf32, #tpu.memory_space<hbm>>
        tpu.enqueue_dma source(%arg10 : memref<80x16xf32, #tpu.memory_space<vmem>>) target(%dma_start3A_27 : memref<80x16xf32, #tpu.memory_space<hbm>>) target_semaphore(%run_scoped3A : memref<!tpu.dma_semaphore, #tpu.memory_space<semaphore_mem>>)
        %dma_wait3A = arith.constant 0 : i32
        %dma_wait3A_28 = tpu.memref_slice %arg6[%add3A_23, %dma_wait3A] : memref<320000x16xf32, #tpu.memory_space<hbm>> -> memref<80x16xf32, #tpu.memory_space<hbm>>
        %dma_wait3A_29 = arith.constant 0 : i32
        %dma_wait3A_30 = tpu.memref_slice %arg6[%add3A_23, %dma_wait3A_29] : memref<320000x16xf32, #tpu.memory_space<hbm>> -> memref<80x16xf32, #tpu.memory_space<hbm>>
        tpu.wait_dma2 semaphore(%run_scoped3A : memref<!tpu.dma_semaphore, #tpu.memory_space<semaphore_mem>>) src(%arg10 : memref<80x16xf32, #tpu.memory_space<vmem>>) dst(%dma_wait3A_30 : memref<80x16xf32, #tpu.memory_space<hbm>>)
        tpu.yield
      }) : () -> ()
      %scan3A_24 = arith.constant 0 : i32
      scf.yield %scan3A_24 : i32
    }
    %scan3A_8 = arith.constant 125 : i32
    return
  }
}

#map = affine_map<(d0, d1) -> (0, 0, 0)>
#map1 = affine_map<(d0, d1) -> (0, 0)>
module attributes {stable_mosaic.version = 14 : i64} {
  func.func @_hop(%arg0: i32, %arg1: i32, %arg2: memref<32x125x80xi32, #tpu.memory_space<hbm>>, %arg3: memref<32x125x80xi32, #tpu.memory_space<hbm>>, %arg4: memref<320000x16xf32, #tpu.memory_space<hbm>>, %arg5: memref<10000x128xf32, #tpu.memory_space<hbm>>, %arg6: memref<2x10000x128xf32, #tpu.memory_space<hbm>>, %arg7: memref<125x80xi32, #tpu.memory_space<vmem>>, %arg8: memref<125x80xi32, #tpu.memory_space<vmem>>, %arg9: memref<80x16xf32, #tpu.memory_space<vmem>>, %arg10: memref<80x128xf32, #tpu.memory_space<vmem>>, %arg11: memref<10000x128xf32, #tpu.memory_space<vmem_shared>>) attributes {dimension_semantics = [#tpu.dimension_semantics<core_parallel>, #tpu.dimension_semantics<subcore_parallel>], iteration_bounds = array<i64: 2, 16>, scalar_prefetch = 0 : i64, scratch_operands = 5 : i64, tpu.core_type = #tpu.core_type<sc_vector_subcore>, window_params = [{transform_indices = #map}, {transform_indices = #map}, {transform_indices = #map1}, {transform_indices = #map1}, {transform_indices = #map}]} {
    %mul3A = arith.constant 16 : i32
    %mul3A_0 = arith.muli %arg0, %mul3A : i32
    %add3A = arith.addi %mul3A_0, %arg1 : i32
    %broadcast_in_dim3A = arith.constant 0.000000e+00 : f32
    %broadcast_in_dim3A_1 = vector.broadcast %broadcast_in_dim3A : f32 to vector<16xf32>
    %scan3A = arith.constant 0 : i32
    %scan3A_2 = arith.constant 0 : i32
    %scan3A_3 = arith.constant 80 : i32
    %scan3A_4 = arith.addi %scan3A_2, %scan3A_3 : i32
    %scan3A_5 = arith.constant 1 : i32
    %scan3A_6 = scf.for %scan3A_93 = %scan3A_2 to %scan3A_4 step %scan3A_5 iter_args(%scan3A_94 = %scan3A) -> (i32)  : i32 {
      %swap3A = arith.index_cast %scan3A_93 : i32 to index
      %swap3A_95 = arith.constant 0 : index
      %swap3A_96 = tpu.vector_load %arg10[%swap3A, %swap3A_95] {strides = array<i32>} : memref<80x128xf32, #tpu.memory_space<vmem>>, vector<1x16xf32>,
      %swap3A_97 = vector.shape_cast %swap3A_96 : vector<1x16xf32> to vector<16xf32>
      %swap3A_98 = vector.shape_cast %broadcast_in_dim3A_1 : vector<16xf32> to vector<1x16xf32>
      tpu.vector_store %arg10[%swap3A, %swap3A_95], %swap3A_98 {strides = array<i32>} : memref<80x128xf32, #tpu.memory_space<vmem>>, vector<1x16xf32>,
      %swap3A_99 = arith.index_cast %scan3A_93 : i32 to index
      %swap3A_100 = arith.constant 16 : index
      %swap3A_101 = tpu.vector_load %arg10[%swap3A_99, %swap3A_100] {strides = array<i32>} : memref<80x128xf32, #tpu.memory_space<vmem>>, vector<1x16xf32>,
      %swap3A_102 = vector.shape_cast %swap3A_101 : vector<1x16xf32> to vector<16xf32>
      %swap3A_103 = vector.shape_cast %broadcast_in_dim3A_1 : vector<16xf32> to vector<1x16xf32>
      tpu.vector_store %arg10[%swap3A_99, %swap3A_100], %swap3A_103 {strides = array<i32>} : memref<80x128xf32, #tpu.memory_space<vmem>>, vector<1x16xf32>,
      %swap3A_104 = arith.index_cast %scan3A_93 : i32 to index
      %swap3A_105 = arith.constant 32 : index
      %swap3A_106 = tpu.vector_load %arg10[%swap3A_104, %swap3A_105] {strides = array<i32>} : memref<80x128xf32, #tpu.memory_space<vmem>>, vector<1x16xf32>,
      %swap3A_107 = vector.shape_cast %swap3A_106 : vector<1x16xf32> to vector<16xf32>
      %swap3A_108 = vector.shape_cast %broadcast_in_dim3A_1 : vector<16xf32> to vector<1x16xf32>
      tpu.vector_store %arg10[%swap3A_104, %swap3A_105], %swap3A_108 {strides = array<i32>} : memref<80x128xf32, #tpu.memory_space<vmem>>, vector<1x16xf32>,
      %swap3A_109 = arith.index_cast %scan3A_93 : i32 to index
      %swap3A_110 = arith.constant 48 : index
      %swap3A_111 = tpu.vector_load %arg10[%swap3A_109, %swap3A_110] {strides = array<i32>} : memref<80x128xf32, #tpu.memory_space<vmem>>, vector<1x16xf32>,
      %swap3A_112 = vector.shape_cast %swap3A_111 : vector<1x16xf32> to vector<16xf32>
      %swap3A_113 = vector.shape_cast %broadcast_in_dim3A_1 : vector<16xf32> to vector<1x16xf32>
      tpu.vector_store %arg10[%swap3A_109, %swap3A_110], %swap3A_113 {strides = array<i32>} : memref<80x128xf32, #tpu.memory_space<vmem>>, vector<1x16xf32>,
      %swap3A_114 = arith.index_cast %scan3A_93 : i32 to index
      %swap3A_115 = arith.constant 64 : index
      %swap3A_116 = tpu.vector_load %arg10[%swap3A_114, %swap3A_115] {strides = array<i32>} : memref<80x128xf32, #tpu.memory_space<vmem>>, vector<1x16xf32>,
      %swap3A_117 = vector.shape_cast %swap3A_116 : vector<1x16xf32> to vector<16xf32>
      %swap3A_118 = vector.shape_cast %broadcast_in_dim3A_1 : vector<16xf32> to vector<1x16xf32>
      tpu.vector_store %arg10[%swap3A_114, %swap3A_115], %swap3A_118 {strides = array<i32>} : memref<80x128xf32, #tpu.memory_space<vmem>>, vector<1x16xf32>,
      %swap3A_119 = arith.index_cast %scan3A_93 : i32 to index
      %swap3A_120 = arith.constant 80 : index
      %swap3A_121 = tpu.vector_load %arg10[%swap3A_119, %swap3A_120] {strides = array<i32>} : memref<80x128xf32, #tpu.memory_space<vmem>>, vector<1x16xf32>,
      %swap3A_122 = vector.shape_cast %swap3A_121 : vector<1x16xf32> to vector<16xf32>
      %swap3A_123 = vector.shape_cast %broadcast_in_dim3A_1 : vector<16xf32> to vector<1x16xf32>
      tpu.vector_store %arg10[%swap3A_119, %swap3A_120], %swap3A_123 {strides = array<i32>} : memref<80x128xf32, #tpu.memory_space<vmem>>, vector<1x16xf32>,
      %swap3A_124 = arith.index_cast %scan3A_93 : i32 to index
      %swap3A_125 = arith.constant 96 : index
      %swap3A_126 = tpu.vector_load %arg10[%swap3A_124, %swap3A_125] {strides = array<i32>} : memref<80x128xf32, #tpu.memory_space<vmem>>, vector<1x16xf32>,
      %swap3A_127 = vector.shape_cast %swap3A_126 : vector<1x16xf32> to vector<16xf32>
      %swap3A_128 = vector.shape_cast %broadcast_in_dim3A_1 : vector<16xf32> to vector<1x16xf32>
      tpu.vector_store %arg10[%swap3A_124, %swap3A_125], %swap3A_128 {strides = array<i32>} : memref<80x128xf32, #tpu.memory_space<vmem>>, vector<1x16xf32>,
      %swap3A_129 = arith.index_cast %scan3A_93 : i32 to index
      %swap3A_130 = arith.constant 112 : index
      %swap3A_131 = tpu.vector_load %arg10[%swap3A_129, %swap3A_130] {strides = array<i32>} : memref<80x128xf32, #tpu.memory_space<vmem>>, vector<1x16xf32>,
      %swap3A_132 = vector.shape_cast %swap3A_131 : vector<1x16xf32> to vector<16xf32>
      %swap3A_133 = vector.shape_cast %broadcast_in_dim3A_1 : vector<16xf32> to vector<1x16xf32>
      tpu.vector_store %arg10[%swap3A_129, %swap3A_130], %swap3A_133 {strides = array<i32>} : memref<80x128xf32, #tpu.memory_space<vmem>>, vector<1x16xf32>,
      %scan3A_134 = arith.constant 0 : i32
      scf.yield %scan3A_134 : i32
    }
    %scan3A_7 = arith.constant 80 : i32
    %sub3A = arith.constant 125 : i32
    %sub3A_8 = arith.subi %sub3A, %arg1 : i32
    %add3A_9 = arith.constant 16 : i32
    %add3A_10 = arith.addi %sub3A_8, %add3A_9 : i32
    %sub3A_11 = arith.constant 1 : i32
    %sub3A_12 = arith.subi %add3A_10, %sub3A_11 : i32
    %jit3A = arith.constant 16 : i32
    %div3A = arith.divsi %sub3A_12, %jit3A : i32
    %sign3A = arith.constant 0 : i32
    %sign3A_13 = arith.cmpi sgt, %sub3A_12, %sign3A : i32
    %sign3A_14 = arith.extui %sign3A_13 : i1 to i32
    %sign3A_15 = arith.constant 0 : i32
    %sign3A_16 = arith.cmpi slt, %sub3A_12, %sign3A_15 : i32
    %sign3A_17 = arith.extui %sign3A_16 : i1 to i32
    %sign3A_18 = arith.subi %sign3A_14, %sign3A_17 : i32
    %sign3A_19 = arith.constant 0 : i32
    %sign3A_20 = arith.cmpi sgt, %jit3A, %sign3A_19 : i32
    %sign3A_21 = arith.extui %sign3A_20 : i1 to i32
    %sign3A_22 = arith.constant 0 : i32
    %sign3A_23 = arith.cmpi slt, %jit3A, %sign3A_22 : i32
    %sign3A_24 = arith.extui %sign3A_23 : i1 to i32
    %sign3A_25 = arith.subi %sign3A_21, %sign3A_24 : i32
    %ne3A = arith.cmpi ne, %sign3A_18, %sign3A_25 : i32
    %rem3A = arith.remsi %sub3A_12, %jit3A : i32
    %ne3A_26 = arith.constant 0 : i32
    %ne3A_27 = arith.cmpi ne, %rem3A, %ne3A_26 : i32
    %and3A = arith.andi %ne3A, %ne3A_27 : i1
    %sub3A_28 = arith.constant 1 : i32
    %sub3A_29 = arith.subi %div3A, %sub3A_28 : i32
    %select_n3A = arith.select %and3A, %sub3A_29, %div3A : i32
    %while3A = arith.constant 0 : i32
    %while3A_30 = arith.constant 0 : i32
    %while3A_31 = arith.subi %select_n3A, %while3A : i32
    %while3A_32 = arith.addi %while3A, %while3A_31 : i32
    %while3A_33 = arith.constant 1 : i32
    %while3A_34 = arith.divsi %while3A_31, %while3A_33 : i32
    %while3A_35 = arith.muli %while3A_34, %while3A_33 : i32
    %while3A_36 = arith.addi %while3A, %while3A_35 : i32
    %while3A_37 = arith.constant 1 : i32
    %while3A_38 = scf.for %while3A_93 = %while3A to %while3A_36 step %while3A_37 iter_args(%while3A_94 = %while3A_30) -> (i32)  : i32 {
      %mul3A_95 = arith.constant 16 : i32
      %mul3A_96 = arith.muli %while3A_93, %mul3A_95 : i32
      %add3A_97 = arith.addi %arg1, %mul3A_96 : i32
      %mul3A_98 = arith.constant 80 : i32
      %mul3A_99 = arith.muli %add3A_97, %mul3A_98 : i32
      "tpu.region"() ({
        %run_scoped3A = tpu.sem_alloc : memref<!tpu.dma_semaphore, #tpu.memory_space<semaphore_mem>>
        %dma_start3A = arith.constant 0 : i32
        %dma_start3A_101 = tpu.memref_slice %arg11[%mul3A_99, %dma_start3A] : memref<10000x128xf32, #tpu.memory_space<vmem_shared>> -> memref<80x128xf32, #tpu.memory_space<vmem_shared>>
        %dma_start3A_102 = arith.constant 0 : i32
        %dma_start3A_103 = tpu.memref_slice %arg11[%mul3A_99, %dma_start3A_102] : memref<10000x128xf32, #tpu.memory_space<vmem_shared>> -> memref<80x128xf32, #tpu.memory_space<vmem_shared>>
        tpu.enqueue_dma source(%arg10 : memref<80x128xf32, #tpu.memory_space<vmem>>) target(%dma_start3A_103 : memref<80x128xf32, #tpu.memory_space<vmem_shared>>) target_semaphore(%run_scoped3A : memref<!tpu.dma_semaphore, #tpu.memory_space<semaphore_mem>>)
        %dma_wait3A = arith.constant 0 : i32
        %dma_wait3A_104 = tpu.memref_slice %arg11[%mul3A_99, %dma_wait3A] : memref<10000x128xf32, #tpu.memory_space<vmem_shared>> -> memref<80x128xf32, #tpu.memory_space<vmem_shared>>
        %dma_wait3A_105 = arith.constant 0 : i32
        %dma_wait3A_106 = tpu.memref_slice %arg11[%mul3A_99, %dma_wait3A_105] : memref<10000x128xf32, #tpu.memory_space<vmem_shared>> -> memref<80x128xf32, #tpu.memory_space<vmem_shared>>
        tpu.wait_dma2 semaphore(%run_scoped3A : memref<!tpu.dma_semaphore, #tpu.memory_space<semaphore_mem>>) src(%arg10 : memref<80x128xf32, #tpu.memory_space<vmem>>) dst(%dma_wait3A_106 : memref<80x128xf32, #tpu.memory_space<vmem_shared>>)
        tpu.yield
      }) : () -> ()
      %while3A_100 = arith.constant 0 : i32
      scf.yield %while3A_100 : i32
    }
    %while3A_39 = arith.constant 1 : i32
    %while3A_40 = scf.for %while3A_93 = %while3A_36 to %while3A_32 step %while3A_39 iter_args(%while3A_94 = %while3A_38) -> (i32)  : i32 {
      %mul3A_95 = arith.constant 16 : i32
      %mul3A_96 = arith.muli %while3A_93, %mul3A_95 : i32
      %add3A_97 = arith.addi %arg1, %mul3A_96 : i32
      %mul3A_98 = arith.constant 80 : i32
      %mul3A_99 = arith.muli %add3A_97, %mul3A_98 : i32
      "tpu.region"() ({
        %run_scoped3A = tpu.sem_alloc : memref<!tpu.dma_semaphore, #tpu.memory_space<semaphore_mem>>
        %dma_start3A = arith.constant 0 : i32
        %dma_start3A_101 = tpu.memref_slice %arg11[%mul3A_99, %dma_start3A] : memref<10000x128xf32, #tpu.memory_space<vmem_shared>> -> memref<80x128xf32, #tpu.memory_space<vmem_shared>>
        %dma_start3A_102 = arith.constant 0 : i32
        %dma_start3A_103 = tpu.memref_slice %arg11[%mul3A_99, %dma_start3A_102] : memref<10000x128xf32, #tpu.memory_space<vmem_shared>> -> memref<80x128xf32, #tpu.memory_space<vmem_shared>>
        tpu.enqueue_dma source(%arg10 : memref<80x128xf32, #tpu.memory_space<vmem>>) target(%dma_start3A_103 : memref<80x128xf32, #tpu.memory_space<vmem_shared>>) target_semaphore(%run_scoped3A : memref<!tpu.dma_semaphore, #tpu.memory_space<semaphore_mem>>)
        %dma_wait3A = arith.constant 0 : i32
        %dma_wait3A_104 = tpu.memref_slice %arg11[%mul3A_99, %dma_wait3A] : memref<10000x128xf32, #tpu.memory_space<vmem_shared>> -> memref<80x128xf32, #tpu.memory_space<vmem_shared>>
        %dma_wait3A_105 = arith.constant 0 : i32
        %dma_wait3A_106 = tpu.memref_slice %arg11[%mul3A_99, %dma_wait3A_105] : memref<10000x128xf32, #tpu.memory_space<vmem_shared>> -> memref<80x128xf32, #tpu.memory_space<vmem_shared>>
        tpu.wait_dma2 semaphore(%run_scoped3A : memref<!tpu.dma_semaphore, #tpu.memory_space<semaphore_mem>>) src(%arg10 : memref<80x128xf32, #tpu.memory_space<vmem>>) dst(%dma_wait3A_106 : memref<80x128xf32, #tpu.memory_space<vmem_shared>>)
        tpu.yield
      }) : () -> ()
      %while3A_100 = arith.constant 0 : i32
      scf.yield %while3A_100 : i32
    }
    "tpu.region"() ({
      %run_scoped3A = tpu.sem_alloc : memref<!tpu.dma_semaphore, #tpu.memory_space<semaphore_mem>>
      %dma_start3A = arith.constant 0 : i32
      %dma_start3A_93 = arith.constant 0 : i32
      %dma_start3A_94 = tpu.memref_slice %arg2[%add3A, %dma_start3A, %dma_start3A_93] : memref<32x125x80xi32, #tpu.memory_space<hbm>> -> memref<1x125x80xi32, #tpu.memory_space<hbm>>
      %dma_start3A_95 = tpu.memref_squeeze %dma_start3A_94 : memref<1x125x80xi32, #tpu.memory_space<hbm>> -> memref<125x80xi32, #tpu.memory_space<hbm>>
      %dma_start3A_96 = arith.constant 0 : i32
      %dma_start3A_97 = arith.constant 0 : i32
      %dma_start3A_98 = tpu.memref_slice %arg2[%add3A, %dma_start3A_96, %dma_start3A_97] : memref<32x125x80xi32, #tpu.memory_space<hbm>> -> memref<1x125x80xi32, #tpu.memory_space<hbm>>
      %dma_start3A_99 = tpu.memref_squeeze %dma_start3A_98 : memref<1x125x80xi32, #tpu.memory_space<hbm>> -> memref<125x80xi32, #tpu.memory_space<hbm>>
      tpu.enqueue_dma source(%dma_start3A_99 : memref<125x80xi32, #tpu.memory_space<hbm>>) target(%arg7 : memref<125x80xi32, #tpu.memory_space<vmem>>) target_semaphore(%run_scoped3A : memref<!tpu.dma_semaphore, #tpu.memory_space<semaphore_mem>>)
      %dma_wait3A = arith.constant 0 : i32
      %dma_wait3A_100 = arith.constant 0 : i32
      %dma_wait3A_101 = tpu.memref_slice %arg2[%add3A, %dma_wait3A, %dma_wait3A_100] : memref<32x125x80xi32, #tpu.memory_space<hbm>> -> memref<1x125x80xi32, #tpu.memory_space<hbm>>
      %dma_wait3A_102 = tpu.memref_squeeze %dma_wait3A_101 : memref<1x125x80xi32, #tpu.memory_space<hbm>> -> memref<125x80xi32, #tpu.memory_space<hbm>>
      %dma_wait3A_103 = arith.constant 0 : i32
      %dma_wait3A_104 = arith.constant 0 : i32
      %dma_wait3A_105 = tpu.memref_slice %arg2[%add3A, %dma_wait3A_103, %dma_wait3A_104] : memref<32x125x80xi32, #tpu.memory_space<hbm>> -> memref<1x125x80xi32, #tpu.memory_space<hbm>>
      %dma_wait3A_106 = tpu.memref_squeeze %dma_wait3A_105 : memref<1x125x80xi32, #tpu.memory_space<hbm>> -> memref<125x80xi32, #tpu.memory_space<hbm>>
      tpu.wait_dma2 semaphore(%run_scoped3A : memref<!tpu.dma_semaphore, #tpu.memory_space<semaphore_mem>>) src(%dma_wait3A_106 : memref<125x80xi32, #tpu.memory_space<hbm>>) dst(%arg7 : memref<125x80xi32, #tpu.memory_space<vmem>>)
      tpu.yield
    }) : () -> ()
    "tpu.region"() ({
      %run_scoped3A = tpu.sem_alloc : memref<!tpu.dma_semaphore, #tpu.memory_space<semaphore_mem>>
      %dma_start3A = arith.constant 0 : i32
      %dma_start3A_93 = arith.constant 0 : i32
      %dma_start3A_94 = tpu.memref_slice %arg3[%add3A, %dma_start3A, %dma_start3A_93] : memref<32x125x80xi32, #tpu.memory_space<hbm>> -> memref<1x125x80xi32, #tpu.memory_space<hbm>>
      %dma_start3A_95 = tpu.memref_squeeze %dma_start3A_94 : memref<1x125x80xi32, #tpu.memory_space<hbm>> -> memref<125x80xi32, #tpu.memory_space<hbm>>
      %dma_start3A_96 = arith.constant 0 : i32
      %dma_start3A_97 = arith.constant 0 : i32
      %dma_start3A_98 = tpu.memref_slice %arg3[%add3A, %dma_start3A_96, %dma_start3A_97] : memref<32x125x80xi32, #tpu.memory_space<hbm>> -> memref<1x125x80xi32, #tpu.memory_space<hbm>>
      %dma_start3A_99 = tpu.memref_squeeze %dma_start3A_98 : memref<1x125x80xi32, #tpu.memory_space<hbm>> -> memref<125x80xi32, #tpu.memory_space<hbm>>
      tpu.enqueue_dma source(%dma_start3A_99 : memref<125x80xi32, #tpu.memory_space<hbm>>) target(%arg8 : memref<125x80xi32, #tpu.memory_space<vmem>>) target_semaphore(%run_scoped3A : memref<!tpu.dma_semaphore, #tpu.memory_space<semaphore_mem>>)
      %dma_wait3A = arith.constant 0 : i32
      %dma_wait3A_100 = arith.constant 0 : i32
      %dma_wait3A_101 = tpu.memref_slice %arg3[%add3A, %dma_wait3A, %dma_wait3A_100] : memref<32x125x80xi32, #tpu.memory_space<hbm>> -> memref<1x125x80xi32, #tpu.memory_space<hbm>>
      %dma_wait3A_102 = tpu.memref_squeeze %dma_wait3A_101 : memref<1x125x80xi32, #tpu.memory_space<hbm>> -> memref<125x80xi32, #tpu.memory_space<hbm>>
      %dma_wait3A_103 = arith.constant 0 : i32
      %dma_wait3A_104 = arith.constant 0 : i32
      %dma_wait3A_105 = tpu.memref_slice %arg3[%add3A, %dma_wait3A_103, %dma_wait3A_104] : memref<32x125x80xi32, #tpu.memory_space<hbm>> -> memref<1x125x80xi32, #tpu.memory_space<hbm>>
      %dma_wait3A_106 = tpu.memref_squeeze %dma_wait3A_105 : memref<1x125x80xi32, #tpu.memory_space<hbm>> -> memref<125x80xi32, #tpu.memory_space<hbm>>
      tpu.wait_dma2 semaphore(%run_scoped3A : memref<!tpu.dma_semaphore, #tpu.memory_space<semaphore_mem>>) src(%dma_wait3A_106 : memref<125x80xi32, #tpu.memory_space<hbm>>) dst(%arg8 : memref<125x80xi32, #tpu.memory_space<vmem>>)
      tpu.yield
    }) : () -> ()
    %barrier3A = arith.constant 0 : index
    tpu.barrier barrier_id(%barrier3A)
    %mul3A_41 = arith.constant 10000 : i32
    %mul3A_42 = arith.muli %add3A, %mul3A_41 : i32
    %scan3A_43 = arith.constant 0 : i32
    %scan3A_44 = arith.constant 0 : i32
    %scan3A_45 = arith.constant 125 : i32
    %scan3A_46 = arith.addi %scan3A_44, %scan3A_45 : i32
    %scan3A_47 = arith.constant 1 : i32
    %scan3A_48 = scf.for %scan3A_93 = %scan3A_44 to %scan3A_46 step %scan3A_47 iter_args(%scan3A_94 = %scan3A_43) -> (i32)  : i32 {
      "tpu.region"() ({
        %run_scoped3A = tpu.sem_alloc : memref<!tpu.dma_semaphore, #tpu.memory_space<semaphore_mem>>
        %dma_start3A = arith.constant 0 : i32
        %dma_start3A_106 = tpu.memref_slice %arg7[%scan3A_93, %dma_start3A] : memref<125x80xi32, #tpu.memory_space<vmem>> -> memref<1x80xi32, #tpu.memory_space<vmem>>
        %dma_start3A_107 = tpu.memref_squeeze %dma_start3A_106 : memref<1x80xi32, #tpu.memory_space<vmem>> -> memref<80xi32, #tpu.memory_space<vmem>>
        %dma_start3A_108 = arith.constant 0 : i32
        %dma_start3A_109 = arith.constant 0 : i32
        %dma_start3A_110 = tpu.memref_slice %arg5[%dma_start3A_108, %dma_start3A_109] : memref<10000x128xf32, #tpu.memory_space<hbm>> -> memref<10000x128xf32, #tpu.memory_space<hbm>>
        tpu.enqueue_indirect_dma source(%dma_start3A_110 : memref<10000x128xf32, #tpu.memory_space<hbm>>) target(%arg10 : memref<80x128xf32, #tpu.memory_space<vmem>>) offsets(%dma_start3A_107 : memref<80xi32, #tpu.memory_space<vmem>>) semaphore(%run_scoped3A : memref<!tpu.dma_semaphore, #tpu.memory_space<semaphore_mem>>)
        %dma_wait3A = arith.constant 0 : i32
        %dma_wait3A_111 = tpu.memref_slice %arg7[%scan3A_93, %dma_wait3A] : memref<125x80xi32, #tpu.memory_space<vmem>> -> memref<1x80xi32, #tpu.memory_space<vmem>>
        %dma_wait3A_112 = tpu.memref_squeeze %dma_wait3A_111 : memref<1x80xi32, #tpu.memory_space<vmem>> -> memref<80xi32, #tpu.memory_space<vmem>>
        %dma_wait3A_113 = arith.constant 0 : i32
        %dma_wait3A_114 = arith.constant 0 : i32
        %dma_wait3A_115 = tpu.memref_slice %arg5[%dma_wait3A_113, %dma_wait3A_114] : memref<10000x128xf32, #tpu.memory_space<hbm>> -> memref<10000x128xf32, #tpu.memory_space<hbm>>
        tpu.wait_indirect_dma semaphore(%run_scoped3A : memref<!tpu.dma_semaphore, #tpu.memory_space<semaphore_mem>>) src(%dma_wait3A_115 : memref<10000x128xf32, #tpu.memory_space<hbm>>) dst(%arg10 : memref<80x128xf32, #tpu.memory_space<vmem>>)
        tpu.yield
      }) : () -> ()
      %mul3A_95 = arith.constant 80 : i32
      %mul3A_96 = arith.muli %scan3A_93, %mul3A_95 : i32
      %add3A_97 = arith.addi %mul3A_42, %mul3A_96 : i32
      "tpu.region"() ({
        %run_scoped3A = tpu.sem_alloc : memref<!tpu.dma_semaphore, #tpu.memory_space<semaphore_mem>>
        %dma_start3A = arith.constant 0 : i32
        %dma_start3A_106 = tpu.memref_slice %arg4[%add3A_97, %dma_start3A] : memref<320000x16xf32, #tpu.memory_space<hbm>> -> memref<80x16xf32, #tpu.memory_space<hbm>>
        %dma_start3A_107 = arith.constant 0 : i32
        %dma_start3A_108 = tpu.memref_slice %arg4[%add3A_97, %dma_start3A_107] : memref<320000x16xf32, #tpu.memory_space<hbm>> -> memref<80x16xf32, #tpu.memory_space<hbm>>
        tpu.enqueue_dma source(%dma_start3A_108 : memref<80x16xf32, #tpu.memory_space<hbm>>) target(%arg9 : memref<80x16xf32, #tpu.memory_space<vmem>>) target_semaphore(%run_scoped3A : memref<!tpu.dma_semaphore, #tpu.memory_space<semaphore_mem>>)
        %dma_wait3A = arith.constant 0 : i32
        %dma_wait3A_109 = tpu.memref_slice %arg4[%add3A_97, %dma_wait3A] : memref<320000x16xf32, #tpu.memory_space<hbm>> -> memref<80x16xf32, #tpu.memory_space<hbm>>
        %dma_wait3A_110 = arith.constant 0 : i32
        %dma_wait3A_111 = tpu.memref_slice %arg4[%add3A_97, %dma_wait3A_110] : memref<320000x16xf32, #tpu.memory_space<hbm>> -> memref<80x16xf32, #tpu.memory_space<hbm>>
        tpu.wait_dma2 semaphore(%run_scoped3A : memref<!tpu.dma_semaphore, #tpu.memory_space<semaphore_mem>>) src(%dma_wait3A_111 : memref<80x16xf32, #tpu.memory_space<hbm>>) dst(%arg9 : memref<80x16xf32, #tpu.memory_space<vmem>>)
        tpu.yield
      }) : () -> ()
      %scan3A_98 = arith.constant 0 : i32
      %scan3A_99 = arith.constant 0 : i32
      %scan3A_100 = arith.constant 80 : i32
      %scan3A_101 = arith.addi %scan3A_99, %scan3A_100 : i32
      %scan3A_102 = arith.constant 1 : i32
      %scan3A_103 = scf.for %scan3A_106 = %scan3A_99 to %scan3A_101 step %scan3A_102 iter_args(%scan3A_107 = %scan3A_98) -> (i32)  : i32 {
        %get3A = arith.index_cast %scan3A_106 : i32 to index
        %get3A_108 = arith.constant 0 : index
        %get3A_109 = tpu.vector_load %arg9[%get3A, %get3A_108] {strides = array<i32>} : memref<80x16xf32, #tpu.memory_space<vmem>>, vector<1x16xf32>,
        %get3A_110 = vector.shape_cast %get3A_109 : vector<1x16xf32> to vector<16xf32>
        %get3A_111 = arith.index_cast %scan3A_106 : i32 to index
        %get3A_112 = arith.constant 0 : index
        %get3A_113 = tpu.vector_load %arg10[%get3A_111, %get3A_112] {strides = array<i32>} : memref<80x128xf32, #tpu.memory_space<vmem>>, vector<1x16xf32>,
        %get3A_114 = vector.shape_cast %get3A_113 : vector<1x16xf32> to vector<16xf32>
        %slice3A = vector.extract_strided_slice %get3A_110 {offsets = [0], sizes = [1], strides = [1]} : vector<16xf32> to vector<1xf32>
        %squeeze3A = vector.extract %slice3A[0] : f32 from vector<1xf32>
        %mul3A_115 = vector.broadcast %squeeze3A : f32 to vector<16xf32>
        %mul3A_116 = arith.mulf %get3A_114, %mul3A_115 : vector<16xf32>
        %swap3A = arith.index_cast %scan3A_106 : i32 to index
        %swap3A_117 = arith.constant 0 : index
        %swap3A_118 = tpu.vector_load %arg10[%swap3A, %swap3A_117] {strides = array<i32>} : memref<80x128xf32, #tpu.memory_space<vmem>>, vector<1x16xf32>,
        %swap3A_119 = vector.shape_cast %swap3A_118 : vector<1x16xf32> to vector<16xf32>
        %swap3A_120 = vector.shape_cast %mul3A_116 : vector<16xf32> to vector<1x16xf32>
        tpu.vector_store %arg10[%swap3A, %swap3A_117], %swap3A_120 {strides = array<i32>} : memref<80x128xf32, #tpu.memory_space<vmem>>, vector<1x16xf32>,
        %get3A_121 = arith.index_cast %scan3A_106 : i32 to index
        %get3A_122 = arith.constant 16 : index
        %get3A_123 = tpu.vector_load %arg10[%get3A_121, %get3A_122] {strides = array<i32>} : memref<80x128xf32, #tpu.memory_space<vmem>>, vector<1x16xf32>,
        %get3A_124 = vector.shape_cast %get3A_123 : vector<1x16xf32> to vector<16xf32>
        %slice3A_125 = vector.extract_strided_slice %get3A_110 {offsets = [1], sizes = [1], strides = [1]} : vector<16xf32> to vector<1xf32>
        %squeeze3A_126 = vector.extract %slice3A_125[0] : f32 from vector<1xf32>
        %mul3A_127 = vector.broadcast %squeeze3A_126 : f32 to vector<16xf32>
        %mul3A_128 = arith.mulf %get3A_124, %mul3A_127 : vector<16xf32>
        %swap3A_129 = arith.index_cast %scan3A_106 : i32 to index
        %swap3A_130 = arith.constant 16 : index
        %swap3A_131 = tpu.vector_load %arg10[%swap3A_129, %swap3A_130] {strides = array<i32>} : memref<80x128xf32, #tpu.memory_space<vmem>>, vector<1x16xf32>,
        %swap3A_132 = vector.shape_cast %swap3A_131 : vector<1x16xf32> to vector<16xf32>
        %swap3A_133 = vector.shape_cast %mul3A_128 : vector<16xf32> to vector<1x16xf32>
        tpu.vector_store %arg10[%swap3A_129, %swap3A_130], %swap3A_133 {strides = array<i32>} : memref<80x128xf32, #tpu.memory_space<vmem>>, vector<1x16xf32>,
        %get3A_134 = arith.index_cast %scan3A_106 : i32 to index
        %get3A_135 = arith.constant 32 : index
        %get3A_136 = tpu.vector_load %arg10[%get3A_134, %get3A_135] {strides = array<i32>} : memref<80x128xf32, #tpu.memory_space<vmem>>, vector<1x16xf32>,
        %get3A_137 = vector.shape_cast %get3A_136 : vector<1x16xf32> to vector<16xf32>
        %slice3A_138 = vector.extract_strided_slice %get3A_110 {offsets = [2], sizes = [1], strides = [1]} : vector<16xf32> to vector<1xf32>
        %squeeze3A_139 = vector.extract %slice3A_138[0] : f32 from vector<1xf32>
        %mul3A_140 = vector.broadcast %squeeze3A_139 : f32 to vector<16xf32>
        %mul3A_141 = arith.mulf %get3A_137, %mul3A_140 : vector<16xf32>
        %swap3A_142 = arith.index_cast %scan3A_106 : i32 to index
        %swap3A_143 = arith.constant 32 : index
        %swap3A_144 = tpu.vector_load %arg10[%swap3A_142, %swap3A_143] {strides = array<i32>} : memref<80x128xf32, #tpu.memory_space<vmem>>, vector<1x16xf32>,
        %swap3A_145 = vector.shape_cast %swap3A_144 : vector<1x16xf32> to vector<16xf32>
        %swap3A_146 = vector.shape_cast %mul3A_141 : vector<16xf32> to vector<1x16xf32>
        tpu.vector_store %arg10[%swap3A_142, %swap3A_143], %swap3A_146 {strides = array<i32>} : memref<80x128xf32, #tpu.memory_space<vmem>>, vector<1x16xf32>,
        %get3A_147 = arith.index_cast %scan3A_106 : i32 to index
        %get3A_148 = arith.constant 48 : index
        %get3A_149 = tpu.vector_load %arg10[%get3A_147, %get3A_148] {strides = array<i32>} : memref<80x128xf32, #tpu.memory_space<vmem>>, vector<1x16xf32>,
        %get3A_150 = vector.shape_cast %get3A_149 : vector<1x16xf32> to vector<16xf32>
        %slice3A_151 = vector.extract_strided_slice %get3A_110 {offsets = [3], sizes = [1], strides = [1]} : vector<16xf32> to vector<1xf32>
        %squeeze3A_152 = vector.extract %slice3A_151[0] : f32 from vector<1xf32>
        %mul3A_153 = vector.broadcast %squeeze3A_152 : f32 to vector<16xf32>
        %mul3A_154 = arith.mulf %get3A_150, %mul3A_153 : vector<16xf32>
        %swap3A_155 = arith.index_cast %scan3A_106 : i32 to index
        %swap3A_156 = arith.constant 48 : index
        %swap3A_157 = tpu.vector_load %arg10[%swap3A_155, %swap3A_156] {strides = array<i32>} : memref<80x128xf32, #tpu.memory_space<vmem>>, vector<1x16xf32>,
        %swap3A_158 = vector.shape_cast %swap3A_157 : vector<1x16xf32> to vector<16xf32>
        %swap3A_159 = vector.shape_cast %mul3A_154 : vector<16xf32> to vector<1x16xf32>
        tpu.vector_store %arg10[%swap3A_155, %swap3A_156], %swap3A_159 {strides = array<i32>} : memref<80x128xf32, #tpu.memory_space<vmem>>, vector<1x16xf32>,
        %get3A_160 = arith.index_cast %scan3A_106 : i32 to index
        %get3A_161 = arith.constant 64 : index
        %get3A_162 = tpu.vector_load %arg10[%get3A_160, %get3A_161] {strides = array<i32>} : memref<80x128xf32, #tpu.memory_space<vmem>>, vector<1x16xf32>,
        %get3A_163 = vector.shape_cast %get3A_162 : vector<1x16xf32> to vector<16xf32>
        %slice3A_164 = vector.extract_strided_slice %get3A_110 {offsets = [4], sizes = [1], strides = [1]} : vector<16xf32> to vector<1xf32>
        %squeeze3A_165 = vector.extract %slice3A_164[0] : f32 from vector<1xf32>
        %mul3A_166 = vector.broadcast %squeeze3A_165 : f32 to vector<16xf32>
        %mul3A_167 = arith.mulf %get3A_163, %mul3A_166 : vector<16xf32>
        %swap3A_168 = arith.index_cast %scan3A_106 : i32 to index
        %swap3A_169 = arith.constant 64 : index
        %swap3A_170 = tpu.vector_load %arg10[%swap3A_168, %swap3A_169] {strides = array<i32>} : memref<80x128xf32, #tpu.memory_space<vmem>>, vector<1x16xf32>,
        %swap3A_171 = vector.shape_cast %swap3A_170 : vector<1x16xf32> to vector<16xf32>
        %swap3A_172 = vector.shape_cast %mul3A_167 : vector<16xf32> to vector<1x16xf32>
        tpu.vector_store %arg10[%swap3A_168, %swap3A_169], %swap3A_172 {strides = array<i32>} : memref<80x128xf32, #tpu.memory_space<vmem>>, vector<1x16xf32>,
        %get3A_173 = arith.index_cast %scan3A_106 : i32 to index
        %get3A_174 = arith.constant 80 : index
        %get3A_175 = tpu.vector_load %arg10[%get3A_173, %get3A_174] {strides = array<i32>} : memref<80x128xf32, #tpu.memory_space<vmem>>, vector<1x16xf32>,
        %get3A_176 = vector.shape_cast %get3A_175 : vector<1x16xf32> to vector<16xf32>
        %slice3A_177 = vector.extract_strided_slice %get3A_110 {offsets = [5], sizes = [1], strides = [1]} : vector<16xf32> to vector<1xf32>
        %squeeze3A_178 = vector.extract %slice3A_177[0] : f32 from vector<1xf32>
        %mul3A_179 = vector.broadcast %squeeze3A_178 : f32 to vector<16xf32>
        %mul3A_180 = arith.mulf %get3A_176, %mul3A_179 : vector<16xf32>
        %swap3A_181 = arith.index_cast %scan3A_106 : i32 to index
        %swap3A_182 = arith.constant 80 : index
        %swap3A_183 = tpu.vector_load %arg10[%swap3A_181, %swap3A_182] {strides = array<i32>} : memref<80x128xf32, #tpu.memory_space<vmem>>, vector<1x16xf32>,
        %swap3A_184 = vector.shape_cast %swap3A_183 : vector<1x16xf32> to vector<16xf32>
        %swap3A_185 = vector.shape_cast %mul3A_180 : vector<16xf32> to vector<1x16xf32>
        tpu.vector_store %arg10[%swap3A_181, %swap3A_182], %swap3A_185 {strides = array<i32>} : memref<80x128xf32, #tpu.memory_space<vmem>>, vector<1x16xf32>,
        %get3A_186 = arith.index_cast %scan3A_106 : i32 to index
        %get3A_187 = arith.constant 96 : index
        %get3A_188 = tpu.vector_load %arg10[%get3A_186, %get3A_187] {strides = array<i32>} : memref<80x128xf32, #tpu.memory_space<vmem>>, vector<1x16xf32>,
        %get3A_189 = vector.shape_cast %get3A_188 : vector<1x16xf32> to vector<16xf32>
        %slice3A_190 = vector.extract_strided_slice %get3A_110 {offsets = [6], sizes = [1], strides = [1]} : vector<16xf32> to vector<1xf32>
        %squeeze3A_191 = vector.extract %slice3A_190[0] : f32 from vector<1xf32>
        %mul3A_192 = vector.broadcast %squeeze3A_191 : f32 to vector<16xf32>
        %mul3A_193 = arith.mulf %get3A_189, %mul3A_192 : vector<16xf32>
        %swap3A_194 = arith.index_cast %scan3A_106 : i32 to index
        %swap3A_195 = arith.constant 96 : index
        %swap3A_196 = tpu.vector_load %arg10[%swap3A_194, %swap3A_195] {strides = array<i32>} : memref<80x128xf32, #tpu.memory_space<vmem>>, vector<1x16xf32>,
        %swap3A_197 = vector.shape_cast %swap3A_196 : vector<1x16xf32> to vector<16xf32>
        %swap3A_198 = vector.shape_cast %mul3A_193 : vector<16xf32> to vector<1x16xf32>
        tpu.vector_store %arg10[%swap3A_194, %swap3A_195], %swap3A_198 {strides = array<i32>} : memref<80x128xf32, #tpu.memory_space<vmem>>, vector<1x16xf32>,
        %get3A_199 = arith.index_cast %scan3A_106 : i32 to index
        %get3A_200 = arith.constant 112 : index
        %get3A_201 = tpu.vector_load %arg10[%get3A_199, %get3A_200] {strides = array<i32>} : memref<80x128xf32, #tpu.memory_space<vmem>>, vector<1x16xf32>,
        %get3A_202 = vector.shape_cast %get3A_201 : vector<1x16xf32> to vector<16xf32>
        %slice3A_203 = vector.extract_strided_slice %get3A_110 {offsets = [7], sizes = [1], strides = [1]} : vector<16xf32> to vector<1xf32>
        %squeeze3A_204 = vector.extract %slice3A_203[0] : f32 from vector<1xf32>
        %mul3A_205 = vector.broadcast %squeeze3A_204 : f32 to vector<16xf32>
        %mul3A_206 = arith.mulf %get3A_202, %mul3A_205 : vector<16xf32>
        %swap3A_207 = arith.index_cast %scan3A_106 : i32 to index
        %swap3A_208 = arith.constant 112 : index
        %swap3A_209 = tpu.vector_load %arg10[%swap3A_207, %swap3A_208] {strides = array<i32>} : memref<80x128xf32, #tpu.memory_space<vmem>>, vector<1x16xf32>,
        %swap3A_210 = vector.shape_cast %swap3A_209 : vector<1x16xf32> to vector<16xf32>
        %swap3A_211 = vector.shape_cast %mul3A_206 : vector<16xf32> to vector<1x16xf32>
        tpu.vector_store %arg10[%swap3A_207, %swap3A_208], %swap3A_211 {strides = array<i32>} : memref<80x128xf32, #tpu.memory_space<vmem>>, vector<1x16xf32>,
        %scan3A_212 = arith.constant 0 : i32
        scf.yield %scan3A_212 : i32
      }
      %scan3A_104 = arith.constant 80 : i32
      "tpu.region"() ({
        %run_scoped3A = tpu.sem_alloc : memref<!tpu.dma_semaphore, #tpu.memory_space<semaphore_mem>>
        %dma_start3A = arith.constant 0 : i32
        %dma_start3A_106 = tpu.memref_slice %arg8[%scan3A_93, %dma_start3A] : memref<125x80xi32, #tpu.memory_space<vmem>> -> memref<1x80xi32, #tpu.memory_space<vmem>>
        %dma_start3A_107 = tpu.memref_squeeze %dma_start3A_106 : memref<1x80xi32, #tpu.memory_space<vmem>> -> memref<80xi32, #tpu.memory_space<vmem>>
        %dma_start3A_108 = arith.constant 0 : i32
        %dma_start3A_109 = arith.constant 0 : i32
        %dma_start3A_110 = tpu.memref_slice %arg11[%dma_start3A_108, %dma_start3A_109] : memref<10000x128xf32, #tpu.memory_space<vmem_shared>> -> memref<10000x128xf32, #tpu.memory_space<vmem_shared>>
        tpu.enqueue_indirect_dma source(%arg10 : memref<80x128xf32, #tpu.memory_space<vmem>>) target(%dma_start3A_110 : memref<10000x128xf32, #tpu.memory_space<vmem_shared>>) offsets(%dma_start3A_107 : memref<80xi32, #tpu.memory_space<vmem>>) semaphore(%run_scoped3A : memref<!tpu.dma_semaphore, #tpu.memory_space<semaphore_mem>>) {add = true}
        %dma_wait3A = arith.constant 0 : i32
        %dma_wait3A_111 = tpu.memref_slice %arg8[%scan3A_93, %dma_wait3A] : memref<125x80xi32, #tpu.memory_space<vmem>> -> memref<1x80xi32, #tpu.memory_space<vmem>>
        %dma_wait3A_112 = tpu.memref_squeeze %dma_wait3A_111 : memref<1x80xi32, #tpu.memory_space<vmem>> -> memref<80xi32, #tpu.memory_space<vmem>>
        %dma_wait3A_113 = arith.constant 0 : i32
        %dma_wait3A_114 = arith.constant 0 : i32
        %dma_wait3A_115 = tpu.memref_slice %arg11[%dma_wait3A_113, %dma_wait3A_114] : memref<10000x128xf32, #tpu.memory_space<vmem_shared>> -> memref<10000x128xf32, #tpu.memory_space<vmem_shared>>
        tpu.wait_indirect_dma semaphore(%run_scoped3A : memref<!tpu.dma_semaphore, #tpu.memory_space<semaphore_mem>>) src(%arg10 : memref<80x128xf32, #tpu.memory_space<vmem>>) dst(%dma_wait3A_115 : memref<10000x128xf32, #tpu.memory_space<vmem_shared>>)
        tpu.yield
      }) : () -> ()
      %scan3A_105 = arith.constant 0 : i32
      scf.yield %scan3A_105 : i32
    }
    %scan3A_49 = arith.constant 125 : i32
    %barrier3A_50 = arith.constant 0 : index
    tpu.barrier barrier_id(%barrier3A_50)
    %sub3A_51 = arith.constant 125 : i32
    %sub3A_52 = arith.subi %sub3A_51, %arg1 : i32
    %add3A_53 = arith.constant 16 : i32
    %add3A_54 = arith.addi %sub3A_52, %add3A_53 : i32
    %sub3A_55 = arith.constant 1 : i32
    %sub3A_56 = arith.subi %add3A_54, %sub3A_55 : i32
    %jit3A_57 = arith.constant 16 : i32
    %div3A_58 = arith.divsi %sub3A_56, %jit3A_57 : i32
    %sign3A_59 = arith.constant 0 : i32
    %sign3A_60 = arith.cmpi sgt, %sub3A_56, %sign3A_59 : i32
    %sign3A_61 = arith.extui %sign3A_60 : i1 to i32
    %sign3A_62 = arith.constant 0 : i32
    %sign3A_63 = arith.cmpi slt, %sub3A_56, %sign3A_62 : i32
    %sign3A_64 = arith.extui %sign3A_63 : i1 to i32
    %sign3A_65 = arith.subi %sign3A_61, %sign3A_64 : i32
    %sign3A_66 = arith.constant 0 : i32
    %sign3A_67 = arith.cmpi sgt, %jit3A_57, %sign3A_66 : i32
    %sign3A_68 = arith.extui %sign3A_67 : i1 to i32
    %sign3A_69 = arith.constant 0 : i32
    %sign3A_70 = arith.cmpi slt, %jit3A_57, %sign3A_69 : i32
    %sign3A_71 = arith.extui %sign3A_70 : i1 to i32
    %sign3A_72 = arith.subi %sign3A_68, %sign3A_71 : i32
    %ne3A_73 = arith.cmpi ne, %sign3A_65, %sign3A_72 : i32
    %rem3A_74 = arith.remsi %sub3A_56, %jit3A_57 : i32
    %ne3A_75 = arith.constant 0 : i32
    %ne3A_76 = arith.cmpi ne, %rem3A_74, %ne3A_75 : i32
    %and3A_77 = arith.andi %ne3A_73, %ne3A_76 : i1
    %sub3A_78 = arith.constant 1 : i32
    %sub3A_79 = arith.subi %div3A_58, %sub3A_78 : i32
    %select_n3A_80 = arith.select %and3A_77, %sub3A_79, %div3A_58 : i32
    %while3A_81 = arith.constant 0 : i32
    %while3A_82 = arith.constant 0 : i32
    %while3A_83 = arith.subi %select_n3A_80, %while3A_81 : i32
    %while3A_84 = arith.addi %while3A_81, %while3A_83 : i32
    %while3A_85 = arith.constant 1 : i32
    %while3A_86 = arith.divsi %while3A_83, %while3A_85 : i32
    %while3A_87 = arith.muli %while3A_86, %while3A_85 : i32
    %while3A_88 = arith.addi %while3A_81, %while3A_87 : i32
    %while3A_89 = arith.constant 1 : i32
    %while3A_90 = scf.for %while3A_93 = %while3A_81 to %while3A_88 step %while3A_89 iter_args(%while3A_94 = %while3A_82) -> (i32)  : i32 {
      %mul3A_95 = arith.constant 16 : i32
      %mul3A_96 = arith.muli %while3A_93, %mul3A_95 : i32
      %add3A_97 = arith.addi %arg1, %mul3A_96 : i32
      %mul3A_98 = arith.constant 80 : i32
      %mul3A_99 = arith.muli %add3A_97, %mul3A_98 : i32
      "tpu.region"() ({
        %run_scoped3A = tpu.sem_alloc : memref<!tpu.dma_semaphore, #tpu.memory_space<semaphore_mem>>
        %dma_start3A = arith.constant 0 : i32
        %dma_start3A_101 = tpu.memref_slice %arg11[%mul3A_99, %dma_start3A] : memref<10000x128xf32, #tpu.memory_space<vmem_shared>> -> memref<80x128xf32, #tpu.memory_space<vmem_shared>>
        %dma_start3A_102 = arith.constant 0 : i32
        %dma_start3A_103 = tpu.memref_slice %arg11[%mul3A_99, %dma_start3A_102] : memref<10000x128xf32, #tpu.memory_space<vmem_shared>> -> memref<80x128xf32, #tpu.memory_space<vmem_shared>>
        tpu.enqueue_dma source(%dma_start3A_103 : memref<80x128xf32, #tpu.memory_space<vmem_shared>>) target(%arg10 : memref<80x128xf32, #tpu.memory_space<vmem>>) target_semaphore(%run_scoped3A : memref<!tpu.dma_semaphore, #tpu.memory_space<semaphore_mem>>)
        %dma_wait3A = arith.constant 0 : i32
        %dma_wait3A_104 = tpu.memref_slice %arg11[%mul3A_99, %dma_wait3A] : memref<10000x128xf32, #tpu.memory_space<vmem_shared>> -> memref<80x128xf32, #tpu.memory_space<vmem_shared>>
        %dma_wait3A_105 = arith.constant 0 : i32
        %dma_wait3A_106 = tpu.memref_slice %arg11[%mul3A_99, %dma_wait3A_105] : memref<10000x128xf32, #tpu.memory_space<vmem_shared>> -> memref<80x128xf32, #tpu.memory_space<vmem_shared>>
        tpu.wait_dma2 semaphore(%run_scoped3A : memref<!tpu.dma_semaphore, #tpu.memory_space<semaphore_mem>>) src(%dma_wait3A_106 : memref<80x128xf32, #tpu.memory_space<vmem_shared>>) dst(%arg10 : memref<80x128xf32, #tpu.memory_space<vmem>>)
        tpu.yield
      }) : () -> ()
      "tpu.region"() ({
        %run_scoped3A = tpu.sem_alloc : memref<!tpu.dma_semaphore, #tpu.memory_space<semaphore_mem>>
        %dma_start3A = arith.constant 0 : i32
        %dma_start3A_101 = arith.constant 0 : i32
        %dma_start3A_102 = tpu.memref_slice %arg6[%arg0, %dma_start3A, %dma_start3A_101] : memref<2x10000x128xf32, #tpu.memory_space<hbm>> -> memref<1x10000x128xf32, #tpu.memory_space<hbm>>
        %dma_start3A_103 = tpu.memref_squeeze %dma_start3A_102 : memref<1x10000x128xf32, #tpu.memory_space<hbm>> -> memref<10000x128xf32, #tpu.memory_space<hbm>>
        %dma_start3A_104 = arith.constant 0 : i32
        %dma_start3A_105 = tpu.memref_slice %dma_start3A_103[%mul3A_99, %dma_start3A_104] : memref<10000x128xf32, #tpu.memory_space<hbm>> -> memref<80x128xf32, #tpu.memory_space<hbm>>
        %dma_start3A_106 = arith.constant 0 : i32
        %dma_start3A_107 = arith.constant 0 : i32
        %dma_start3A_108 = tpu.memref_slice %arg6[%arg0, %dma_start3A_106, %dma_start3A_107] : memref<2x10000x128xf32, #tpu.memory_space<hbm>> -> memref<1x10000x128xf32, #tpu.memory_space<hbm>>
        %dma_start3A_109 = tpu.memref_squeeze %dma_start3A_108 : memref<1x10000x128xf32, #tpu.memory_space<hbm>> -> memref<10000x128xf32, #tpu.memory_space<hbm>>
        %dma_start3A_110 = arith.constant 0 : i32
        %dma_start3A_111 = tpu.memref_slice %dma_start3A_109[%mul3A_99, %dma_start3A_110] : memref<10000x128xf32, #tpu.memory_space<hbm>> -> memref<80x128xf32, #tpu.memory_space<hbm>>
        tpu.enqueue_dma source(%arg10 : memref<80x128xf32, #tpu.memory_space<vmem>>) target(%dma_start3A_111 : memref<80x128xf32, #tpu.memory_space<hbm>>) target_semaphore(%run_scoped3A : memref<!tpu.dma_semaphore, #tpu.memory_space<semaphore_mem>>)
        %dma_wait3A = arith.constant 0 : i32
        %dma_wait3A_112 = arith.constant 0 : i32
        %dma_wait3A_113 = tpu.memref_slice %arg6[%arg0, %dma_wait3A, %dma_wait3A_112] : memref<2x10000x128xf32, #tpu.memory_space<hbm>> -> memref<1x10000x128xf32, #tpu.memory_space<hbm>>
        %dma_wait3A_114 = tpu.memref_squeeze %dma_wait3A_113 : memref<1x10000x128xf32, #tpu.memory_space<hbm>> -> memref<10000x128xf32, #tpu.memory_space<hbm>>
        %dma_wait3A_115 = arith.constant 0 : i32
        %dma_wait3A_116 = tpu.memref_slice %dma_wait3A_114[%mul3A_99, %dma_wait3A_115] : memref<10000x128xf32, #tpu.memory_space<hbm>> -> memref<80x128xf32, #tpu.memory_space<hbm>>
        %dma_wait3A_117 = arith.constant 0 : i32
        %dma_wait3A_118 = arith.constant 0 : i32
        %dma_wait3A_119 = tpu.memref_slice %arg6[%arg0, %dma_wait3A_117, %dma_wait3A_118] : memref<2x10000x128xf32, #tpu.memory_space<hbm>> -> memref<1x10000x128xf32, #tpu.memory_space<hbm>>
        %dma_wait3A_120 = tpu.memref_squeeze %dma_wait3A_119 : memref<1x10000x128xf32, #tpu.memory_space<hbm>> -> memref<10000x128xf32, #tpu.memory_space<hbm>>
        %dma_wait3A_121 = arith.constant 0 : i32
        %dma_wait3A_122 = tpu.memref_slice %dma_wait3A_120[%mul3A_99, %dma_wait3A_121] : memref<10000x128xf32, #tpu.memory_space<hbm>> -> memref<80x128xf32, #tpu.memory_space<hbm>>
        tpu.wait_dma2 semaphore(%run_scoped3A : memref<!tpu.dma_semaphore, #tpu.memory_space<semaphore_mem>>) src(%arg10 : memref<80x128xf32, #tpu.memory_space<vmem>>) dst(%dma_wait3A_122 : memref<80x128xf32, #tpu.memory_space<hbm>>)
        tpu.yield
      }) : () -> ()
      %while3A_100 = arith.constant 0 : i32
      scf.yield %while3A_100 : i32
    }
    %while3A_91 = arith.constant 1 : i32
    %while3A_92 = scf.for %while3A_93 = %while3A_88 to %while3A_84 step %while3A_91 iter_args(%while3A_94 = %while3A_90) -> (i32)  : i32 {
      %mul3A_95 = arith.constant 16 : i32
      %mul3A_96 = arith.muli %while3A_93, %mul3A_95 : i32
      %add3A_97 = arith.addi %arg1, %mul3A_96 : i32
      %mul3A_98 = arith.constant 80 : i32
      %mul3A_99 = arith.muli %add3A_97, %mul3A_98 : i32
      "tpu.region"() ({
        %run_scoped3A = tpu.sem_alloc : memref<!tpu.dma_semaphore, #tpu.memory_space<semaphore_mem>>
        %dma_start3A = arith.constant 0 : i32
        %dma_start3A_101 = tpu.memref_slice %arg11[%mul3A_99, %dma_start3A] : memref<10000x128xf32, #tpu.memory_space<vmem_shared>> -> memref<80x128xf32, #tpu.memory_space<vmem_shared>>
        %dma_start3A_102 = arith.constant 0 : i32
        %dma_start3A_103 = tpu.memref_slice %arg11[%mul3A_99, %dma_start3A_102] : memref<10000x128xf32, #tpu.memory_space<vmem_shared>> -> memref<80x128xf32, #tpu.memory_space<vmem_shared>>
        tpu.enqueue_dma source(%dma_start3A_103 : memref<80x128xf32, #tpu.memory_space<vmem_shared>>) target(%arg10 : memref<80x128xf32, #tpu.memory_space<vmem>>) target_semaphore(%run_scoped3A : memref<!tpu.dma_semaphore, #tpu.memory_space<semaphore_mem>>)
        %dma_wait3A = arith.constant 0 : i32
        %dma_wait3A_104 = tpu.memref_slice %arg11[%mul3A_99, %dma_wait3A] : memref<10000x128xf32, #tpu.memory_space<vmem_shared>> -> memref<80x128xf32, #tpu.memory_space<vmem_shared>>
        %dma_wait3A_105 = arith.constant 0 : i32
        %dma_wait3A_106 = tpu.memref_slice %arg11[%mul3A_99, %dma_wait3A_105] : memref<10000x128xf32, #tpu.memory_space<vmem_shared>> -> memref<80x128xf32, #tpu.memory_space<vmem_shared>>
        tpu.wait_dma2 semaphore(%run_scoped3A : memref<!tpu.dma_semaphore, #tpu.memory_space<semaphore_mem>>) src(%dma_wait3A_106 : memref<80x128xf32, #tpu.memory_space<vmem_shared>>) dst(%arg10 : memref<80x128xf32, #tpu.memory_space<vmem>>)
        tpu.yield
      }) : () -> ()
      "tpu.region"() ({
        %run_scoped3A = tpu.sem_alloc : memref<!tpu.dma_semaphore, #tpu.memory_space<semaphore_mem>>
        %dma_start3A = arith.constant 0 : i32
        %dma_start3A_101 = arith.constant 0 : i32
        %dma_start3A_102 = tpu.memref_slice %arg6[%arg0, %dma_start3A, %dma_start3A_101] : memref<2x10000x128xf32, #tpu.memory_space<hbm>> -> memref<1x10000x128xf32, #tpu.memory_space<hbm>>
        %dma_start3A_103 = tpu.memref_squeeze %dma_start3A_102 : memref<1x10000x128xf32, #tpu.memory_space<hbm>> -> memref<10000x128xf32, #tpu.memory_space<hbm>>
        %dma_start3A_104 = arith.constant 0 : i32
        %dma_start3A_105 = tpu.memref_slice %dma_start3A_103[%mul3A_99, %dma_start3A_104] : memref<10000x128xf32, #tpu.memory_space<hbm>> -> memref<80x128xf32, #tpu.memory_space<hbm>>
        %dma_start3A_106 = arith.constant 0 : i32
        %dma_start3A_107 = arith.constant 0 : i32
        %dma_start3A_108 = tpu.memref_slice %arg6[%arg0, %dma_start3A_106, %dma_start3A_107] : memref<2x10000x128xf32, #tpu.memory_space<hbm>> -> memref<1x10000x128xf32, #tpu.memory_space<hbm>>
        %dma_start3A_109 = tpu.memref_squeeze %dma_start3A_108 : memref<1x10000x128xf32, #tpu.memory_space<hbm>> -> memref<10000x128xf32, #tpu.memory_space<hbm>>
        %dma_start3A_110 = arith.constant 0 : i32
        %dma_start3A_111 = tpu.memref_slice %dma_start3A_109[%mul3A_99, %dma_start3A_110] : memref<10000x128xf32, #tpu.memory_space<hbm>> -> memref<80x128xf32, #tpu.memory_space<hbm>>
        tpu.enqueue_dma source(%arg10 : memref<80x128xf32, #tpu.memory_space<vmem>>) target(%dma_start3A_111 : memref<80x128xf32, #tpu.memory_space<hbm>>) target_semaphore(%run_scoped3A : memref<!tpu.dma_semaphore, #tpu.memory_space<semaphore_mem>>)
        %dma_wait3A = arith.constant 0 : i32
        %dma_wait3A_112 = arith.constant 0 : i32
        %dma_wait3A_113 = tpu.memref_slice %arg6[%arg0, %dma_wait3A, %dma_wait3A_112] : memref<2x10000x128xf32, #tpu.memory_space<hbm>> -> memref<1x10000x128xf32, #tpu.memory_space<hbm>>
        %dma_wait3A_114 = tpu.memref_squeeze %dma_wait3A_113 : memref<1x10000x128xf32, #tpu.memory_space<hbm>> -> memref<10000x128xf32, #tpu.memory_space<hbm>>
        %dma_wait3A_115 = arith.constant 0 : i32
        %dma_wait3A_116 = tpu.memref_slice %dma_wait3A_114[%mul3A_99, %dma_wait3A_115] : memref<10000x128xf32, #tpu.memory_space<hbm>> -> memref<80x128xf32, #tpu.memory_space<hbm>>
        %dma_wait3A_117 = arith.constant 0 : i32
        %dma_wait3A_118 = arith.constant 0 : i32
        %dma_wait3A_119 = tpu.memref_slice %arg6[%arg0, %dma_wait3A_117, %dma_wait3A_118] : memref<2x10000x128xf32, #tpu.memory_space<hbm>> -> memref<1x10000x128xf32, #tpu.memory_space<hbm>>
        %dma_wait3A_120 = tpu.memref_squeeze %dma_wait3A_119 : memref<1x10000x128xf32, #tpu.memory_space<hbm>> -> memref<10000x128xf32, #tpu.memory_space<hbm>>
        %dma_wait3A_121 = arith.constant 0 : i32
        %dma_wait3A_122 = tpu.memref_slice %dma_wait3A_120[%mul3A_99, %dma_wait3A_121] : memref<10000x128xf32, #tpu.memory_space<hbm>> -> memref<80x128xf32, #tpu.memory_space<hbm>>
        tpu.wait_dma2 semaphore(%run_scoped3A : memref<!tpu.dma_semaphore, #tpu.memory_space<semaphore_mem>>) src(%arg10 : memref<80x128xf32, #tpu.memory_space<vmem>>) dst(%dma_wait3A_122 : memref<80x128xf32, #tpu.memory_space<hbm>>)
        tpu.yield
      }) : () -> ()
      %while3A_100 = arith.constant 0 : i32
      scf.yield %while3A_100 : i32
    }
    return
  }
}

#map = affine_map<(d0, d1) -> (0, 0, 0)>
#map1 = affine_map<(d0, d1) -> (0, 0)>
module attributes {stable_mosaic.version = 14 : i64} {
  func.func @_hop(%arg0: i32, %arg1: i32, %arg2: memref<32x125x80xi32, #tpu.memory_space<hbm>>, %arg3: memref<32x125x80xi32, #tpu.memory_space<hbm>>, %arg4: memref<320000x16xf32, #tpu.memory_space<hbm>>, %arg5: memref<10000x128xf32, #tpu.memory_space<hbm>>, %arg6: memref<2x10000x128xf32, #tpu.memory_space<hbm>>, %arg7: memref<125x80xi32, #tpu.memory_space<vmem>>, %arg8: memref<125x80xi32, #tpu.memory_space<vmem>>, %arg9: memref<80x16xf32, #tpu.memory_space<vmem>>, %arg10: memref<80x128xf32, #tpu.memory_space<vmem>>, %arg11: memref<10000x128xf32, #tpu.memory_space<vmem_shared>>) attributes {dimension_semantics = [#tpu.dimension_semantics<core_parallel>, #tpu.dimension_semantics<subcore_parallel>], iteration_bounds = array<i64: 2, 16>, scalar_prefetch = 0 : i64, scratch_operands = 5 : i64, tpu.core_type = #tpu.core_type<sc_vector_subcore>, window_params = [{transform_indices = #map}, {transform_indices = #map}, {transform_indices = #map1}, {transform_indices = #map1}, {transform_indices = #map}]} {
    %mul3A = arith.constant 16 : i32
    %mul3A_0 = arith.muli %arg0, %mul3A : i32
    %add3A = arith.addi %mul3A_0, %arg1 : i32
    %broadcast_in_dim3A = arith.constant 0.000000e+00 : f32
    %broadcast_in_dim3A_1 = vector.broadcast %broadcast_in_dim3A : f32 to vector<16xf32>
    %scan3A = arith.constant 0 : i32
    %scan3A_2 = arith.constant 0 : i32
    %scan3A_3 = arith.constant 80 : i32
    %scan3A_4 = arith.addi %scan3A_2, %scan3A_3 : i32
    %scan3A_5 = arith.constant 1 : i32
    %scan3A_6 = scf.for %scan3A_93 = %scan3A_2 to %scan3A_4 step %scan3A_5 iter_args(%scan3A_94 = %scan3A) -> (i32)  : i32 {
      %swap3A = arith.index_cast %scan3A_93 : i32 to index
      %swap3A_95 = arith.constant 0 : index
      %swap3A_96 = tpu.vector_load %arg10[%swap3A, %swap3A_95] {strides = array<i32>} : memref<80x128xf32, #tpu.memory_space<vmem>>, vector<1x16xf32>,
      %swap3A_97 = vector.shape_cast %swap3A_96 : vector<1x16xf32> to vector<16xf32>
      %swap3A_98 = vector.shape_cast %broadcast_in_dim3A_1 : vector<16xf32> to vector<1x16xf32>
      tpu.vector_store %arg10[%swap3A, %swap3A_95], %swap3A_98 {strides = array<i32>} : memref<80x128xf32, #tpu.memory_space<vmem>>, vector<1x16xf32>,
      %swap3A_99 = arith.index_cast %scan3A_93 : i32 to index
      %swap3A_100 = arith.constant 16 : index
      %swap3A_101 = tpu.vector_load %arg10[%swap3A_99, %swap3A_100] {strides = array<i32>} : memref<80x128xf32, #tpu.memory_space<vmem>>, vector<1x16xf32>,
      %swap3A_102 = vector.shape_cast %swap3A_101 : vector<1x16xf32> to vector<16xf32>
      %swap3A_103 = vector.shape_cast %broadcast_in_dim3A_1 : vector<16xf32> to vector<1x16xf32>
      tpu.vector_store %arg10[%swap3A_99, %swap3A_100], %swap3A_103 {strides = array<i32>} : memref<80x128xf32, #tpu.memory_space<vmem>>, vector<1x16xf32>,
      %swap3A_104 = arith.index_cast %scan3A_93 : i32 to index
      %swap3A_105 = arith.constant 32 : index
      %swap3A_106 = tpu.vector_load %arg10[%swap3A_104, %swap3A_105] {strides = array<i32>} : memref<80x128xf32, #tpu.memory_space<vmem>>, vector<1x16xf32>,
      %swap3A_107 = vector.shape_cast %swap3A_106 : vector<1x16xf32> to vector<16xf32>
      %swap3A_108 = vector.shape_cast %broadcast_in_dim3A_1 : vector<16xf32> to vector<1x16xf32>
      tpu.vector_store %arg10[%swap3A_104, %swap3A_105], %swap3A_108 {strides = array<i32>} : memref<80x128xf32, #tpu.memory_space<vmem>>, vector<1x16xf32>,
      %swap3A_109 = arith.index_cast %scan3A_93 : i32 to index
      %swap3A_110 = arith.constant 48 : index
      %swap3A_111 = tpu.vector_load %arg10[%swap3A_109, %swap3A_110] {strides = array<i32>} : memref<80x128xf32, #tpu.memory_space<vmem>>, vector<1x16xf32>,
      %swap3A_112 = vector.shape_cast %swap3A_111 : vector<1x16xf32> to vector<16xf32>
      %swap3A_113 = vector.shape_cast %broadcast_in_dim3A_1 : vector<16xf32> to vector<1x16xf32>
      tpu.vector_store %arg10[%swap3A_109, %swap3A_110], %swap3A_113 {strides = array<i32>} : memref<80x128xf32, #tpu.memory_space<vmem>>, vector<1x16xf32>,
      %swap3A_114 = arith.index_cast %scan3A_93 : i32 to index
      %swap3A_115 = arith.constant 64 : index
      %swap3A_116 = tpu.vector_load %arg10[%swap3A_114, %swap3A_115] {strides = array<i32>} : memref<80x128xf32, #tpu.memory_space<vmem>>, vector<1x16xf32>,
      %swap3A_117 = vector.shape_cast %swap3A_116 : vector<1x16xf32> to vector<16xf32>
      %swap3A_118 = vector.shape_cast %broadcast_in_dim3A_1 : vector<16xf32> to vector<1x16xf32>
      tpu.vector_store %arg10[%swap3A_114, %swap3A_115], %swap3A_118 {strides = array<i32>} : memref<80x128xf32, #tpu.memory_space<vmem>>, vector<1x16xf32>,
      %swap3A_119 = arith.index_cast %scan3A_93 : i32 to index
      %swap3A_120 = arith.constant 80 : index
      %swap3A_121 = tpu.vector_load %arg10[%swap3A_119, %swap3A_120] {strides = array<i32>} : memref<80x128xf32, #tpu.memory_space<vmem>>, vector<1x16xf32>,
      %swap3A_122 = vector.shape_cast %swap3A_121 : vector<1x16xf32> to vector<16xf32>
      %swap3A_123 = vector.shape_cast %broadcast_in_dim3A_1 : vector<16xf32> to vector<1x16xf32>
      tpu.vector_store %arg10[%swap3A_119, %swap3A_120], %swap3A_123 {strides = array<i32>} : memref<80x128xf32, #tpu.memory_space<vmem>>, vector<1x16xf32>,
      %swap3A_124 = arith.index_cast %scan3A_93 : i32 to index
      %swap3A_125 = arith.constant 96 : index
      %swap3A_126 = tpu.vector_load %arg10[%swap3A_124, %swap3A_125] {strides = array<i32>} : memref<80x128xf32, #tpu.memory_space<vmem>>, vector<1x16xf32>,
      %swap3A_127 = vector.shape_cast %swap3A_126 : vector<1x16xf32> to vector<16xf32>
      %swap3A_128 = vector.shape_cast %broadcast_in_dim3A_1 : vector<16xf32> to vector<1x16xf32>
      tpu.vector_store %arg10[%swap3A_124, %swap3A_125], %swap3A_128 {strides = array<i32>} : memref<80x128xf32, #tpu.memory_space<vmem>>, vector<1x16xf32>,
      %swap3A_129 = arith.index_cast %scan3A_93 : i32 to index
      %swap3A_130 = arith.constant 112 : index
      %swap3A_131 = tpu.vector_load %arg10[%swap3A_129, %swap3A_130] {strides = array<i32>} : memref<80x128xf32, #tpu.memory_space<vmem>>, vector<1x16xf32>,
      %swap3A_132 = vector.shape_cast %swap3A_131 : vector<1x16xf32> to vector<16xf32>
      %swap3A_133 = vector.shape_cast %broadcast_in_dim3A_1 : vector<16xf32> to vector<1x16xf32>
      tpu.vector_store %arg10[%swap3A_129, %swap3A_130], %swap3A_133 {strides = array<i32>} : memref<80x128xf32, #tpu.memory_space<vmem>>, vector<1x16xf32>,
      %scan3A_134 = arith.constant 0 : i32
      scf.yield %scan3A_134 : i32
    }
    %scan3A_7 = arith.constant 80 : i32
    %sub3A = arith.constant 125 : i32
    %sub3A_8 = arith.subi %sub3A, %arg1 : i32
    %add3A_9 = arith.constant 16 : i32
    %add3A_10 = arith.addi %sub3A_8, %add3A_9 : i32
    %sub3A_11 = arith.constant 1 : i32
    %sub3A_12 = arith.subi %add3A_10, %sub3A_11 : i32
    %jit3A = arith.constant 16 : i32
    %div3A = arith.divsi %sub3A_12, %jit3A : i32
    %sign3A = arith.constant 0 : i32
    %sign3A_13 = arith.cmpi sgt, %sub3A_12, %sign3A : i32
    %sign3A_14 = arith.extui %sign3A_13 : i1 to i32
    %sign3A_15 = arith.constant 0 : i32
    %sign3A_16 = arith.cmpi slt, %sub3A_12, %sign3A_15 : i32
    %sign3A_17 = arith.extui %sign3A_16 : i1 to i32
    %sign3A_18 = arith.subi %sign3A_14, %sign3A_17 : i32
    %sign3A_19 = arith.constant 0 : i32
    %sign3A_20 = arith.cmpi sgt, %jit3A, %sign3A_19 : i32
    %sign3A_21 = arith.extui %sign3A_20 : i1 to i32
    %sign3A_22 = arith.constant 0 : i32
    %sign3A_23 = arith.cmpi slt, %jit3A, %sign3A_22 : i32
    %sign3A_24 = arith.extui %sign3A_23 : i1 to i32
    %sign3A_25 = arith.subi %sign3A_21, %sign3A_24 : i32
    %ne3A = arith.cmpi ne, %sign3A_18, %sign3A_25 : i32
    %rem3A = arith.remsi %sub3A_12, %jit3A : i32
    %ne3A_26 = arith.constant 0 : i32
    %ne3A_27 = arith.cmpi ne, %rem3A, %ne3A_26 : i32
    %and3A = arith.andi %ne3A, %ne3A_27 : i1
    %sub3A_28 = arith.constant 1 : i32
    %sub3A_29 = arith.subi %div3A, %sub3A_28 : i32
    %select_n3A = arith.select %and3A, %sub3A_29, %div3A : i32
    %while3A = arith.constant 0 : i32
    %while3A_30 = arith.constant 0 : i32
    %while3A_31 = arith.subi %select_n3A, %while3A : i32
    %while3A_32 = arith.addi %while3A, %while3A_31 : i32
    %while3A_33 = arith.constant 1 : i32
    %while3A_34 = arith.divsi %while3A_31, %while3A_33 : i32
    %while3A_35 = arith.muli %while3A_34, %while3A_33 : i32
    %while3A_36 = arith.addi %while3A, %while3A_35 : i32
    %while3A_37 = arith.constant 1 : i32
    %while3A_38 = scf.for %while3A_93 = %while3A to %while3A_36 step %while3A_37 iter_args(%while3A_94 = %while3A_30) -> (i32)  : i32 {
      %mul3A_95 = arith.constant 16 : i32
      %mul3A_96 = arith.muli %while3A_93, %mul3A_95 : i32
      %add3A_97 = arith.addi %arg1, %mul3A_96 : i32
      %mul3A_98 = arith.constant 80 : i32
      %mul3A_99 = arith.muli %add3A_97, %mul3A_98 : i32
      "tpu.region"() ({
        %run_scoped3A = tpu.sem_alloc : memref<!tpu.dma_semaphore, #tpu.memory_space<semaphore_mem>>
        %dma_start3A = arith.constant 0 : i32
        %dma_start3A_101 = tpu.memref_slice %arg11[%mul3A_99, %dma_start3A] : memref<10000x128xf32, #tpu.memory_space<vmem_shared>> -> memref<80x128xf32, #tpu.memory_space<vmem_shared>>
        %dma_start3A_102 = arith.constant 0 : i32
        %dma_start3A_103 = tpu.memref_slice %arg11[%mul3A_99, %dma_start3A_102] : memref<10000x128xf32, #tpu.memory_space<vmem_shared>> -> memref<80x128xf32, #tpu.memory_space<vmem_shared>>
        tpu.enqueue_dma source(%arg10 : memref<80x128xf32, #tpu.memory_space<vmem>>) target(%dma_start3A_103 : memref<80x128xf32, #tpu.memory_space<vmem_shared>>) target_semaphore(%run_scoped3A : memref<!tpu.dma_semaphore, #tpu.memory_space<semaphore_mem>>)
        %dma_wait3A = arith.constant 0 : i32
        %dma_wait3A_104 = tpu.memref_slice %arg11[%mul3A_99, %dma_wait3A] : memref<10000x128xf32, #tpu.memory_space<vmem_shared>> -> memref<80x128xf32, #tpu.memory_space<vmem_shared>>
        %dma_wait3A_105 = arith.constant 0 : i32
        %dma_wait3A_106 = tpu.memref_slice %arg11[%mul3A_99, %dma_wait3A_105] : memref<10000x128xf32, #tpu.memory_space<vmem_shared>> -> memref<80x128xf32, #tpu.memory_space<vmem_shared>>
        tpu.wait_dma2 semaphore(%run_scoped3A : memref<!tpu.dma_semaphore, #tpu.memory_space<semaphore_mem>>) src(%arg10 : memref<80x128xf32, #tpu.memory_space<vmem>>) dst(%dma_wait3A_106 : memref<80x128xf32, #tpu.memory_space<vmem_shared>>)
        tpu.yield
      }) : () -> ()
      %while3A_100 = arith.constant 0 : i32
      scf.yield %while3A_100 : i32
    }
    %while3A_39 = arith.constant 1 : i32
    %while3A_40 = scf.for %while3A_93 = %while3A_36 to %while3A_32 step %while3A_39 iter_args(%while3A_94 = %while3A_38) -> (i32)  : i32 {
      %mul3A_95 = arith.constant 16 : i32
      %mul3A_96 = arith.muli %while3A_93, %mul3A_95 : i32
      %add3A_97 = arith.addi %arg1, %mul3A_96 : i32
      %mul3A_98 = arith.constant 80 : i32
      %mul3A_99 = arith.muli %add3A_97, %mul3A_98 : i32
      "tpu.region"() ({
        %run_scoped3A = tpu.sem_alloc : memref<!tpu.dma_semaphore, #tpu.memory_space<semaphore_mem>>
        %dma_start3A = arith.constant 0 : i32
        %dma_start3A_101 = tpu.memref_slice %arg11[%mul3A_99, %dma_start3A] : memref<10000x128xf32, #tpu.memory_space<vmem_shared>> -> memref<80x128xf32, #tpu.memory_space<vmem_shared>>
        %dma_start3A_102 = arith.constant 0 : i32
        %dma_start3A_103 = tpu.memref_slice %arg11[%mul3A_99, %dma_start3A_102] : memref<10000x128xf32, #tpu.memory_space<vmem_shared>> -> memref<80x128xf32, #tpu.memory_space<vmem_shared>>
        tpu.enqueue_dma source(%arg10 : memref<80x128xf32, #tpu.memory_space<vmem>>) target(%dma_start3A_103 : memref<80x128xf32, #tpu.memory_space<vmem_shared>>) target_semaphore(%run_scoped3A : memref<!tpu.dma_semaphore, #tpu.memory_space<semaphore_mem>>)
        %dma_wait3A = arith.constant 0 : i32
        %dma_wait3A_104 = tpu.memref_slice %arg11[%mul3A_99, %dma_wait3A] : memref<10000x128xf32, #tpu.memory_space<vmem_shared>> -> memref<80x128xf32, #tpu.memory_space<vmem_shared>>
        %dma_wait3A_105 = arith.constant 0 : i32
        %dma_wait3A_106 = tpu.memref_slice %arg11[%mul3A_99, %dma_wait3A_105] : memref<10000x128xf32, #tpu.memory_space<vmem_shared>> -> memref<80x128xf32, #tpu.memory_space<vmem_shared>>
        tpu.wait_dma2 semaphore(%run_scoped3A : memref<!tpu.dma_semaphore, #tpu.memory_space<semaphore_mem>>) src(%arg10 : memref<80x128xf32, #tpu.memory_space<vmem>>) dst(%dma_wait3A_106 : memref<80x128xf32, #tpu.memory_space<vmem_shared>>)
        tpu.yield
      }) : () -> ()
      %while3A_100 = arith.constant 0 : i32
      scf.yield %while3A_100 : i32
    }
    "tpu.region"() ({
      %run_scoped3A = tpu.sem_alloc : memref<!tpu.dma_semaphore, #tpu.memory_space<semaphore_mem>>
      %dma_start3A = arith.constant 0 : i32
      %dma_start3A_93 = arith.constant 0 : i32
      %dma_start3A_94 = tpu.memref_slice %arg2[%add3A, %dma_start3A, %dma_start3A_93] : memref<32x125x80xi32, #tpu.memory_space<hbm>> -> memref<1x125x80xi32, #tpu.memory_space<hbm>>
      %dma_start3A_95 = tpu.memref_squeeze %dma_start3A_94 : memref<1x125x80xi32, #tpu.memory_space<hbm>> -> memref<125x80xi32, #tpu.memory_space<hbm>>
      %dma_start3A_96 = arith.constant 0 : i32
      %dma_start3A_97 = arith.constant 0 : i32
      %dma_start3A_98 = tpu.memref_slice %arg2[%add3A, %dma_start3A_96, %dma_start3A_97] : memref<32x125x80xi32, #tpu.memory_space<hbm>> -> memref<1x125x80xi32, #tpu.memory_space<hbm>>
      %dma_start3A_99 = tpu.memref_squeeze %dma_start3A_98 : memref<1x125x80xi32, #tpu.memory_space<hbm>> -> memref<125x80xi32, #tpu.memory_space<hbm>>
      tpu.enqueue_dma source(%dma_start3A_99 : memref<125x80xi32, #tpu.memory_space<hbm>>) target(%arg7 : memref<125x80xi32, #tpu.memory_space<vmem>>) target_semaphore(%run_scoped3A : memref<!tpu.dma_semaphore, #tpu.memory_space<semaphore_mem>>)
      %dma_wait3A = arith.constant 0 : i32
      %dma_wait3A_100 = arith.constant 0 : i32
      %dma_wait3A_101 = tpu.memref_slice %arg2[%add3A, %dma_wait3A, %dma_wait3A_100] : memref<32x125x80xi32, #tpu.memory_space<hbm>> -> memref<1x125x80xi32, #tpu.memory_space<hbm>>
      %dma_wait3A_102 = tpu.memref_squeeze %dma_wait3A_101 : memref<1x125x80xi32, #tpu.memory_space<hbm>> -> memref<125x80xi32, #tpu.memory_space<hbm>>
      %dma_wait3A_103 = arith.constant 0 : i32
      %dma_wait3A_104 = arith.constant 0 : i32
      %dma_wait3A_105 = tpu.memref_slice %arg2[%add3A, %dma_wait3A_103, %dma_wait3A_104] : memref<32x125x80xi32, #tpu.memory_space<hbm>> -> memref<1x125x80xi32, #tpu.memory_space<hbm>>
      %dma_wait3A_106 = tpu.memref_squeeze %dma_wait3A_105 : memref<1x125x80xi32, #tpu.memory_space<hbm>> -> memref<125x80xi32, #tpu.memory_space<hbm>>
      tpu.wait_dma2 semaphore(%run_scoped3A : memref<!tpu.dma_semaphore, #tpu.memory_space<semaphore_mem>>) src(%dma_wait3A_106 : memref<125x80xi32, #tpu.memory_space<hbm>>) dst(%arg7 : memref<125x80xi32, #tpu.memory_space<vmem>>)
      tpu.yield
    }) : () -> ()
    "tpu.region"() ({
      %run_scoped3A = tpu.sem_alloc : memref<!tpu.dma_semaphore, #tpu.memory_space<semaphore_mem>>
      %dma_start3A = arith.constant 0 : i32
      %dma_start3A_93 = arith.constant 0 : i32
      %dma_start3A_94 = tpu.memref_slice %arg3[%add3A, %dma_start3A, %dma_start3A_93] : memref<32x125x80xi32, #tpu.memory_space<hbm>> -> memref<1x125x80xi32, #tpu.memory_space<hbm>>
      %dma_start3A_95 = tpu.memref_squeeze %dma_start3A_94 : memref<1x125x80xi32, #tpu.memory_space<hbm>> -> memref<125x80xi32, #tpu.memory_space<hbm>>
      %dma_start3A_96 = arith.constant 0 : i32
      %dma_start3A_97 = arith.constant 0 : i32
      %dma_start3A_98 = tpu.memref_slice %arg3[%add3A, %dma_start3A_96, %dma_start3A_97] : memref<32x125x80xi32, #tpu.memory_space<hbm>> -> memref<1x125x80xi32, #tpu.memory_space<hbm>>
      %dma_start3A_99 = tpu.memref_squeeze %dma_start3A_98 : memref<1x125x80xi32, #tpu.memory_space<hbm>> -> memref<125x80xi32, #tpu.memory_space<hbm>>
      tpu.enqueue_dma source(%dma_start3A_99 : memref<125x80xi32, #tpu.memory_space<hbm>>) target(%arg8 : memref<125x80xi32, #tpu.memory_space<vmem>>) target_semaphore(%run_scoped3A : memref<!tpu.dma_semaphore, #tpu.memory_space<semaphore_mem>>)
      %dma_wait3A = arith.constant 0 : i32
      %dma_wait3A_100 = arith.constant 0 : i32
      %dma_wait3A_101 = tpu.memref_slice %arg3[%add3A, %dma_wait3A, %dma_wait3A_100] : memref<32x125x80xi32, #tpu.memory_space<hbm>> -> memref<1x125x80xi32, #tpu.memory_space<hbm>>
      %dma_wait3A_102 = tpu.memref_squeeze %dma_wait3A_101 : memref<1x125x80xi32, #tpu.memory_space<hbm>> -> memref<125x80xi32, #tpu.memory_space<hbm>>
      %dma_wait3A_103 = arith.constant 0 : i32
      %dma_wait3A_104 = arith.constant 0 : i32
      %dma_wait3A_105 = tpu.memref_slice %arg3[%add3A, %dma_wait3A_103, %dma_wait3A_104] : memref<32x125x80xi32, #tpu.memory_space<hbm>> -> memref<1x125x80xi32, #tpu.memory_space<hbm>>
      %dma_wait3A_106 = tpu.memref_squeeze %dma_wait3A_105 : memref<1x125x80xi32, #tpu.memory_space<hbm>> -> memref<125x80xi32, #tpu.memory_space<hbm>>
      tpu.wait_dma2 semaphore(%run_scoped3A : memref<!tpu.dma_semaphore, #tpu.memory_space<semaphore_mem>>) src(%dma_wait3A_106 : memref<125x80xi32, #tpu.memory_space<hbm>>) dst(%arg8 : memref<125x80xi32, #tpu.memory_space<vmem>>)
      tpu.yield
    }) : () -> ()
    %barrier3A = arith.constant 0 : index
    tpu.barrier barrier_id(%barrier3A)
    %mul3A_41 = arith.constant 10000 : i32
    %mul3A_42 = arith.muli %add3A, %mul3A_41 : i32
    %scan3A_43 = arith.constant 0 : i32
    %scan3A_44 = arith.constant 0 : i32
    %scan3A_45 = arith.constant 125 : i32
    %scan3A_46 = arith.addi %scan3A_44, %scan3A_45 : i32
    %scan3A_47 = arith.constant 1 : i32
    %scan3A_48 = scf.for %scan3A_93 = %scan3A_44 to %scan3A_46 step %scan3A_47 iter_args(%scan3A_94 = %scan3A_43) -> (i32)  : i32 {
      "tpu.region"() ({
        %run_scoped3A = tpu.sem_alloc : memref<!tpu.dma_semaphore, #tpu.memory_space<semaphore_mem>>
        %dma_start3A = arith.constant 0 : i32
        %dma_start3A_106 = tpu.memref_slice %arg7[%scan3A_93, %dma_start3A] : memref<125x80xi32, #tpu.memory_space<vmem>> -> memref<1x80xi32, #tpu.memory_space<vmem>>
        %dma_start3A_107 = tpu.memref_squeeze %dma_start3A_106 : memref<1x80xi32, #tpu.memory_space<vmem>> -> memref<80xi32, #tpu.memory_space<vmem>>
        %dma_start3A_108 = arith.constant 0 : i32
        %dma_start3A_109 = arith.constant 0 : i32
        %dma_start3A_110 = tpu.memref_slice %arg5[%dma_start3A_108, %dma_start3A_109] : memref<10000x128xf32, #tpu.memory_space<hbm>> -> memref<10000x128xf32, #tpu.memory_space<hbm>>
        tpu.enqueue_indirect_dma source(%dma_start3A_110 : memref<10000x128xf32, #tpu.memory_space<hbm>>) target(%arg10 : memref<80x128xf32, #tpu.memory_space<vmem>>) offsets(%dma_start3A_107 : memref<80xi32, #tpu.memory_space<vmem>>) semaphore(%run_scoped3A : memref<!tpu.dma_semaphore, #tpu.memory_space<semaphore_mem>>)
        %dma_wait3A = arith.constant 0 : i32
        %dma_wait3A_111 = tpu.memref_slice %arg7[%scan3A_93, %dma_wait3A] : memref<125x80xi32, #tpu.memory_space<vmem>> -> memref<1x80xi32, #tpu.memory_space<vmem>>
        %dma_wait3A_112 = tpu.memref_squeeze %dma_wait3A_111 : memref<1x80xi32, #tpu.memory_space<vmem>> -> memref<80xi32, #tpu.memory_space<vmem>>
        %dma_wait3A_113 = arith.constant 0 : i32
        %dma_wait3A_114 = arith.constant 0 : i32
        %dma_wait3A_115 = tpu.memref_slice %arg5[%dma_wait3A_113, %dma_wait3A_114] : memref<10000x128xf32, #tpu.memory_space<hbm>> -> memref<10000x128xf32, #tpu.memory_space<hbm>>
        tpu.wait_indirect_dma semaphore(%run_scoped3A : memref<!tpu.dma_semaphore, #tpu.memory_space<semaphore_mem>>) src(%dma_wait3A_115 : memref<10000x128xf32, #tpu.memory_space<hbm>>) dst(%arg10 : memref<80x128xf32, #tpu.memory_space<vmem>>)
        tpu.yield
      }) : () -> ()
      %mul3A_95 = arith.constant 80 : i32
      %mul3A_96 = arith.muli %scan3A_93, %mul3A_95 : i32
      %add3A_97 = arith.addi %mul3A_42, %mul3A_96 : i32
      "tpu.region"() ({
        %run_scoped3A = tpu.sem_alloc : memref<!tpu.dma_semaphore, #tpu.memory_space<semaphore_mem>>
        %dma_start3A = arith.constant 0 : i32
        %dma_start3A_106 = tpu.memref_slice %arg4[%add3A_97, %dma_start3A] : memref<320000x16xf32, #tpu.memory_space<hbm>> -> memref<80x16xf32, #tpu.memory_space<hbm>>
        %dma_start3A_107 = arith.constant 0 : i32
        %dma_start3A_108 = tpu.memref_slice %arg4[%add3A_97, %dma_start3A_107] : memref<320000x16xf32, #tpu.memory_space<hbm>> -> memref<80x16xf32, #tpu.memory_space<hbm>>
        tpu.enqueue_dma source(%dma_start3A_108 : memref<80x16xf32, #tpu.memory_space<hbm>>) target(%arg9 : memref<80x16xf32, #tpu.memory_space<vmem>>) target_semaphore(%run_scoped3A : memref<!tpu.dma_semaphore, #tpu.memory_space<semaphore_mem>>)
        %dma_wait3A = arith.constant 0 : i32
        %dma_wait3A_109 = tpu.memref_slice %arg4[%add3A_97, %dma_wait3A] : memref<320000x16xf32, #tpu.memory_space<hbm>> -> memref<80x16xf32, #tpu.memory_space<hbm>>
        %dma_wait3A_110 = arith.constant 0 : i32
        %dma_wait3A_111 = tpu.memref_slice %arg4[%add3A_97, %dma_wait3A_110] : memref<320000x16xf32, #tpu.memory_space<hbm>> -> memref<80x16xf32, #tpu.memory_space<hbm>>
        tpu.wait_dma2 semaphore(%run_scoped3A : memref<!tpu.dma_semaphore, #tpu.memory_space<semaphore_mem>>) src(%dma_wait3A_111 : memref<80x16xf32, #tpu.memory_space<hbm>>) dst(%arg9 : memref<80x16xf32, #tpu.memory_space<vmem>>)
        tpu.yield
      }) : () -> ()
      %scan3A_98 = arith.constant 0 : i32
      %scan3A_99 = arith.constant 0 : i32
      %scan3A_100 = arith.constant 80 : i32
      %scan3A_101 = arith.addi %scan3A_99, %scan3A_100 : i32
      %scan3A_102 = arith.constant 1 : i32
      %scan3A_103 = scf.for %scan3A_106 = %scan3A_99 to %scan3A_101 step %scan3A_102 iter_args(%scan3A_107 = %scan3A_98) -> (i32)  : i32 {
        %get3A = arith.index_cast %scan3A_106 : i32 to index
        %get3A_108 = arith.constant 0 : index
        %get3A_109 = tpu.vector_load %arg9[%get3A, %get3A_108] {strides = array<i32>} : memref<80x16xf32, #tpu.memory_space<vmem>>, vector<1x16xf32>,
        %get3A_110 = vector.shape_cast %get3A_109 : vector<1x16xf32> to vector<16xf32>
        %get3A_111 = arith.index_cast %scan3A_106 : i32 to index
        %get3A_112 = arith.constant 0 : index
        %get3A_113 = tpu.vector_load %arg10[%get3A_111, %get3A_112] {strides = array<i32>} : memref<80x128xf32, #tpu.memory_space<vmem>>, vector<1x16xf32>,
        %get3A_114 = vector.shape_cast %get3A_113 : vector<1x16xf32> to vector<16xf32>
        %slice3A = vector.extract_strided_slice %get3A_110 {offsets = [0], sizes = [1], strides = [1]} : vector<16xf32> to vector<1xf32>
        %squeeze3A = vector.extract %slice3A[0] : f32 from vector<1xf32>
        %mul3A_115 = vector.broadcast %squeeze3A : f32 to vector<16xf32>
        %mul3A_116 = arith.mulf %get3A_114, %mul3A_115 : vector<16xf32>
        %swap3A = arith.index_cast %scan3A_106 : i32 to index
        %swap3A_117 = arith.constant 0 : index
        %swap3A_118 = tpu.vector_load %arg10[%swap3A, %swap3A_117] {strides = array<i32>} : memref<80x128xf32, #tpu.memory_space<vmem>>, vector<1x16xf32>,
        %swap3A_119 = vector.shape_cast %swap3A_118 : vector<1x16xf32> to vector<16xf32>
        %swap3A_120 = vector.shape_cast %mul3A_116 : vector<16xf32> to vector<1x16xf32>
        tpu.vector_store %arg10[%swap3A, %swap3A_117], %swap3A_120 {strides = array<i32>} : memref<80x128xf32, #tpu.memory_space<vmem>>, vector<1x16xf32>,
        %get3A_121 = arith.index_cast %scan3A_106 : i32 to index
        %get3A_122 = arith.constant 16 : index
        %get3A_123 = tpu.vector_load %arg10[%get3A_121, %get3A_122] {strides = array<i32>} : memref<80x128xf32, #tpu.memory_space<vmem>>, vector<1x16xf32>,
        %get3A_124 = vector.shape_cast %get3A_123 : vector<1x16xf32> to vector<16xf32>
        %slice3A_125 = vector.extract_strided_slice %get3A_110 {offsets = [1], sizes = [1], strides = [1]} : vector<16xf32> to vector<1xf32>
        %squeeze3A_126 = vector.extract %slice3A_125[0] : f32 from vector<1xf32>
        %mul3A_127 = vector.broadcast %squeeze3A_126 : f32 to vector<16xf32>
        %mul3A_128 = arith.mulf %get3A_124, %mul3A_127 : vector<16xf32>
        %swap3A_129 = arith.index_cast %scan3A_106 : i32 to index
        %swap3A_130 = arith.constant 16 : index
        %swap3A_131 = tpu.vector_load %arg10[%swap3A_129, %swap3A_130] {strides = array<i32>} : memref<80x128xf32, #tpu.memory_space<vmem>>, vector<1x16xf32>,
        %swap3A_132 = vector.shape_cast %swap3A_131 : vector<1x16xf32> to vector<16xf32>
        %swap3A_133 = vector.shape_cast %mul3A_128 : vector<16xf32> to vector<1x16xf32>
        tpu.vector_store %arg10[%swap3A_129, %swap3A_130], %swap3A_133 {strides = array<i32>} : memref<80x128xf32, #tpu.memory_space<vmem>>, vector<1x16xf32>,
        %get3A_134 = arith.index_cast %scan3A_106 : i32 to index
        %get3A_135 = arith.constant 32 : index
        %get3A_136 = tpu.vector_load %arg10[%get3A_134, %get3A_135] {strides = array<i32>} : memref<80x128xf32, #tpu.memory_space<vmem>>, vector<1x16xf32>,
        %get3A_137 = vector.shape_cast %get3A_136 : vector<1x16xf32> to vector<16xf32>
        %slice3A_138 = vector.extract_strided_slice %get3A_110 {offsets = [2], sizes = [1], strides = [1]} : vector<16xf32> to vector<1xf32>
        %squeeze3A_139 = vector.extract %slice3A_138[0] : f32 from vector<1xf32>
        %mul3A_140 = vector.broadcast %squeeze3A_139 : f32 to vector<16xf32>
        %mul3A_141 = arith.mulf %get3A_137, %mul3A_140 : vector<16xf32>
        %swap3A_142 = arith.index_cast %scan3A_106 : i32 to index
        %swap3A_143 = arith.constant 32 : index
        %swap3A_144 = tpu.vector_load %arg10[%swap3A_142, %swap3A_143] {strides = array<i32>} : memref<80x128xf32, #tpu.memory_space<vmem>>, vector<1x16xf32>,
        %swap3A_145 = vector.shape_cast %swap3A_144 : vector<1x16xf32> to vector<16xf32>
        %swap3A_146 = vector.shape_cast %mul3A_141 : vector<16xf32> to vector<1x16xf32>
        tpu.vector_store %arg10[%swap3A_142, %swap3A_143], %swap3A_146 {strides = array<i32>} : memref<80x128xf32, #tpu.memory_space<vmem>>, vector<1x16xf32>,
        %get3A_147 = arith.index_cast %scan3A_106 : i32 to index
        %get3A_148 = arith.constant 48 : index
        %get3A_149 = tpu.vector_load %arg10[%get3A_147, %get3A_148] {strides = array<i32>} : memref<80x128xf32, #tpu.memory_space<vmem>>, vector<1x16xf32>,
        %get3A_150 = vector.shape_cast %get3A_149 : vector<1x16xf32> to vector<16xf32>
        %slice3A_151 = vector.extract_strided_slice %get3A_110 {offsets = [3], sizes = [1], strides = [1]} : vector<16xf32> to vector<1xf32>
        %squeeze3A_152 = vector.extract %slice3A_151[0] : f32 from vector<1xf32>
        %mul3A_153 = vector.broadcast %squeeze3A_152 : f32 to vector<16xf32>
        %mul3A_154 = arith.mulf %get3A_150, %mul3A_153 : vector<16xf32>
        %swap3A_155 = arith.index_cast %scan3A_106 : i32 to index
        %swap3A_156 = arith.constant 48 : index
        %swap3A_157 = tpu.vector_load %arg10[%swap3A_155, %swap3A_156] {strides = array<i32>} : memref<80x128xf32, #tpu.memory_space<vmem>>, vector<1x16xf32>,
        %swap3A_158 = vector.shape_cast %swap3A_157 : vector<1x16xf32> to vector<16xf32>
        %swap3A_159 = vector.shape_cast %mul3A_154 : vector<16xf32> to vector<1x16xf32>
        tpu.vector_store %arg10[%swap3A_155, %swap3A_156], %swap3A_159 {strides = array<i32>} : memref<80x128xf32, #tpu.memory_space<vmem>>, vector<1x16xf32>,
        %get3A_160 = arith.index_cast %scan3A_106 : i32 to index
        %get3A_161 = arith.constant 64 : index
        %get3A_162 = tpu.vector_load %arg10[%get3A_160, %get3A_161] {strides = array<i32>} : memref<80x128xf32, #tpu.memory_space<vmem>>, vector<1x16xf32>,
        %get3A_163 = vector.shape_cast %get3A_162 : vector<1x16xf32> to vector<16xf32>
        %slice3A_164 = vector.extract_strided_slice %get3A_110 {offsets = [4], sizes = [1], strides = [1]} : vector<16xf32> to vector<1xf32>
        %squeeze3A_165 = vector.extract %slice3A_164[0] : f32 from vector<1xf32>
        %mul3A_166 = vector.broadcast %squeeze3A_165 : f32 to vector<16xf32>
        %mul3A_167 = arith.mulf %get3A_163, %mul3A_166 : vector<16xf32>
        %swap3A_168 = arith.index_cast %scan3A_106 : i32 to index
        %swap3A_169 = arith.constant 64 : index
        %swap3A_170 = tpu.vector_load %arg10[%swap3A_168, %swap3A_169] {strides = array<i32>} : memref<80x128xf32, #tpu.memory_space<vmem>>, vector<1x16xf32>,
        %swap3A_171 = vector.shape_cast %swap3A_170 : vector<1x16xf32> to vector<16xf32>
        %swap3A_172 = vector.shape_cast %mul3A_167 : vector<16xf32> to vector<1x16xf32>
        tpu.vector_store %arg10[%swap3A_168, %swap3A_169], %swap3A_172 {strides = array<i32>} : memref<80x128xf32, #tpu.memory_space<vmem>>, vector<1x16xf32>,
        %get3A_173 = arith.index_cast %scan3A_106 : i32 to index
        %get3A_174 = arith.constant 80 : index
        %get3A_175 = tpu.vector_load %arg10[%get3A_173, %get3A_174] {strides = array<i32>} : memref<80x128xf32, #tpu.memory_space<vmem>>, vector<1x16xf32>,
        %get3A_176 = vector.shape_cast %get3A_175 : vector<1x16xf32> to vector<16xf32>
        %slice3A_177 = vector.extract_strided_slice %get3A_110 {offsets = [5], sizes = [1], strides = [1]} : vector<16xf32> to vector<1xf32>
        %squeeze3A_178 = vector.extract %slice3A_177[0] : f32 from vector<1xf32>
        %mul3A_179 = vector.broadcast %squeeze3A_178 : f32 to vector<16xf32>
        %mul3A_180 = arith.mulf %get3A_176, %mul3A_179 : vector<16xf32>
        %swap3A_181 = arith.index_cast %scan3A_106 : i32 to index
        %swap3A_182 = arith.constant 80 : index
        %swap3A_183 = tpu.vector_load %arg10[%swap3A_181, %swap3A_182] {strides = array<i32>} : memref<80x128xf32, #tpu.memory_space<vmem>>, vector<1x16xf32>,
        %swap3A_184 = vector.shape_cast %swap3A_183 : vector<1x16xf32> to vector<16xf32>
        %swap3A_185 = vector.shape_cast %mul3A_180 : vector<16xf32> to vector<1x16xf32>
        tpu.vector_store %arg10[%swap3A_181, %swap3A_182], %swap3A_185 {strides = array<i32>} : memref<80x128xf32, #tpu.memory_space<vmem>>, vector<1x16xf32>,
        %get3A_186 = arith.index_cast %scan3A_106 : i32 to index
        %get3A_187 = arith.constant 96 : index
        %get3A_188 = tpu.vector_load %arg10[%get3A_186, %get3A_187] {strides = array<i32>} : memref<80x128xf32, #tpu.memory_space<vmem>>, vector<1x16xf32>,
        %get3A_189 = vector.shape_cast %get3A_188 : vector<1x16xf32> to vector<16xf32>
        %slice3A_190 = vector.extract_strided_slice %get3A_110 {offsets = [6], sizes = [1], strides = [1]} : vector<16xf32> to vector<1xf32>
        %squeeze3A_191 = vector.extract %slice3A_190[0] : f32 from vector<1xf32>
        %mul3A_192 = vector.broadcast %squeeze3A_191 : f32 to vector<16xf32>
        %mul3A_193 = arith.mulf %get3A_189, %mul3A_192 : vector<16xf32>
        %swap3A_194 = arith.index_cast %scan3A_106 : i32 to index
        %swap3A_195 = arith.constant 96 : index
        %swap3A_196 = tpu.vector_load %arg10[%swap3A_194, %swap3A_195] {strides = array<i32>} : memref<80x128xf32, #tpu.memory_space<vmem>>, vector<1x16xf32>,
        %swap3A_197 = vector.shape_cast %swap3A_196 : vector<1x16xf32> to vector<16xf32>
        %swap3A_198 = vector.shape_cast %mul3A_193 : vector<16xf32> to vector<1x16xf32>
        tpu.vector_store %arg10[%swap3A_194, %swap3A_195], %swap3A_198 {strides = array<i32>} : memref<80x128xf32, #tpu.memory_space<vmem>>, vector<1x16xf32>,
        %get3A_199 = arith.index_cast %scan3A_106 : i32 to index
        %get3A_200 = arith.constant 112 : index
        %get3A_201 = tpu.vector_load %arg10[%get3A_199, %get3A_200] {strides = array<i32>} : memref<80x128xf32, #tpu.memory_space<vmem>>, vector<1x16xf32>,
        %get3A_202 = vector.shape_cast %get3A_201 : vector<1x16xf32> to vector<16xf32>
        %slice3A_203 = vector.extract_strided_slice %get3A_110 {offsets = [7], sizes = [1], strides = [1]} : vector<16xf32> to vector<1xf32>
        %squeeze3A_204 = vector.extract %slice3A_203[0] : f32 from vector<1xf32>
        %mul3A_205 = vector.broadcast %squeeze3A_204 : f32 to vector<16xf32>
        %mul3A_206 = arith.mulf %get3A_202, %mul3A_205 : vector<16xf32>
        %swap3A_207 = arith.index_cast %scan3A_106 : i32 to index
        %swap3A_208 = arith.constant 112 : index
        %swap3A_209 = tpu.vector_load %arg10[%swap3A_207, %swap3A_208] {strides = array<i32>} : memref<80x128xf32, #tpu.memory_space<vmem>>, vector<1x16xf32>,
        %swap3A_210 = vector.shape_cast %swap3A_209 : vector<1x16xf32> to vector<16xf32>
        %swap3A_211 = vector.shape_cast %mul3A_206 : vector<16xf32> to vector<1x16xf32>
        tpu.vector_store %arg10[%swap3A_207, %swap3A_208], %swap3A_211 {strides = array<i32>} : memref<80x128xf32, #tpu.memory_space<vmem>>, vector<1x16xf32>,
        %scan3A_212 = arith.constant 0 : i32
        scf.yield %scan3A_212 : i32
      }
      %scan3A_104 = arith.constant 80 : i32
      "tpu.region"() ({
        %run_scoped3A = tpu.sem_alloc : memref<!tpu.dma_semaphore, #tpu.memory_space<semaphore_mem>>
        %dma_start3A = arith.constant 0 : i32
        %dma_start3A_106 = tpu.memref_slice %arg8[%scan3A_93, %dma_start3A] : memref<125x80xi32, #tpu.memory_space<vmem>> -> memref<1x80xi32, #tpu.memory_space<vmem>>
        %dma_start3A_107 = tpu.memref_squeeze %dma_start3A_106 : memref<1x80xi32, #tpu.memory_space<vmem>> -> memref<80xi32, #tpu.memory_space<vmem>>
        %dma_start3A_108 = arith.constant 0 : i32
        %dma_start3A_109 = arith.constant 0 : i32
        %dma_start3A_110 = tpu.memref_slice %arg11[%dma_start3A_108, %dma_start3A_109] : memref<10000x128xf32, #tpu.memory_space<vmem_shared>> -> memref<10000x128xf32, #tpu.memory_space<vmem_shared>>
        tpu.enqueue_indirect_dma source(%arg10 : memref<80x128xf32, #tpu.memory_space<vmem>>) target(%dma_start3A_110 : memref<10000x128xf32, #tpu.memory_space<vmem_shared>>) offsets(%dma_start3A_107 : memref<80xi32, #tpu.memory_space<vmem>>) semaphore(%run_scoped3A : memref<!tpu.dma_semaphore, #tpu.memory_space<semaphore_mem>>) {add = true}
        %dma_wait3A = arith.constant 0 : i32
        %dma_wait3A_111 = tpu.memref_slice %arg8[%scan3A_93, %dma_wait3A] : memref<125x80xi32, #tpu.memory_space<vmem>> -> memref<1x80xi32, #tpu.memory_space<vmem>>
        %dma_wait3A_112 = tpu.memref_squeeze %dma_wait3A_111 : memref<1x80xi32, #tpu.memory_space<vmem>> -> memref<80xi32, #tpu.memory_space<vmem>>
        %dma_wait3A_113 = arith.constant 0 : i32
        %dma_wait3A_114 = arith.constant 0 : i32
        %dma_wait3A_115 = tpu.memref_slice %arg11[%dma_wait3A_113, %dma_wait3A_114] : memref<10000x128xf32, #tpu.memory_space<vmem_shared>> -> memref<10000x128xf32, #tpu.memory_space<vmem_shared>>
        tpu.wait_indirect_dma semaphore(%run_scoped3A : memref<!tpu.dma_semaphore, #tpu.memory_space<semaphore_mem>>) src(%arg10 : memref<80x128xf32, #tpu.memory_space<vmem>>) dst(%dma_wait3A_115 : memref<10000x128xf32, #tpu.memory_space<vmem_shared>>)
        tpu.yield
      }) : () -> ()
      %scan3A_105 = arith.constant 0 : i32
      scf.yield %scan3A_105 : i32
    }
    %scan3A_49 = arith.constant 125 : i32
    %barrier3A_50 = arith.constant 0 : index
    tpu.barrier barrier_id(%barrier3A_50)
    %sub3A_51 = arith.constant 125 : i32
    %sub3A_52 = arith.subi %sub3A_51, %arg1 : i32
    %add3A_53 = arith.constant 16 : i32
    %add3A_54 = arith.addi %sub3A_52, %add3A_53 : i32
    %sub3A_55 = arith.constant 1 : i32
    %sub3A_56 = arith.subi %add3A_54, %sub3A_55 : i32
    %jit3A_57 = arith.constant 16 : i32
    %div3A_58 = arith.divsi %sub3A_56, %jit3A_57 : i32
    %sign3A_59 = arith.constant 0 : i32
    %sign3A_60 = arith.cmpi sgt, %sub3A_56, %sign3A_59 : i32
    %sign3A_61 = arith.extui %sign3A_60 : i1 to i32
    %sign3A_62 = arith.constant 0 : i32
    %sign3A_63 = arith.cmpi slt, %sub3A_56, %sign3A_62 : i32
    %sign3A_64 = arith.extui %sign3A_63 : i1 to i32
    %sign3A_65 = arith.subi %sign3A_61, %sign3A_64 : i32
    %sign3A_66 = arith.constant 0 : i32
    %sign3A_67 = arith.cmpi sgt, %jit3A_57, %sign3A_66 : i32
    %sign3A_68 = arith.extui %sign3A_67 : i1 to i32
    %sign3A_69 = arith.constant 0 : i32
    %sign3A_70 = arith.cmpi slt, %jit3A_57, %sign3A_69 : i32
    %sign3A_71 = arith.extui %sign3A_70 : i1 to i32
    %sign3A_72 = arith.subi %sign3A_68, %sign3A_71 : i32
    %ne3A_73 = arith.cmpi ne, %sign3A_65, %sign3A_72 : i32
    %rem3A_74 = arith.remsi %sub3A_56, %jit3A_57 : i32
    %ne3A_75 = arith.constant 0 : i32
    %ne3A_76 = arith.cmpi ne, %rem3A_74, %ne3A_75 : i32
    %and3A_77 = arith.andi %ne3A_73, %ne3A_76 : i1
    %sub3A_78 = arith.constant 1 : i32
    %sub3A_79 = arith.subi %div3A_58, %sub3A_78 : i32
    %select_n3A_80 = arith.select %and3A_77, %sub3A_79, %div3A_58 : i32
    %while3A_81 = arith.constant 0 : i32
    %while3A_82 = arith.constant 0 : i32
    %while3A_83 = arith.subi %select_n3A_80, %while3A_81 : i32
    %while3A_84 = arith.addi %while3A_81, %while3A_83 : i32
    %while3A_85 = arith.constant 1 : i32
    %while3A_86 = arith.divsi %while3A_83, %while3A_85 : i32
    %while3A_87 = arith.muli %while3A_86, %while3A_85 : i32
    %while3A_88 = arith.addi %while3A_81, %while3A_87 : i32
    %while3A_89 = arith.constant 1 : i32
    %while3A_90 = scf.for %while3A_93 = %while3A_81 to %while3A_88 step %while3A_89 iter_args(%while3A_94 = %while3A_82) -> (i32)  : i32 {
      %mul3A_95 = arith.constant 16 : i32
      %mul3A_96 = arith.muli %while3A_93, %mul3A_95 : i32
      %add3A_97 = arith.addi %arg1, %mul3A_96 : i32
      %mul3A_98 = arith.constant 80 : i32
      %mul3A_99 = arith.muli %add3A_97, %mul3A_98 : i32
      "tpu.region"() ({
        %run_scoped3A = tpu.sem_alloc : memref<!tpu.dma_semaphore, #tpu.memory_space<semaphore_mem>>
        %dma_start3A = arith.constant 0 : i32
        %dma_start3A_101 = tpu.memref_slice %arg11[%mul3A_99, %dma_start3A] : memref<10000x128xf32, #tpu.memory_space<vmem_shared>> -> memref<80x128xf32, #tpu.memory_space<vmem_shared>>
        %dma_start3A_102 = arith.constant 0 : i32
        %dma_start3A_103 = tpu.memref_slice %arg11[%mul3A_99, %dma_start3A_102] : memref<10000x128xf32, #tpu.memory_space<vmem_shared>> -> memref<80x128xf32, #tpu.memory_space<vmem_shared>>
        tpu.enqueue_dma source(%dma_start3A_103 : memref<80x128xf32, #tpu.memory_space<vmem_shared>>) target(%arg10 : memref<80x128xf32, #tpu.memory_space<vmem>>) target_semaphore(%run_scoped3A : memref<!tpu.dma_semaphore, #tpu.memory_space<semaphore_mem>>)
        %dma_wait3A = arith.constant 0 : i32
        %dma_wait3A_104 = tpu.memref_slice %arg11[%mul3A_99, %dma_wait3A] : memref<10000x128xf32, #tpu.memory_space<vmem_shared>> -> memref<80x128xf32, #tpu.memory_space<vmem_shared>>
        %dma_wait3A_105 = arith.constant 0 : i32
        %dma_wait3A_106 = tpu.memref_slice %arg11[%mul3A_99, %dma_wait3A_105] : memref<10000x128xf32, #tpu.memory_space<vmem_shared>> -> memref<80x128xf32, #tpu.memory_space<vmem_shared>>
        tpu.wait_dma2 semaphore(%run_scoped3A : memref<!tpu.dma_semaphore, #tpu.memory_space<semaphore_mem>>) src(%dma_wait3A_106 : memref<80x128xf32, #tpu.memory_space<vmem_shared>>) dst(%arg10 : memref<80x128xf32, #tpu.memory_space<vmem>>)
        tpu.yield
      }) : () -> ()
      "tpu.region"() ({
        %run_scoped3A = tpu.sem_alloc : memref<!tpu.dma_semaphore, #tpu.memory_space<semaphore_mem>>
        %dma_start3A = arith.constant 0 : i32
        %dma_start3A_101 = arith.constant 0 : i32
        %dma_start3A_102 = tpu.memref_slice %arg6[%arg0, %dma_start3A, %dma_start3A_101] : memref<2x10000x128xf32, #tpu.memory_space<hbm>> -> memref<1x10000x128xf32, #tpu.memory_space<hbm>>
        %dma_start3A_103 = tpu.memref_squeeze %dma_start3A_102 : memref<1x10000x128xf32, #tpu.memory_space<hbm>> -> memref<10000x128xf32, #tpu.memory_space<hbm>>
        %dma_start3A_104 = arith.constant 0 : i32
        %dma_start3A_105 = tpu.memref_slice %dma_start3A_103[%mul3A_99, %dma_start3A_104] : memref<10000x128xf32, #tpu.memory_space<hbm>> -> memref<80x128xf32, #tpu.memory_space<hbm>>
        %dma_start3A_106 = arith.constant 0 : i32
        %dma_start3A_107 = arith.constant 0 : i32
        %dma_start3A_108 = tpu.memref_slice %arg6[%arg0, %dma_start3A_106, %dma_start3A_107] : memref<2x10000x128xf32, #tpu.memory_space<hbm>> -> memref<1x10000x128xf32, #tpu.memory_space<hbm>>
        %dma_start3A_109 = tpu.memref_squeeze %dma_start3A_108 : memref<1x10000x128xf32, #tpu.memory_space<hbm>> -> memref<10000x128xf32, #tpu.memory_space<hbm>>
        %dma_start3A_110 = arith.constant 0 : i32
        %dma_start3A_111 = tpu.memref_slice %dma_start3A_109[%mul3A_99, %dma_start3A_110] : memref<10000x128xf32, #tpu.memory_space<hbm>> -> memref<80x128xf32, #tpu.memory_space<hbm>>
        tpu.enqueue_dma source(%arg10 : memref<80x128xf32, #tpu.memory_space<vmem>>) target(%dma_start3A_111 : memref<80x128xf32, #tpu.memory_space<hbm>>) target_semaphore(%run_scoped3A : memref<!tpu.dma_semaphore, #tpu.memory_space<semaphore_mem>>)
        %dma_wait3A = arith.constant 0 : i32
        %dma_wait3A_112 = arith.constant 0 : i32
        %dma_wait3A_113 = tpu.memref_slice %arg6[%arg0, %dma_wait3A, %dma_wait3A_112] : memref<2x10000x128xf32, #tpu.memory_space<hbm>> -> memref<1x10000x128xf32, #tpu.memory_space<hbm>>
        %dma_wait3A_114 = tpu.memref_squeeze %dma_wait3A_113 : memref<1x10000x128xf32, #tpu.memory_space<hbm>> -> memref<10000x128xf32, #tpu.memory_space<hbm>>
        %dma_wait3A_115 = arith.constant 0 : i32
        %dma_wait3A_116 = tpu.memref_slice %dma_wait3A_114[%mul3A_99, %dma_wait3A_115] : memref<10000x128xf32, #tpu.memory_space<hbm>> -> memref<80x128xf32, #tpu.memory_space<hbm>>
        %dma_wait3A_117 = arith.constant 0 : i32
        %dma_wait3A_118 = arith.constant 0 : i32
        %dma_wait3A_119 = tpu.memref_slice %arg6[%arg0, %dma_wait3A_117, %dma_wait3A_118] : memref<2x10000x128xf32, #tpu.memory_space<hbm>> -> memref<1x10000x128xf32, #tpu.memory_space<hbm>>
        %dma_wait3A_120 = tpu.memref_squeeze %dma_wait3A_119 : memref<1x10000x128xf32, #tpu.memory_space<hbm>> -> memref<10000x128xf32, #tpu.memory_space<hbm>>
        %dma_wait3A_121 = arith.constant 0 : i32
        %dma_wait3A_122 = tpu.memref_slice %dma_wait3A_120[%mul3A_99, %dma_wait3A_121] : memref<10000x128xf32, #tpu.memory_space<hbm>> -> memref<80x128xf32, #tpu.memory_space<hbm>>
        tpu.wait_dma2 semaphore(%run_scoped3A : memref<!tpu.dma_semaphore, #tpu.memory_space<semaphore_mem>>) src(%arg10 : memref<80x128xf32, #tpu.memory_space<vmem>>) dst(%dma_wait3A_122 : memref<80x128xf32, #tpu.memory_space<hbm>>)
        tpu.yield
      }) : () -> ()
      %while3A_100 = arith.constant 0 : i32
      scf.yield %while3A_100 : i32
    }
    %while3A_91 = arith.constant 1 : i32
    %while3A_92 = scf.for %while3A_93 = %while3A_88 to %while3A_84 step %while3A_91 iter_args(%while3A_94 = %while3A_90) -> (i32)  : i32 {
      %mul3A_95 = arith.constant 16 : i32
      %mul3A_96 = arith.muli %while3A_93, %mul3A_95 : i32
      %add3A_97 = arith.addi %arg1, %mul3A_96 : i32
      %mul3A_98 = arith.constant 80 : i32
      %mul3A_99 = arith.muli %add3A_97, %mul3A_98 : i32
      "tpu.region"() ({
        %run_scoped3A = tpu.sem_alloc : memref<!tpu.dma_semaphore, #tpu.memory_space<semaphore_mem>>
        %dma_start3A = arith.constant 0 : i32
        %dma_start3A_101 = tpu.memref_slice %arg11[%mul3A_99, %dma_start3A] : memref<10000x128xf32, #tpu.memory_space<vmem_shared>> -> memref<80x128xf32, #tpu.memory_space<vmem_shared>>
        %dma_start3A_102 = arith.constant 0 : i32
        %dma_start3A_103 = tpu.memref_slice %arg11[%mul3A_99, %dma_start3A_102] : memref<10000x128xf32, #tpu.memory_space<vmem_shared>> -> memref<80x128xf32, #tpu.memory_space<vmem_shared>>
        tpu.enqueue_dma source(%dma_start3A_103 : memref<80x128xf32, #tpu.memory_space<vmem_shared>>) target(%arg10 : memref<80x128xf32, #tpu.memory_space<vmem>>) target_semaphore(%run_scoped3A : memref<!tpu.dma_semaphore, #tpu.memory_space<semaphore_mem>>)
        %dma_wait3A = arith.constant 0 : i32
        %dma_wait3A_104 = tpu.memref_slice %arg11[%mul3A_99, %dma_wait3A] : memref<10000x128xf32, #tpu.memory_space<vmem_shared>> -> memref<80x128xf32, #tpu.memory_space<vmem_shared>>
        %dma_wait3A_105 = arith.constant 0 : i32
        %dma_wait3A_106 = tpu.memref_slice %arg11[%mul3A_99, %dma_wait3A_105] : memref<10000x128xf32, #tpu.memory_space<vmem_shared>> -> memref<80x128xf32, #tpu.memory_space<vmem_shared>>
        tpu.wait_dma2 semaphore(%run_scoped3A : memref<!tpu.dma_semaphore, #tpu.memory_space<semaphore_mem>>) src(%dma_wait3A_106 : memref<80x128xf32, #tpu.memory_space<vmem_shared>>) dst(%arg10 : memref<80x128xf32, #tpu.memory_space<vmem>>)
        tpu.yield
      }) : () -> ()
      "tpu.region"() ({
        %run_scoped3A = tpu.sem_alloc : memref<!tpu.dma_semaphore, #tpu.memory_space<semaphore_mem>>
        %dma_start3A = arith.constant 0 : i32
        %dma_start3A_101 = arith.constant 0 : i32
        %dma_start3A_102 = tpu.memref_slice %arg6[%arg0, %dma_start3A, %dma_start3A_101] : memref<2x10000x128xf32, #tpu.memory_space<hbm>> -> memref<1x10000x128xf32, #tpu.memory_space<hbm>>
        %dma_start3A_103 = tpu.memref_squeeze %dma_start3A_102 : memref<1x10000x128xf32, #tpu.memory_space<hbm>> -> memref<10000x128xf32, #tpu.memory_space<hbm>>
        %dma_start3A_104 = arith.constant 0 : i32
        %dma_start3A_105 = tpu.memref_slice %dma_start3A_103[%mul3A_99, %dma_start3A_104] : memref<10000x128xf32, #tpu.memory_space<hbm>> -> memref<80x128xf32, #tpu.memory_space<hbm>>
        %dma_start3A_106 = arith.constant 0 : i32
        %dma_start3A_107 = arith.constant 0 : i32
        %dma_start3A_108 = tpu.memref_slice %arg6[%arg0, %dma_start3A_106, %dma_start3A_107] : memref<2x10000x128xf32, #tpu.memory_space<hbm>> -> memref<1x10000x128xf32, #tpu.memory_space<hbm>>
        %dma_start3A_109 = tpu.memref_squeeze %dma_start3A_108 : memref<1x10000x128xf32, #tpu.memory_space<hbm>> -> memref<10000x128xf32, #tpu.memory_space<hbm>>
        %dma_start3A_110 = arith.constant 0 : i32
        %dma_start3A_111 = tpu.memref_slice %dma_start3A_109[%mul3A_99, %dma_start3A_110] : memref<10000x128xf32, #tpu.memory_space<hbm>> -> memref<80x128xf32, #tpu.memory_space<hbm>>
        tpu.enqueue_dma source(%arg10 : memref<80x128xf32, #tpu.memory_space<vmem>>) target(%dma_start3A_111 : memref<80x128xf32, #tpu.memory_space<hbm>>) target_semaphore(%run_scoped3A : memref<!tpu.dma_semaphore, #tpu.memory_space<semaphore_mem>>)
        %dma_wait3A = arith.constant 0 : i32
        %dma_wait3A_112 = arith.constant 0 : i32
        %dma_wait3A_113 = tpu.memref_slice %arg6[%arg0, %dma_wait3A, %dma_wait3A_112] : memref<2x10000x128xf32, #tpu.memory_space<hbm>> -> memref<1x10000x128xf32, #tpu.memory_space<hbm>>
        %dma_wait3A_114 = tpu.memref_squeeze %dma_wait3A_113 : memref<1x10000x128xf32, #tpu.memory_space<hbm>> -> memref<10000x128xf32, #tpu.memory_space<hbm>>
        %dma_wait3A_115 = arith.constant 0 : i32
        %dma_wait3A_116 = tpu.memref_slice %dma_wait3A_114[%mul3A_99, %dma_wait3A_115] : memref<10000x128xf32, #tpu.memory_space<hbm>> -> memref<80x128xf32, #tpu.memory_space<hbm>>
        %dma_wait3A_117 = arith.constant 0 : i32
        %dma_wait3A_118 = arith.constant 0 : i32
        %dma_wait3A_119 = tpu.memref_slice %arg6[%arg0, %dma_wait3A_117, %dma_wait3A_118] : memref<2x10000x128xf32, #tpu.memory_space<hbm>> -> memref<1x10000x128xf32, #tpu.memory_space<hbm>>
        %dma_wait3A_120 = tpu.memref_squeeze %dma_wait3A_119 : memref<1x10000x128xf32, #tpu.memory_space<hbm>> -> memref<10000x128xf32, #tpu.memory_space<hbm>>
        %dma_wait3A_121 = arith.constant 0 : i32
        %dma_wait3A_122 = tpu.memref_slice %dma_wait3A_120[%mul3A_99, %dma_wait3A_121] : memref<10000x128xf32, #tpu.memory_space<hbm>> -> memref<80x128xf32, #tpu.memory_space<hbm>>
        tpu.wait_dma2 semaphore(%run_scoped3A : memref<!tpu.dma_semaphore, #tpu.memory_space<semaphore_mem>>) src(%arg10 : memref<80x128xf32, #tpu.memory_space<vmem>>) dst(%dma_wait3A_122 : memref<80x128xf32, #tpu.memory_space<hbm>>)
        tpu.yield
      }) : () -> ()
      %while3A_100 = arith.constant 0 : i32
      scf.yield %while3A_100 : i32
    }
    return
  }
}

#map = affine_map<(d0, d1) -> (0, 0, 0)>
#map1 = affine_map<(d0, d1) -> (0, 0)>
module attributes {stable_mosaic.version = 14 : i64} {
  func.func @_hop(%arg0: i32, %arg1: i32, %arg2: memref<32x125x80xi32, #tpu.memory_space<hbm>>, %arg3: memref<32x125x80xi32, #tpu.memory_space<hbm>>, %arg4: memref<320000x16xf32, #tpu.memory_space<hbm>>, %arg5: memref<10000x128xf32, #tpu.memory_space<hbm>>, %arg6: memref<2x10000x128xf32, #tpu.memory_space<hbm>>, %arg7: memref<125x80xi32, #tpu.memory_space<vmem>>, %arg8: memref<125x80xi32, #tpu.memory_space<vmem>>, %arg9: memref<80x16xf32, #tpu.memory_space<vmem>>, %arg10: memref<80x128xf32, #tpu.memory_space<vmem>>, %arg11: memref<10000x128xf32, #tpu.memory_space<vmem_shared>>) attributes {dimension_semantics = [#tpu.dimension_semantics<core_parallel>, #tpu.dimension_semantics<subcore_parallel>], iteration_bounds = array<i64: 2, 16>, scalar_prefetch = 0 : i64, scratch_operands = 5 : i64, tpu.core_type = #tpu.core_type<sc_vector_subcore>, window_params = [{transform_indices = #map}, {transform_indices = #map}, {transform_indices = #map1}, {transform_indices = #map1}, {transform_indices = #map}]} {
    %mul3A = arith.constant 16 : i32
    %mul3A_0 = arith.muli %arg0, %mul3A : i32
    %add3A = arith.addi %mul3A_0, %arg1 : i32
    %broadcast_in_dim3A = arith.constant 0.000000e+00 : f32
    %broadcast_in_dim3A_1 = vector.broadcast %broadcast_in_dim3A : f32 to vector<16xf32>
    %scan3A = arith.constant 0 : i32
    %scan3A_2 = arith.constant 0 : i32
    %scan3A_3 = arith.constant 80 : i32
    %scan3A_4 = arith.addi %scan3A_2, %scan3A_3 : i32
    %scan3A_5 = arith.constant 1 : i32
    %scan3A_6 = scf.for %scan3A_93 = %scan3A_2 to %scan3A_4 step %scan3A_5 iter_args(%scan3A_94 = %scan3A) -> (i32)  : i32 {
      %swap3A = arith.index_cast %scan3A_93 : i32 to index
      %swap3A_95 = arith.constant 0 : index
      %swap3A_96 = tpu.vector_load %arg10[%swap3A, %swap3A_95] {strides = array<i32>} : memref<80x128xf32, #tpu.memory_space<vmem>>, vector<1x16xf32>,
      %swap3A_97 = vector.shape_cast %swap3A_96 : vector<1x16xf32> to vector<16xf32>
      %swap3A_98 = vector.shape_cast %broadcast_in_dim3A_1 : vector<16xf32> to vector<1x16xf32>
      tpu.vector_store %arg10[%swap3A, %swap3A_95], %swap3A_98 {strides = array<i32>} : memref<80x128xf32, #tpu.memory_space<vmem>>, vector<1x16xf32>,
      %swap3A_99 = arith.index_cast %scan3A_93 : i32 to index
      %swap3A_100 = arith.constant 16 : index
      %swap3A_101 = tpu.vector_load %arg10[%swap3A_99, %swap3A_100] {strides = array<i32>} : memref<80x128xf32, #tpu.memory_space<vmem>>, vector<1x16xf32>,
      %swap3A_102 = vector.shape_cast %swap3A_101 : vector<1x16xf32> to vector<16xf32>
      %swap3A_103 = vector.shape_cast %broadcast_in_dim3A_1 : vector<16xf32> to vector<1x16xf32>
      tpu.vector_store %arg10[%swap3A_99, %swap3A_100], %swap3A_103 {strides = array<i32>} : memref<80x128xf32, #tpu.memory_space<vmem>>, vector<1x16xf32>,
      %swap3A_104 = arith.index_cast %scan3A_93 : i32 to index
      %swap3A_105 = arith.constant 32 : index
      %swap3A_106 = tpu.vector_load %arg10[%swap3A_104, %swap3A_105] {strides = array<i32>} : memref<80x128xf32, #tpu.memory_space<vmem>>, vector<1x16xf32>,
      %swap3A_107 = vector.shape_cast %swap3A_106 : vector<1x16xf32> to vector<16xf32>
      %swap3A_108 = vector.shape_cast %broadcast_in_dim3A_1 : vector<16xf32> to vector<1x16xf32>
      tpu.vector_store %arg10[%swap3A_104, %swap3A_105], %swap3A_108 {strides = array<i32>} : memref<80x128xf32, #tpu.memory_space<vmem>>, vector<1x16xf32>,
      %swap3A_109 = arith.index_cast %scan3A_93 : i32 to index
      %swap3A_110 = arith.constant 48 : index
      %swap3A_111 = tpu.vector_load %arg10[%swap3A_109, %swap3A_110] {strides = array<i32>} : memref<80x128xf32, #tpu.memory_space<vmem>>, vector<1x16xf32>,
      %swap3A_112 = vector.shape_cast %swap3A_111 : vector<1x16xf32> to vector<16xf32>
      %swap3A_113 = vector.shape_cast %broadcast_in_dim3A_1 : vector<16xf32> to vector<1x16xf32>
      tpu.vector_store %arg10[%swap3A_109, %swap3A_110], %swap3A_113 {strides = array<i32>} : memref<80x128xf32, #tpu.memory_space<vmem>>, vector<1x16xf32>,
      %swap3A_114 = arith.index_cast %scan3A_93 : i32 to index
      %swap3A_115 = arith.constant 64 : index
      %swap3A_116 = tpu.vector_load %arg10[%swap3A_114, %swap3A_115] {strides = array<i32>} : memref<80x128xf32, #tpu.memory_space<vmem>>, vector<1x16xf32>,
      %swap3A_117 = vector.shape_cast %swap3A_116 : vector<1x16xf32> to vector<16xf32>
      %swap3A_118 = vector.shape_cast %broadcast_in_dim3A_1 : vector<16xf32> to vector<1x16xf32>
      tpu.vector_store %arg10[%swap3A_114, %swap3A_115], %swap3A_118 {strides = array<i32>} : memref<80x128xf32, #tpu.memory_space<vmem>>, vector<1x16xf32>,
      %swap3A_119 = arith.index_cast %scan3A_93 : i32 to index
      %swap3A_120 = arith.constant 80 : index
      %swap3A_121 = tpu.vector_load %arg10[%swap3A_119, %swap3A_120] {strides = array<i32>} : memref<80x128xf32, #tpu.memory_space<vmem>>, vector<1x16xf32>,
      %swap3A_122 = vector.shape_cast %swap3A_121 : vector<1x16xf32> to vector<16xf32>
      %swap3A_123 = vector.shape_cast %broadcast_in_dim3A_1 : vector<16xf32> to vector<1x16xf32>
      tpu.vector_store %arg10[%swap3A_119, %swap3A_120], %swap3A_123 {strides = array<i32>} : memref<80x128xf32, #tpu.memory_space<vmem>>, vector<1x16xf32>,
      %swap3A_124 = arith.index_cast %scan3A_93 : i32 to index
      %swap3A_125 = arith.constant 96 : index
      %swap3A_126 = tpu.vector_load %arg10[%swap3A_124, %swap3A_125] {strides = array<i32>} : memref<80x128xf32, #tpu.memory_space<vmem>>, vector<1x16xf32>,
      %swap3A_127 = vector.shape_cast %swap3A_126 : vector<1x16xf32> to vector<16xf32>
      %swap3A_128 = vector.shape_cast %broadcast_in_dim3A_1 : vector<16xf32> to vector<1x16xf32>
      tpu.vector_store %arg10[%swap3A_124, %swap3A_125], %swap3A_128 {strides = array<i32>} : memref<80x128xf32, #tpu.memory_space<vmem>>, vector<1x16xf32>,
      %swap3A_129 = arith.index_cast %scan3A_93 : i32 to index
      %swap3A_130 = arith.constant 112 : index
      %swap3A_131 = tpu.vector_load %arg10[%swap3A_129, %swap3A_130] {strides = array<i32>} : memref<80x128xf32, #tpu.memory_space<vmem>>, vector<1x16xf32>,
      %swap3A_132 = vector.shape_cast %swap3A_131 : vector<1x16xf32> to vector<16xf32>
      %swap3A_133 = vector.shape_cast %broadcast_in_dim3A_1 : vector<16xf32> to vector<1x16xf32>
      tpu.vector_store %arg10[%swap3A_129, %swap3A_130], %swap3A_133 {strides = array<i32>} : memref<80x128xf32, #tpu.memory_space<vmem>>, vector<1x16xf32>,
      %scan3A_134 = arith.constant 0 : i32
      scf.yield %scan3A_134 : i32
    }
    %scan3A_7 = arith.constant 80 : i32
    %sub3A = arith.constant 125 : i32
    %sub3A_8 = arith.subi %sub3A, %arg1 : i32
    %add3A_9 = arith.constant 16 : i32
    %add3A_10 = arith.addi %sub3A_8, %add3A_9 : i32
    %sub3A_11 = arith.constant 1 : i32
    %sub3A_12 = arith.subi %add3A_10, %sub3A_11 : i32
    %jit3A = arith.constant 16 : i32
    %div3A = arith.divsi %sub3A_12, %jit3A : i32
    %sign3A = arith.constant 0 : i32
    %sign3A_13 = arith.cmpi sgt, %sub3A_12, %sign3A : i32
    %sign3A_14 = arith.extui %sign3A_13 : i1 to i32
    %sign3A_15 = arith.constant 0 : i32
    %sign3A_16 = arith.cmpi slt, %sub3A_12, %sign3A_15 : i32
    %sign3A_17 = arith.extui %sign3A_16 : i1 to i32
    %sign3A_18 = arith.subi %sign3A_14, %sign3A_17 : i32
    %sign3A_19 = arith.constant 0 : i32
    %sign3A_20 = arith.cmpi sgt, %jit3A, %sign3A_19 : i32
    %sign3A_21 = arith.extui %sign3A_20 : i1 to i32
    %sign3A_22 = arith.constant 0 : i32
    %sign3A_23 = arith.cmpi slt, %jit3A, %sign3A_22 : i32
    %sign3A_24 = arith.extui %sign3A_23 : i1 to i32
    %sign3A_25 = arith.subi %sign3A_21, %sign3A_24 : i32
    %ne3A = arith.cmpi ne, %sign3A_18, %sign3A_25 : i32
    %rem3A = arith.remsi %sub3A_12, %jit3A : i32
    %ne3A_26 = arith.constant 0 : i32
    %ne3A_27 = arith.cmpi ne, %rem3A, %ne3A_26 : i32
    %and3A = arith.andi %ne3A, %ne3A_27 : i1
    %sub3A_28 = arith.constant 1 : i32
    %sub3A_29 = arith.subi %div3A, %sub3A_28 : i32
    %select_n3A = arith.select %and3A, %sub3A_29, %div3A : i32
    %while3A = arith.constant 0 : i32
    %while3A_30 = arith.constant 0 : i32
    %while3A_31 = arith.subi %select_n3A, %while3A : i32
    %while3A_32 = arith.addi %while3A, %while3A_31 : i32
    %while3A_33 = arith.constant 1 : i32
    %while3A_34 = arith.divsi %while3A_31, %while3A_33 : i32
    %while3A_35 = arith.muli %while3A_34, %while3A_33 : i32
    %while3A_36 = arith.addi %while3A, %while3A_35 : i32
    %while3A_37 = arith.constant 1 : i32
    %while3A_38 = scf.for %while3A_93 = %while3A to %while3A_36 step %while3A_37 iter_args(%while3A_94 = %while3A_30) -> (i32)  : i32 {
      %mul3A_95 = arith.constant 16 : i32
      %mul3A_96 = arith.muli %while3A_93, %mul3A_95 : i32
      %add3A_97 = arith.addi %arg1, %mul3A_96 : i32
      %mul3A_98 = arith.constant 80 : i32
      %mul3A_99 = arith.muli %add3A_97, %mul3A_98 : i32
      "tpu.region"() ({
        %run_scoped3A = tpu.sem_alloc : memref<!tpu.dma_semaphore, #tpu.memory_space<semaphore_mem>>
        %dma_start3A = arith.constant 0 : i32
        %dma_start3A_101 = tpu.memref_slice %arg11[%mul3A_99, %dma_start3A] : memref<10000x128xf32, #tpu.memory_space<vmem_shared>> -> memref<80x128xf32, #tpu.memory_space<vmem_shared>>
        %dma_start3A_102 = arith.constant 0 : i32
        %dma_start3A_103 = tpu.memref_slice %arg11[%mul3A_99, %dma_start3A_102] : memref<10000x128xf32, #tpu.memory_space<vmem_shared>> -> memref<80x128xf32, #tpu.memory_space<vmem_shared>>
        tpu.enqueue_dma source(%arg10 : memref<80x128xf32, #tpu.memory_space<vmem>>) target(%dma_start3A_103 : memref<80x128xf32, #tpu.memory_space<vmem_shared>>) target_semaphore(%run_scoped3A : memref<!tpu.dma_semaphore, #tpu.memory_space<semaphore_mem>>)
        %dma_wait3A = arith.constant 0 : i32
        %dma_wait3A_104 = tpu.memref_slice %arg11[%mul3A_99, %dma_wait3A] : memref<10000x128xf32, #tpu.memory_space<vmem_shared>> -> memref<80x128xf32, #tpu.memory_space<vmem_shared>>
        %dma_wait3A_105 = arith.constant 0 : i32
        %dma_wait3A_106 = tpu.memref_slice %arg11[%mul3A_99, %dma_wait3A_105] : memref<10000x128xf32, #tpu.memory_space<vmem_shared>> -> memref<80x128xf32, #tpu.memory_space<vmem_shared>>
        tpu.wait_dma2 semaphore(%run_scoped3A : memref<!tpu.dma_semaphore, #tpu.memory_space<semaphore_mem>>) src(%arg10 : memref<80x128xf32, #tpu.memory_space<vmem>>) dst(%dma_wait3A_106 : memref<80x128xf32, #tpu.memory_space<vmem_shared>>)
        tpu.yield
      }) : () -> ()
      %while3A_100 = arith.constant 0 : i32
      scf.yield %while3A_100 : i32
    }
    %while3A_39 = arith.constant 1 : i32
    %while3A_40 = scf.for %while3A_93 = %while3A_36 to %while3A_32 step %while3A_39 iter_args(%while3A_94 = %while3A_38) -> (i32)  : i32 {
      %mul3A_95 = arith.constant 16 : i32
      %mul3A_96 = arith.muli %while3A_93, %mul3A_95 : i32
      %add3A_97 = arith.addi %arg1, %mul3A_96 : i32
      %mul3A_98 = arith.constant 80 : i32
      %mul3A_99 = arith.muli %add3A_97, %mul3A_98 : i32
      "tpu.region"() ({
        %run_scoped3A = tpu.sem_alloc : memref<!tpu.dma_semaphore, #tpu.memory_space<semaphore_mem>>
        %dma_start3A = arith.constant 0 : i32
        %dma_start3A_101 = tpu.memref_slice %arg11[%mul3A_99, %dma_start3A] : memref<10000x128xf32, #tpu.memory_space<vmem_shared>> -> memref<80x128xf32, #tpu.memory_space<vmem_shared>>
        %dma_start3A_102 = arith.constant 0 : i32
        %dma_start3A_103 = tpu.memref_slice %arg11[%mul3A_99, %dma_start3A_102] : memref<10000x128xf32, #tpu.memory_space<vmem_shared>> -> memref<80x128xf32, #tpu.memory_space<vmem_shared>>
        tpu.enqueue_dma source(%arg10 : memref<80x128xf32, #tpu.memory_space<vmem>>) target(%dma_start3A_103 : memref<80x128xf32, #tpu.memory_space<vmem_shared>>) target_semaphore(%run_scoped3A : memref<!tpu.dma_semaphore, #tpu.memory_space<semaphore_mem>>)
        %dma_wait3A = arith.constant 0 : i32
        %dma_wait3A_104 = tpu.memref_slice %arg11[%mul3A_99, %dma_wait3A] : memref<10000x128xf32, #tpu.memory_space<vmem_shared>> -> memref<80x128xf32, #tpu.memory_space<vmem_shared>>
        %dma_wait3A_105 = arith.constant 0 : i32
        %dma_wait3A_106 = tpu.memref_slice %arg11[%mul3A_99, %dma_wait3A_105] : memref<10000x128xf32, #tpu.memory_space<vmem_shared>> -> memref<80x128xf32, #tpu.memory_space<vmem_shared>>
        tpu.wait_dma2 semaphore(%run_scoped3A : memref<!tpu.dma_semaphore, #tpu.memory_space<semaphore_mem>>) src(%arg10 : memref<80x128xf32, #tpu.memory_space<vmem>>) dst(%dma_wait3A_106 : memref<80x128xf32, #tpu.memory_space<vmem_shared>>)
        tpu.yield
      }) : () -> ()
      %while3A_100 = arith.constant 0 : i32
      scf.yield %while3A_100 : i32
    }
    "tpu.region"() ({
      %run_scoped3A = tpu.sem_alloc : memref<!tpu.dma_semaphore, #tpu.memory_space<semaphore_mem>>
      %dma_start3A = arith.constant 0 : i32
      %dma_start3A_93 = arith.constant 0 : i32
      %dma_start3A_94 = tpu.memref_slice %arg2[%add3A, %dma_start3A, %dma_start3A_93] : memref<32x125x80xi32, #tpu.memory_space<hbm>> -> memref<1x125x80xi32, #tpu.memory_space<hbm>>
      %dma_start3A_95 = tpu.memref_squeeze %dma_start3A_94 : memref<1x125x80xi32, #tpu.memory_space<hbm>> -> memref<125x80xi32, #tpu.memory_space<hbm>>
      %dma_start3A_96 = arith.constant 0 : i32
      %dma_start3A_97 = arith.constant 0 : i32
      %dma_start3A_98 = tpu.memref_slice %arg2[%add3A, %dma_start3A_96, %dma_start3A_97] : memref<32x125x80xi32, #tpu.memory_space<hbm>> -> memref<1x125x80xi32, #tpu.memory_space<hbm>>
      %dma_start3A_99 = tpu.memref_squeeze %dma_start3A_98 : memref<1x125x80xi32, #tpu.memory_space<hbm>> -> memref<125x80xi32, #tpu.memory_space<hbm>>
      tpu.enqueue_dma source(%dma_start3A_99 : memref<125x80xi32, #tpu.memory_space<hbm>>) target(%arg7 : memref<125x80xi32, #tpu.memory_space<vmem>>) target_semaphore(%run_scoped3A : memref<!tpu.dma_semaphore, #tpu.memory_space<semaphore_mem>>)
      %dma_wait3A = arith.constant 0 : i32
      %dma_wait3A_100 = arith.constant 0 : i32
      %dma_wait3A_101 = tpu.memref_slice %arg2[%add3A, %dma_wait3A, %dma_wait3A_100] : memref<32x125x80xi32, #tpu.memory_space<hbm>> -> memref<1x125x80xi32, #tpu.memory_space<hbm>>
      %dma_wait3A_102 = tpu.memref_squeeze %dma_wait3A_101 : memref<1x125x80xi32, #tpu.memory_space<hbm>> -> memref<125x80xi32, #tpu.memory_space<hbm>>
      %dma_wait3A_103 = arith.constant 0 : i32
      %dma_wait3A_104 = arith.constant 0 : i32
      %dma_wait3A_105 = tpu.memref_slice %arg2[%add3A, %dma_wait3A_103, %dma_wait3A_104] : memref<32x125x80xi32, #tpu.memory_space<hbm>> -> memref<1x125x80xi32, #tpu.memory_space<hbm>>
      %dma_wait3A_106 = tpu.memref_squeeze %dma_wait3A_105 : memref<1x125x80xi32, #tpu.memory_space<hbm>> -> memref<125x80xi32, #tpu.memory_space<hbm>>
      tpu.wait_dma2 semaphore(%run_scoped3A : memref<!tpu.dma_semaphore, #tpu.memory_space<semaphore_mem>>) src(%dma_wait3A_106 : memref<125x80xi32, #tpu.memory_space<hbm>>) dst(%arg7 : memref<125x80xi32, #tpu.memory_space<vmem>>)
      tpu.yield
    }) : () -> ()
    "tpu.region"() ({
      %run_scoped3A = tpu.sem_alloc : memref<!tpu.dma_semaphore, #tpu.memory_space<semaphore_mem>>
      %dma_start3A = arith.constant 0 : i32
      %dma_start3A_93 = arith.constant 0 : i32
      %dma_start3A_94 = tpu.memref_slice %arg3[%add3A, %dma_start3A, %dma_start3A_93] : memref<32x125x80xi32, #tpu.memory_space<hbm>> -> memref<1x125x80xi32, #tpu.memory_space<hbm>>
      %dma_start3A_95 = tpu.memref_squeeze %dma_start3A_94 : memref<1x125x80xi32, #tpu.memory_space<hbm>> -> memref<125x80xi32, #tpu.memory_space<hbm>>
      %dma_start3A_96 = arith.constant 0 : i32
      %dma_start3A_97 = arith.constant 0 : i32
      %dma_start3A_98 = tpu.memref_slice %arg3[%add3A, %dma_start3A_96, %dma_start3A_97] : memref<32x125x80xi32, #tpu.memory_space<hbm>> -> memref<1x125x80xi32, #tpu.memory_space<hbm>>
      %dma_start3A_99 = tpu.memref_squeeze %dma_start3A_98 : memref<1x125x80xi32, #tpu.memory_space<hbm>> -> memref<125x80xi32, #tpu.memory_space<hbm>>
      tpu.enqueue_dma source(%dma_start3A_99 : memref<125x80xi32, #tpu.memory_space<hbm>>) target(%arg8 : memref<125x80xi32, #tpu.memory_space<vmem>>) target_semaphore(%run_scoped3A : memref<!tpu.dma_semaphore, #tpu.memory_space<semaphore_mem>>)
      %dma_wait3A = arith.constant 0 : i32
      %dma_wait3A_100 = arith.constant 0 : i32
      %dma_wait3A_101 = tpu.memref_slice %arg3[%add3A, %dma_wait3A, %dma_wait3A_100] : memref<32x125x80xi32, #tpu.memory_space<hbm>> -> memref<1x125x80xi32, #tpu.memory_space<hbm>>
      %dma_wait3A_102 = tpu.memref_squeeze %dma_wait3A_101 : memref<1x125x80xi32, #tpu.memory_space<hbm>> -> memref<125x80xi32, #tpu.memory_space<hbm>>
      %dma_wait3A_103 = arith.constant 0 : i32
      %dma_wait3A_104 = arith.constant 0 : i32
      %dma_wait3A_105 = tpu.memref_slice %arg3[%add3A, %dma_wait3A_103, %dma_wait3A_104] : memref<32x125x80xi32, #tpu.memory_space<hbm>> -> memref<1x125x80xi32, #tpu.memory_space<hbm>>
      %dma_wait3A_106 = tpu.memref_squeeze %dma_wait3A_105 : memref<1x125x80xi32, #tpu.memory_space<hbm>> -> memref<125x80xi32, #tpu.memory_space<hbm>>
      tpu.wait_dma2 semaphore(%run_scoped3A : memref<!tpu.dma_semaphore, #tpu.memory_space<semaphore_mem>>) src(%dma_wait3A_106 : memref<125x80xi32, #tpu.memory_space<hbm>>) dst(%arg8 : memref<125x80xi32, #tpu.memory_space<vmem>>)
      tpu.yield
    }) : () -> ()
    %barrier3A = arith.constant 0 : index
    tpu.barrier barrier_id(%barrier3A)
    %mul3A_41 = arith.constant 10000 : i32
    %mul3A_42 = arith.muli %add3A, %mul3A_41 : i32
    %scan3A_43 = arith.constant 0 : i32
    %scan3A_44 = arith.constant 0 : i32
    %scan3A_45 = arith.constant 125 : i32
    %scan3A_46 = arith.addi %scan3A_44, %scan3A_45 : i32
    %scan3A_47 = arith.constant 1 : i32
    %scan3A_48 = scf.for %scan3A_93 = %scan3A_44 to %scan3A_46 step %scan3A_47 iter_args(%scan3A_94 = %scan3A_43) -> (i32)  : i32 {
      "tpu.region"() ({
        %run_scoped3A = tpu.sem_alloc : memref<!tpu.dma_semaphore, #tpu.memory_space<semaphore_mem>>
        %dma_start3A = arith.constant 0 : i32
        %dma_start3A_106 = tpu.memref_slice %arg7[%scan3A_93, %dma_start3A] : memref<125x80xi32, #tpu.memory_space<vmem>> -> memref<1x80xi32, #tpu.memory_space<vmem>>
        %dma_start3A_107 = tpu.memref_squeeze %dma_start3A_106 : memref<1x80xi32, #tpu.memory_space<vmem>> -> memref<80xi32, #tpu.memory_space<vmem>>
        %dma_start3A_108 = arith.constant 0 : i32
        %dma_start3A_109 = arith.constant 0 : i32
        %dma_start3A_110 = tpu.memref_slice %arg5[%dma_start3A_108, %dma_start3A_109] : memref<10000x128xf32, #tpu.memory_space<hbm>> -> memref<10000x128xf32, #tpu.memory_space<hbm>>
        tpu.enqueue_indirect_dma source(%dma_start3A_110 : memref<10000x128xf32, #tpu.memory_space<hbm>>) target(%arg10 : memref<80x128xf32, #tpu.memory_space<vmem>>) offsets(%dma_start3A_107 : memref<80xi32, #tpu.memory_space<vmem>>) semaphore(%run_scoped3A : memref<!tpu.dma_semaphore, #tpu.memory_space<semaphore_mem>>)
        %dma_wait3A = arith.constant 0 : i32
        %dma_wait3A_111 = tpu.memref_slice %arg7[%scan3A_93, %dma_wait3A] : memref<125x80xi32, #tpu.memory_space<vmem>> -> memref<1x80xi32, #tpu.memory_space<vmem>>
        %dma_wait3A_112 = tpu.memref_squeeze %dma_wait3A_111 : memref<1x80xi32, #tpu.memory_space<vmem>> -> memref<80xi32, #tpu.memory_space<vmem>>
        %dma_wait3A_113 = arith.constant 0 : i32
        %dma_wait3A_114 = arith.constant 0 : i32
        %dma_wait3A_115 = tpu.memref_slice %arg5[%dma_wait3A_113, %dma_wait3A_114] : memref<10000x128xf32, #tpu.memory_space<hbm>> -> memref<10000x128xf32, #tpu.memory_space<hbm>>
        tpu.wait_indirect_dma semaphore(%run_scoped3A : memref<!tpu.dma_semaphore, #tpu.memory_space<semaphore_mem>>) src(%dma_wait3A_115 : memref<10000x128xf32, #tpu.memory_space<hbm>>) dst(%arg10 : memref<80x128xf32, #tpu.memory_space<vmem>>)
        tpu.yield
      }) : () -> ()
      %mul3A_95 = arith.constant 80 : i32
      %mul3A_96 = arith.muli %scan3A_93, %mul3A_95 : i32
      %add3A_97 = arith.addi %mul3A_42, %mul3A_96 : i32
      "tpu.region"() ({
        %run_scoped3A = tpu.sem_alloc : memref<!tpu.dma_semaphore, #tpu.memory_space<semaphore_mem>>
        %dma_start3A = arith.constant 0 : i32
        %dma_start3A_106 = tpu.memref_slice %arg4[%add3A_97, %dma_start3A] : memref<320000x16xf32, #tpu.memory_space<hbm>> -> memref<80x16xf32, #tpu.memory_space<hbm>>
        %dma_start3A_107 = arith.constant 0 : i32
        %dma_start3A_108 = tpu.memref_slice %arg4[%add3A_97, %dma_start3A_107] : memref<320000x16xf32, #tpu.memory_space<hbm>> -> memref<80x16xf32, #tpu.memory_space<hbm>>
        tpu.enqueue_dma source(%dma_start3A_108 : memref<80x16xf32, #tpu.memory_space<hbm>>) target(%arg9 : memref<80x16xf32, #tpu.memory_space<vmem>>) target_semaphore(%run_scoped3A : memref<!tpu.dma_semaphore, #tpu.memory_space<semaphore_mem>>)
        %dma_wait3A = arith.constant 0 : i32
        %dma_wait3A_109 = tpu.memref_slice %arg4[%add3A_97, %dma_wait3A] : memref<320000x16xf32, #tpu.memory_space<hbm>> -> memref<80x16xf32, #tpu.memory_space<hbm>>
        %dma_wait3A_110 = arith.constant 0 : i32
        %dma_wait3A_111 = tpu.memref_slice %arg4[%add3A_97, %dma_wait3A_110] : memref<320000x16xf32, #tpu.memory_space<hbm>> -> memref<80x16xf32, #tpu.memory_space<hbm>>
        tpu.wait_dma2 semaphore(%run_scoped3A : memref<!tpu.dma_semaphore, #tpu.memory_space<semaphore_mem>>) src(%dma_wait3A_111 : memref<80x16xf32, #tpu.memory_space<hbm>>) dst(%arg9 : memref<80x16xf32, #tpu.memory_space<vmem>>)
        tpu.yield
      }) : () -> ()
      %scan3A_98 = arith.constant 0 : i32
      %scan3A_99 = arith.constant 0 : i32
      %scan3A_100 = arith.constant 80 : i32
      %scan3A_101 = arith.addi %scan3A_99, %scan3A_100 : i32
      %scan3A_102 = arith.constant 1 : i32
      %scan3A_103 = scf.for %scan3A_106 = %scan3A_99 to %scan3A_101 step %scan3A_102 iter_args(%scan3A_107 = %scan3A_98) -> (i32)  : i32 {
        %get3A = arith.index_cast %scan3A_106 : i32 to index
        %get3A_108 = arith.constant 0 : index
        %get3A_109 = tpu.vector_load %arg9[%get3A, %get3A_108] {strides = array<i32>} : memref<80x16xf32, #tpu.memory_space<vmem>>, vector<1x16xf32>,
        %get3A_110 = vector.shape_cast %get3A_109 : vector<1x16xf32> to vector<16xf32>
        %get3A_111 = arith.index_cast %scan3A_106 : i32 to index
        %get3A_112 = arith.constant 0 : index
        %get3A_113 = tpu.vector_load %arg10[%get3A_111, %get3A_112] {strides = array<i32>} : memref<80x128xf32, #tpu.memory_space<vmem>>, vector<1x16xf32>,
        %get3A_114 = vector.shape_cast %get3A_113 : vector<1x16xf32> to vector<16xf32>
        %slice3A = vector.extract_strided_slice %get3A_110 {offsets = [0], sizes = [1], strides = [1]} : vector<16xf32> to vector<1xf32>
        %squeeze3A = vector.extract %slice3A[0] : f32 from vector<1xf32>
        %mul3A_115 = vector.broadcast %squeeze3A : f32 to vector<16xf32>
        %mul3A_116 = arith.mulf %get3A_114, %mul3A_115 : vector<16xf32>
        %swap3A = arith.index_cast %scan3A_106 : i32 to index
        %swap3A_117 = arith.constant 0 : index
        %swap3A_118 = tpu.vector_load %arg10[%swap3A, %swap3A_117] {strides = array<i32>} : memref<80x128xf32, #tpu.memory_space<vmem>>, vector<1x16xf32>,
        %swap3A_119 = vector.shape_cast %swap3A_118 : vector<1x16xf32> to vector<16xf32>
        %swap3A_120 = vector.shape_cast %mul3A_116 : vector<16xf32> to vector<1x16xf32>
        tpu.vector_store %arg10[%swap3A, %swap3A_117], %swap3A_120 {strides = array<i32>} : memref<80x128xf32, #tpu.memory_space<vmem>>, vector<1x16xf32>,
        %get3A_121 = arith.index_cast %scan3A_106 : i32 to index
        %get3A_122 = arith.constant 16 : index
        %get3A_123 = tpu.vector_load %arg10[%get3A_121, %get3A_122] {strides = array<i32>} : memref<80x128xf32, #tpu.memory_space<vmem>>, vector<1x16xf32>,
        %get3A_124 = vector.shape_cast %get3A_123 : vector<1x16xf32> to vector<16xf32>
        %slice3A_125 = vector.extract_strided_slice %get3A_110 {offsets = [1], sizes = [1], strides = [1]} : vector<16xf32> to vector<1xf32>
        %squeeze3A_126 = vector.extract %slice3A_125[0] : f32 from vector<1xf32>
        %mul3A_127 = vector.broadcast %squeeze3A_126 : f32 to vector<16xf32>
        %mul3A_128 = arith.mulf %get3A_124, %mul3A_127 : vector<16xf32>
        %swap3A_129 = arith.index_cast %scan3A_106 : i32 to index
        %swap3A_130 = arith.constant 16 : index
        %swap3A_131 = tpu.vector_load %arg10[%swap3A_129, %swap3A_130] {strides = array<i32>} : memref<80x128xf32, #tpu.memory_space<vmem>>, vector<1x16xf32>,
        %swap3A_132 = vector.shape_cast %swap3A_131 : vector<1x16xf32> to vector<16xf32>
        %swap3A_133 = vector.shape_cast %mul3A_128 : vector<16xf32> to vector<1x16xf32>
        tpu.vector_store %arg10[%swap3A_129, %swap3A_130], %swap3A_133 {strides = array<i32>} : memref<80x128xf32, #tpu.memory_space<vmem>>, vector<1x16xf32>,
        %get3A_134 = arith.index_cast %scan3A_106 : i32 to index
        %get3A_135 = arith.constant 32 : index
        %get3A_136 = tpu.vector_load %arg10[%get3A_134, %get3A_135] {strides = array<i32>} : memref<80x128xf32, #tpu.memory_space<vmem>>, vector<1x16xf32>,
        %get3A_137 = vector.shape_cast %get3A_136 : vector<1x16xf32> to vector<16xf32>
        %slice3A_138 = vector.extract_strided_slice %get3A_110 {offsets = [2], sizes = [1], strides = [1]} : vector<16xf32> to vector<1xf32>
        %squeeze3A_139 = vector.extract %slice3A_138[0] : f32 from vector<1xf32>
        %mul3A_140 = vector.broadcast %squeeze3A_139 : f32 to vector<16xf32>
        %mul3A_141 = arith.mulf %get3A_137, %mul3A_140 : vector<16xf32>
        %swap3A_142 = arith.index_cast %scan3A_106 : i32 to index
        %swap3A_143 = arith.constant 32 : index
        %swap3A_144 = tpu.vector_load %arg10[%swap3A_142, %swap3A_143] {strides = array<i32>} : memref<80x128xf32, #tpu.memory_space<vmem>>, vector<1x16xf32>,
        %swap3A_145 = vector.shape_cast %swap3A_144 : vector<1x16xf32> to vector<16xf32>
        %swap3A_146 = vector.shape_cast %mul3A_141 : vector<16xf32> to vector<1x16xf32>
        tpu.vector_store %arg10[%swap3A_142, %swap3A_143], %swap3A_146 {strides = array<i32>} : memref<80x128xf32, #tpu.memory_space<vmem>>, vector<1x16xf32>,
        %get3A_147 = arith.index_cast %scan3A_106 : i32 to index
        %get3A_148 = arith.constant 48 : index
        %get3A_149 = tpu.vector_load %arg10[%get3A_147, %get3A_148] {strides = array<i32>} : memref<80x128xf32, #tpu.memory_space<vmem>>, vector<1x16xf32>,
        %get3A_150 = vector.shape_cast %get3A_149 : vector<1x16xf32> to vector<16xf32>
        %slice3A_151 = vector.extract_strided_slice %get3A_110 {offsets = [3], sizes = [1], strides = [1]} : vector<16xf32> to vector<1xf32>
        %squeeze3A_152 = vector.extract %slice3A_151[0] : f32 from vector<1xf32>
        %mul3A_153 = vector.broadcast %squeeze3A_152 : f32 to vector<16xf32>
        %mul3A_154 = arith.mulf %get3A_150, %mul3A_153 : vector<16xf32>
        %swap3A_155 = arith.index_cast %scan3A_106 : i32 to index
        %swap3A_156 = arith.constant 48 : index
        %swap3A_157 = tpu.vector_load %arg10[%swap3A_155, %swap3A_156] {strides = array<i32>} : memref<80x128xf32, #tpu.memory_space<vmem>>, vector<1x16xf32>,
        %swap3A_158 = vector.shape_cast %swap3A_157 : vector<1x16xf32> to vector<16xf32>
        %swap3A_159 = vector.shape_cast %mul3A_154 : vector<16xf32> to vector<1x16xf32>
        tpu.vector_store %arg10[%swap3A_155, %swap3A_156], %swap3A_159 {strides = array<i32>} : memref<80x128xf32, #tpu.memory_space<vmem>>, vector<1x16xf32>,
        %get3A_160 = arith.index_cast %scan3A_106 : i32 to index
        %get3A_161 = arith.constant 64 : index
        %get3A_162 = tpu.vector_load %arg10[%get3A_160, %get3A_161] {strides = array<i32>} : memref<80x128xf32, #tpu.memory_space<vmem>>, vector<1x16xf32>,
        %get3A_163 = vector.shape_cast %get3A_162 : vector<1x16xf32> to vector<16xf32>
        %slice3A_164 = vector.extract_strided_slice %get3A_110 {offsets = [4], sizes = [1], strides = [1]} : vector<16xf32> to vector<1xf32>
        %squeeze3A_165 = vector.extract %slice3A_164[0] : f32 from vector<1xf32>
        %mul3A_166 = vector.broadcast %squeeze3A_165 : f32 to vector<16xf32>
        %mul3A_167 = arith.mulf %get3A_163, %mul3A_166 : vector<16xf32>
        %swap3A_168 = arith.index_cast %scan3A_106 : i32 to index
        %swap3A_169 = arith.constant 64 : index
        %swap3A_170 = tpu.vector_load %arg10[%swap3A_168, %swap3A_169] {strides = array<i32>} : memref<80x128xf32, #tpu.memory_space<vmem>>, vector<1x16xf32>,
        %swap3A_171 = vector.shape_cast %swap3A_170 : vector<1x16xf32> to vector<16xf32>
        %swap3A_172 = vector.shape_cast %mul3A_167 : vector<16xf32> to vector<1x16xf32>
        tpu.vector_store %arg10[%swap3A_168, %swap3A_169], %swap3A_172 {strides = array<i32>} : memref<80x128xf32, #tpu.memory_space<vmem>>, vector<1x16xf32>,
        %get3A_173 = arith.index_cast %scan3A_106 : i32 to index
        %get3A_174 = arith.constant 80 : index
        %get3A_175 = tpu.vector_load %arg10[%get3A_173, %get3A_174] {strides = array<i32>} : memref<80x128xf32, #tpu.memory_space<vmem>>, vector<1x16xf32>,
        %get3A_176 = vector.shape_cast %get3A_175 : vector<1x16xf32> to vector<16xf32>
        %slice3A_177 = vector.extract_strided_slice %get3A_110 {offsets = [5], sizes = [1], strides = [1]} : vector<16xf32> to vector<1xf32>
        %squeeze3A_178 = vector.extract %slice3A_177[0] : f32 from vector<1xf32>
        %mul3A_179 = vector.broadcast %squeeze3A_178 : f32 to vector<16xf32>
        %mul3A_180 = arith.mulf %get3A_176, %mul3A_179 : vector<16xf32>
        %swap3A_181 = arith.index_cast %scan3A_106 : i32 to index
        %swap3A_182 = arith.constant 80 : index
        %swap3A_183 = tpu.vector_load %arg10[%swap3A_181, %swap3A_182] {strides = array<i32>} : memref<80x128xf32, #tpu.memory_space<vmem>>, vector<1x16xf32>,
        %swap3A_184 = vector.shape_cast %swap3A_183 : vector<1x16xf32> to vector<16xf32>
        %swap3A_185 = vector.shape_cast %mul3A_180 : vector<16xf32> to vector<1x16xf32>
        tpu.vector_store %arg10[%swap3A_181, %swap3A_182], %swap3A_185 {strides = array<i32>} : memref<80x128xf32, #tpu.memory_space<vmem>>, vector<1x16xf32>,
        %get3A_186 = arith.index_cast %scan3A_106 : i32 to index
        %get3A_187 = arith.constant 96 : index
        %get3A_188 = tpu.vector_load %arg10[%get3A_186, %get3A_187] {strides = array<i32>} : memref<80x128xf32, #tpu.memory_space<vmem>>, vector<1x16xf32>,
        %get3A_189 = vector.shape_cast %get3A_188 : vector<1x16xf32> to vector<16xf32>
        %slice3A_190 = vector.extract_strided_slice %get3A_110 {offsets = [6], sizes = [1], strides = [1]} : vector<16xf32> to vector<1xf32>
        %squeeze3A_191 = vector.extract %slice3A_190[0] : f32 from vector<1xf32>
        %mul3A_192 = vector.broadcast %squeeze3A_191 : f32 to vector<16xf32>
        %mul3A_193 = arith.mulf %get3A_189, %mul3A_192 : vector<16xf32>
        %swap3A_194 = arith.index_cast %scan3A_106 : i32 to index
        %swap3A_195 = arith.constant 96 : index
        %swap3A_196 = tpu.vector_load %arg10[%swap3A_194, %swap3A_195] {strides = array<i32>} : memref<80x128xf32, #tpu.memory_space<vmem>>, vector<1x16xf32>,
        %swap3A_197 = vector.shape_cast %swap3A_196 : vector<1x16xf32> to vector<16xf32>
        %swap3A_198 = vector.shape_cast %mul3A_193 : vector<16xf32> to vector<1x16xf32>
        tpu.vector_store %arg10[%swap3A_194, %swap3A_195], %swap3A_198 {strides = array<i32>} : memref<80x128xf32, #tpu.memory_space<vmem>>, vector<1x16xf32>,
        %get3A_199 = arith.index_cast %scan3A_106 : i32 to index
        %get3A_200 = arith.constant 112 : index
        %get3A_201 = tpu.vector_load %arg10[%get3A_199, %get3A_200] {strides = array<i32>} : memref<80x128xf32, #tpu.memory_space<vmem>>, vector<1x16xf32>,
        %get3A_202 = vector.shape_cast %get3A_201 : vector<1x16xf32> to vector<16xf32>
        %slice3A_203 = vector.extract_strided_slice %get3A_110 {offsets = [7], sizes = [1], strides = [1]} : vector<16xf32> to vector<1xf32>
        %squeeze3A_204 = vector.extract %slice3A_203[0] : f32 from vector<1xf32>
        %mul3A_205 = vector.broadcast %squeeze3A_204 : f32 to vector<16xf32>
        %mul3A_206 = arith.mulf %get3A_202, %mul3A_205 : vector<16xf32>
        %swap3A_207 = arith.index_cast %scan3A_106 : i32 to index
        %swap3A_208 = arith.constant 112 : index
        %swap3A_209 = tpu.vector_load %arg10[%swap3A_207, %swap3A_208] {strides = array<i32>} : memref<80x128xf32, #tpu.memory_space<vmem>>, vector<1x16xf32>,
        %swap3A_210 = vector.shape_cast %swap3A_209 : vector<1x16xf32> to vector<16xf32>
        %swap3A_211 = vector.shape_cast %mul3A_206 : vector<16xf32> to vector<1x16xf32>
        tpu.vector_store %arg10[%swap3A_207, %swap3A_208], %swap3A_211 {strides = array<i32>} : memref<80x128xf32, #tpu.memory_space<vmem>>, vector<1x16xf32>,
        %scan3A_212 = arith.constant 0 : i32
        scf.yield %scan3A_212 : i32
      }
      %scan3A_104 = arith.constant 80 : i32
      "tpu.region"() ({
        %run_scoped3A = tpu.sem_alloc : memref<!tpu.dma_semaphore, #tpu.memory_space<semaphore_mem>>
        %dma_start3A = arith.constant 0 : i32
        %dma_start3A_106 = tpu.memref_slice %arg8[%scan3A_93, %dma_start3A] : memref<125x80xi32, #tpu.memory_space<vmem>> -> memref<1x80xi32, #tpu.memory_space<vmem>>
        %dma_start3A_107 = tpu.memref_squeeze %dma_start3A_106 : memref<1x80xi32, #tpu.memory_space<vmem>> -> memref<80xi32, #tpu.memory_space<vmem>>
        %dma_start3A_108 = arith.constant 0 : i32
        %dma_start3A_109 = arith.constant 0 : i32
        %dma_start3A_110 = tpu.memref_slice %arg11[%dma_start3A_108, %dma_start3A_109] : memref<10000x128xf32, #tpu.memory_space<vmem_shared>> -> memref<10000x128xf32, #tpu.memory_space<vmem_shared>>
        tpu.enqueue_indirect_dma source(%arg10 : memref<80x128xf32, #tpu.memory_space<vmem>>) target(%dma_start3A_110 : memref<10000x128xf32, #tpu.memory_space<vmem_shared>>) offsets(%dma_start3A_107 : memref<80xi32, #tpu.memory_space<vmem>>) semaphore(%run_scoped3A : memref<!tpu.dma_semaphore, #tpu.memory_space<semaphore_mem>>) {add = true}
        %dma_wait3A = arith.constant 0 : i32
        %dma_wait3A_111 = tpu.memref_slice %arg8[%scan3A_93, %dma_wait3A] : memref<125x80xi32, #tpu.memory_space<vmem>> -> memref<1x80xi32, #tpu.memory_space<vmem>>
        %dma_wait3A_112 = tpu.memref_squeeze %dma_wait3A_111 : memref<1x80xi32, #tpu.memory_space<vmem>> -> memref<80xi32, #tpu.memory_space<vmem>>
        %dma_wait3A_113 = arith.constant 0 : i32
        %dma_wait3A_114 = arith.constant 0 : i32
        %dma_wait3A_115 = tpu.memref_slice %arg11[%dma_wait3A_113, %dma_wait3A_114] : memref<10000x128xf32, #tpu.memory_space<vmem_shared>> -> memref<10000x128xf32, #tpu.memory_space<vmem_shared>>
        tpu.wait_indirect_dma semaphore(%run_scoped3A : memref<!tpu.dma_semaphore, #tpu.memory_space<semaphore_mem>>) src(%arg10 : memref<80x128xf32, #tpu.memory_space<vmem>>) dst(%dma_wait3A_115 : memref<10000x128xf32, #tpu.memory_space<vmem_shared>>)
        tpu.yield
      }) : () -> ()
      %scan3A_105 = arith.constant 0 : i32
      scf.yield %scan3A_105 : i32
    }
    %scan3A_49 = arith.constant 125 : i32
    %barrier3A_50 = arith.constant 0 : index
    tpu.barrier barrier_id(%barrier3A_50)
    %sub3A_51 = arith.constant 125 : i32
    %sub3A_52 = arith.subi %sub3A_51, %arg1 : i32
    %add3A_53 = arith.constant 16 : i32
    %add3A_54 = arith.addi %sub3A_52, %add3A_53 : i32
    %sub3A_55 = arith.constant 1 : i32
    %sub3A_56 = arith.subi %add3A_54, %sub3A_55 : i32
    %jit3A_57 = arith.constant 16 : i32
    %div3A_58 = arith.divsi %sub3A_56, %jit3A_57 : i32
    %sign3A_59 = arith.constant 0 : i32
    %sign3A_60 = arith.cmpi sgt, %sub3A_56, %sign3A_59 : i32
    %sign3A_61 = arith.extui %sign3A_60 : i1 to i32
    %sign3A_62 = arith.constant 0 : i32
    %sign3A_63 = arith.cmpi slt, %sub3A_56, %sign3A_62 : i32
    %sign3A_64 = arith.extui %sign3A_63 : i1 to i32
    %sign3A_65 = arith.subi %sign3A_61, %sign3A_64 : i32
    %sign3A_66 = arith.constant 0 : i32
    %sign3A_67 = arith.cmpi sgt, %jit3A_57, %sign3A_66 : i32
    %sign3A_68 = arith.extui %sign3A_67 : i1 to i32
    %sign3A_69 = arith.constant 0 : i32
    %sign3A_70 = arith.cmpi slt, %jit3A_57, %sign3A_69 : i32
    %sign3A_71 = arith.extui %sign3A_70 : i1 to i32
    %sign3A_72 = arith.subi %sign3A_68, %sign3A_71 : i32
    %ne3A_73 = arith.cmpi ne, %sign3A_65, %sign3A_72 : i32
    %rem3A_74 = arith.remsi %sub3A_56, %jit3A_57 : i32
    %ne3A_75 = arith.constant 0 : i32
    %ne3A_76 = arith.cmpi ne, %rem3A_74, %ne3A_75 : i32
    %and3A_77 = arith.andi %ne3A_73, %ne3A_76 : i1
    %sub3A_78 = arith.constant 1 : i32
    %sub3A_79 = arith.subi %div3A_58, %sub3A_78 : i32
    %select_n3A_80 = arith.select %and3A_77, %sub3A_79, %div3A_58 : i32
    %while3A_81 = arith.constant 0 : i32
    %while3A_82 = arith.constant 0 : i32
    %while3A_83 = arith.subi %select_n3A_80, %while3A_81 : i32
    %while3A_84 = arith.addi %while3A_81, %while3A_83 : i32
    %while3A_85 = arith.constant 1 : i32
    %while3A_86 = arith.divsi %while3A_83, %while3A_85 : i32
    %while3A_87 = arith.muli %while3A_86, %while3A_85 : i32
    %while3A_88 = arith.addi %while3A_81, %while3A_87 : i32
    %while3A_89 = arith.constant 1 : i32
    %while3A_90 = scf.for %while3A_93 = %while3A_81 to %while3A_88 step %while3A_89 iter_args(%while3A_94 = %while3A_82) -> (i32)  : i32 {
      %mul3A_95 = arith.constant 16 : i32
      %mul3A_96 = arith.muli %while3A_93, %mul3A_95 : i32
      %add3A_97 = arith.addi %arg1, %mul3A_96 : i32
      %mul3A_98 = arith.constant 80 : i32
      %mul3A_99 = arith.muli %add3A_97, %mul3A_98 : i32
      "tpu.region"() ({
        %run_scoped3A = tpu.sem_alloc : memref<!tpu.dma_semaphore, #tpu.memory_space<semaphore_mem>>
        %dma_start3A = arith.constant 0 : i32
        %dma_start3A_101 = tpu.memref_slice %arg11[%mul3A_99, %dma_start3A] : memref<10000x128xf32, #tpu.memory_space<vmem_shared>> -> memref<80x128xf32, #tpu.memory_space<vmem_shared>>
        %dma_start3A_102 = arith.constant 0 : i32
        %dma_start3A_103 = tpu.memref_slice %arg11[%mul3A_99, %dma_start3A_102] : memref<10000x128xf32, #tpu.memory_space<vmem_shared>> -> memref<80x128xf32, #tpu.memory_space<vmem_shared>>
        tpu.enqueue_dma source(%dma_start3A_103 : memref<80x128xf32, #tpu.memory_space<vmem_shared>>) target(%arg10 : memref<80x128xf32, #tpu.memory_space<vmem>>) target_semaphore(%run_scoped3A : memref<!tpu.dma_semaphore, #tpu.memory_space<semaphore_mem>>)
        %dma_wait3A = arith.constant 0 : i32
        %dma_wait3A_104 = tpu.memref_slice %arg11[%mul3A_99, %dma_wait3A] : memref<10000x128xf32, #tpu.memory_space<vmem_shared>> -> memref<80x128xf32, #tpu.memory_space<vmem_shared>>
        %dma_wait3A_105 = arith.constant 0 : i32
        %dma_wait3A_106 = tpu.memref_slice %arg11[%mul3A_99, %dma_wait3A_105] : memref<10000x128xf32, #tpu.memory_space<vmem_shared>> -> memref<80x128xf32, #tpu.memory_space<vmem_shared>>
        tpu.wait_dma2 semaphore(%run_scoped3A : memref<!tpu.dma_semaphore, #tpu.memory_space<semaphore_mem>>) src(%dma_wait3A_106 : memref<80x128xf32, #tpu.memory_space<vmem_shared>>) dst(%arg10 : memref<80x128xf32, #tpu.memory_space<vmem>>)
        tpu.yield
      }) : () -> ()
      "tpu.region"() ({
        %run_scoped3A = tpu.sem_alloc : memref<!tpu.dma_semaphore, #tpu.memory_space<semaphore_mem>>
        %dma_start3A = arith.constant 0 : i32
        %dma_start3A_101 = arith.constant 0 : i32
        %dma_start3A_102 = tpu.memref_slice %arg6[%arg0, %dma_start3A, %dma_start3A_101] : memref<2x10000x128xf32, #tpu.memory_space<hbm>> -> memref<1x10000x128xf32, #tpu.memory_space<hbm>>
        %dma_start3A_103 = tpu.memref_squeeze %dma_start3A_102 : memref<1x10000x128xf32, #tpu.memory_space<hbm>> -> memref<10000x128xf32, #tpu.memory_space<hbm>>
        %dma_start3A_104 = arith.constant 0 : i32
        %dma_start3A_105 = tpu.memref_slice %dma_start3A_103[%mul3A_99, %dma_start3A_104] : memref<10000x128xf32, #tpu.memory_space<hbm>> -> memref<80x128xf32, #tpu.memory_space<hbm>>
        %dma_start3A_106 = arith.constant 0 : i32
        %dma_start3A_107 = arith.constant 0 : i32
        %dma_start3A_108 = tpu.memref_slice %arg6[%arg0, %dma_start3A_106, %dma_start3A_107] : memref<2x10000x128xf32, #tpu.memory_space<hbm>> -> memref<1x10000x128xf32, #tpu.memory_space<hbm>>
        %dma_start3A_109 = tpu.memref_squeeze %dma_start3A_108 : memref<1x10000x128xf32, #tpu.memory_space<hbm>> -> memref<10000x128xf32, #tpu.memory_space<hbm>>
        %dma_start3A_110 = arith.constant 0 : i32
        %dma_start3A_111 = tpu.memref_slice %dma_start3A_109[%mul3A_99, %dma_start3A_110] : memref<10000x128xf32, #tpu.memory_space<hbm>> -> memref<80x128xf32, #tpu.memory_space<hbm>>
        tpu.enqueue_dma source(%arg10 : memref<80x128xf32, #tpu.memory_space<vmem>>) target(%dma_start3A_111 : memref<80x128xf32, #tpu.memory_space<hbm>>) target_semaphore(%run_scoped3A : memref<!tpu.dma_semaphore, #tpu.memory_space<semaphore_mem>>)
        %dma_wait3A = arith.constant 0 : i32
        %dma_wait3A_112 = arith.constant 0 : i32
        %dma_wait3A_113 = tpu.memref_slice %arg6[%arg0, %dma_wait3A, %dma_wait3A_112] : memref<2x10000x128xf32, #tpu.memory_space<hbm>> -> memref<1x10000x128xf32, #tpu.memory_space<hbm>>
        %dma_wait3A_114 = tpu.memref_squeeze %dma_wait3A_113 : memref<1x10000x128xf32, #tpu.memory_space<hbm>> -> memref<10000x128xf32, #tpu.memory_space<hbm>>
        %dma_wait3A_115 = arith.constant 0 : i32
        %dma_wait3A_116 = tpu.memref_slice %dma_wait3A_114[%mul3A_99, %dma_wait3A_115] : memref<10000x128xf32, #tpu.memory_space<hbm>> -> memref<80x128xf32, #tpu.memory_space<hbm>>
        %dma_wait3A_117 = arith.constant 0 : i32
        %dma_wait3A_118 = arith.constant 0 : i32
        %dma_wait3A_119 = tpu.memref_slice %arg6[%arg0, %dma_wait3A_117, %dma_wait3A_118] : memref<2x10000x128xf32, #tpu.memory_space<hbm>> -> memref<1x10000x128xf32, #tpu.memory_space<hbm>>
        %dma_wait3A_120 = tpu.memref_squeeze %dma_wait3A_119 : memref<1x10000x128xf32, #tpu.memory_space<hbm>> -> memref<10000x128xf32, #tpu.memory_space<hbm>>
        %dma_wait3A_121 = arith.constant 0 : i32
        %dma_wait3A_122 = tpu.memref_slice %dma_wait3A_120[%mul3A_99, %dma_wait3A_121] : memref<10000x128xf32, #tpu.memory_space<hbm>> -> memref<80x128xf32, #tpu.memory_space<hbm>>
        tpu.wait_dma2 semaphore(%run_scoped3A : memref<!tpu.dma_semaphore, #tpu.memory_space<semaphore_mem>>) src(%arg10 : memref<80x128xf32, #tpu.memory_space<vmem>>) dst(%dma_wait3A_122 : memref<80x128xf32, #tpu.memory_space<hbm>>)
        tpu.yield
      }) : () -> ()
      %while3A_100 = arith.constant 0 : i32
      scf.yield %while3A_100 : i32
    }
    %while3A_91 = arith.constant 1 : i32
    %while3A_92 = scf.for %while3A_93 = %while3A_88 to %while3A_84 step %while3A_91 iter_args(%while3A_94 = %while3A_90) -> (i32)  : i32 {
      %mul3A_95 = arith.constant 16 : i32
      %mul3A_96 = arith.muli %while3A_93, %mul3A_95 : i32
      %add3A_97 = arith.addi %arg1, %mul3A_96 : i32
      %mul3A_98 = arith.constant 80 : i32
      %mul3A_99 = arith.muli %add3A_97, %mul3A_98 : i32
      "tpu.region"() ({
        %run_scoped3A = tpu.sem_alloc : memref<!tpu.dma_semaphore, #tpu.memory_space<semaphore_mem>>
        %dma_start3A = arith.constant 0 : i32
        %dma_start3A_101 = tpu.memref_slice %arg11[%mul3A_99, %dma_start3A] : memref<10000x128xf32, #tpu.memory_space<vmem_shared>> -> memref<80x128xf32, #tpu.memory_space<vmem_shared>>
        %dma_start3A_102 = arith.constant 0 : i32
        %dma_start3A_103 = tpu.memref_slice %arg11[%mul3A_99, %dma_start3A_102] : memref<10000x128xf32, #tpu.memory_space<vmem_shared>> -> memref<80x128xf32, #tpu.memory_space<vmem_shared>>
        tpu.enqueue_dma source(%dma_start3A_103 : memref<80x128xf32, #tpu.memory_space<vmem_shared>>) target(%arg10 : memref<80x128xf32, #tpu.memory_space<vmem>>) target_semaphore(%run_scoped3A : memref<!tpu.dma_semaphore, #tpu.memory_space<semaphore_mem>>)
        %dma_wait3A = arith.constant 0 : i32
        %dma_wait3A_104 = tpu.memref_slice %arg11[%mul3A_99, %dma_wait3A] : memref<10000x128xf32, #tpu.memory_space<vmem_shared>> -> memref<80x128xf32, #tpu.memory_space<vmem_shared>>
        %dma_wait3A_105 = arith.constant 0 : i32
        %dma_wait3A_106 = tpu.memref_slice %arg11[%mul3A_99, %dma_wait3A_105] : memref<10000x128xf32, #tpu.memory_space<vmem_shared>> -> memref<80x128xf32, #tpu.memory_space<vmem_shared>>
        tpu.wait_dma2 semaphore(%run_scoped3A : memref<!tpu.dma_semaphore, #tpu.memory_space<semaphore_mem>>) src(%dma_wait3A_106 : memref<80x128xf32, #tpu.memory_space<vmem_shared>>) dst(%arg10 : memref<80x128xf32, #tpu.memory_space<vmem>>)
        tpu.yield
      }) : () -> ()
      "tpu.region"() ({
        %run_scoped3A = tpu.sem_alloc : memref<!tpu.dma_semaphore, #tpu.memory_space<semaphore_mem>>
        %dma_start3A = arith.constant 0 : i32
        %dma_start3A_101 = arith.constant 0 : i32
        %dma_start3A_102 = tpu.memref_slice %arg6[%arg0, %dma_start3A, %dma_start3A_101] : memref<2x10000x128xf32, #tpu.memory_space<hbm>> -> memref<1x10000x128xf32, #tpu.memory_space<hbm>>
        %dma_start3A_103 = tpu.memref_squeeze %dma_start3A_102 : memref<1x10000x128xf32, #tpu.memory_space<hbm>> -> memref<10000x128xf32, #tpu.memory_space<hbm>>
        %dma_start3A_104 = arith.constant 0 : i32
        %dma_start3A_105 = tpu.memref_slice %dma_start3A_103[%mul3A_99, %dma_start3A_104] : memref<10000x128xf32, #tpu.memory_space<hbm>> -> memref<80x128xf32, #tpu.memory_space<hbm>>
        %dma_start3A_106 = arith.constant 0 : i32
        %dma_start3A_107 = arith.constant 0 : i32
        %dma_start3A_108 = tpu.memref_slice %arg6[%arg0, %dma_start3A_106, %dma_start3A_107] : memref<2x10000x128xf32, #tpu.memory_space<hbm>> -> memref<1x10000x128xf32, #tpu.memory_space<hbm>>
        %dma_start3A_109 = tpu.memref_squeeze %dma_start3A_108 : memref<1x10000x128xf32, #tpu.memory_space<hbm>> -> memref<10000x128xf32, #tpu.memory_space<hbm>>
        %dma_start3A_110 = arith.constant 0 : i32
        %dma_start3A_111 = tpu.memref_slice %dma_start3A_109[%mul3A_99, %dma_start3A_110] : memref<10000x128xf32, #tpu.memory_space<hbm>> -> memref<80x128xf32, #tpu.memory_space<hbm>>
        tpu.enqueue_dma source(%arg10 : memref<80x128xf32, #tpu.memory_space<vmem>>) target(%dma_start3A_111 : memref<80x128xf32, #tpu.memory_space<hbm>>) target_semaphore(%run_scoped3A : memref<!tpu.dma_semaphore, #tpu.memory_space<semaphore_mem>>)
        %dma_wait3A = arith.constant 0 : i32
        %dma_wait3A_112 = arith.constant 0 : i32
        %dma_wait3A_113 = tpu.memref_slice %arg6[%arg0, %dma_wait3A, %dma_wait3A_112] : memref<2x10000x128xf32, #tpu.memory_space<hbm>> -> memref<1x10000x128xf32, #tpu.memory_space<hbm>>
        %dma_wait3A_114 = tpu.memref_squeeze %dma_wait3A_113 : memref<1x10000x128xf32, #tpu.memory_space<hbm>> -> memref<10000x128xf32, #tpu.memory_space<hbm>>
        %dma_wait3A_115 = arith.constant 0 : i32
        %dma_wait3A_116 = tpu.memref_slice %dma_wait3A_114[%mul3A_99, %dma_wait3A_115] : memref<10000x128xf32, #tpu.memory_space<hbm>> -> memref<80x128xf32, #tpu.memory_space<hbm>>
        %dma_wait3A_117 = arith.constant 0 : i32
        %dma_wait3A_118 = arith.constant 0 : i32
        %dma_wait3A_119 = tpu.memref_slice %arg6[%arg0, %dma_wait3A_117, %dma_wait3A_118] : memref<2x10000x128xf32, #tpu.memory_space<hbm>> -> memref<1x10000x128xf32, #tpu.memory_space<hbm>>
        %dma_wait3A_120 = tpu.memref_squeeze %dma_wait3A_119 : memref<1x10000x128xf32, #tpu.memory_space<hbm>> -> memref<10000x128xf32, #tpu.memory_space<hbm>>
        %dma_wait3A_121 = arith.constant 0 : i32
        %dma_wait3A_122 = tpu.memref_slice %dma_wait3A_120[%mul3A_99, %dma_wait3A_121] : memref<10000x128xf32, #tpu.memory_space<hbm>> -> memref<80x128xf32, #tpu.memory_space<hbm>>
        tpu.wait_dma2 semaphore(%run_scoped3A : memref<!tpu.dma_semaphore, #tpu.memory_space<semaphore_mem>>) src(%arg10 : memref<80x128xf32, #tpu.memory_space<vmem>>) dst(%dma_wait3A_122 : memref<80x128xf32, #tpu.memory_space<hbm>>)
        tpu.yield
      }) : () -> ()
      %while3A_100 = arith.constant 0 : i32
      scf.yield %while3A_100 : i32
    }
    return
  }
}

#map = affine_map<(d0, d1) -> (0, 0, 0)>
#map1 = affine_map<(d0, d1) -> (0, 0)>
module attributes {stable_mosaic.version = 14 : i64} {
  func.func @_hop(%arg0: i32, %arg1: i32, %arg2: memref<32x125x80xi32, #tpu.memory_space<hbm>>, %arg3: memref<32x125x80xi32, #tpu.memory_space<hbm>>, %arg4: memref<320000x16xf32, #tpu.memory_space<hbm>>, %arg5: memref<10000x128xf32, #tpu.memory_space<hbm>>, %arg6: memref<2x10000x128xf32, #tpu.memory_space<hbm>>, %arg7: memref<125x80xi32, #tpu.memory_space<vmem>>, %arg8: memref<125x80xi32, #tpu.memory_space<vmem>>, %arg9: memref<80x16xf32, #tpu.memory_space<vmem>>, %arg10: memref<80x128xf32, #tpu.memory_space<vmem>>, %arg11: memref<10000x128xf32, #tpu.memory_space<vmem_shared>>) attributes {dimension_semantics = [#tpu.dimension_semantics<core_parallel>, #tpu.dimension_semantics<subcore_parallel>], iteration_bounds = array<i64: 2, 16>, scalar_prefetch = 0 : i64, scratch_operands = 5 : i64, tpu.core_type = #tpu.core_type<sc_vector_subcore>, window_params = [{transform_indices = #map}, {transform_indices = #map}, {transform_indices = #map1}, {transform_indices = #map1}, {transform_indices = #map}]} {
    %mul3A = arith.constant 16 : i32
    %mul3A_0 = arith.muli %arg0, %mul3A : i32
    %add3A = arith.addi %mul3A_0, %arg1 : i32
    %broadcast_in_dim3A = arith.constant 0.000000e+00 : f32
    %broadcast_in_dim3A_1 = vector.broadcast %broadcast_in_dim3A : f32 to vector<16xf32>
    %scan3A = arith.constant 0 : i32
    %scan3A_2 = arith.constant 0 : i32
    %scan3A_3 = arith.constant 80 : i32
    %scan3A_4 = arith.addi %scan3A_2, %scan3A_3 : i32
    %scan3A_5 = arith.constant 1 : i32
    %scan3A_6 = scf.for %scan3A_93 = %scan3A_2 to %scan3A_4 step %scan3A_5 iter_args(%scan3A_94 = %scan3A) -> (i32)  : i32 {
      %swap3A = arith.index_cast %scan3A_93 : i32 to index
      %swap3A_95 = arith.constant 0 : index
      %swap3A_96 = tpu.vector_load %arg10[%swap3A, %swap3A_95] {strides = array<i32>} : memref<80x128xf32, #tpu.memory_space<vmem>>, vector<1x16xf32>,
      %swap3A_97 = vector.shape_cast %swap3A_96 : vector<1x16xf32> to vector<16xf32>
      %swap3A_98 = vector.shape_cast %broadcast_in_dim3A_1 : vector<16xf32> to vector<1x16xf32>
      tpu.vector_store %arg10[%swap3A, %swap3A_95], %swap3A_98 {strides = array<i32>} : memref<80x128xf32, #tpu.memory_space<vmem>>, vector<1x16xf32>,
      %swap3A_99 = arith.index_cast %scan3A_93 : i32 to index
      %swap3A_100 = arith.constant 16 : index
      %swap3A_101 = tpu.vector_load %arg10[%swap3A_99, %swap3A_100] {strides = array<i32>} : memref<80x128xf32, #tpu.memory_space<vmem>>, vector<1x16xf32>,
      %swap3A_102 = vector.shape_cast %swap3A_101 : vector<1x16xf32> to vector<16xf32>
      %swap3A_103 = vector.shape_cast %broadcast_in_dim3A_1 : vector<16xf32> to vector<1x16xf32>
      tpu.vector_store %arg10[%swap3A_99, %swap3A_100], %swap3A_103 {strides = array<i32>} : memref<80x128xf32, #tpu.memory_space<vmem>>, vector<1x16xf32>,
      %swap3A_104 = arith.index_cast %scan3A_93 : i32 to index
      %swap3A_105 = arith.constant 32 : index
      %swap3A_106 = tpu.vector_load %arg10[%swap3A_104, %swap3A_105] {strides = array<i32>} : memref<80x128xf32, #tpu.memory_space<vmem>>, vector<1x16xf32>,
      %swap3A_107 = vector.shape_cast %swap3A_106 : vector<1x16xf32> to vector<16xf32>
      %swap3A_108 = vector.shape_cast %broadcast_in_dim3A_1 : vector<16xf32> to vector<1x16xf32>
      tpu.vector_store %arg10[%swap3A_104, %swap3A_105], %swap3A_108 {strides = array<i32>} : memref<80x128xf32, #tpu.memory_space<vmem>>, vector<1x16xf32>,
      %swap3A_109 = arith.index_cast %scan3A_93 : i32 to index
      %swap3A_110 = arith.constant 48 : index
      %swap3A_111 = tpu.vector_load %arg10[%swap3A_109, %swap3A_110] {strides = array<i32>} : memref<80x128xf32, #tpu.memory_space<vmem>>, vector<1x16xf32>,
      %swap3A_112 = vector.shape_cast %swap3A_111 : vector<1x16xf32> to vector<16xf32>
      %swap3A_113 = vector.shape_cast %broadcast_in_dim3A_1 : vector<16xf32> to vector<1x16xf32>
      tpu.vector_store %arg10[%swap3A_109, %swap3A_110], %swap3A_113 {strides = array<i32>} : memref<80x128xf32, #tpu.memory_space<vmem>>, vector<1x16xf32>,
      %swap3A_114 = arith.index_cast %scan3A_93 : i32 to index
      %swap3A_115 = arith.constant 64 : index
      %swap3A_116 = tpu.vector_load %arg10[%swap3A_114, %swap3A_115] {strides = array<i32>} : memref<80x128xf32, #tpu.memory_space<vmem>>, vector<1x16xf32>,
      %swap3A_117 = vector.shape_cast %swap3A_116 : vector<1x16xf32> to vector<16xf32>
      %swap3A_118 = vector.shape_cast %broadcast_in_dim3A_1 : vector<16xf32> to vector<1x16xf32>
      tpu.vector_store %arg10[%swap3A_114, %swap3A_115], %swap3A_118 {strides = array<i32>} : memref<80x128xf32, #tpu.memory_space<vmem>>, vector<1x16xf32>,
      %swap3A_119 = arith.index_cast %scan3A_93 : i32 to index
      %swap3A_120 = arith.constant 80 : index
      %swap3A_121 = tpu.vector_load %arg10[%swap3A_119, %swap3A_120] {strides = array<i32>} : memref<80x128xf32, #tpu.memory_space<vmem>>, vector<1x16xf32>,
      %swap3A_122 = vector.shape_cast %swap3A_121 : vector<1x16xf32> to vector<16xf32>
      %swap3A_123 = vector.shape_cast %broadcast_in_dim3A_1 : vector<16xf32> to vector<1x16xf32>
      tpu.vector_store %arg10[%swap3A_119, %swap3A_120], %swap3A_123 {strides = array<i32>} : memref<80x128xf32, #tpu.memory_space<vmem>>, vector<1x16xf32>,
      %swap3A_124 = arith.index_cast %scan3A_93 : i32 to index
      %swap3A_125 = arith.constant 96 : index
      %swap3A_126 = tpu.vector_load %arg10[%swap3A_124, %swap3A_125] {strides = array<i32>} : memref<80x128xf32, #tpu.memory_space<vmem>>, vector<1x16xf32>,
      %swap3A_127 = vector.shape_cast %swap3A_126 : vector<1x16xf32> to vector<16xf32>
      %swap3A_128 = vector.shape_cast %broadcast_in_dim3A_1 : vector<16xf32> to vector<1x16xf32>
      tpu.vector_store %arg10[%swap3A_124, %swap3A_125], %swap3A_128 {strides = array<i32>} : memref<80x128xf32, #tpu.memory_space<vmem>>, vector<1x16xf32>,
      %swap3A_129 = arith.index_cast %scan3A_93 : i32 to index
      %swap3A_130 = arith.constant 112 : index
      %swap3A_131 = tpu.vector_load %arg10[%swap3A_129, %swap3A_130] {strides = array<i32>} : memref<80x128xf32, #tpu.memory_space<vmem>>, vector<1x16xf32>,
      %swap3A_132 = vector.shape_cast %swap3A_131 : vector<1x16xf32> to vector<16xf32>
      %swap3A_133 = vector.shape_cast %broadcast_in_dim3A_1 : vector<16xf32> to vector<1x16xf32>
      tpu.vector_store %arg10[%swap3A_129, %swap3A_130], %swap3A_133 {strides = array<i32>} : memref<80x128xf32, #tpu.memory_space<vmem>>, vector<1x16xf32>,
      %scan3A_134 = arith.constant 0 : i32
      scf.yield %scan3A_134 : i32
    }
    %scan3A_7 = arith.constant 80 : i32
    %sub3A = arith.constant 125 : i32
    %sub3A_8 = arith.subi %sub3A, %arg1 : i32
    %add3A_9 = arith.constant 16 : i32
    %add3A_10 = arith.addi %sub3A_8, %add3A_9 : i32
    %sub3A_11 = arith.constant 1 : i32
    %sub3A_12 = arith.subi %add3A_10, %sub3A_11 : i32
    %jit3A = arith.constant 16 : i32
    %div3A = arith.divsi %sub3A_12, %jit3A : i32
    %sign3A = arith.constant 0 : i32
    %sign3A_13 = arith.cmpi sgt, %sub3A_12, %sign3A : i32
    %sign3A_14 = arith.extui %sign3A_13 : i1 to i32
    %sign3A_15 = arith.constant 0 : i32
    %sign3A_16 = arith.cmpi slt, %sub3A_12, %sign3A_15 : i32
    %sign3A_17 = arith.extui %sign3A_16 : i1 to i32
    %sign3A_18 = arith.subi %sign3A_14, %sign3A_17 : i32
    %sign3A_19 = arith.constant 0 : i32
    %sign3A_20 = arith.cmpi sgt, %jit3A, %sign3A_19 : i32
    %sign3A_21 = arith.extui %sign3A_20 : i1 to i32
    %sign3A_22 = arith.constant 0 : i32
    %sign3A_23 = arith.cmpi slt, %jit3A, %sign3A_22 : i32
    %sign3A_24 = arith.extui %sign3A_23 : i1 to i32
    %sign3A_25 = arith.subi %sign3A_21, %sign3A_24 : i32
    %ne3A = arith.cmpi ne, %sign3A_18, %sign3A_25 : i32
    %rem3A = arith.remsi %sub3A_12, %jit3A : i32
    %ne3A_26 = arith.constant 0 : i32
    %ne3A_27 = arith.cmpi ne, %rem3A, %ne3A_26 : i32
    %and3A = arith.andi %ne3A, %ne3A_27 : i1
    %sub3A_28 = arith.constant 1 : i32
    %sub3A_29 = arith.subi %div3A, %sub3A_28 : i32
    %select_n3A = arith.select %and3A, %sub3A_29, %div3A : i32
    %while3A = arith.constant 0 : i32
    %while3A_30 = arith.constant 0 : i32
    %while3A_31 = arith.subi %select_n3A, %while3A : i32
    %while3A_32 = arith.addi %while3A, %while3A_31 : i32
    %while3A_33 = arith.constant 1 : i32
    %while3A_34 = arith.divsi %while3A_31, %while3A_33 : i32
    %while3A_35 = arith.muli %while3A_34, %while3A_33 : i32
    %while3A_36 = arith.addi %while3A, %while3A_35 : i32
    %while3A_37 = arith.constant 1 : i32
    %while3A_38 = scf.for %while3A_93 = %while3A to %while3A_36 step %while3A_37 iter_args(%while3A_94 = %while3A_30) -> (i32)  : i32 {
      %mul3A_95 = arith.constant 16 : i32
      %mul3A_96 = arith.muli %while3A_93, %mul3A_95 : i32
      %add3A_97 = arith.addi %arg1, %mul3A_96 : i32
      %mul3A_98 = arith.constant 80 : i32
      %mul3A_99 = arith.muli %add3A_97, %mul3A_98 : i32
      "tpu.region"() ({
        %run_scoped3A = tpu.sem_alloc : memref<!tpu.dma_semaphore, #tpu.memory_space<semaphore_mem>>
        %dma_start3A = arith.constant 0 : i32
        %dma_start3A_101 = tpu.memref_slice %arg11[%mul3A_99, %dma_start3A] : memref<10000x128xf32, #tpu.memory_space<vmem_shared>> -> memref<80x128xf32, #tpu.memory_space<vmem_shared>>
        %dma_start3A_102 = arith.constant 0 : i32
        %dma_start3A_103 = tpu.memref_slice %arg11[%mul3A_99, %dma_start3A_102] : memref<10000x128xf32, #tpu.memory_space<vmem_shared>> -> memref<80x128xf32, #tpu.memory_space<vmem_shared>>
        tpu.enqueue_dma source(%arg10 : memref<80x128xf32, #tpu.memory_space<vmem>>) target(%dma_start3A_103 : memref<80x128xf32, #tpu.memory_space<vmem_shared>>) target_semaphore(%run_scoped3A : memref<!tpu.dma_semaphore, #tpu.memory_space<semaphore_mem>>)
        %dma_wait3A = arith.constant 0 : i32
        %dma_wait3A_104 = tpu.memref_slice %arg11[%mul3A_99, %dma_wait3A] : memref<10000x128xf32, #tpu.memory_space<vmem_shared>> -> memref<80x128xf32, #tpu.memory_space<vmem_shared>>
        %dma_wait3A_105 = arith.constant 0 : i32
        %dma_wait3A_106 = tpu.memref_slice %arg11[%mul3A_99, %dma_wait3A_105] : memref<10000x128xf32, #tpu.memory_space<vmem_shared>> -> memref<80x128xf32, #tpu.memory_space<vmem_shared>>
        tpu.wait_dma2 semaphore(%run_scoped3A : memref<!tpu.dma_semaphore, #tpu.memory_space<semaphore_mem>>) src(%arg10 : memref<80x128xf32, #tpu.memory_space<vmem>>) dst(%dma_wait3A_106 : memref<80x128xf32, #tpu.memory_space<vmem_shared>>)
        tpu.yield
      }) : () -> ()
      %while3A_100 = arith.constant 0 : i32
      scf.yield %while3A_100 : i32
    }
    %while3A_39 = arith.constant 1 : i32
    %while3A_40 = scf.for %while3A_93 = %while3A_36 to %while3A_32 step %while3A_39 iter_args(%while3A_94 = %while3A_38) -> (i32)  : i32 {
      %mul3A_95 = arith.constant 16 : i32
      %mul3A_96 = arith.muli %while3A_93, %mul3A_95 : i32
      %add3A_97 = arith.addi %arg1, %mul3A_96 : i32
      %mul3A_98 = arith.constant 80 : i32
      %mul3A_99 = arith.muli %add3A_97, %mul3A_98 : i32
      "tpu.region"() ({
        %run_scoped3A = tpu.sem_alloc : memref<!tpu.dma_semaphore, #tpu.memory_space<semaphore_mem>>
        %dma_start3A = arith.constant 0 : i32
        %dma_start3A_101 = tpu.memref_slice %arg11[%mul3A_99, %dma_start3A] : memref<10000x128xf32, #tpu.memory_space<vmem_shared>> -> memref<80x128xf32, #tpu.memory_space<vmem_shared>>
        %dma_start3A_102 = arith.constant 0 : i32
        %dma_start3A_103 = tpu.memref_slice %arg11[%mul3A_99, %dma_start3A_102] : memref<10000x128xf32, #tpu.memory_space<vmem_shared>> -> memref<80x128xf32, #tpu.memory_space<vmem_shared>>
        tpu.enqueue_dma source(%arg10 : memref<80x128xf32, #tpu.memory_space<vmem>>) target(%dma_start3A_103 : memref<80x128xf32, #tpu.memory_space<vmem_shared>>) target_semaphore(%run_scoped3A : memref<!tpu.dma_semaphore, #tpu.memory_space<semaphore_mem>>)
        %dma_wait3A = arith.constant 0 : i32
        %dma_wait3A_104 = tpu.memref_slice %arg11[%mul3A_99, %dma_wait3A] : memref<10000x128xf32, #tpu.memory_space<vmem_shared>> -> memref<80x128xf32, #tpu.memory_space<vmem_shared>>
        %dma_wait3A_105 = arith.constant 0 : i32
        %dma_wait3A_106 = tpu.memref_slice %arg11[%mul3A_99, %dma_wait3A_105] : memref<10000x128xf32, #tpu.memory_space<vmem_shared>> -> memref<80x128xf32, #tpu.memory_space<vmem_shared>>
        tpu.wait_dma2 semaphore(%run_scoped3A : memref<!tpu.dma_semaphore, #tpu.memory_space<semaphore_mem>>) src(%arg10 : memref<80x128xf32, #tpu.memory_space<vmem>>) dst(%dma_wait3A_106 : memref<80x128xf32, #tpu.memory_space<vmem_shared>>)
        tpu.yield
      }) : () -> ()
      %while3A_100 = arith.constant 0 : i32
      scf.yield %while3A_100 : i32
    }
    "tpu.region"() ({
      %run_scoped3A = tpu.sem_alloc : memref<!tpu.dma_semaphore, #tpu.memory_space<semaphore_mem>>
      %dma_start3A = arith.constant 0 : i32
      %dma_start3A_93 = arith.constant 0 : i32
      %dma_start3A_94 = tpu.memref_slice %arg2[%add3A, %dma_start3A, %dma_start3A_93] : memref<32x125x80xi32, #tpu.memory_space<hbm>> -> memref<1x125x80xi32, #tpu.memory_space<hbm>>
      %dma_start3A_95 = tpu.memref_squeeze %dma_start3A_94 : memref<1x125x80xi32, #tpu.memory_space<hbm>> -> memref<125x80xi32, #tpu.memory_space<hbm>>
      %dma_start3A_96 = arith.constant 0 : i32
      %dma_start3A_97 = arith.constant 0 : i32
      %dma_start3A_98 = tpu.memref_slice %arg2[%add3A, %dma_start3A_96, %dma_start3A_97] : memref<32x125x80xi32, #tpu.memory_space<hbm>> -> memref<1x125x80xi32, #tpu.memory_space<hbm>>
      %dma_start3A_99 = tpu.memref_squeeze %dma_start3A_98 : memref<1x125x80xi32, #tpu.memory_space<hbm>> -> memref<125x80xi32, #tpu.memory_space<hbm>>
      tpu.enqueue_dma source(%dma_start3A_99 : memref<125x80xi32, #tpu.memory_space<hbm>>) target(%arg7 : memref<125x80xi32, #tpu.memory_space<vmem>>) target_semaphore(%run_scoped3A : memref<!tpu.dma_semaphore, #tpu.memory_space<semaphore_mem>>)
      %dma_wait3A = arith.constant 0 : i32
      %dma_wait3A_100 = arith.constant 0 : i32
      %dma_wait3A_101 = tpu.memref_slice %arg2[%add3A, %dma_wait3A, %dma_wait3A_100] : memref<32x125x80xi32, #tpu.memory_space<hbm>> -> memref<1x125x80xi32, #tpu.memory_space<hbm>>
      %dma_wait3A_102 = tpu.memref_squeeze %dma_wait3A_101 : memref<1x125x80xi32, #tpu.memory_space<hbm>> -> memref<125x80xi32, #tpu.memory_space<hbm>>
      %dma_wait3A_103 = arith.constant 0 : i32
      %dma_wait3A_104 = arith.constant 0 : i32
      %dma_wait3A_105 = tpu.memref_slice %arg2[%add3A, %dma_wait3A_103, %dma_wait3A_104] : memref<32x125x80xi32, #tpu.memory_space<hbm>> -> memref<1x125x80xi32, #tpu.memory_space<hbm>>
      %dma_wait3A_106 = tpu.memref_squeeze %dma_wait3A_105 : memref<1x125x80xi32, #tpu.memory_space<hbm>> -> memref<125x80xi32, #tpu.memory_space<hbm>>
      tpu.wait_dma2 semaphore(%run_scoped3A : memref<!tpu.dma_semaphore, #tpu.memory_space<semaphore_mem>>) src(%dma_wait3A_106 : memref<125x80xi32, #tpu.memory_space<hbm>>) dst(%arg7 : memref<125x80xi32, #tpu.memory_space<vmem>>)
      tpu.yield
    }) : () -> ()
    "tpu.region"() ({
      %run_scoped3A = tpu.sem_alloc : memref<!tpu.dma_semaphore, #tpu.memory_space<semaphore_mem>>
      %dma_start3A = arith.constant 0 : i32
      %dma_start3A_93 = arith.constant 0 : i32
      %dma_start3A_94 = tpu.memref_slice %arg3[%add3A, %dma_start3A, %dma_start3A_93] : memref<32x125x80xi32, #tpu.memory_space<hbm>> -> memref<1x125x80xi32, #tpu.memory_space<hbm>>
      %dma_start3A_95 = tpu.memref_squeeze %dma_start3A_94 : memref<1x125x80xi32, #tpu.memory_space<hbm>> -> memref<125x80xi32, #tpu.memory_space<hbm>>
      %dma_start3A_96 = arith.constant 0 : i32
      %dma_start3A_97 = arith.constant 0 : i32
      %dma_start3A_98 = tpu.memref_slice %arg3[%add3A, %dma_start3A_96, %dma_start3A_97] : memref<32x125x80xi32, #tpu.memory_space<hbm>> -> memref<1x125x80xi32, #tpu.memory_space<hbm>>
      %dma_start3A_99 = tpu.memref_squeeze %dma_start3A_98 : memref<1x125x80xi32, #tpu.memory_space<hbm>> -> memref<125x80xi32, #tpu.memory_space<hbm>>
      tpu.enqueue_dma source(%dma_start3A_99 : memref<125x80xi32, #tpu.memory_space<hbm>>) target(%arg8 : memref<125x80xi32, #tpu.memory_space<vmem>>) target_semaphore(%run_scoped3A : memref<!tpu.dma_semaphore, #tpu.memory_space<semaphore_mem>>)
      %dma_wait3A = arith.constant 0 : i32
      %dma_wait3A_100 = arith.constant 0 : i32
      %dma_wait3A_101 = tpu.memref_slice %arg3[%add3A, %dma_wait3A, %dma_wait3A_100] : memref<32x125x80xi32, #tpu.memory_space<hbm>> -> memref<1x125x80xi32, #tpu.memory_space<hbm>>
      %dma_wait3A_102 = tpu.memref_squeeze %dma_wait3A_101 : memref<1x125x80xi32, #tpu.memory_space<hbm>> -> memref<125x80xi32, #tpu.memory_space<hbm>>
      %dma_wait3A_103 = arith.constant 0 : i32
      %dma_wait3A_104 = arith.constant 0 : i32
      %dma_wait3A_105 = tpu.memref_slice %arg3[%add3A, %dma_wait3A_103, %dma_wait3A_104] : memref<32x125x80xi32, #tpu.memory_space<hbm>> -> memref<1x125x80xi32, #tpu.memory_space<hbm>>
      %dma_wait3A_106 = tpu.memref_squeeze %dma_wait3A_105 : memref<1x125x80xi32, #tpu.memory_space<hbm>> -> memref<125x80xi32, #tpu.memory_space<hbm>>
      tpu.wait_dma2 semaphore(%run_scoped3A : memref<!tpu.dma_semaphore, #tpu.memory_space<semaphore_mem>>) src(%dma_wait3A_106 : memref<125x80xi32, #tpu.memory_space<hbm>>) dst(%arg8 : memref<125x80xi32, #tpu.memory_space<vmem>>)
      tpu.yield
    }) : () -> ()
    %barrier3A = arith.constant 0 : index
    tpu.barrier barrier_id(%barrier3A)
    %mul3A_41 = arith.constant 10000 : i32
    %mul3A_42 = arith.muli %add3A, %mul3A_41 : i32
    %scan3A_43 = arith.constant 0 : i32
    %scan3A_44 = arith.constant 0 : i32
    %scan3A_45 = arith.constant 125 : i32
    %scan3A_46 = arith.addi %scan3A_44, %scan3A_45 : i32
    %scan3A_47 = arith.constant 1 : i32
    %scan3A_48 = scf.for %scan3A_93 = %scan3A_44 to %scan3A_46 step %scan3A_47 iter_args(%scan3A_94 = %scan3A_43) -> (i32)  : i32 {
      "tpu.region"() ({
        %run_scoped3A = tpu.sem_alloc : memref<!tpu.dma_semaphore, #tpu.memory_space<semaphore_mem>>
        %dma_start3A = arith.constant 0 : i32
        %dma_start3A_106 = tpu.memref_slice %arg7[%scan3A_93, %dma_start3A] : memref<125x80xi32, #tpu.memory_space<vmem>> -> memref<1x80xi32, #tpu.memory_space<vmem>>
        %dma_start3A_107 = tpu.memref_squeeze %dma_start3A_106 : memref<1x80xi32, #tpu.memory_space<vmem>> -> memref<80xi32, #tpu.memory_space<vmem>>
        %dma_start3A_108 = arith.constant 0 : i32
        %dma_start3A_109 = arith.constant 0 : i32
        %dma_start3A_110 = tpu.memref_slice %arg5[%dma_start3A_108, %dma_start3A_109] : memref<10000x128xf32, #tpu.memory_space<hbm>> -> memref<10000x128xf32, #tpu.memory_space<hbm>>
        tpu.enqueue_indirect_dma source(%dma_start3A_110 : memref<10000x128xf32, #tpu.memory_space<hbm>>) target(%arg10 : memref<80x128xf32, #tpu.memory_space<vmem>>) offsets(%dma_start3A_107 : memref<80xi32, #tpu.memory_space<vmem>>) semaphore(%run_scoped3A : memref<!tpu.dma_semaphore, #tpu.memory_space<semaphore_mem>>)
        %dma_wait3A = arith.constant 0 : i32
        %dma_wait3A_111 = tpu.memref_slice %arg7[%scan3A_93, %dma_wait3A] : memref<125x80xi32, #tpu.memory_space<vmem>> -> memref<1x80xi32, #tpu.memory_space<vmem>>
        %dma_wait3A_112 = tpu.memref_squeeze %dma_wait3A_111 : memref<1x80xi32, #tpu.memory_space<vmem>> -> memref<80xi32, #tpu.memory_space<vmem>>
        %dma_wait3A_113 = arith.constant 0 : i32
        %dma_wait3A_114 = arith.constant 0 : i32
        %dma_wait3A_115 = tpu.memref_slice %arg5[%dma_wait3A_113, %dma_wait3A_114] : memref<10000x128xf32, #tpu.memory_space<hbm>> -> memref<10000x128xf32, #tpu.memory_space<hbm>>
        tpu.wait_indirect_dma semaphore(%run_scoped3A : memref<!tpu.dma_semaphore, #tpu.memory_space<semaphore_mem>>) src(%dma_wait3A_115 : memref<10000x128xf32, #tpu.memory_space<hbm>>) dst(%arg10 : memref<80x128xf32, #tpu.memory_space<vmem>>)
        tpu.yield
      }) : () -> ()
      %mul3A_95 = arith.constant 80 : i32
      %mul3A_96 = arith.muli %scan3A_93, %mul3A_95 : i32
      %add3A_97 = arith.addi %mul3A_42, %mul3A_96 : i32
      "tpu.region"() ({
        %run_scoped3A = tpu.sem_alloc : memref<!tpu.dma_semaphore, #tpu.memory_space<semaphore_mem>>
        %dma_start3A = arith.constant 0 : i32
        %dma_start3A_106 = tpu.memref_slice %arg4[%add3A_97, %dma_start3A] : memref<320000x16xf32, #tpu.memory_space<hbm>> -> memref<80x16xf32, #tpu.memory_space<hbm>>
        %dma_start3A_107 = arith.constant 0 : i32
        %dma_start3A_108 = tpu.memref_slice %arg4[%add3A_97, %dma_start3A_107] : memref<320000x16xf32, #tpu.memory_space<hbm>> -> memref<80x16xf32, #tpu.memory_space<hbm>>
        tpu.enqueue_dma source(%dma_start3A_108 : memref<80x16xf32, #tpu.memory_space<hbm>>) target(%arg9 : memref<80x16xf32, #tpu.memory_space<vmem>>) target_semaphore(%run_scoped3A : memref<!tpu.dma_semaphore, #tpu.memory_space<semaphore_mem>>)
        %dma_wait3A = arith.constant 0 : i32
        %dma_wait3A_109 = tpu.memref_slice %arg4[%add3A_97, %dma_wait3A] : memref<320000x16xf32, #tpu.memory_space<hbm>> -> memref<80x16xf32, #tpu.memory_space<hbm>>
        %dma_wait3A_110 = arith.constant 0 : i32
        %dma_wait3A_111 = tpu.memref_slice %arg4[%add3A_97, %dma_wait3A_110] : memref<320000x16xf32, #tpu.memory_space<hbm>> -> memref<80x16xf32, #tpu.memory_space<hbm>>
        tpu.wait_dma2 semaphore(%run_scoped3A : memref<!tpu.dma_semaphore, #tpu.memory_space<semaphore_mem>>) src(%dma_wait3A_111 : memref<80x16xf32, #tpu.memory_space<hbm>>) dst(%arg9 : memref<80x16xf32, #tpu.memory_space<vmem>>)
        tpu.yield
      }) : () -> ()
      %scan3A_98 = arith.constant 0 : i32
      %scan3A_99 = arith.constant 0 : i32
      %scan3A_100 = arith.constant 80 : i32
      %scan3A_101 = arith.addi %scan3A_99, %scan3A_100 : i32
      %scan3A_102 = arith.constant 1 : i32
      %scan3A_103 = scf.for %scan3A_106 = %scan3A_99 to %scan3A_101 step %scan3A_102 iter_args(%scan3A_107 = %scan3A_98) -> (i32)  : i32 {
        %get3A = arith.index_cast %scan3A_106 : i32 to index
        %get3A_108 = arith.constant 0 : index
        %get3A_109 = tpu.vector_load %arg9[%get3A, %get3A_108] {strides = array<i32>} : memref<80x16xf32, #tpu.memory_space<vmem>>, vector<1x16xf32>,
        %get3A_110 = vector.shape_cast %get3A_109 : vector<1x16xf32> to vector<16xf32>
        %get3A_111 = arith.index_cast %scan3A_106 : i32 to index
        %get3A_112 = arith.constant 0 : index
        %get3A_113 = tpu.vector_load %arg10[%get3A_111, %get3A_112] {strides = array<i32>} : memref<80x128xf32, #tpu.memory_space<vmem>>, vector<1x16xf32>,
        %get3A_114 = vector.shape_cast %get3A_113 : vector<1x16xf32> to vector<16xf32>
        %slice3A = vector.extract_strided_slice %get3A_110 {offsets = [0], sizes = [1], strides = [1]} : vector<16xf32> to vector<1xf32>
        %squeeze3A = vector.extract %slice3A[0] : f32 from vector<1xf32>
        %mul3A_115 = vector.broadcast %squeeze3A : f32 to vector<16xf32>
        %mul3A_116 = arith.mulf %get3A_114, %mul3A_115 : vector<16xf32>
        %swap3A = arith.index_cast %scan3A_106 : i32 to index
        %swap3A_117 = arith.constant 0 : index
        %swap3A_118 = tpu.vector_load %arg10[%swap3A, %swap3A_117] {strides = array<i32>} : memref<80x128xf32, #tpu.memory_space<vmem>>, vector<1x16xf32>,
        %swap3A_119 = vector.shape_cast %swap3A_118 : vector<1x16xf32> to vector<16xf32>
        %swap3A_120 = vector.shape_cast %mul3A_116 : vector<16xf32> to vector<1x16xf32>
        tpu.vector_store %arg10[%swap3A, %swap3A_117], %swap3A_120 {strides = array<i32>} : memref<80x128xf32, #tpu.memory_space<vmem>>, vector<1x16xf32>,
        %get3A_121 = arith.index_cast %scan3A_106 : i32 to index
        %get3A_122 = arith.constant 16 : index
        %get3A_123 = tpu.vector_load %arg10[%get3A_121, %get3A_122] {strides = array<i32>} : memref<80x128xf32, #tpu.memory_space<vmem>>, vector<1x16xf32>,
        %get3A_124 = vector.shape_cast %get3A_123 : vector<1x16xf32> to vector<16xf32>
        %slice3A_125 = vector.extract_strided_slice %get3A_110 {offsets = [1], sizes = [1], strides = [1]} : vector<16xf32> to vector<1xf32>
        %squeeze3A_126 = vector.extract %slice3A_125[0] : f32 from vector<1xf32>
        %mul3A_127 = vector.broadcast %squeeze3A_126 : f32 to vector<16xf32>
        %mul3A_128 = arith.mulf %get3A_124, %mul3A_127 : vector<16xf32>
        %swap3A_129 = arith.index_cast %scan3A_106 : i32 to index
        %swap3A_130 = arith.constant 16 : index
        %swap3A_131 = tpu.vector_load %arg10[%swap3A_129, %swap3A_130] {strides = array<i32>} : memref<80x128xf32, #tpu.memory_space<vmem>>, vector<1x16xf32>,
        %swap3A_132 = vector.shape_cast %swap3A_131 : vector<1x16xf32> to vector<16xf32>
        %swap3A_133 = vector.shape_cast %mul3A_128 : vector<16xf32> to vector<1x16xf32>
        tpu.vector_store %arg10[%swap3A_129, %swap3A_130], %swap3A_133 {strides = array<i32>} : memref<80x128xf32, #tpu.memory_space<vmem>>, vector<1x16xf32>,
        %get3A_134 = arith.index_cast %scan3A_106 : i32 to index
        %get3A_135 = arith.constant 32 : index
        %get3A_136 = tpu.vector_load %arg10[%get3A_134, %get3A_135] {strides = array<i32>} : memref<80x128xf32, #tpu.memory_space<vmem>>, vector<1x16xf32>,
        %get3A_137 = vector.shape_cast %get3A_136 : vector<1x16xf32> to vector<16xf32>
        %slice3A_138 = vector.extract_strided_slice %get3A_110 {offsets = [2], sizes = [1], strides = [1]} : vector<16xf32> to vector<1xf32>
        %squeeze3A_139 = vector.extract %slice3A_138[0] : f32 from vector<1xf32>
        %mul3A_140 = vector.broadcast %squeeze3A_139 : f32 to vector<16xf32>
        %mul3A_141 = arith.mulf %get3A_137, %mul3A_140 : vector<16xf32>
        %swap3A_142 = arith.index_cast %scan3A_106 : i32 to index
        %swap3A_143 = arith.constant 32 : index
        %swap3A_144 = tpu.vector_load %arg10[%swap3A_142, %swap3A_143] {strides = array<i32>} : memref<80x128xf32, #tpu.memory_space<vmem>>, vector<1x16xf32>,
        %swap3A_145 = vector.shape_cast %swap3A_144 : vector<1x16xf32> to vector<16xf32>
        %swap3A_146 = vector.shape_cast %mul3A_141 : vector<16xf32> to vector<1x16xf32>
        tpu.vector_store %arg10[%swap3A_142, %swap3A_143], %swap3A_146 {strides = array<i32>} : memref<80x128xf32, #tpu.memory_space<vmem>>, vector<1x16xf32>,
        %get3A_147 = arith.index_cast %scan3A_106 : i32 to index
        %get3A_148 = arith.constant 48 : index
        %get3A_149 = tpu.vector_load %arg10[%get3A_147, %get3A_148] {strides = array<i32>} : memref<80x128xf32, #tpu.memory_space<vmem>>, vector<1x16xf32>,
        %get3A_150 = vector.shape_cast %get3A_149 : vector<1x16xf32> to vector<16xf32>
        %slice3A_151 = vector.extract_strided_slice %get3A_110 {offsets = [3], sizes = [1], strides = [1]} : vector<16xf32> to vector<1xf32>
        %squeeze3A_152 = vector.extract %slice3A_151[0] : f32 from vector<1xf32>
        %mul3A_153 = vector.broadcast %squeeze3A_152 : f32 to vector<16xf32>
        %mul3A_154 = arith.mulf %get3A_150, %mul3A_153 : vector<16xf32>
        %swap3A_155 = arith.index_cast %scan3A_106 : i32 to index
        %swap3A_156 = arith.constant 48 : index
        %swap3A_157 = tpu.vector_load %arg10[%swap3A_155, %swap3A_156] {strides = array<i32>} : memref<80x128xf32, #tpu.memory_space<vmem>>, vector<1x16xf32>,
        %swap3A_158 = vector.shape_cast %swap3A_157 : vector<1x16xf32> to vector<16xf32>
        %swap3A_159 = vector.shape_cast %mul3A_154 : vector<16xf32> to vector<1x16xf32>
        tpu.vector_store %arg10[%swap3A_155, %swap3A_156], %swap3A_159 {strides = array<i32>} : memref<80x128xf32, #tpu.memory_space<vmem>>, vector<1x16xf32>,
        %get3A_160 = arith.index_cast %scan3A_106 : i32 to index
        %get3A_161 = arith.constant 64 : index
        %get3A_162 = tpu.vector_load %arg10[%get3A_160, %get3A_161] {strides = array<i32>} : memref<80x128xf32, #tpu.memory_space<vmem>>, vector<1x16xf32>,
        %get3A_163 = vector.shape_cast %get3A_162 : vector<1x16xf32> to vector<16xf32>
        %slice3A_164 = vector.extract_strided_slice %get3A_110 {offsets = [4], sizes = [1], strides = [1]} : vector<16xf32> to vector<1xf32>
        %squeeze3A_165 = vector.extract %slice3A_164[0] : f32 from vector<1xf32>
        %mul3A_166 = vector.broadcast %squeeze3A_165 : f32 to vector<16xf32>
        %mul3A_167 = arith.mulf %get3A_163, %mul3A_166 : vector<16xf32>
        %swap3A_168 = arith.index_cast %scan3A_106 : i32 to index
        %swap3A_169 = arith.constant 64 : index
        %swap3A_170 = tpu.vector_load %arg10[%swap3A_168, %swap3A_169] {strides = array<i32>} : memref<80x128xf32, #tpu.memory_space<vmem>>, vector<1x16xf32>,
        %swap3A_171 = vector.shape_cast %swap3A_170 : vector<1x16xf32> to vector<16xf32>
        %swap3A_172 = vector.shape_cast %mul3A_167 : vector<16xf32> to vector<1x16xf32>
        tpu.vector_store %arg10[%swap3A_168, %swap3A_169], %swap3A_172 {strides = array<i32>} : memref<80x128xf32, #tpu.memory_space<vmem>>, vector<1x16xf32>,
        %get3A_173 = arith.index_cast %scan3A_106 : i32 to index
        %get3A_174 = arith.constant 80 : index
        %get3A_175 = tpu.vector_load %arg10[%get3A_173, %get3A_174] {strides = array<i32>} : memref<80x128xf32, #tpu.memory_space<vmem>>, vector<1x16xf32>,
        %get3A_176 = vector.shape_cast %get3A_175 : vector<1x16xf32> to vector<16xf32>
        %slice3A_177 = vector.extract_strided_slice %get3A_110 {offsets = [5], sizes = [1], strides = [1]} : vector<16xf32> to vector<1xf32>
        %squeeze3A_178 = vector.extract %slice3A_177[0] : f32 from vector<1xf32>
        %mul3A_179 = vector.broadcast %squeeze3A_178 : f32 to vector<16xf32>
        %mul3A_180 = arith.mulf %get3A_176, %mul3A_179 : vector<16xf32>
        %swap3A_181 = arith.index_cast %scan3A_106 : i32 to index
        %swap3A_182 = arith.constant 80 : index
        %swap3A_183 = tpu.vector_load %arg10[%swap3A_181, %swap3A_182] {strides = array<i32>} : memref<80x128xf32, #tpu.memory_space<vmem>>, vector<1x16xf32>,
        %swap3A_184 = vector.shape_cast %swap3A_183 : vector<1x16xf32> to vector<16xf32>
        %swap3A_185 = vector.shape_cast %mul3A_180 : vector<16xf32> to vector<1x16xf32>
        tpu.vector_store %arg10[%swap3A_181, %swap3A_182], %swap3A_185 {strides = array<i32>} : memref<80x128xf32, #tpu.memory_space<vmem>>, vector<1x16xf32>,
        %get3A_186 = arith.index_cast %scan3A_106 : i32 to index
        %get3A_187 = arith.constant 96 : index
        %get3A_188 = tpu.vector_load %arg10[%get3A_186, %get3A_187] {strides = array<i32>} : memref<80x128xf32, #tpu.memory_space<vmem>>, vector<1x16xf32>,
        %get3A_189 = vector.shape_cast %get3A_188 : vector<1x16xf32> to vector<16xf32>
        %slice3A_190 = vector.extract_strided_slice %get3A_110 {offsets = [6], sizes = [1], strides = [1]} : vector<16xf32> to vector<1xf32>
        %squeeze3A_191 = vector.extract %slice3A_190[0] : f32 from vector<1xf32>
        %mul3A_192 = vector.broadcast %squeeze3A_191 : f32 to vector<16xf32>
        %mul3A_193 = arith.mulf %get3A_189, %mul3A_192 : vector<16xf32>
        %swap3A_194 = arith.index_cast %scan3A_106 : i32 to index
        %swap3A_195 = arith.constant 96 : index
        %swap3A_196 = tpu.vector_load %arg10[%swap3A_194, %swap3A_195] {strides = array<i32>} : memref<80x128xf32, #tpu.memory_space<vmem>>, vector<1x16xf32>,
        %swap3A_197 = vector.shape_cast %swap3A_196 : vector<1x16xf32> to vector<16xf32>
        %swap3A_198 = vector.shape_cast %mul3A_193 : vector<16xf32> to vector<1x16xf32>
        tpu.vector_store %arg10[%swap3A_194, %swap3A_195], %swap3A_198 {strides = array<i32>} : memref<80x128xf32, #tpu.memory_space<vmem>>, vector<1x16xf32>,
        %get3A_199 = arith.index_cast %scan3A_106 : i32 to index
        %get3A_200 = arith.constant 112 : index
        %get3A_201 = tpu.vector_load %arg10[%get3A_199, %get3A_200] {strides = array<i32>} : memref<80x128xf32, #tpu.memory_space<vmem>>, vector<1x16xf32>,
        %get3A_202 = vector.shape_cast %get3A_201 : vector<1x16xf32> to vector<16xf32>
        %slice3A_203 = vector.extract_strided_slice %get3A_110 {offsets = [7], sizes = [1], strides = [1]} : vector<16xf32> to vector<1xf32>
        %squeeze3A_204 = vector.extract %slice3A_203[0] : f32 from vector<1xf32>
        %mul3A_205 = vector.broadcast %squeeze3A_204 : f32 to vector<16xf32>
        %mul3A_206 = arith.mulf %get3A_202, %mul3A_205 : vector<16xf32>
        %swap3A_207 = arith.index_cast %scan3A_106 : i32 to index
        %swap3A_208 = arith.constant 112 : index
        %swap3A_209 = tpu.vector_load %arg10[%swap3A_207, %swap3A_208] {strides = array<i32>} : memref<80x128xf32, #tpu.memory_space<vmem>>, vector<1x16xf32>,
        %swap3A_210 = vector.shape_cast %swap3A_209 : vector<1x16xf32> to vector<16xf32>
        %swap3A_211 = vector.shape_cast %mul3A_206 : vector<16xf32> to vector<1x16xf32>
        tpu.vector_store %arg10[%swap3A_207, %swap3A_208], %swap3A_211 {strides = array<i32>} : memref<80x128xf32, #tpu.memory_space<vmem>>, vector<1x16xf32>,
        %scan3A_212 = arith.constant 0 : i32
        scf.yield %scan3A_212 : i32
      }
      %scan3A_104 = arith.constant 80 : i32
      "tpu.region"() ({
        %run_scoped3A = tpu.sem_alloc : memref<!tpu.dma_semaphore, #tpu.memory_space<semaphore_mem>>
        %dma_start3A = arith.constant 0 : i32
        %dma_start3A_106 = tpu.memref_slice %arg8[%scan3A_93, %dma_start3A] : memref<125x80xi32, #tpu.memory_space<vmem>> -> memref<1x80xi32, #tpu.memory_space<vmem>>
        %dma_start3A_107 = tpu.memref_squeeze %dma_start3A_106 : memref<1x80xi32, #tpu.memory_space<vmem>> -> memref<80xi32, #tpu.memory_space<vmem>>
        %dma_start3A_108 = arith.constant 0 : i32
        %dma_start3A_109 = arith.constant 0 : i32
        %dma_start3A_110 = tpu.memref_slice %arg11[%dma_start3A_108, %dma_start3A_109] : memref<10000x128xf32, #tpu.memory_space<vmem_shared>> -> memref<10000x128xf32, #tpu.memory_space<vmem_shared>>
        tpu.enqueue_indirect_dma source(%arg10 : memref<80x128xf32, #tpu.memory_space<vmem>>) target(%dma_start3A_110 : memref<10000x128xf32, #tpu.memory_space<vmem_shared>>) offsets(%dma_start3A_107 : memref<80xi32, #tpu.memory_space<vmem>>) semaphore(%run_scoped3A : memref<!tpu.dma_semaphore, #tpu.memory_space<semaphore_mem>>) {add = true}
        %dma_wait3A = arith.constant 0 : i32
        %dma_wait3A_111 = tpu.memref_slice %arg8[%scan3A_93, %dma_wait3A] : memref<125x80xi32, #tpu.memory_space<vmem>> -> memref<1x80xi32, #tpu.memory_space<vmem>>
        %dma_wait3A_112 = tpu.memref_squeeze %dma_wait3A_111 : memref<1x80xi32, #tpu.memory_space<vmem>> -> memref<80xi32, #tpu.memory_space<vmem>>
        %dma_wait3A_113 = arith.constant 0 : i32
        %dma_wait3A_114 = arith.constant 0 : i32
        %dma_wait3A_115 = tpu.memref_slice %arg11[%dma_wait3A_113, %dma_wait3A_114] : memref<10000x128xf32, #tpu.memory_space<vmem_shared>> -> memref<10000x128xf32, #tpu.memory_space<vmem_shared>>
        tpu.wait_indirect_dma semaphore(%run_scoped3A : memref<!tpu.dma_semaphore, #tpu.memory_space<semaphore_mem>>) src(%arg10 : memref<80x128xf32, #tpu.memory_space<vmem>>) dst(%dma_wait3A_115 : memref<10000x128xf32, #tpu.memory_space<vmem_shared>>)
        tpu.yield
      }) : () -> ()
      %scan3A_105 = arith.constant 0 : i32
      scf.yield %scan3A_105 : i32
    }
    %scan3A_49 = arith.constant 125 : i32
    %barrier3A_50 = arith.constant 0 : index
    tpu.barrier barrier_id(%barrier3A_50)
    %sub3A_51 = arith.constant 125 : i32
    %sub3A_52 = arith.subi %sub3A_51, %arg1 : i32
    %add3A_53 = arith.constant 16 : i32
    %add3A_54 = arith.addi %sub3A_52, %add3A_53 : i32
    %sub3A_55 = arith.constant 1 : i32
    %sub3A_56 = arith.subi %add3A_54, %sub3A_55 : i32
    %jit3A_57 = arith.constant 16 : i32
    %div3A_58 = arith.divsi %sub3A_56, %jit3A_57 : i32
    %sign3A_59 = arith.constant 0 : i32
    %sign3A_60 = arith.cmpi sgt, %sub3A_56, %sign3A_59 : i32
    %sign3A_61 = arith.extui %sign3A_60 : i1 to i32
    %sign3A_62 = arith.constant 0 : i32
    %sign3A_63 = arith.cmpi slt, %sub3A_56, %sign3A_62 : i32
    %sign3A_64 = arith.extui %sign3A_63 : i1 to i32
    %sign3A_65 = arith.subi %sign3A_61, %sign3A_64 : i32
    %sign3A_66 = arith.constant 0 : i32
    %sign3A_67 = arith.cmpi sgt, %jit3A_57, %sign3A_66 : i32
    %sign3A_68 = arith.extui %sign3A_67 : i1 to i32
    %sign3A_69 = arith.constant 0 : i32
    %sign3A_70 = arith.cmpi slt, %jit3A_57, %sign3A_69 : i32
    %sign3A_71 = arith.extui %sign3A_70 : i1 to i32
    %sign3A_72 = arith.subi %sign3A_68, %sign3A_71 : i32
    %ne3A_73 = arith.cmpi ne, %sign3A_65, %sign3A_72 : i32
    %rem3A_74 = arith.remsi %sub3A_56, %jit3A_57 : i32
    %ne3A_75 = arith.constant 0 : i32
    %ne3A_76 = arith.cmpi ne, %rem3A_74, %ne3A_75 : i32
    %and3A_77 = arith.andi %ne3A_73, %ne3A_76 : i1
    %sub3A_78 = arith.constant 1 : i32
    %sub3A_79 = arith.subi %div3A_58, %sub3A_78 : i32
    %select_n3A_80 = arith.select %and3A_77, %sub3A_79, %div3A_58 : i32
    %while3A_81 = arith.constant 0 : i32
    %while3A_82 = arith.constant 0 : i32
    %while3A_83 = arith.subi %select_n3A_80, %while3A_81 : i32
    %while3A_84 = arith.addi %while3A_81, %while3A_83 : i32
    %while3A_85 = arith.constant 1 : i32
    %while3A_86 = arith.divsi %while3A_83, %while3A_85 : i32
    %while3A_87 = arith.muli %while3A_86, %while3A_85 : i32
    %while3A_88 = arith.addi %while3A_81, %while3A_87 : i32
    %while3A_89 = arith.constant 1 : i32
    %while3A_90 = scf.for %while3A_93 = %while3A_81 to %while3A_88 step %while3A_89 iter_args(%while3A_94 = %while3A_82) -> (i32)  : i32 {
      %mul3A_95 = arith.constant 16 : i32
      %mul3A_96 = arith.muli %while3A_93, %mul3A_95 : i32
      %add3A_97 = arith.addi %arg1, %mul3A_96 : i32
      %mul3A_98 = arith.constant 80 : i32
      %mul3A_99 = arith.muli %add3A_97, %mul3A_98 : i32
      "tpu.region"() ({
        %run_scoped3A = tpu.sem_alloc : memref<!tpu.dma_semaphore, #tpu.memory_space<semaphore_mem>>
        %dma_start3A = arith.constant 0 : i32
        %dma_start3A_101 = tpu.memref_slice %arg11[%mul3A_99, %dma_start3A] : memref<10000x128xf32, #tpu.memory_space<vmem_shared>> -> memref<80x128xf32, #tpu.memory_space<vmem_shared>>
        %dma_start3A_102 = arith.constant 0 : i32
        %dma_start3A_103 = tpu.memref_slice %arg11[%mul3A_99, %dma_start3A_102] : memref<10000x128xf32, #tpu.memory_space<vmem_shared>> -> memref<80x128xf32, #tpu.memory_space<vmem_shared>>
        tpu.enqueue_dma source(%dma_start3A_103 : memref<80x128xf32, #tpu.memory_space<vmem_shared>>) target(%arg10 : memref<80x128xf32, #tpu.memory_space<vmem>>) target_semaphore(%run_scoped3A : memref<!tpu.dma_semaphore, #tpu.memory_space<semaphore_mem>>)
        %dma_wait3A = arith.constant 0 : i32
        %dma_wait3A_104 = tpu.memref_slice %arg11[%mul3A_99, %dma_wait3A] : memref<10000x128xf32, #tpu.memory_space<vmem_shared>> -> memref<80x128xf32, #tpu.memory_space<vmem_shared>>
        %dma_wait3A_105 = arith.constant 0 : i32
        %dma_wait3A_106 = tpu.memref_slice %arg11[%mul3A_99, %dma_wait3A_105] : memref<10000x128xf32, #tpu.memory_space<vmem_shared>> -> memref<80x128xf32, #tpu.memory_space<vmem_shared>>
        tpu.wait_dma2 semaphore(%run_scoped3A : memref<!tpu.dma_semaphore, #tpu.memory_space<semaphore_mem>>) src(%dma_wait3A_106 : memref<80x128xf32, #tpu.memory_space<vmem_shared>>) dst(%arg10 : memref<80x128xf32, #tpu.memory_space<vmem>>)
        tpu.yield
      }) : () -> ()
      "tpu.region"() ({
        %run_scoped3A = tpu.sem_alloc : memref<!tpu.dma_semaphore, #tpu.memory_space<semaphore_mem>>
        %dma_start3A = arith.constant 0 : i32
        %dma_start3A_101 = arith.constant 0 : i32
        %dma_start3A_102 = tpu.memref_slice %arg6[%arg0, %dma_start3A, %dma_start3A_101] : memref<2x10000x128xf32, #tpu.memory_space<hbm>> -> memref<1x10000x128xf32, #tpu.memory_space<hbm>>
        %dma_start3A_103 = tpu.memref_squeeze %dma_start3A_102 : memref<1x10000x128xf32, #tpu.memory_space<hbm>> -> memref<10000x128xf32, #tpu.memory_space<hbm>>
        %dma_start3A_104 = arith.constant 0 : i32
        %dma_start3A_105 = tpu.memref_slice %dma_start3A_103[%mul3A_99, %dma_start3A_104] : memref<10000x128xf32, #tpu.memory_space<hbm>> -> memref<80x128xf32, #tpu.memory_space<hbm>>
        %dma_start3A_106 = arith.constant 0 : i32
        %dma_start3A_107 = arith.constant 0 : i32
        %dma_start3A_108 = tpu.memref_slice %arg6[%arg0, %dma_start3A_106, %dma_start3A_107] : memref<2x10000x128xf32, #tpu.memory_space<hbm>> -> memref<1x10000x128xf32, #tpu.memory_space<hbm>>
        %dma_start3A_109 = tpu.memref_squeeze %dma_start3A_108 : memref<1x10000x128xf32, #tpu.memory_space<hbm>> -> memref<10000x128xf32, #tpu.memory_space<hbm>>
        %dma_start3A_110 = arith.constant 0 : i32
        %dma_start3A_111 = tpu.memref_slice %dma_start3A_109[%mul3A_99, %dma_start3A_110] : memref<10000x128xf32, #tpu.memory_space<hbm>> -> memref<80x128xf32, #tpu.memory_space<hbm>>
        tpu.enqueue_dma source(%arg10 : memref<80x128xf32, #tpu.memory_space<vmem>>) target(%dma_start3A_111 : memref<80x128xf32, #tpu.memory_space<hbm>>) target_semaphore(%run_scoped3A : memref<!tpu.dma_semaphore, #tpu.memory_space<semaphore_mem>>)
        %dma_wait3A = arith.constant 0 : i32
        %dma_wait3A_112 = arith.constant 0 : i32
        %dma_wait3A_113 = tpu.memref_slice %arg6[%arg0, %dma_wait3A, %dma_wait3A_112] : memref<2x10000x128xf32, #tpu.memory_space<hbm>> -> memref<1x10000x128xf32, #tpu.memory_space<hbm>>
        %dma_wait3A_114 = tpu.memref_squeeze %dma_wait3A_113 : memref<1x10000x128xf32, #tpu.memory_space<hbm>> -> memref<10000x128xf32, #tpu.memory_space<hbm>>
        %dma_wait3A_115 = arith.constant 0 : i32
        %dma_wait3A_116 = tpu.memref_slice %dma_wait3A_114[%mul3A_99, %dma_wait3A_115] : memref<10000x128xf32, #tpu.memory_space<hbm>> -> memref<80x128xf32, #tpu.memory_space<hbm>>
        %dma_wait3A_117 = arith.constant 0 : i32
        %dma_wait3A_118 = arith.constant 0 : i32
        %dma_wait3A_119 = tpu.memref_slice %arg6[%arg0, %dma_wait3A_117, %dma_wait3A_118] : memref<2x10000x128xf32, #tpu.memory_space<hbm>> -> memref<1x10000x128xf32, #tpu.memory_space<hbm>>
        %dma_wait3A_120 = tpu.memref_squeeze %dma_wait3A_119 : memref<1x10000x128xf32, #tpu.memory_space<hbm>> -> memref<10000x128xf32, #tpu.memory_space<hbm>>
        %dma_wait3A_121 = arith.constant 0 : i32
        %dma_wait3A_122 = tpu.memref_slice %dma_wait3A_120[%mul3A_99, %dma_wait3A_121] : memref<10000x128xf32, #tpu.memory_space<hbm>> -> memref<80x128xf32, #tpu.memory_space<hbm>>
        tpu.wait_dma2 semaphore(%run_scoped3A : memref<!tpu.dma_semaphore, #tpu.memory_space<semaphore_mem>>) src(%arg10 : memref<80x128xf32, #tpu.memory_space<vmem>>) dst(%dma_wait3A_122 : memref<80x128xf32, #tpu.memory_space<hbm>>)
        tpu.yield
      }) : () -> ()
      %while3A_100 = arith.constant 0 : i32
      scf.yield %while3A_100 : i32
    }
    %while3A_91 = arith.constant 1 : i32
    %while3A_92 = scf.for %while3A_93 = %while3A_88 to %while3A_84 step %while3A_91 iter_args(%while3A_94 = %while3A_90) -> (i32)  : i32 {
      %mul3A_95 = arith.constant 16 : i32
      %mul3A_96 = arith.muli %while3A_93, %mul3A_95 : i32
      %add3A_97 = arith.addi %arg1, %mul3A_96 : i32
      %mul3A_98 = arith.constant 80 : i32
      %mul3A_99 = arith.muli %add3A_97, %mul3A_98 : i32
      "tpu.region"() ({
        %run_scoped3A = tpu.sem_alloc : memref<!tpu.dma_semaphore, #tpu.memory_space<semaphore_mem>>
        %dma_start3A = arith.constant 0 : i32
        %dma_start3A_101 = tpu.memref_slice %arg11[%mul3A_99, %dma_start3A] : memref<10000x128xf32, #tpu.memory_space<vmem_shared>> -> memref<80x128xf32, #tpu.memory_space<vmem_shared>>
        %dma_start3A_102 = arith.constant 0 : i32
        %dma_start3A_103 = tpu.memref_slice %arg11[%mul3A_99, %dma_start3A_102] : memref<10000x128xf32, #tpu.memory_space<vmem_shared>> -> memref<80x128xf32, #tpu.memory_space<vmem_shared>>
        tpu.enqueue_dma source(%dma_start3A_103 : memref<80x128xf32, #tpu.memory_space<vmem_shared>>) target(%arg10 : memref<80x128xf32, #tpu.memory_space<vmem>>) target_semaphore(%run_scoped3A : memref<!tpu.dma_semaphore, #tpu.memory_space<semaphore_mem>>)
        %dma_wait3A = arith.constant 0 : i32
        %dma_wait3A_104 = tpu.memref_slice %arg11[%mul3A_99, %dma_wait3A] : memref<10000x128xf32, #tpu.memory_space<vmem_shared>> -> memref<80x128xf32, #tpu.memory_space<vmem_shared>>
        %dma_wait3A_105 = arith.constant 0 : i32
        %dma_wait3A_106 = tpu.memref_slice %arg11[%mul3A_99, %dma_wait3A_105] : memref<10000x128xf32, #tpu.memory_space<vmem_shared>> -> memref<80x128xf32, #tpu.memory_space<vmem_shared>>
        tpu.wait_dma2 semaphore(%run_scoped3A : memref<!tpu.dma_semaphore, #tpu.memory_space<semaphore_mem>>) src(%dma_wait3A_106 : memref<80x128xf32, #tpu.memory_space<vmem_shared>>) dst(%arg10 : memref<80x128xf32, #tpu.memory_space<vmem>>)
        tpu.yield
      }) : () -> ()
      "tpu.region"() ({
        %run_scoped3A = tpu.sem_alloc : memref<!tpu.dma_semaphore, #tpu.memory_space<semaphore_mem>>
        %dma_start3A = arith.constant 0 : i32
        %dma_start3A_101 = arith.constant 0 : i32
        %dma_start3A_102 = tpu.memref_slice %arg6[%arg0, %dma_start3A, %dma_start3A_101] : memref<2x10000x128xf32, #tpu.memory_space<hbm>> -> memref<1x10000x128xf32, #tpu.memory_space<hbm>>
        %dma_start3A_103 = tpu.memref_squeeze %dma_start3A_102 : memref<1x10000x128xf32, #tpu.memory_space<hbm>> -> memref<10000x128xf32, #tpu.memory_space<hbm>>
        %dma_start3A_104 = arith.constant 0 : i32
        %dma_start3A_105 = tpu.memref_slice %dma_start3A_103[%mul3A_99, %dma_start3A_104] : memref<10000x128xf32, #tpu.memory_space<hbm>> -> memref<80x128xf32, #tpu.memory_space<hbm>>
        %dma_start3A_106 = arith.constant 0 : i32
        %dma_start3A_107 = arith.constant 0 : i32
        %dma_start3A_108 = tpu.memref_slice %arg6[%arg0, %dma_start3A_106, %dma_start3A_107] : memref<2x10000x128xf32, #tpu.memory_space<hbm>> -> memref<1x10000x128xf32, #tpu.memory_space<hbm>>
        %dma_start3A_109 = tpu.memref_squeeze %dma_start3A_108 : memref<1x10000x128xf32, #tpu.memory_space<hbm>> -> memref<10000x128xf32, #tpu.memory_space<hbm>>
        %dma_start3A_110 = arith.constant 0 : i32
        %dma_start3A_111 = tpu.memref_slice %dma_start3A_109[%mul3A_99, %dma_start3A_110] : memref<10000x128xf32, #tpu.memory_space<hbm>> -> memref<80x128xf32, #tpu.memory_space<hbm>>
        tpu.enqueue_dma source(%arg10 : memref<80x128xf32, #tpu.memory_space<vmem>>) target(%dma_start3A_111 : memref<80x128xf32, #tpu.memory_space<hbm>>) target_semaphore(%run_scoped3A : memref<!tpu.dma_semaphore, #tpu.memory_space<semaphore_mem>>)
        %dma_wait3A = arith.constant 0 : i32
        %dma_wait3A_112 = arith.constant 0 : i32
        %dma_wait3A_113 = tpu.memref_slice %arg6[%arg0, %dma_wait3A, %dma_wait3A_112] : memref<2x10000x128xf32, #tpu.memory_space<hbm>> -> memref<1x10000x128xf32, #tpu.memory_space<hbm>>
        %dma_wait3A_114 = tpu.memref_squeeze %dma_wait3A_113 : memref<1x10000x128xf32, #tpu.memory_space<hbm>> -> memref<10000x128xf32, #tpu.memory_space<hbm>>
        %dma_wait3A_115 = arith.constant 0 : i32
        %dma_wait3A_116 = tpu.memref_slice %dma_wait3A_114[%mul3A_99, %dma_wait3A_115] : memref<10000x128xf32, #tpu.memory_space<hbm>> -> memref<80x128xf32, #tpu.memory_space<hbm>>
        %dma_wait3A_117 = arith.constant 0 : i32
        %dma_wait3A_118 = arith.constant 0 : i32
        %dma_wait3A_119 = tpu.memref_slice %arg6[%arg0, %dma_wait3A_117, %dma_wait3A_118] : memref<2x10000x128xf32, #tpu.memory_space<hbm>> -> memref<1x10000x128xf32, #tpu.memory_space<hbm>>
        %dma_wait3A_120 = tpu.memref_squeeze %dma_wait3A_119 : memref<1x10000x128xf32, #tpu.memory_space<hbm>> -> memref<10000x128xf32, #tpu.memory_space<hbm>>
        %dma_wait3A_121 = arith.constant 0 : i32
        %dma_wait3A_122 = tpu.memref_slice %dma_wait3A_120[%mul3A_99, %dma_wait3A_121] : memref<10000x128xf32, #tpu.memory_space<hbm>> -> memref<80x128xf32, #tpu.memory_space<hbm>>
        tpu.wait_dma2 semaphore(%run_scoped3A : memref<!tpu.dma_semaphore, #tpu.memory_space<semaphore_mem>>) src(%arg10 : memref<80x128xf32, #tpu.memory_space<vmem>>) dst(%dma_wait3A_122 : memref<80x128xf32, #tpu.memory_space<hbm>>)
        tpu.yield
      }) : () -> ()
      %while3A_100 = arith.constant 0 : i32
      scf.yield %while3A_100 : i32
    }
    return
  }
}

module attributes {stable_mosaic.version = 14 : i64} {
  func.func @_pre_body(%arg0: i32, %arg1: memref<1000x128xf32, #tpu.memory_space<vmem>>, %arg2: memref<128x128xf32, #tpu.memory_space<vmem>>, %arg3: memref<128x16xf32, #tpu.memory_space<vmem>>, %arg4: memref<1x128xf32, #tpu.memory_space<vmem>>, %arg5: memref<1x128xf32, #tpu.memory_space<vmem>>, %arg6: memref<1000x128xf32, #tpu.memory_space<vmem>>, %arg7: memref<1000x128xf32, #tpu.memory_space<vmem>>, %arg8: memref<1000x16xf32, #tpu.memory_space<vmem>>) attributes {dimension_semantics = [#tpu.dimension_semantics<arbitrary>], iteration_bounds = array<i64: 10>, scalar_prefetch = 0 : i64, scratch_operands = 0 : i64, tpu.core_type = #tpu.core_type<tc>, window_params = [{transform_indices = @transform_0, window_bounds = array<i64: 1000, 128>}, {pipeline_mode = #tpu.pipeline_mode<synchronous>, transform_indices = @transform_1, window_bounds = array<i64: 128, 128>}, {pipeline_mode = #tpu.pipeline_mode<synchronous>, transform_indices = @transform_2, window_bounds = array<i64: 128, 16>}, {pipeline_mode = #tpu.pipeline_mode<synchronous>, transform_indices = @transform_3, window_bounds = array<i64: 1, 128>}, {pipeline_mode = #tpu.pipeline_mode<synchronous>, transform_indices = @transform_4, window_bounds = array<i64: 1, 128>}, {transform_indices = @transform_5, window_bounds = array<i64: 1000, 128>}, {transform_indices = @transform_6, window_bounds = array<i64: 1000, 128>}, {transform_indices = @transform_7, window_bounds = array<i64: 1000, 16>}]} {
    %get3A = arith.constant 0 : index
    %get3A_0 = arith.constant 0 : index
    %get3A_1 = vector.load %arg1[%get3A, %get3A_0] : memref<1000x128xf32, #tpu.memory_space<vmem>>, vector<1000x128xf32>
    %reduce_sum3A = arith.constant dense<0.000000e+00> : vector<1000xf32>
    %reduce_sum3A_2 = vector.multi_reduction <add>, %get3A_1, %reduce_sum3A [1] : vector<1000x128xf32> to vector<1000xf32>
    %broadcast_in_dim3A = vector.shape_cast %reduce_sum3A_2 : vector<1000xf32> to vector<1000x1xf32>
    %div3A = arith.constant 1.280000e+02 : f32
    %div3A_3 = vector.broadcast %div3A : f32 to vector<1000x1xf32>
    %div3A_4 = arith.divf %broadcast_in_dim3A, %div3A_3 : vector<1000x1xf32>
    %sub3A = vector.broadcast %div3A_4 : vector<1000x1xf32> to vector<1000x128xf32>
    %sub3A_5 = arith.subf %get3A_1, %sub3A : vector<1000x128xf32>
    %mul3A = arith.mulf %sub3A_5, %sub3A_5 : vector<1000x128xf32>
    %reduce_sum3A_6 = arith.constant dense<0.000000e+00> : vector<1000xf32>
    %reduce_sum3A_7 = vector.multi_reduction <add>, %mul3A, %reduce_sum3A_6 [1] : vector<1000x128xf32> to vector<1000xf32>
    %broadcast_in_dim3A_8 = vector.shape_cast %reduce_sum3A_7 : vector<1000xf32> to vector<1000x1xf32>
    %div3A_9 = arith.constant 1.280000e+02 : f32
    %div3A_10 = vector.broadcast %div3A_9 : f32 to vector<1000x1xf32>
    %div3A_11 = arith.divf %broadcast_in_dim3A_8, %div3A_10 : vector<1000x1xf32>
    %add3A = arith.constant 9.99999974E-6 : f32
    %add3A_12 = vector.broadcast %add3A : f32 to vector<1000x1xf32>
    %add3A_13 = arith.addf %div3A_11, %add3A_12 : vector<1000x1xf32>
    %rsqrt3A = math.rsqrt %add3A_13 : vector<1000x1xf32>
    %mul3A_14 = vector.broadcast %rsqrt3A : vector<1000x1xf32> to vector<1000x128xf32>
    %mul3A_15 = arith.mulf %sub3A_5, %mul3A_14 : vector<1000x128xf32>
    %get3A_16 = arith.constant 0 : index
    %get3A_17 = arith.constant 0 : index
    %get3A_18 = vector.load %arg4[%get3A_16, %get3A_17] : memref<1x128xf32, #tpu.memory_space<vmem>>, vector<1x128xf32>
    %mul3A_19 = vector.broadcast %get3A_18 : vector<1x128xf32> to vector<1000x128xf32>
    %mul3A_20 = arith.mulf %mul3A_15, %mul3A_19 : vector<1000x128xf32>
    %get3A_21 = arith.constant 0 : index
    %get3A_22 = arith.constant 0 : index
    %get3A_23 = vector.load %arg5[%get3A_21, %get3A_22] : memref<1x128xf32, #tpu.memory_space<vmem>>, vector<1x128xf32>
    %add3A_24 = vector.broadcast %get3A_23 : vector<1x128xf32> to vector<1000x128xf32>
    %add3A_25 = arith.addf %mul3A_20, %add3A_24 : vector<1000x128xf32>
    %swap3A = arith.constant 0 : index
    %swap3A_26 = arith.constant 0 : index
    %swap3A_27 = vector.load %arg6[%swap3A, %swap3A_26] : memref<1000x128xf32, #tpu.memory_space<vmem>>, vector<1000x128xf32>
    tpu.vector_store %arg6[%swap3A, %swap3A_26], %add3A_25 {strides = array<i32>} : memref<1000x128xf32, #tpu.memory_space<vmem>>, vector<1000x128xf32>,
    %get3A_28 = arith.constant 0 : index
    %get3A_29 = arith.constant 0 : index
    %get3A_30 = vector.load %arg2[%get3A_28, %get3A_29] : memref<128x128xf32, #tpu.memory_space<vmem>>, vector<128x128xf32>
    %dot_general3A = arith.constant dense<0.000000e+00> : vector<1000x128xf32>
    %dot_general3A_31 = tpu.matmul %add3A_25, %get3A_30, %dot_general3A {dimension_numbers = #tpu.dot_dimension_numbers<[1], [1], [0], [0], [0, 0, 1, 0], [], []>, transpose_lhs_hint = false} : vector<1000x128xf32>, vector<128x128xf32>, vector<1000x128xf32> -> vector<1000x128xf32>
    %swap3A_32 = arith.constant 0 : index
    %swap3A_33 = arith.constant 0 : index
    %swap3A_34 = vector.load %arg7[%swap3A_32, %swap3A_33] : memref<1000x128xf32, #tpu.memory_space<vmem>>, vector<1000x128xf32>
    tpu.vector_store %arg7[%swap3A_32, %swap3A_33], %dot_general3A_31 {strides = array<i32>} : memref<1000x128xf32, #tpu.memory_space<vmem>>, vector<1000x128xf32>,
    %get3A_35 = arith.constant 0 : index
    %get3A_36 = arith.constant 0 : index
    %get3A_37 = vector.load %arg3[%get3A_35, %get3A_36] : memref<128x16xf32, #tpu.memory_space<vmem>>, vector<128x16xf32>
    %dot_general3A_38 = arith.constant dense<0.000000e+00> : vector<1000x16xf32>
    %dot_general3A_39 = tpu.matmul %dot_general3A_31, %get3A_37, %dot_general3A_38 {dimension_numbers = #tpu.dot_dimension_numbers<[1], [0], [0], [1], [0, 0, 1, 1], [], []>, transpose_lhs_hint = false} : vector<1000x128xf32>, vector<128x16xf32>, vector<1000x16xf32> -> vector<1000x16xf32>
    %swap3A_40 = arith.constant 0 : index
    %swap3A_41 = arith.constant 0 : index
    %swap3A_42 = vector.load %arg8[%swap3A_40, %swap3A_41] : memref<1000x16xf32, #tpu.memory_space<vmem>>, vector<1000x16xf32>
    tpu.vector_store %arg8[%swap3A_40, %swap3A_41], %dot_general3A_39 {strides = array<i32>} : memref<1000x16xf32, #tpu.memory_space<vmem>>, vector<1000x16xf32>,
    return
  }
  func.func @transform_0(%arg0: i32) -> (i32, i32) {
    %c0_i32 = arith.constant 0 : i32
    %c0_i32_0 = arith.constant 0 : i32
    return %arg0, %c0_i32 : i32, i32
  }
  func.func @transform_1(%arg0: i32) -> (i32, i32) {
    %c0_i32 = arith.constant 0 : i32
    %c0_i32_0 = arith.constant 0 : i32
    %c0_i32_1 = arith.constant 0 : i32
    return %c0_i32, %c0_i32_0 : i32, i32
  }
  func.func @transform_2(%arg0: i32) -> (i32, i32) {
    %c0_i32 = arith.constant 0 : i32
    %c0_i32_0 = arith.constant 0 : i32
    %c0_i32_1 = arith.constant 0 : i32
    return %c0_i32, %c0_i32_0 : i32, i32
  }
  func.func @transform_3(%arg0: i32) -> (i32, i32) {
    %c0_i32 = arith.constant 0 : i32
    %c0_i32_0 = arith.constant 0 : i32
    %c0_i32_1 = arith.constant 0 : i32
    return %c0_i32, %c0_i32_0 : i32, i32
  }
  func.func @transform_4(%arg0: i32) -> (i32, i32) {
    %c0_i32 = arith.constant 0 : i32
    %c0_i32_0 = arith.constant 0 : i32
    %c0_i32_1 = arith.constant 0 : i32
    return %c0_i32, %c0_i32_0 : i32, i32
  }
  func.func @transform_5(%arg0: i32) -> (i32, i32) {
    %c0_i32 = arith.constant 0 : i32
    %c0_i32_0 = arith.constant 0 : i32
    return %arg0, %c0_i32 : i32, i32
  }
  func.func @transform_6(%arg0: i32) -> (i32, i32) {
    %c0_i32 = arith.constant 0 : i32
    %c0_i32_0 = arith.constant 0 : i32
    return %arg0, %c0_i32 : i32, i32
  }
  func.func @transform_7(%arg0: i32) -> (i32, i32) {
    %c0_i32 = arith.constant 0 : i32
    %c0_i32_0 = arith.constant 0 : i32
    return %arg0, %c0_i32 : i32, i32
  }
}

module attributes {stable_mosaic.version = 14 : i64} {
  func.func @_combine_body(%arg0: i32, %arg1: memref<1000x128xf32, #tpu.memory_space<vmem>>, %arg2: memref<1000x128xf32, #tpu.memory_space<vmem>>, %arg3: memref<1000x128xf32, #tpu.memory_space<vmem>>, %arg4: memref<1000x128xf32, #tpu.memory_space<vmem>>) attributes {dimension_semantics = [#tpu.dimension_semantics<arbitrary>], iteration_bounds = array<i64: 10>, scalar_prefetch = 0 : i64, scratch_operands = 0 : i64, tpu.core_type = #tpu.core_type<tc>, window_params = [{transform_indices = @transform_0, window_bounds = array<i64: 1000, 128>}, {transform_indices = @transform_1, window_bounds = array<i64: 1000, 128>}, {transform_indices = @transform_2, window_bounds = array<i64: 1000, 128>}, {transform_indices = @transform_3, window_bounds = array<i64: 1000, 128>}]} {
    %get3A = arith.constant 0 : index
    %get3A_0 = arith.constant 0 : index
    %get3A_1 = vector.load %arg1[%get3A, %get3A_0] : memref<1000x128xf32, #tpu.memory_space<vmem>>, vector<1000x128xf32>
    %get3A_2 = arith.constant 0 : index
    %get3A_3 = arith.constant 0 : index
    %get3A_4 = vector.load %arg2[%get3A_2, %get3A_3] : memref<1000x128xf32, #tpu.memory_space<vmem>>, vector<1000x128xf32>
    %add3A = arith.addf %get3A_1, %get3A_4 : vector<1000x128xf32>
    %mul3A = arith.constant 8.500000e-01 : f32
    %mul3A_5 = vector.broadcast %mul3A : f32 to vector<1000x128xf32>
    %mul3A_6 = arith.mulf %mul3A_5, %add3A : vector<1000x128xf32>
    %get3A_7 = arith.constant 0 : index
    %get3A_8 = arith.constant 0 : index
    %get3A_9 = vector.load %arg3[%get3A_7, %get3A_8] : memref<1000x128xf32, #tpu.memory_space<vmem>>, vector<1000x128xf32>
    %mul3A_10 = arith.constant 1.500000e-01 : f32
    %mul3A_11 = vector.broadcast %mul3A_10 : f32 to vector<1000x128xf32>
    %mul3A_12 = arith.mulf %mul3A_11, %get3A_9 : vector<1000x128xf32>
    %add3A_13 = arith.addf %mul3A_6, %mul3A_12 : vector<1000x128xf32>
    %swap3A = arith.constant 0 : index
    %swap3A_14 = arith.constant 0 : index
    %swap3A_15 = vector.load %arg4[%swap3A, %swap3A_14] : memref<1000x128xf32, #tpu.memory_space<vmem>>, vector<1000x128xf32>
    tpu.vector_store %arg4[%swap3A, %swap3A_14], %add3A_13 {strides = array<i32>} : memref<1000x128xf32, #tpu.memory_space<vmem>>, vector<1000x128xf32>,
    return
  }
  func.func @transform_0(%arg0: i32) -> (i32, i32) {
    %c0_i32 = arith.constant 0 : i32
    %c0_i32_0 = arith.constant 0 : i32
    return %arg0, %c0_i32 : i32, i32
  }
  func.func @transform_1(%arg0: i32) -> (i32, i32) {
    %c0_i32 = arith.constant 0 : i32
    %c0_i32_0 = arith.constant 0 : i32
    return %arg0, %c0_i32 : i32, i32
  }
  func.func @transform_2(%arg0: i32) -> (i32, i32) {
    %c0_i32 = arith.constant 0 : i32
    %c0_i32_0 = arith.constant 0 : i32
    return %arg0, %c0_i32 : i32, i32
  }
  func.func @transform_3(%arg0: i32) -> (i32, i32) {
    %c0_i32 = arith.constant 0 : i32
    %c0_i32_0 = arith.constant 0 : i32
    return %arg0, %c0_i32 : i32, i32
  }
}

module attributes {stable_mosaic.version = 14 : i64} {
  func.func @_post_body(%arg0: i32, %arg1: memref<1000x128xf32, #tpu.memory_space<vmem>>, %arg2: memref<1000x128xf32, #tpu.memory_space<vmem>>, %arg3: memref<1000x128xf32, #tpu.memory_space<vmem>>, %arg4: memref<1000x128xf32, #tpu.memory_space<vmem>>, %arg5: memref<1x128xf32, #tpu.memory_space<vmem>>, %arg6: memref<1x128xf32, #tpu.memory_space<vmem>>, %arg7: memref<512x128xf32, #tpu.memory_space<vmem>>, %arg8: memref<1x512xf32, #tpu.memory_space<vmem>>, %arg9: memref<128x512xf32, #tpu.memory_space<vmem>>, %arg10: memref<1x128xf32, #tpu.memory_space<vmem>>, %arg11: memref<1000x128xf32, #tpu.memory_space<vmem>>) attributes {dimension_semantics = [#tpu.dimension_semantics<arbitrary>], iteration_bounds = array<i64: 10>, scalar_prefetch = 0 : i64, scratch_operands = 0 : i64, tpu.core_type = #tpu.core_type<tc>, window_params = [{transform_indices = @transform_0, window_bounds = array<i64: 1000, 128>}, {transform_indices = @transform_1, window_bounds = array<i64: 1000, 128>}, {transform_indices = @transform_2, window_bounds = array<i64: 1000, 128>}, {transform_indices = @transform_3, window_bounds = array<i64: 1000, 128>}, {pipeline_mode = #tpu.pipeline_mode<synchronous>, transform_indices = @transform_4, window_bounds = array<i64: 1, 128>}, {pipeline_mode = #tpu.pipeline_mode<synchronous>, transform_indices = @transform_5, window_bounds = array<i64: 1, 128>}, {pipeline_mode = #tpu.pipeline_mode<synchronous>, transform_indices = @transform_6, window_bounds = array<i64: 512, 128>}, {pipeline_mode = #tpu.pipeline_mode<synchronous>, transform_indices = @transform_7, window_bounds = array<i64: 1, 512>}, {pipeline_mode = #tpu.pipeline_mode<synchronous>, transform_indices = @transform_8, window_bounds = array<i64: 128, 512>}, {pipeline_mode = #tpu.pipeline_mode<synchronous>, transform_indices = @transform_9, window_bounds = array<i64: 1, 128>}, {transform_indices = @transform_10, window_bounds = array<i64: 1000, 128>}]} {
    %get3A = arith.constant 0 : index
    %get3A_0 = arith.constant 0 : index
    %get3A_1 = vector.load %arg1[%get3A, %get3A_0] : memref<1000x128xf32, #tpu.memory_space<vmem>>, vector<1000x128xf32>
    %get3A_2 = arith.constant 0 : index
    %get3A_3 = arith.constant 0 : index
    %get3A_4 = vector.load %arg2[%get3A_2, %get3A_3] : memref<1000x128xf32, #tpu.memory_space<vmem>>, vector<1000x128xf32>
    %add3A = arith.addf %get3A_1, %get3A_4 : vector<1000x128xf32>
    %mul3A = arith.constant 8.500000e-01 : f32
    %mul3A_5 = vector.broadcast %mul3A : f32 to vector<1000x128xf32>
    %mul3A_6 = arith.mulf %mul3A_5, %add3A : vector<1000x128xf32>
    %get3A_7 = arith.constant 0 : index
    %get3A_8 = arith.constant 0 : index
    %get3A_9 = vector.load %arg3[%get3A_7, %get3A_8] : memref<1000x128xf32, #tpu.memory_space<vmem>>, vector<1000x128xf32>
    %mul3A_10 = arith.constant 1.500000e-01 : f32
    %mul3A_11 = vector.broadcast %mul3A_10 : f32 to vector<1000x128xf32>
    %mul3A_12 = arith.mulf %mul3A_11, %get3A_9 : vector<1000x128xf32>
    %add3A_13 = arith.addf %mul3A_6, %mul3A_12 : vector<1000x128xf32>
    %get3A_14 = arith.constant 0 : index
    %get3A_15 = arith.constant 0 : index
    %get3A_16 = vector.load %arg4[%get3A_14, %get3A_15] : memref<1000x128xf32, #tpu.memory_space<vmem>>, vector<1000x128xf32>
    %add3A_17 = arith.addf %add3A_13, %get3A_16 : vector<1000x128xf32>
    %reduce_sum3A = arith.constant dense<0.000000e+00> : vector<1000xf32>
    %reduce_sum3A_18 = vector.multi_reduction <add>, %add3A_17, %reduce_sum3A [1] : vector<1000x128xf32> to vector<1000xf32>
    %broadcast_in_dim3A = vector.shape_cast %reduce_sum3A_18 : vector<1000xf32> to vector<1000x1xf32>
    %div3A = arith.constant 1.280000e+02 : f32
    %div3A_19 = vector.broadcast %div3A : f32 to vector<1000x1xf32>
    %div3A_20 = arith.divf %broadcast_in_dim3A, %div3A_19 : vector<1000x1xf32>
    %sub3A = vector.broadcast %div3A_20 : vector<1000x1xf32> to vector<1000x128xf32>
    %sub3A_21 = arith.subf %add3A_17, %sub3A : vector<1000x128xf32>
    %mul3A_22 = arith.mulf %sub3A_21, %sub3A_21 : vector<1000x128xf32>
    %reduce_sum3A_23 = arith.constant dense<0.000000e+00> : vector<1000xf32>
    %reduce_sum3A_24 = vector.multi_reduction <add>, %mul3A_22, %reduce_sum3A_23 [1] : vector<1000x128xf32> to vector<1000xf32>
    %broadcast_in_dim3A_25 = vector.shape_cast %reduce_sum3A_24 : vector<1000xf32> to vector<1000x1xf32>
    %div3A_26 = arith.constant 1.280000e+02 : f32
    %div3A_27 = vector.broadcast %div3A_26 : f32 to vector<1000x1xf32>
    %div3A_28 = arith.divf %broadcast_in_dim3A_25, %div3A_27 : vector<1000x1xf32>
    %add3A_29 = arith.constant 9.99999974E-6 : f32
    %add3A_30 = vector.broadcast %add3A_29 : f32 to vector<1000x1xf32>
    %add3A_31 = arith.addf %div3A_28, %add3A_30 : vector<1000x1xf32>
    %rsqrt3A = math.rsqrt %add3A_31 : vector<1000x1xf32>
    %mul3A_32 = vector.broadcast %rsqrt3A : vector<1000x1xf32> to vector<1000x128xf32>
    %mul3A_33 = arith.mulf %sub3A_21, %mul3A_32 : vector<1000x128xf32>
    %get3A_34 = arith.constant 0 : index
    %get3A_35 = arith.constant 0 : index
    %get3A_36 = vector.load %arg5[%get3A_34, %get3A_35] : memref<1x128xf32, #tpu.memory_space<vmem>>, vector<1x128xf32>
    %mul3A_37 = vector.broadcast %get3A_36 : vector<1x128xf32> to vector<1000x128xf32>
    %mul3A_38 = arith.mulf %mul3A_33, %mul3A_37 : vector<1000x128xf32>
    %get3A_39 = arith.constant 0 : index
    %get3A_40 = arith.constant 0 : index
    %get3A_41 = vector.load %arg6[%get3A_39, %get3A_40] : memref<1x128xf32, #tpu.memory_space<vmem>>, vector<1x128xf32>
    %add3A_42 = vector.broadcast %get3A_41 : vector<1x128xf32> to vector<1000x128xf32>
    %add3A_43 = arith.addf %mul3A_38, %add3A_42 : vector<1000x128xf32>
    %get3A_44 = arith.constant 0 : index
    %get3A_45 = arith.constant 0 : index
    %get3A_46 = vector.load %arg7[%get3A_44, %get3A_45] : memref<512x128xf32, #tpu.memory_space<vmem>>, vector<512x128xf32>
    %dot_general3A = arith.constant dense<0.000000e+00> : vector<1000x512xf32>
    %dot_general3A_47 = tpu.matmul %add3A_43, %get3A_46, %dot_general3A {dimension_numbers = #tpu.dot_dimension_numbers<[1], [1], [0], [0], [0, 0, 1, 0], [], []>, transpose_lhs_hint = false} : vector<1000x128xf32>, vector<512x128xf32>, vector<1000x512xf32> -> vector<1000x512xf32>
    %get3A_48 = arith.constant 0 : index
    %get3A_49 = arith.constant 0 : index
    %get3A_50 = vector.load %arg8[%get3A_48, %get3A_49] : memref<1x512xf32, #tpu.memory_space<vmem>>, vector<1x512xf32>
    %add3A_51 = vector.broadcast %get3A_50 : vector<1x512xf32> to vector<1000x512xf32>
    %add3A_52 = arith.addf %dot_general3A_47, %add3A_51 : vector<1000x512xf32>
    %max3A = arith.constant 0.000000e+00 : f32
    %max3A_53 = vector.broadcast %max3A : f32 to vector<1000x512xf32>
    %max3A_54 = arith.maximumf %add3A_52, %max3A_53 : vector<1000x512xf32>
    %get3A_55 = arith.constant 0 : index
    %get3A_56 = arith.constant 0 : index
    %get3A_57 = vector.load %arg9[%get3A_55, %get3A_56] : memref<128x512xf32, #tpu.memory_space<vmem>>, vector<128x512xf32>
    %dot_general3A_58 = arith.constant dense<0.000000e+00> : vector<1000x128xf32>
    %dot_general3A_59 = tpu.matmul %max3A_54, %get3A_57, %dot_general3A_58 {dimension_numbers = #tpu.dot_dimension_numbers<[1], [1], [0], [0], [0, 0, 1, 0], [], []>, transpose_lhs_hint = false} : vector<1000x512xf32>, vector<128x512xf32>, vector<1000x128xf32> -> vector<1000x128xf32>
    %get3A_60 = arith.constant 0 : index
    %get3A_61 = arith.constant 0 : index
    %get3A_62 = vector.load %arg10[%get3A_60, %get3A_61] : memref<1x128xf32, #tpu.memory_space<vmem>>, vector<1x128xf32>
    %add3A_63 = vector.broadcast %get3A_62 : vector<1x128xf32> to vector<1000x128xf32>
    %add3A_64 = arith.addf %dot_general3A_59, %add3A_63 : vector<1000x128xf32>
    %add3A_65 = arith.addf %add3A_64, %add3A_17 : vector<1000x128xf32>
    %swap3A = arith.constant 0 : index
    %swap3A_66 = arith.constant 0 : index
    %swap3A_67 = vector.load %arg11[%swap3A, %swap3A_66] : memref<1000x128xf32, #tpu.memory_space<vmem>>, vector<1000x128xf32>
    tpu.vector_store %arg11[%swap3A, %swap3A_66], %add3A_65 {strides = array<i32>} : memref<1000x128xf32, #tpu.memory_space<vmem>>, vector<1000x128xf32>,
    return
  }
  func.func @transform_0(%arg0: i32) -> (i32, i32) {
    %c0_i32 = arith.constant 0 : i32
    %c0_i32_0 = arith.constant 0 : i32
    return %arg0, %c0_i32 : i32, i32
  }
  func.func @transform_1(%arg0: i32) -> (i32, i32) {
    %c0_i32 = arith.constant 0 : i32
    %c0_i32_0 = arith.constant 0 : i32
    return %arg0, %c0_i32 : i32, i32
  }
  func.func @transform_2(%arg0: i32) -> (i32, i32) {
    %c0_i32 = arith.constant 0 : i32
    %c0_i32_0 = arith.constant 0 : i32
    return %arg0, %c0_i32 : i32, i32
  }
  func.func @transform_3(%arg0: i32) -> (i32, i32) {
    %c0_i32 = arith.constant 0 : i32
    %c0_i32_0 = arith.constant 0 : i32
    return %arg0, %c0_i32 : i32, i32
  }
  func.func @transform_4(%arg0: i32) -> (i32, i32) {
    %c0_i32 = arith.constant 0 : i32
    %c0_i32_0 = arith.constant 0 : i32
    %c0_i32_1 = arith.constant 0 : i32
    return %c0_i32, %c0_i32_0 : i32, i32
  }
  func.func @transform_5(%arg0: i32) -> (i32, i32) {
    %c0_i32 = arith.constant 0 : i32
    %c0_i32_0 = arith.constant 0 : i32
    %c0_i32_1 = arith.constant 0 : i32
    return %c0_i32, %c0_i32_0 : i32, i32
  }
  func.func @transform_6(%arg0: i32) -> (i32, i32) {
    %c0_i32 = arith.constant 0 : i32
    %c0_i32_0 = arith.constant 0 : i32
    %c0_i32_1 = arith.constant 0 : i32
    return %c0_i32, %c0_i32_0 : i32, i32
  }
  func.func @transform_7(%arg0: i32) -> (i32, i32) {
    %c0_i32 = arith.constant 0 : i32
    %c0_i32_0 = arith.constant 0 : i32
    %c0_i32_1 = arith.constant 0 : i32
    return %c0_i32, %c0_i32_0 : i32, i32
  }
  func.func @transform_8(%arg0: i32) -> (i32, i32) {
    %c0_i32 = arith.constant 0 : i32
    %c0_i32_0 = arith.constant 0 : i32
    %c0_i32_1 = arith.constant 0 : i32
    return %c0_i32, %c0_i32_0 : i32, i32
  }
  func.func @transform_9(%arg0: i32) -> (i32, i32) {
    %c0_i32 = arith.constant 0 : i32
    %c0_i32_0 = arith.constant 0 : i32
    %c0_i32_1 = arith.constant 0 : i32
    return %c0_i32, %c0_i32_0 : i32, i32
  }
  func.func @transform_10(%arg0: i32) -> (i32, i32) {
    %c0_i32 = arith.constant 0 : i32
    %c0_i32_0 = arith.constant 0 : i32
    return %arg0, %c0_i32 : i32, i32
  }
}

</mosaic_0001>

<sc_bundles>
// kernel: kernel.15.cloned.1.call-start
scs
__scs_entry_jumppad:
0x0: {  	(pc) =	sbr.rel $0x88, $3  }
0x1: {  	(tag) =	ssettag $0x0;
	lr =	simm.s32 $0x1  }
0x2: {  	[smem:$0x3F94] =	sst lr;
	_ =	strace $0xD0000000  }
0x3: {  	_ = 	snop  }
0x4: {  	_ = 	snop  }
0x5: {  	_ = 	snop  }
0x6: {  	_ = 	snop  }
0x7: {  	_ = 	snop  }
__scs_overlays_trampoline_lowered:
0x8: {  	[smem:$0x3FA3] =	sst s0  }
0x9: {  	[smem:$0x3FA4] =	sst s1  }
0xa: {  	[smem:$0x3FA5] =	sst s2  }
0xb: {  	[smem:$0x3FA6] =	sst s3  }
0xc: {  	[smem:$0x3FA7] =	sst s4  }
0xd: {  	[smem:$0x3FA8] =	sst s5  }
0xe: {  	[smem:$0x3FA9] =	sst s6  }
0xf: {  	[smem:$0x3FAA] =	sst s7  }
0x10: {  	[smem:$0x3FAB] =	sst s8  }
0x11: {  	[smem:$0x3FAC] =	sst s9;
	s0 =	simm.s32 @!p0 $0x0  }
0x12: {  	s1 =	sld [smem:$0x3F92];
	s0 =	simm.s32 @p0 $0x1  }
0x13: {  	[smem:$0x3FAD] =	sst s0;
	s0 =	simm.s32 @!p1 $0x0  }
0x14: {  	s2 =	sld [smem:$0x3F91];
	s0 =	simm.s32 @p1 $0x1  }
0x15: {  	[smem:$0x3FAE] =	sst s0;
	s0 =	simm.s32 @!p2 $0x0  }
0x16: {  	s3 =	sld [smem:$0x3FDB];
	s0 =	simm.s32 @p2 $0x1  }
0x17: {  	s4 =	simm.s32 $0x1BF5;
	[smem:$0x3FB0] =	sst s0  }
0x18: {  	s0 =	sld [smem:$0x3F93];
	_ =	swait.ge [sflag:s4], $0x0  }
0x19: {  	s7 =	sld [smem:$0x3F94]  }
0x1a: {  	s8 =	sadd.s32 $0xFFFFE003, lr  }
0x1b: {  	s9 =	sadd.s32 $0xFFFFFEF7, lr;
	s5 =	simm.s32 $0xFFFFFFFF;
	p2 =	slt.u32 s8, $0xFFFFF086  }
0x1c: {  	p1 =	slt.u32 s9, $0xF7A;
	s5 =	simm.s32 @!p2 $0x0  }
0x1d: {  	s5 =	simm.s32 @p1 $0x1;
	p0 =	seq.s32 s7, s2  }
0x1e: {  	s7 =	smul.u32 @!p0 $0xF7A, s2;
	p2 =	seq.s32 @!p0 s5, $0x0  }
0x1f: {  	s9 =	smul.u32 $0xF7A, s1;
	s8 =	simm.s32 @!p0 $0x1BF5;
	p2 =	por !p2, p0  }
0x20: {  	[sflag:s8] =	ssyncset.s32 @!p0 $0xFFFFF086;
	s6 =	sadd.s32 @!p0 s3, s7;
	s7 =	simm.s32 @!p0 $0x108  }
0x21: {  	s3 =	sadd.s32 s3, s9;
	s6 =	sadd.s32 @!p0 $0x88, s6;
	s7 =	simm.s32 @p2 $0x1082  }
0x22: {  	[simem:s7], [sflag:s8] =	dma.local @!p0 [hbm:s6], $0xF7A  }
0x23: {  	s9 =	sor.u32 $0xD0000000, s2;
	s6 =	simm.s32 $0x108;
	_ =	swait.ge @!p0 [sflag:s8], $0x0  }
0x24: {  	s3 =	sadd.s32 $0x88, s3;
	s6 =	simm.s32 @!p1 $0x1082;
	[sflag:s4] =	ssyncset.s32 $0xFFFFF086  }
0x25: {  	[simem:s6], [sflag:s4] =	dma.local [hbm:s3], $0xF7A  }
0x26: {  	[smem:$0x3F94] =	sst s1;
	(tag) =	ssettag s2;
	_ =	strace s9  }
0x27: {  	s1 =	sld [smem:$0x3FA4]  }
0x28: {  	s2 =	sld [smem:$0x3FA5]  }
0x29: {  	s4 =	sld [smem:$0x3FA7]  }
0x2a: {  	p0 =	seq.s32 s5, $0x0;
	s5 =	sld [smem:$0x3FA8]  }
0x2b: {  	s6 =	sld [smem:$0x3FA9]  }
0x2c: {  	s7 =	sld [smem:$0x3FAA]  }
0x2d: {  	s3 =	simm.s32 $0x108;
	s8 =	sld [smem:$0x3FAB]  }
0x2e: {  	s3 =	simm.s32 @!p0 $0x1082;
	s9 =	sld [smem:$0x3FAC]  }
0x2f: {  	lr =	sadd.s32 s0, s3;
	s0 =	sld [smem:$0x3FA3]  }
0x30: {  	s3 =	sld [smem:$0x3FA6]  }
0x31: {  	[smem:$0x3FAF] =	sst s10  }
0x32: {  	s10 =	sld [smem:$0x3FAD];
	_ =	sdelay $0x3  }
0x33: {  	p0 =	seq.s32 s10, $0x1;
	s10 =	sld [smem:$0x3FAF];
	_ =	sdelay $0x3  }
0x34: {  	[smem:$0x3FAF] =	sst s10  }
0x35: {  	s10 =	sld [smem:$0x3FAE];
	_ =	sdelay $0x3  }
0x36: {  	p1 =	seq.s32 s10, $0x1;
	s10 =	sld [smem:$0x3FAF];
	_ =	sdelay $0x3  }
0x37: {  	[smem:$0x3FAF] =	sst s10  }
0x38: {  	s10 =	sld [smem:$0x3FB0]  }
0x39: {  	_ = 	snop;
	(pc) =	sbr.ind lr, $3  }
0x3a: {  	_ = 	snop  }
0x3b: {  	_ = 	snop  }
0x3c: {  	p2 =	seq.s32 s10, $0x1;
	s10 =	sld [smem:$0x3FAF]  }
0x3d: {  	_ =	shalt  }
0x3e: {  	_ =	shalt  }
0x3f: {  	_ =	shalt  }
0x40: {  	_ =	shalt  }
0x41: {  	_ =	shalt  }
0x42: {  	_ =	shalt  }
0x43: {  	_ =	shalt  }
0x44: {  	_ =	shalt  }
0x45: {  	_ =	shalt  }
0x46: {  	_ =	shalt  }
0x47: {  	_ =	shalt  }
0x48: {  	_ =	shalt  }
0x49: {  	_ =	shalt  }
0x4a: {  	_ =	shalt  }
0x4b: {  	_ =	shalt  }
0x4c: {  	_ =	shalt  }
0x4d: {  	_ =	shalt  }
0x4e: {  	_ =	shalt  }
0x4f: {  	_ =	shalt  }
0x50: {  	_ =	shalt  }
0x51: {  	_ =	shalt  }
0x52: {  	_ =	shalt  }
0x53: {  	_ =	shalt  }
0x54: {  	_ =	shalt  }
0x55: {  	_ =	shalt  }
0x56: {  	_ =	shalt  }
0x57: {  	_ =	shalt  }
0x58: {  	_ =	shalt  }
0x59: {  	_ =	shalt  }
0x5a: {  	_ =	shalt  }
0x5b: {  	_ =	shalt  }
0x5c: {  	_ =	shalt  }
0x5d: {  	_ =	shalt  }
0x5e: {  	_ =	shalt  }
0x5f: {  	_ =	shalt  }
0x60: {  	_ =	shalt  }
0x61: {  	_ =	shalt  }
0x62: {  	_ =	shalt  }
0x63: {  	_ =	shalt  }
0x64: {  	_ =	shalt  }
0x65: {  	_ =	shalt  }
0x66: {  	_ =	shalt  }
0x67: {  	_ =	shalt  }
0x68: {  	_ =	shalt  }
0x69: {  	_ =	shalt  }
0x6a: {  	_ =	shalt  }
0x6b: {  	_ =	shalt  }
0x6c: {  	_ =	shalt  }
0x6d: {  	_ =	shalt  }
0x6e: {  	_ =	shalt  }
0x6f: {  	_ =	shalt  }
0x70: {  	_ =	shalt  }
0x71: {  	_ =	shalt  }
0x72: {  	_ =	shalt  }
0x73: {  	_ =	shalt  }
0x74: {  	_ =	shalt  }
0x75: {  	_ =	shalt  }
0x76: {  	_ =	shalt  }
0x77: {  	_ =	shalt  }
0x78: {  	_ =	shalt  }
0x79: {  	_ =	shalt  }
0x7a: {  	_ =	shalt  }
0x7b: {  	_ =	shalt  }
0x7c: {  	_ =	shalt  }
0x7d: {  	_ =	shalt  }
0x7e: {  	_ =	shalt  }
0x7f: {  	_ =	shalt  }
0x80: {  	_ =	shalt  }
0x81: {  	_ =	shalt  }
0x82: {  	_ =	shalt  }
0x83: {  	_ =	shalt  }
0x84: {  	_ =	shalt  }
0x85: {  	_ =	shalt  }
0x86: {  	_ =	shalt  }
0x87: {  	_ =	shalt  }
.Lfunc_end0:
.L_simem_size_0:
called_computation_lowered:
.L_overlay_start_0:
0x88: {  	s2 =	sld [smem:$0x3FD9]  }
0x89: {  	s3 =	sld [smem:$0x3FFE];
	_ =	sdelay $0x1  }
0x8a: {  	s1 =	srdreg.scid  }
0x8b: {  	s0 =	sand.u32 $0x1, s1  }
0x8c: {  	s16 =	sshll.u32 s0, $0xA;
	s2 =	sadd.s32 s3, s2  }
0x8d: {  	s2 =	sadd.s32 s2, s16  }
0x8e: {  	[smem:$0x3FBB] =	sst s2  }
0x8f: {  	_ = 	snop  }
0x90: {  	(tm) =	ssettm $0x1  }
0x91: {  	s17 =	sld [smem:$0x3FFB];
	_ =	sdelay $0x3  }
0x92: {  	_ =	strace s17  }
0x93: {  	s2 =	sld [smem:$0x3FFC];
	_ =	sdelay $0x3  }
0x94: {  	_ =	strace s2  }
0x95: {  	s2 =	sld [smem:$0x3FFD];
	_ =	sdelay $0x3  }
0x96: {  	_ =	strace s2  }
0x97: {  	_ =	strace $0x8FFFFFFF  }
0x98: {  	s18 =	sld [smem:$0x3FDB];
	_ =	sdelay $0x1  }
0x99: {  	s19 =	simm.s32 $_scs_section_size  }
0x9a: {  	s4 =	simm.s32 $_size__tile_overlayer_lowered;
	s5 =	simm.s32 $_tile_overlayer_lowered  }
0x9b: {  	s22 =	simm.s32 $0x1BFF;
	s21 =	sshll.u32 s5, $0x1;
	s2 =	sadd.s32 s19, s18  }
0x9c: {  	s6 =	simm.s32 $0x0;
	s20 =	sshll.u32 s4, $0x1;
	s4 =	sadd.s32 s21, s2  }
0x9d: {  	[timem:s6], [sflag:s22] =	dma.local [hbm:s4], s20  }
0x9e: {  	_ =	swait.ge [sflag:s22], s20  }
0x9f: {  	s3 =	ssub.s32 $0x0, s20;
	[sflag:s22] =	ssyncset.done $0x0  }
0xa0: {  	[sflag:s22] =	ssyncadd.s32 s3;
	_ =	sdelay $0x1  }
0xa1: {  	s23 =	simm.s32 $0x1B8B  }
0xa2: {  	_ =	swait.ge [sflag:s23], $0x1  }
0xa3: {  	[sflag:s23] =	ssyncset.done $0x0  }
0xa4: {  	s25 =	simm.s32 $0x1B8E;
	s24 =	sld [smem:$0x3FFE];
	[sflag:s23] =	ssyncadd.s32 $0xFFFFFFFF  }
0xa5: {  	s26 =	simm.s32 $execute0_lowered;
	[smem:$0x3FD2] =	sst s25  }
0xa6: {  	s4 =	sshll.u32 s26, $0x1;
	_ =	strace $0x80000046;
	[dreg:$0x1] =	wrdreg $0xFFFFFFFF  }
0xa7: {  	s28 =	simm.s32 $_size_execute0_lowered;
	s2 =	sadd.s32 s2, s4;
	[dreg:$0x0] =	wrdreg $0x0  }
0xa8: {  	s4 =	sshll.u32 s28, $0x1;
	[dreg:$0x2] =	wrdreg s2  }
0xa9: {  	[dreg:$0x3] =	wrdreg s4  }
0xaa: {  	[dreg:$0x4] =	wrdreg $0xC0  }
0xab: {  	_ =	task [dreg:s6], $0x5FFFF  }
0xac: {  	[dreg:$0x1] =	wrdreg $0xFFFFFFFF  }
0xad: {  	[dreg:$0x0] =	wrdreg $0x60  }
0xae: {  	[dreg:$0x2] =	wrdreg s24  }
0xaf: {  	[dreg:$0x3] =	wrdreg $0x5D200  }
0xb0: {  	[dreg:$0x4] =	wrdreg $0x9  }
0xb1: {  	_ =	task.clear_ibuf [dreg:s6], $0x5FFFF;
	_ =	strace $0x90000046  }
0xb2: {  	s29 =	simm.s32 $0x9;
	_ =	strace $0x80000048  }
0xb3: {  	_ =	swait.ge [sflag:s29], $0x1  }
0xb4: {  	[sflag:s29] =	ssyncadd.s32 $0xFFFFFFFF  }
0xb5: {  	_ =	strace $0x90000048  }
0xb6: {  	_ =	sfence  }
0xb7: {  	s30 =	sld [smem:$0x0];
	_ =	sdelay $0x2  }
0xb8: {  	s31 =	sshll.u32 s1, $0xD;
	s1 =	sshrl.u32 s1, $0x2  }
0xb9: {  	s3 =	sand.u32 $0x4000, s31;
	s1 =	sadd.s32 s1, s30  }
0xba: {  	s0 =	sor.u32 s3, s0;
	s1 =	sshll.u32 s1, $0x11  }
0xbb: {  	s0 =	sor.u32 s1, s0  }
0xbc: {  	s0 =	sadd.s32 $0x8F2B, s0  }
0xbd: {  	[sflag:s0] =	ssyncadd.remote.s32 $0x1  }
0xbe: {  	_ =	sfence.sel $0xFFFF  }
0xbf: {  	[dreg:$0x0] =	wrdreg $0xFFFFFFFF;
	(pc) =	sbr.abs _section_cstart, $3  }
0xc0: {  	[dreg:$0x1] =	wrdreg $0xFFFFFFFF  }
0xc1: {  	_ =	task.clear_ibuf [dreg:s6], $0x2FFFF;
	_ =	strace $0x9FFFFFFF  }
0xc2: {  	(tm) =	ssettm $0x7FFFFFFF  }
0xc3: {  	_ =	shalt  }
tec
execute0_lowered:
.L_overlay_start_1:
0x0: {  	(tag) =	ssettag $0x1  }
0x1: {  	s8 =	rddreg [dreg:$0x0]  }
0x2: {  	s0 =	srdreg.scid;
	s2 =	rddreg [dreg:$0x1]  }
0x3: {  	s4 =	simm.s32 $0x0;
	s15 =	simm.s32 $0x5820;
	s16 =	simm.s32 $0x1  }
0x4: {  	s17 =	simm.s32 $0x2710;
	s18 =	simm.s32 $0x50;
	s19 =	simm.s32 $0x4E20  }
0x5: {  	s20 =	simm.s32 $0x5320;
	s21 =	simm.s32 $0x0;
	s7 =	sand.u32 $0x1, s0  }
0x6: {  	s0 =	stileid.u32;
	[smem:$0x7FF] =	sst s4;
	s6 =	sadd.s32 $0x45A00, s8  }
0x7: {  	s1 =	sshll.u32 s7, $0x4;
	s9 =	smul.u32 $0x4E20, s7;
	s11 =	ssub.s32 $0x2, s7  }
0x8: {  	s7 =	sadd.s32 $0x54800, s8;
	s14 =	smul.u32 $0x1400, s0;
	s1 =	sor.u32 s0, s1  }
0x9: {  	s30 =	ssub.s32 $0x8C, s0;
	s29 =	sshrl.u32 s11, $0x1;
	s3 =	smul.u32 $0x2710, s1  }
0xa: {  	s1 =	rddreg [dreg:$0x2];
	_ =	strace $0x80000047;
	s12 =	sadd.s32 s9, s8  }
0xb: {  	s13 =	ssub.s32 s11, s29;
	s31 =	sshrl.u32 s14, $0x2;
	s14 =	smul.u32 $0xA0, s0  }
0xc: {  	s11 =	sadd.s32 $0x4AA00, s12;
	s12 =	smax.u32 s13, $0x1;
	s5 =	sshrl.u32 s3, $0x3  }
0xd: {  	s13 =	sadd.s32 s31, s2;
	s10 =	sadd.s32 s5, s8;
	s5 =	sadd.s32 $0x40A00, s8  }
0xe: {  	v0 =	vimm.f32 $0.0e+00;
	s8 =	sshrl.u32 s30, $0x4;
	s9 =	sadd.s32 $0xFA00, s10;
	s10 =	sadd.s32 $0x5C00, s10  }
.LBB2_1:
0xf: {  	s22 =	simm.s32 $0x40;
	s23 =	simm.s32 $0x0  }
.LBB2_2:
0x10: {  	p0 =	sne.s32 s22, $0x13C0;
	[tilespmem:s23+$0x5820] =	vst v0;
	s23 =	smov.u32 s22;
	s22 =	sadd.s32 $0x40, s22  }
.Ltmp0:
0x11: {  	(pc) =	sbr.rel @p0 .LBB2_2-.Ltmp0, $2  }
0x12: {  	_ =	sdelay $0x2  }
0x13: {  	s23 =	sshra.s32 s23, $0x2  }
0x14: {  	p0 =	sne.s32 s8, $0x1  }
.Ltmp1:
0x15: {  	_ = 	snop;
	(pc) =	sbr.rel @!p0 .LBB2_5-.Ltmp1, $4  }
0x16: {  	[tilespmem:s23+$0x5820] =	vst v0  }
0x17: {  	[spmem:s13] =	stream.linear.scatter [tilespmem:s15], [sflag:$0x1], $0x500, $0x38;
	[tilespmem:$0x8430] =	vst v63  }
0x18: {  	_ =	swait.ge [sflag:s16], $0x500  }
0x19: {  	s22 =	sadd.s32 $0xFFFFFFFF, s8;
	s23 =	smov.u32 s13;
	[sflag:s16] =	ssyncset.done $0x0  }
.LBB2_4:
0x1a: {  	p1 =	sne.s32 s22, $0x1;
	[sflag:s16] =	ssyncadd.s32 $0xFFFFFB00;
	s23 =	sadd.s32 $0x5000, s23  }
.Ltmp2:
0x1b: {  	s22 =	sadd.s32 $0xFFFFFFFF, s22;
	(pc) =	sbr.rel @p1 .LBB2_4-.Ltmp2, $4  }
0x1c: {  	_ = 	snop  }
0x1d: {  	[spmem:s23] =	stream.linear.scatter [tilespmem:s15], [sflag:$0x1], $0x500, $0x38;
	[tilespmem:$0x8430] =	vst v63  }
0x1e: {  	_ =	swait.ge [sflag:s16], $0x500  }
0x1f: {  	[sflag:s16] =	ssyncset.done $0x0  }
.LBB2_5:
0x20: {  	[sflag:s16] =	ssyncadd.s32 $0xFFFFFB00;
	s22 =	simm.s32 $0x0  }
0x21: {  	[tilespmem:s22], [sflag:$0x1] =	stream.linear.gather [hbm4b:s9+s22], $0x2710, $0x38;
	[tilespmem:$0x8430] =	vst v63  }
0x22: {  	_ =	swait.ge [sflag:s16], $0x2710  }
0x23: {  	[sflag:s16] =	ssyncset.done $0x0  }
0x24: {  	[sflag:s16] =	ssyncadd.s32 $0xFFFFD8F0  }
0x25: {  	[tilespmem:s17], [sflag:$0x1] =	stream.linear.gather [hbm4b:s10+s22], $0x2710, $0x38;
	[tilespmem:$0x8430] =	vst v63  }
0x26: {  	_ =	swait.ge [sflag:s16], $0x2710  }
0x27: {  	[sflag:s16] =	ssyncset.done $0x0  }
0x28: {  	[sflag:s16] =	ssyncadd.s32 $0xFFFFD8F0  }
0x29: {  	[bflag:$0x0] =	sbarrier.arrive $0xFFFF  }
.LBB2_6:
0x2a: {  	s23 =	smul.u32 $0x50, s22;
	_ =	sdelay $0x1  }
0x2b: {  	[tilespmem:s19], [sflag:$0x1] =	stream.indirect.gather [hbm4b:s5+s18], $0x10, s23, s18, $0xb8;
	[tilespmem:$0x8430] =	vst v63  }
0x2c: {  	_ =	swait.ge [sflag:s16], $0x500  }
0x2d: {  	[sflag:s16] =	ssyncset.done $0x0  }
0x2e: {  	s24 =	sadd.s32 $0x2710, s23;
	[sflag:s16] =	ssyncadd.s32 $0xFFFFFB00  }
0x2f: {  	[tilespmem:s20], [sflag:$0x1] =	stream.indirect.gather [hbm4b:s6+s18], $0x10, s24, s18, $0xb8;
	[tilespmem:$0x8430] =	vst v63  }
0x30: {  	_ =	swait.ge [sflag:s16], $0x500  }
0x31: {  	[sflag:s16] =	ssyncset.done $0x0  }
0x32: {  	s25 =	simm.s32 $0x0;
	[sflag:s16] =	ssyncadd.s32 $0xFFFFFB00  }
0x33: {  	v1 =	vld [tilespmem:s25+$0x4E20]  }
0x34: {  	v2 =	vld [tilespmem:s25+$0x5320];
	_ =	sdelay $0x4  }
0x35: {  	v1 =	vadd.f32 v2, v1;
	_ =	sdelay $0x1  }
0x36: {  	s26 =	simm.s32 $0x10;
	v2 =	vmul.f32 $2.000000030e-01, v1  }
0x37: {  	v3 =	vld [tilespmem:s26+$0x4E20];
	vm0 =	vge.f32 v1, $0.0e+00  }
0x38: {  	v4 =	vld [tilespmem:s26+$0x5320];
	v1 =	vsel vm0, v1, v2  }
0x39: {  	s28 =	simm.s32 $0x20;
	v1 =	vmul.f32 $1.442695020e+00, v1  }
0x3a: {  	v2 =	vld [tilespmem:s28+$0x4E20]  }
0x3b: {  	(erf) = vpow2.f32 v1;
	v1 =	vld [tilespmem:s28+$0x5320];
	_ =	sdelay $0x1  }
0x3c: {  	v3 =	vadd.f32 v4, v3;
	_ =	sdelay $0x1  }
0x3d: {  	v4 =	vmul.f32 $2.000000030e-01, v3  }
0x3e: {  	vm14 =	vge.f32 v3, $0.0e+00;
	v5 =	vadd.f32 v1, v2  }
0x3f: {  	v1 =	vsel vm14, v3, v4  }
0x40: {  	s29 =	simm.s32 $0x30;
	v2 =	vmul.f32 $1.442695020e+00, v1;
	v3 =	vmul.f32 $2.000000030e-01, v5  }
0x41: {  	v1 =	vld [tilespmem:s29+$0x4E20]  }
0x42: {  	(erf) = vpow2.f32 v2;
	v2 =	vld [tilespmem:s29+$0x5320]  }
0x43: {  	vm15 =	vge.f32 v5, $0.0e+00  }
0x44: {  	s30 =	simm.s32 $0x100;
	v4 =	vsel vm15, v5, v3;
	v3 =	vpop (erf)  }
.LBB2_7:
0x45: {  	s31 =	sshra.s32 s30, $0x2  }
0x46: {  	v4 =	vmul.f32 $1.442695020e+00, v4;
	[tilespmem:s25+$0x5820] =	vst v3;
	s25 =	smov.u32 s26;
	s26 =	smov.u32 s28;
	p1 =	sne.s32 s30, $0x13C0  }
.Ltmp3:
0x47: {  	s30 =	sadd.s32 $0x40, s30;
	v3 =	vadd.f32 v2, v1;
	v1 =	vld [tilespmem:s31+$0x4E20];
	(pc) =	sbr.rel @p1 .LBB2_7-.Ltmp3, $4  }
0x48: {  	s28 =	smov.u32 s29;
	s29 =	smov.u32 s31;
	v2 =	vld [tilespmem:s31+$0x5320];
	(erf) = vpow2.f32 v4  }
0x49: {  	v4 =	vmul.f32 $2.000000030e-01, v3  }
0x4a: {  	vm0 =	vge.f32 v3, $0.0e+00  }
0x4b: {  	v4 =	vsel vm0, v3, v4;
	v3 =	vpop (erf)  }
0x4c: {  	_ = 	snop  }
0x4d: {  	v1 =	vadd.f32 v2, v1;
	_ =	sdelay $0x1  }
0x4e: {  	v2 =	vmul.f32 $2.000000030e-01, v1  }
0x4f: {  	vm0 =	vge.f32 v1, $0.0e+00  }
0x50: {  	v1 =	vsel vm0, v1, v2;
	v2 =	vmul.f32 $1.442695020e+00, v4  }
0x51: {  	v1 =	vmul.f32 $1.442695020e+00, v1  }
0x52: {  	(erf) = vpow2.f32 v2  }
0x53: {  	(erf) = vpow2.f32 v1;
	_ =	sdelay $0x6  }
0x54: {  	[tilespmem:s25+$0x5820] =	vst v3;
	v1 =	vpop (erf)  }
0x55: {  	[tilespmem:s26+$0x5820] =	vst v1;
	v1 =	vpop (erf)  }
0x56: {  	[tilespmem:s28+$0x5820] =	vst v1;
	v1 =	vpop (erf)  }
0x57: {  	[tilespmem:s29+$0x5820] =	vst v1  }
0x58: {  	[spmem:s2] =	stream.indirect.scatter.add.f32 [tilespmem:s15], [sflag:$0x1], $0x10, s24, s18, $0xb8;
	[tilespmem:$0x8430] =	vst v63  }
0x59: {  	s23 =	sadd.s32 s3, s23;
	s22 =	sadd.s32 $0x1, s22;
	_ =	swait.ge [sflag:s16], $0x500  }
0x5a: {  	s23 =	sshll.u32 s23, $0x1;
	p1 =	sne.s32 s22, $0x7D;
	[sflag:s16] =	ssyncset.done $0x0  }
.Ltmp4:
0x5b: {  	s23 =	sadd.s32 s7, s23;
	[sflag:s16] =	ssyncadd.s32 $0xFFFFFB00;
	(pc) =	sbr.rel @p1 .LBB2_6-.Ltmp4, $4  }
0x5c: {  	[hbm4b:s23+s4] =	stream.linear.scatter [tilespmem:s15], [sflag:$0x1], $0x500, $0x38;
	[tilespmem:$0x8430] =	vst v63  }
0x5d: {  	_ =	swait.ge [sflag:s16], $0x500  }
0x5e: {  	[sflag:s16] =	ssyncset.done $0x0  }
0x5f: {  	[sflag:s16] =	ssyncadd.s32 $0xFFFFFB00  }
0x60: {  	[bflag:$0x0] =	sbarrier.arrive $0xFFFF  }
0x61: {  	[tilespmem:s15], [sflag:$0x1] =	stream.linear.gather [spmem:s13], $0x500, $0x38;
	[tilespmem:$0x8430] =	vst v63  }
0x62: {  	_ =	swait.ge [sflag:s16], $0x500  }
.Ltmp5:
0x63: {  	[sflag:s16] =	ssyncset.done $0x0;
	(pc) =	sbr.rel @!p0 .LBB2_11-.Ltmp5, $4  }
0x64: {  	s22 =	sadd.s32 s14, s11;
	[sflag:s16] =	ssyncadd.s32 $0xFFFFFB00  }
0x65: {  	[hbm4b:s22+s4] =	stream.linear.scatter [tilespmem:s15], [sflag:$0x1], $0x500, $0x38;
	[tilespmem:$0x8430] =	vst v63  }
0x66: {  	s23 =	smov.u32 s14;
	_ =	swait.ge [sflag:s16], $0x500  }
0x67: {  	s24 =	smov.u32 s13;
	s22 =	sadd.s32 $0xFFFFFFFF, s8;
	[sflag:s16] =	ssyncset.done $0x0  }
.LBB2_10:
0x68: {  	[sflag:s16] =	ssyncadd.s32 $0xFFFFFB00;
	s23 =	sadd.s32 $0xA00, s23;
	s24 =	sadd.s32 $0x5000, s24  }
0x69: {  	[tilespmem:s15], [sflag:$0x1] =	stream.linear.gather [spmem:s24], $0x500, $0x38;
	[tilespmem:$0x8430] =	vst v63  }
0x6a: {  	p0 =	sne.s32 s22, $0x1;
	s22 =	sadd.s32 $0xFFFFFFFF, s22;
	_ =	swait.ge [sflag:s16], $0x500  }
.Ltmp6:
0x6b: {  	[sflag:s16] =	ssyncset.done $0x0;
	(pc) =	sbr.rel @p0 .LBB2_10-.Ltmp6, $4  }
0x6c: {  	s25 =	sadd.s32 s23, s11;
	[sflag:s16] =	ssyncadd.s32 $0xFFFFFB00  }
0x6d: {  	[hbm4b:s25+s4] =	stream.linear.scatter [tilespmem:s15], [sflag:$0x1], $0x500, $0x38;
	[tilespmem:$0x8430] =	vst v63  }
0x6e: {  	_ =	swait.ge [sflag:s16], $0x500  }
0x6f: {  	[sflag:s16] =	ssyncset.done $0x0  }
.LBB2_11:
0x70: {  	s21 =	sadd.s32 $0x1, s21  }
0x71: {  	p0 =	sne.s32 s21, s12  }
.Ltmp7:
0x72: {  	_ = 	snop;
	(pc) =	sbr.rel @p0 .LBB2_1-.Ltmp7, $2  }
0x73: {  	_ =	sdelay $0x2  }
0x74: {  	[sflag:s16] =	ssyncadd.s32 $0xFFFFFB00  }
0x75: {  	_ =	sfence.sel $0x180000  }
0x76: {  	[bflag:$0x0] =	sbarrier.arrive $0xFFFF  }
0x77: {  	p0 =	sne.s32 s0, $0x0;
	_ =	strace $0x90000047  }
0x78: {  	s0 =	sadd.s32 @!p0 $0x100000, s1;
	[bflag:$0x2] =	sbarrier.arrive $0xFFFF  }
0x79: {  	[sflag:s0] =	ssyncadd.tile.s32 @!p0 $0x1;
	_ =	shalt  }
.Lfunc_end2:
_tile_overlayer_lowered:
.L_overlay_start_2:
0x7a: {  	(tag) =	ssettag $0x2  }
0x7b: {  	s0 =	rddreg [dreg:$0x0];
	s2 =	stileid.u32  }
0x7c: {  	s1 =	rddreg [dreg:$0x1];
	p0 =	sne.s32 s2, $0x0  }
0x7d: {  	s3 =	rddreg [dreg:$0x2];
	[bflag:$0x3] =	sbarrier.arrive $0xFFFF;
	s2 =	simm.s32 @!p0 $0x1C01  }
0x7e: {  	[timem:s3], [sflag:s2] =	dma.local @!p0 [hbm:s0], s1  }
0x7f: {  	s0 =	simm.s32 @!p0 $0x1  }
0x80: {  	_ =	swait.ge @!p0 [sflag:s0], s1  }
0x81: {  	s1 =	ssub.s32 @!p0 $0x0, s1;
	[sflag:s0] =	ssyncset.done @!p0 $0x0  }
0x82: {  	[sflag:s0] =	ssyncadd.s32 @!p0 s1  }
0x83: {  	[bflag:$0x3] =	sbarrier.arrive $0xFFFF  }
0x84: {  	_ =	shalt  }

// kernel: kernel.18.cloned.1.call-start
scs
__scs_entry_jumppad:
0x0: {  	(pc) =	sbr.rel $0x88, $3  }
0x1: {  	(tag) =	ssettag $0x0;
	lr =	simm.s32 $0x1  }
0x2: {  	[smem:$0x3F94] =	sst lr;
	_ =	strace $0xD0000000  }
0x3: {  	_ = 	snop  }
0x4: {  	_ = 	snop  }
0x5: {  	_ = 	snop  }
0x6: {  	_ = 	snop  }
0x7: {  	_ = 	snop  }
__scs_overlays_trampoline_lowered:
0x8: {  	[smem:$0x3FA3] =	sst s0  }
0x9: {  	[smem:$0x3FA4] =	sst s1  }
0xa: {  	[smem:$0x3FA5] =	sst s2  }
0xb: {  	[smem:$0x3FA6] =	sst s3  }
0xc: {  	[smem:$0x3FA7] =	sst s4  }
0xd: {  	[smem:$0x3FA8] =	sst s5  }
0xe: {  	[smem:$0x3FA9] =	sst s6  }
0xf: {  	[smem:$0x3FAA] =	sst s7  }
0x10: {  	[smem:$0x3FAB] =	sst s8  }
0x11: {  	[smem:$0x3FAC] =	sst s9;
	s0 =	simm.s32 @!p0 $0x0  }
0x12: {  	s1 =	sld [smem:$0x3F92];
	s0 =	simm.s32 @p0 $0x1  }
0x13: {  	[smem:$0x3FAD] =	sst s0;
	s0 =	simm.s32 @!p1 $0x0  }
0x14: {  	s2 =	sld [smem:$0x3F91];
	s0 =	simm.s32 @p1 $0x1  }
0x15: {  	[smem:$0x3FAE] =	sst s0;
	s0 =	simm.s32 @!p2 $0x0  }
0x16: {  	s3 =	sld [smem:$0x3FDB];
	s0 =	simm.s32 @p2 $0x1  }
0x17: {  	s4 =	simm.s32 $0x1BF5;
	[smem:$0x3FB0] =	sst s0  }
0x18: {  	s0 =	sld [smem:$0x3F93];
	_ =	swait.ge [sflag:s4], $0x0  }
0x19: {  	s7 =	sld [smem:$0x3F94]  }
0x1a: {  	s8 =	sadd.s32 $0xFFFFE003, lr  }
0x1b: {  	s9 =	sadd.s32 $0xFFFFFEF7, lr;
	s5 =	simm.s32 $0xFFFFFFFF;
	p2 =	slt.u32 s8, $0xFFFFF086  }
0x1c: {  	p1 =	slt.u32 s9, $0xF7A;
	s5 =	simm.s32 @!p2 $0x0  }
0x1d: {  	s5 =	simm.s32 @p1 $0x1;
	p0 =	seq.s32 s7, s2  }
0x1e: {  	s7 =	smul.u32 @!p0 $0xF7A, s2;
	p2 =	seq.s32 @!p0 s5, $0x0  }
0x1f: {  	s9 =	smul.u32 $0xF7A, s1;
	s8 =	simm.s32 @!p0 $0x1BF5;
	p2 =	por !p2, p0  }
0x20: {  	[sflag:s8] =	ssyncset.s32 @!p0 $0xFFFFF086;
	s6 =	sadd.s32 @!p0 s3, s7;
	s7 =	simm.s32 @!p0 $0x108  }
0x21: {  	s3 =	sadd.s32 s3, s9;
	s6 =	sadd.s32 @!p0 $0x88, s6;
	s7 =	simm.s32 @p2 $0x1082  }
0x22: {  	[simem:s7], [sflag:s8] =	dma.local @!p0 [hbm:s6], $0xF7A  }
0x23: {  	s9 =	sor.u32 $0xD0000000, s2;
	s6 =	simm.s32 $0x108;
	_ =	swait.ge @!p0 [sflag:s8], $0x0  }
0x24: {  	s3 =	sadd.s32 $0x88, s3;
	s6 =	simm.s32 @!p1 $0x1082;
	[sflag:s4] =	ssyncset.s32 $0xFFFFF086  }
0x25: {  	[simem:s6], [sflag:s4] =	dma.local [hbm:s3], $0xF7A  }
0x26: {  	[smem:$0x3F94] =	sst s1;
	(tag) =	ssettag s2;
	_ =	strace s9  }
0x27: {  	s1 =	sld [smem:$0x3FA4]  }
0x28: {  	s2 =	sld [smem:$0x3FA5]  }
0x29: {  	s4 =	sld [smem:$0x3FA7]  }
0x2a: {  	p0 =	seq.s32 s5, $0x0;
	s5 =	sld [smem:$0x3FA8]  }
0x2b: {  	s6 =	sld [smem:$0x3FA9]  }
0x2c: {  	s7 =	sld [smem:$0x3FAA]  }
0x2d: {  	s3 =	simm.s32 $0x108;
	s8 =	sld [smem:$0x3FAB]  }
0x2e: {  	s3 =	simm.s32 @!p0 $0x1082;
	s9 =	sld [smem:$0x3FAC]  }
0x2f: {  	lr =	sadd.s32 s0, s3;
	s0 =	sld [smem:$0x3FA3]  }
0x30: {  	s3 =	sld [smem:$0x3FA6]  }
0x31: {  	[smem:$0x3FAF] =	sst s10  }
0x32: {  	s10 =	sld [smem:$0x3FAD];
	_ =	sdelay $0x3  }
0x33: {  	p0 =	seq.s32 s10, $0x1;
	s10 =	sld [smem:$0x3FAF];
	_ =	sdelay $0x3  }
0x34: {  	[smem:$0x3FAF] =	sst s10  }
0x35: {  	s10 =	sld [smem:$0x3FAE];
	_ =	sdelay $0x3  }
0x36: {  	p1 =	seq.s32 s10, $0x1;
	s10 =	sld [smem:$0x3FAF];
	_ =	sdelay $0x3  }
0x37: {  	[smem:$0x3FAF] =	sst s10  }
0x38: {  	s10 =	sld [smem:$0x3FB0]  }
0x39: {  	_ = 	snop;
	(pc) =	sbr.ind lr, $3  }
0x3a: {  	_ = 	snop  }
0x3b: {  	_ = 	snop  }
0x3c: {  	p2 =	seq.s32 s10, $0x1;
	s10 =	sld [smem:$0x3FAF]  }
0x3d: {  	_ =	shalt  }
0x3e: {  	_ =	shalt  }
0x3f: {  	_ =	shalt  }
0x40: {  	_ =	shalt  }
0x41: {  	_ =	shalt  }
0x42: {  	_ =	shalt  }
0x43: {  	_ =	shalt  }
0x44: {  	_ =	shalt  }
0x45: {  	_ =	shalt  }
0x46: {  	_ =	shalt  }
0x47: {  	_ =	shalt  }
0x48: {  	_ =	shalt  }
0x49: {  	_ =	shalt  }
0x4a: {  	_ =	shalt  }
0x4b: {  	_ =	shalt  }
0x4c: {  	_ =	shalt  }
0x4d: {  	_ =	shalt  }
0x4e: {  	_ =	shalt  }
0x4f: {  	_ =	shalt  }
0x50: {  	_ =	shalt  }
0x51: {  	_ =	shalt  }
0x52: {  	_ =	shalt  }
0x53: {  	_ =	shalt  }
0x54: {  	_ =	shalt  }
0x55: {  	_ =	shalt  }
0x56: {  	_ =	shalt  }
0x57: {  	_ =	shalt  }
0x58: {  	_ =	shalt  }
0x59: {  	_ =	shalt  }
0x5a: {  	_ =	shalt  }
0x5b: {  	_ =	shalt  }
0x5c: {  	_ =	shalt  }
0x5d: {  	_ =	shalt  }
0x5e: {  	_ =	shalt  }
0x5f: {  	_ =	shalt  }
0x60: {  	_ =	shalt  }
0x61: {  	_ =	shalt  }
0x62: {  	_ =	shalt  }
0x63: {  	_ =	shalt  }
0x64: {  	_ =	shalt  }
0x65: {  	_ =	shalt  }
0x66: {  	_ =	shalt  }
0x67: {  	_ =	shalt  }
0x68: {  	_ =	shalt  }
0x69: {  	_ =	shalt  }
0x6a: {  	_ =	shalt  }
0x6b: {  	_ =	shalt  }
0x6c: {  	_ =	shalt  }
0x6d: {  	_ =	shalt  }
0x6e: {  	_ =	shalt  }
0x6f: {  	_ =	shalt  }
0x70: {  	_ =	shalt  }
0x71: {  	_ =	shalt  }
0x72: {  	_ =	shalt  }
0x73: {  	_ =	shalt  }
0x74: {  	_ =	shalt  }
0x75: {  	_ =	shalt  }
0x76: {  	_ =	shalt  }
0x77: {  	_ =	shalt  }
0x78: {  	_ =	shalt  }
0x79: {  	_ =	shalt  }
0x7a: {  	_ =	shalt  }
0x7b: {  	_ =	shalt  }
0x7c: {  	_ =	shalt  }
0x7d: {  	_ =	shalt  }
0x7e: {  	_ =	shalt  }
0x7f: {  	_ =	shalt  }
0x80: {  	_ =	shalt  }
0x81: {  	_ =	shalt  }
0x82: {  	_ =	shalt  }
0x83: {  	_ =	shalt  }
0x84: {  	_ =	shalt  }
0x85: {  	_ =	shalt  }
0x86: {  	_ =	shalt  }
0x87: {  	_ =	shalt  }
.Lfunc_end0:
.L_simem_size_0:
called_computation.1_lowered:
.L_overlay_start_0:
0x88: {  	s2 =	sld [smem:$0x3FD9]  }
0x89: {  	s3 =	sld [smem:$0x3FFE];
	_ =	sdelay $0x1  }
0x8a: {  	s1 =	srdreg.scid  }
0x8b: {  	s0 =	sand.u32 $0x1, s1  }
0x8c: {  	s16 =	sshll.u32 s0, $0xA;
	s2 =	sadd.s32 s3, s2  }
0x8d: {  	s2 =	sadd.s32 s2, s16  }
0x8e: {  	[smem:$0x3FBB] =	sst s2  }
0x8f: {  	_ = 	snop  }
0x90: {  	(tm) =	ssettm $0x1  }
0x91: {  	s17 =	sld [smem:$0x3FFB];
	_ =	sdelay $0x3  }
0x92: {  	_ =	strace s17  }
0x93: {  	s2 =	sld [smem:$0x3FFC];
	_ =	sdelay $0x3  }
0x94: {  	_ =	strace s2  }
0x95: {  	s2 =	sld [smem:$0x3FFD];
	_ =	sdelay $0x3  }
0x96: {  	_ =	strace s2  }
0x97: {  	_ =	strace $0x8FFFFFFF  }
0x98: {  	s18 =	sld [smem:$0x3FDB];
	_ =	sdelay $0x1  }
0x99: {  	s19 =	simm.s32 $_scs_section_size  }
0x9a: {  	s4 =	simm.s32 $_size__tile_overlayer_lowered;
	s5 =	simm.s32 $_tile_overlayer_lowered  }
0x9b: {  	s22 =	simm.s32 $0x1BFF;
	s21 =	sshll.u32 s5, $0x1;
	s2 =	sadd.s32 s19, s18  }
0x9c: {  	s6 =	simm.s32 $0x0;
	s20 =	sshll.u32 s4, $0x1;
	s4 =	sadd.s32 s21, s2  }
0x9d: {  	[timem:s6], [sflag:s22] =	dma.local [hbm:s4], s20  }
0x9e: {  	_ =	swait.ge [sflag:s22], s20  }
0x9f: {  	s3 =	ssub.s32 $0x0, s20;
	[sflag:s22] =	ssyncset.done $0x0  }
0xa0: {  	[sflag:s22] =	ssyncadd.s32 s3;
	_ =	sdelay $0x1  }
0xa1: {  	s23 =	simm.s32 $0x1B8B  }
0xa2: {  	_ =	swait.ge [sflag:s23], $0x1  }
0xa3: {  	[sflag:s23] =	ssyncset.done $0x0  }
0xa4: {  	s25 =	simm.s32 $0x1B8E;
	s24 =	sld [smem:$0x3FFE];
	[sflag:s23] =	ssyncadd.s32 $0xFFFFFFFF  }
0xa5: {  	s26 =	simm.s32 $execute0_lowered;
	[smem:$0x3FD2] =	sst s25  }
0xa6: {  	s4 =	sshll.u32 s26, $0x1;
	_ =	strace $0x80000049;
	[dreg:$0x1] =	wrdreg $0xFFFFFFFF  }
0xa7: {  	s28 =	simm.s32 $_size_execute0_lowered;
	s2 =	sadd.s32 s2, s4;
	[dreg:$0x0] =	wrdreg $0x0  }
0xa8: {  	s4 =	sshll.u32 s28, $0x1;
	[dreg:$0x2] =	wrdreg s2  }
0xa9: {  	[dreg:$0x3] =	wrdreg s4  }
0xaa: {  	[dreg:$0x4] =	wrdreg $0xC0  }
0xab: {  	_ =	task [dreg:s6], $0x5FFFF  }
0xac: {  	[dreg:$0x1] =	wrdreg $0xFFFFFFFF  }
0xad: {  	[dreg:$0x0] =	wrdreg $0x60  }
0xae: {  	[dreg:$0x2] =	wrdreg s24  }
0xaf: {  	[dreg:$0x3] =	wrdreg $0x9  }
0xb0: {  	_ =	task.clear_ibuf [dreg:s6], $0x4FFFF;
	_ =	strace $0x90000049  }
0xb1: {  	s29 =	simm.s32 $0x9;
	_ =	strace $0x8000004B  }
0xb2: {  	_ =	swait.ge [sflag:s29], $0x1  }
0xb3: {  	[sflag:s29] =	ssyncadd.s32 $0xFFFFFFFF  }
0xb4: {  	_ =	strace $0x9000004B  }
0xb5: {  	_ =	sfence  }
0xb6: {  	s30 =	sld [smem:$0x0];
	_ =	sdelay $0x2  }
0xb7: {  	s31 =	sshll.u32 s1, $0xD;
	s1 =	sshrl.u32 s1, $0x2  }
0xb8: {  	s3 =	sand.u32 $0x4000, s31;
	s1 =	sadd.s32 s1, s30  }
0xb9: {  	s0 =	sor.u32 s3, s0;
	s1 =	sshll.u32 s1, $0x11  }
0xba: {  	s0 =	sor.u32 s1, s0  }
0xbb: {  	s0 =	sadd.s32 $0x8F2B, s0  }
0xbc: {  	[sflag:s0] =	ssyncadd.remote.s32 $0x1  }
0xbd: {  	_ =	sfence.sel $0xFFFF  }
0xbe: {  	[dreg:$0x0] =	wrdreg $0xFFFFFFFF;
	(pc) =	sbr.abs _section_cstart, $3  }
0xbf: {  	[dreg:$0x1] =	wrdreg $0xFFFFFFFF  }
0xc0: {  	_ =	task.clear_ibuf [dreg:s6], $0x2FFFF;
	_ =	strace $0x9FFFFFFF  }
0xc1: {  	(tm) =	ssettm $0x7FFFFFFF  }
tec
execute0_lowered:
.L_overlay_start_1:
0x0: {  	(tag) =	ssettag $0x1  }
0x1: {  	s0 =	srdreg.scid  }
0x2: {  	s7 =	rddreg [dreg:$0x0];
	s2 =	simm.s32 $0x0;
	s11 =	simm.s32 $0x3110  }
0x3: {  	s12 =	simm.s32 $0x50;
	s13 =	simm.s32 $0x2710;
	s4 =	sand.u32 $0x1, s0  }
0x4: {  	s14 =	simm.s32 $0x2C10;
	s0 =	stileid.u32;
	s1 =	sshll.u32 s4, $0x4  }
0x5: {  	s15 =	simm.s32 $0x0;
	[smem:$0x7FF] =	sst s2;
	s3 =	sor.u32 s0, s1  }
0x6: {  	s6 =	sadd.s32 $0x40A00, s7;
	s8 =	ssub.s32 $0x2, s4;
	s3 =	smul.u32 $0x2710, s3  }
0x7: {  	s4 =	sadd.s32 $0x54800, s7;
	s1 =	rddreg [dreg:$0x1];
	s10 =	sshrl.u32 s8, $0x1  }
0x8: {  	_ =	strace $0x8000004A;
	s10 =	ssub.s32 s8, s10;
	s5 =	sshrl.u32 s3, $0x3  }
0x9: {  	s9 =	sadd.s32 s5, s7;
	s5 =	sadd.s32 $0x45A00, s7;
	s7 =	sadd.s32 $0xF0C00, s7  }
0xa: {  	s8 =	sadd.s32 $0x5C00, s9;
	s9 =	smax.u32 s10, $0x1;
	s10 =	simm.s32 $0x1  }
.LBB2_1:
0xb: {  	[tilespmem:s2], [sflag:$0x1] =	stream.linear.gather [hbm4b:s8+s2], $0x2710, $0x38;
	[tilespmem:$0x3610] =	vst v63  }
0xc: {  	_ =	swait.ge [sflag:s10], $0x2710  }
0xd: {  	[sflag:s10] =	ssyncset.done $0x0  }
0xe: {  	s16 =	simm.s32 $0x0;
	[sflag:s10] =	ssyncadd.s32 $0xFFFFD8F0  }
.LBB2_2:
0xf: {  	s18 =	smul.u32 $0x50, s16;
	_ =	sdelay $0x1  }
0x10: {  	s17 =	sadd.s32 s3, s18  }
0x11: {  	s17 =	sshll.u32 s17, $0x1  }
0x12: {  	s20 =	simm.s32 $0x0;
	s19 =	sadd.s32 s4, s17  }
0x13: {  	[tilespmem:s11], [sflag:$0x1] =	stream.linear.gather [hbm4b:s19+s20], $0x500, $0x38;
	[tilespmem:$0x3610] =	vst v63  }
0x14: {  	_ =	swait.ge [sflag:s10], $0x500  }
0x15: {  	[sflag:s10] =	ssyncset.done $0x0  }
0x16: {  	[sflag:s10] =	ssyncadd.s32 $0xFFFFFB00  }
0x17: {  	[tilespmem:s13], [sflag:$0x1] =	stream.indirect.gather [hbm4b:s5+s12], $0x10, s18, s12, $0xb8;
	[tilespmem:$0x3610] =	vst v63  }
0x18: {  	_ =	swait.ge [sflag:s10], $0x500  }
0x19: {  	[sflag:s10] =	ssyncset.done $0x0  }
0x1a: {  	[sflag:s10] =	ssyncadd.s32 $0xFFFFFB00  }
0x1b: {  	[tilespmem:s14], [sflag:$0x1] =	stream.indirect.gather [hbm4b:s6+s12], $0x10, s18, s12, $0xb8;
	[tilespmem:$0x3610] =	vst v63  }
0x1c: {  	_ =	swait.ge [sflag:s10], $0x500  }
0x1d: {  	[sflag:s10] =	ssyncset.done $0x0  }
0x1e: {  	s19 =	simm.s32 $0x0;
	[sflag:s10] =	ssyncadd.s32 $0xFFFFFB00  }
0x1f: {  	v0 =	vld [tilespmem:s19+$0x2710]  }
0x20: {  	v1 =	vld [tilespmem:s19+$0x2C10];
	_ =	sdelay $0x4  }
0x21: {  	s18 =	simm.s32 $0x10;
	v0 =	vadd.f32 v1, v0  }
0x22: {  	v2 =	vld [tilespmem:s18+$0x2710]  }
0x23: {  	v3 =	vld [tilespmem:s18+$0x2C10];
	(erf) = vrcp.f32 v0;
	_ =	sdelay $0x4  }
0x24: {  	v2 =	vadd.f32 v3, v2;
	v1 =	vld [tilespmem:s19+$0x3110];
	_ =	sdelay $0x1  }
0x25: {  	s20 =	simm.s32 $0x20;
	(erf) = vrcp.f32 v2  }
0x26: {  	s21 =	simm.s32 $0xC0;
	v0 =	vld [tilespmem:s20+$0x2710]  }
.LBB2_3:
0x27: {  	p0 =	sne.s32 s21, $0x13C0;
	v2 =	vld [tilespmem:s20+$0x2C10];
	v3 =	vpop (erf)  }
0x28: {  	v1 =	vmul.f32 v3, v1;
	_ =	sdelay $0x1  }
.Ltmp0:
0x29: {  	[tilespmem:s19+$0x3110] =	vst v1;
	s19 =	smov.u32 s18;
	s18 =	smov.u32 s20;
	(pc) =	sbr.rel @p0 .LBB2_3-.Ltmp0, $4  }
0x2a: {  	v1 =	vld [tilespmem:s19+$0x3110]  }
0x2b: {  	v2 =	vadd.f32 v2, v0  }
0x2c: {  	s20 =	sshra.s32 s21, $0x2  }
0x2d: {  	s21 =	sadd.s32 $0x40, s21;
	v0 =	vld [tilespmem:s20+$0x2710];
	(erf) = vrcp.f32 v2  }
0x2e: {  	v2 =	vld [tilespmem:s20+$0x2C10];
	v3 =	vpop (erf)  }
0x2f: {  	v1 =	vmul.f32 v3, v1;
	_ =	sdelay $0x1  }
0x30: {  	[tilespmem:s19+$0x3110] =	vst v1  }
0x31: {  	v1 =	vld [tilespmem:s18+$0x3110]  }
0x32: {  	v0 =	vadd.f32 v2, v0;
	_ =	sdelay $0x1  }
0x33: {  	(erf) = vrcp.f32 v0  }
0x34: {  	v62 =	vpop (erf)  }
0x35: {  	v0 =	vmul.f32 v62, v1;
	_ =	sdelay $0x1  }
0x36: {  	[tilespmem:s18+$0x3110] =	vst v0  }
0x37: {  	v0 =	vld [tilespmem:s20+$0x3110];
	_ =	sdelay $0x3  }
0x38: {  	v63 =	vpop (erf)  }
0x39: {  	s16 =	sadd.s32 $0x1, s16;
	v0 =	vmul.f32 v63, v0  }
0x3a: {  	p0 =	sne.s32 s16, $0x7D  }
.Ltmp1:
0x3b: {  	s17 =	sadd.s32 s7, s17;
	[tilespmem:s20+$0x3110] =	vst v0;
	(pc) =	sbr.rel @p0 .LBB2_2-.Ltmp1, $4  }
0x3c: {  	[hbm4b:s17+s2] =	stream.linear.scatter [tilespmem:s11], [sflag:$0x1], $0x500, $0x38;
	[tilespmem:$0x3610] =	vst v63  }
0x3d: {  	_ =	swait.ge [sflag:s10], $0x500  }
0x3e: {  	[sflag:s10] =	ssyncset.done $0x0  }
0x3f: {  	[sflag:s10] =	ssyncadd.s32 $0xFFFFFB00  }
0x40: {  	s15 =	sadd.s32 $0x1, s15  }
0x41: {  	p0 =	sne.s32 s15, s9  }
.Ltmp2:
0x42: {  	_ = 	snop;
	(pc) =	sbr.rel @p0 .LBB2_1-.Ltmp2, $1  }
0x43: {  	_ =	sdelay $0x3  }
0x44: {  	_ =	sfence.sel $0x180000  }
0x45: {  	[bflag:$0x0] =	sbarrier.arrive $0xFFFF  }
0x46: {  	p0 =	sne.s32 s0, $0x0;
	_ =	strace $0x9000004A  }
0x47: {  	s0 =	sadd.s32 @!p0 $0x100000, s1;
	[bflag:$0x2] =	sbarrier.arrive $0xFFFF  }
0x48: {  	[sflag:s0] =	ssyncadd.tile.s32 @!p0 $0x1;
	_ =	shalt  }
.Lfunc_end2:
_tile_overlayer_lowered:
.L_overlay_start_2:
0x49: {  	(tag) =	ssettag $0x2  }
0x4a: {  	s0 =	rddreg [dreg:$0x0];
	s2 =	stileid.u32  }
0x4b: {  	s1 =	rddreg [dreg:$0x1];
	p0 =	sne.s32 s2, $0x0  }
0x4c: {  	s3 =	rddreg [dreg:$0x2];
	[bflag:$0x3] =	sbarrier.arrive $0xFFFF;
	s2 =	simm.s32 @!p0 $0x1C01  }
0x4d: {  	[timem:s3], [sflag:s2] =	dma.local @!p0 [hbm:s0], s1  }
0x4e: {  	s0 =	simm.s32 @!p0 $0x1  }
0x4f: {  	_ =	swait.ge @!p0 [sflag:s0], s1  }
0x50: {  	s1 =	ssub.s32 @!p0 $0x0, s1;
	[sflag:s0] =	ssyncset.done @!p0 $0x0  }
0x51: {  	[sflag:s0] =	ssyncadd.s32 @!p0 s1  }
0x52: {  	[bflag:$0x3] =	sbarrier.arrive $0xFFFF  }
0x53: {  	_ =	shalt  }

// kernel: kernel.21.cloned.1.call-start
scs
__scs_entry_jumppad:
0x0: {  	(pc) =	sbr.rel $0x88, $3  }
0x1: {  	(tag) =	ssettag $0x0;
	lr =	simm.s32 $0x1  }
0x2: {  	[smem:$0x3F94] =	sst lr;
	_ =	strace $0xD0000000  }
0x3: {  	_ = 	snop  }
0x4: {  	_ = 	snop  }
0x5: {  	_ = 	snop  }
0x6: {  	_ = 	snop  }
0x7: {  	_ = 	snop  }
__scs_overlays_trampoline_lowered:
0x8: {  	[smem:$0x3FA3] =	sst s0  }
0x9: {  	[smem:$0x3FA4] =	sst s1  }
0xa: {  	[smem:$0x3FA5] =	sst s2  }
0xb: {  	[smem:$0x3FA6] =	sst s3  }
0xc: {  	[smem:$0x3FA7] =	sst s4  }
0xd: {  	[smem:$0x3FA8] =	sst s5  }
0xe: {  	[smem:$0x3FA9] =	sst s6  }
0xf: {  	[smem:$0x3FAA] =	sst s7  }
0x10: {  	[smem:$0x3FAB] =	sst s8  }
0x11: {  	[smem:$0x3FAC] =	sst s9;
	s0 =	simm.s32 @!p0 $0x0  }
0x12: {  	s1 =	sld [smem:$0x3F92];
	s0 =	simm.s32 @p0 $0x1  }
0x13: {  	[smem:$0x3FAD] =	sst s0;
	s0 =	simm.s32 @!p1 $0x0  }
0x14: {  	s2 =	sld [smem:$0x3F91];
	s0 =	simm.s32 @p1 $0x1  }
0x15: {  	[smem:$0x3FAE] =	sst s0;
	s0 =	simm.s32 @!p2 $0x0  }
0x16: {  	s3 =	sld [smem:$0x3FDB];
	s0 =	simm.s32 @p2 $0x1  }
0x17: {  	s4 =	simm.s32 $0x1BF5;
	[smem:$0x3FB0] =	sst s0  }
0x18: {  	s0 =	sld [smem:$0x3F93];
	_ =	swait.ge [sflag:s4], $0x0  }
0x19: {  	s7 =	sld [smem:$0x3F94]  }
0x1a: {  	s8 =	sadd.s32 $0xFFFFE003, lr  }
0x1b: {  	s9 =	sadd.s32 $0xFFFFFEF7, lr;
	s5 =	simm.s32 $0xFFFFFFFF;
	p2 =	slt.u32 s8, $0xFFFFF086  }
0x1c: {  	p1 =	slt.u32 s9, $0xF7A;
	s5 =	simm.s32 @!p2 $0x0  }
0x1d: {  	s5 =	simm.s32 @p1 $0x1;
	p0 =	seq.s32 s7, s2  }
0x1e: {  	s7 =	smul.u32 @!p0 $0xF7A, s2;
	p2 =	seq.s32 @!p0 s5, $0x0  }
0x1f: {  	s9 =	smul.u32 $0xF7A, s1;
	s8 =	simm.s32 @!p0 $0x1BF5;
	p2 =	por !p2, p0  }
0x20: {  	[sflag:s8] =	ssyncset.s32 @!p0 $0xFFFFF086;
	s6 =	sadd.s32 @!p0 s3, s7;
	s7 =	simm.s32 @!p0 $0x108  }
0x21: {  	s3 =	sadd.s32 s3, s9;
	s6 =	sadd.s32 @!p0 $0x88, s6;
	s7 =	simm.s32 @p2 $0x1082  }
0x22: {  	[simem:s7], [sflag:s8] =	dma.local @!p0 [hbm:s6], $0xF7A  }
0x23: {  	s9 =	sor.u32 $0xD0000000, s2;
	s6 =	simm.s32 $0x108;
	_ =	swait.ge @!p0 [sflag:s8], $0x0  }
0x24: {  	s3 =	sadd.s32 $0x88, s3;
	s6 =	simm.s32 @!p1 $0x1082;
	[sflag:s4] =	ssyncset.s32 $0xFFFFF086  }
0x25: {  	[simem:s6], [sflag:s4] =	dma.local [hbm:s3], $0xF7A  }
0x26: {  	[smem:$0x3F94] =	sst s1;
	(tag) =	ssettag s2;
	_ =	strace s9  }
0x27: {  	s1 =	sld [smem:$0x3FA4]  }
0x28: {  	s2 =	sld [smem:$0x3FA5]  }
0x29: {  	s4 =	sld [smem:$0x3FA7]  }
0x2a: {  	p0 =	seq.s32 s5, $0x0;
	s5 =	sld [smem:$0x3FA8]  }
0x2b: {  	s6 =	sld [smem:$0x3FA9]  }
0x2c: {  	s7 =	sld [smem:$0x3FAA]  }
0x2d: {  	s3 =	simm.s32 $0x108;
	s8 =	sld [smem:$0x3FAB]  }
0x2e: {  	s3 =	simm.s32 @!p0 $0x1082;
	s9 =	sld [smem:$0x3FAC]  }
0x2f: {  	lr =	sadd.s32 s0, s3;
	s0 =	sld [smem:$0x3FA3]  }
0x30: {  	s3 =	sld [smem:$0x3FA6]  }
0x31: {  	[smem:$0x3FAF] =	sst s10  }
0x32: {  	s10 =	sld [smem:$0x3FAD];
	_ =	sdelay $0x3  }
0x33: {  	p0 =	seq.s32 s10, $0x1;
	s10 =	sld [smem:$0x3FAF];
	_ =	sdelay $0x3  }
0x34: {  	[smem:$0x3FAF] =	sst s10  }
0x35: {  	s10 =	sld [smem:$0x3FAE];
	_ =	sdelay $0x3  }
0x36: {  	p1 =	seq.s32 s10, $0x1;
	s10 =	sld [smem:$0x3FAF];
	_ =	sdelay $0x3  }
0x37: {  	[smem:$0x3FAF] =	sst s10  }
0x38: {  	s10 =	sld [smem:$0x3FB0]  }
0x39: {  	_ = 	snop;
	(pc) =	sbr.ind lr, $3  }
0x3a: {  	_ = 	snop  }
0x3b: {  	_ = 	snop  }
0x3c: {  	p2 =	seq.s32 s10, $0x1;
	s10 =	sld [smem:$0x3FAF]  }
0x3d: {  	_ =	shalt  }
0x3e: {  	_ =	shalt  }
0x3f: {  	_ =	shalt  }
0x40: {  	_ =	shalt  }
0x41: {  	_ =	shalt  }
0x42: {  	_ =	shalt  }
0x43: {  	_ =	shalt  }
0x44: {  	_ =	shalt  }
0x45: {  	_ =	shalt  }
0x46: {  	_ =	shalt  }
0x47: {  	_ =	shalt  }
0x48: {  	_ =	shalt  }
0x49: {  	_ =	shalt  }
0x4a: {  	_ =	shalt  }
0x4b: {  	_ =	shalt  }
0x4c: {  	_ =	shalt  }
0x4d: {  	_ =	shalt  }
0x4e: {  	_ =	shalt  }
0x4f: {  	_ =	shalt  }
0x50: {  	_ =	shalt  }
0x51: {  	_ =	shalt  }
0x52: {  	_ =	shalt  }
0x53: {  	_ =	shalt  }
0x54: {  	_ =	shalt  }
0x55: {  	_ =	shalt  }
0x56: {  	_ =	shalt  }
0x57: {  	_ =	shalt  }
0x58: {  	_ =	shalt  }
0x59: {  	_ =	shalt  }
0x5a: {  	_ =	shalt  }
0x5b: {  	_ =	shalt  }
0x5c: {  	_ =	shalt  }
0x5d: {  	_ =	shalt  }
0x5e: {  	_ =	shalt  }
0x5f: {  	_ =	shalt  }
0x60: {  	_ =	shalt  }
0x61: {  	_ =	shalt  }
0x62: {  	_ =	shalt  }
0x63: {  	_ =	shalt  }
0x64: {  	_ =	shalt  }
0x65: {  	_ =	shalt  }
0x66: {  	_ =	shalt  }
0x67: {  	_ =	shalt  }
0x68: {  	_ =	shalt  }
0x69: {  	_ =	shalt  }
0x6a: {  	_ =	shalt  }
0x6b: {  	_ =	shalt  }
0x6c: {  	_ =	shalt  }
0x6d: {  	_ =	shalt  }
0x6e: {  	_ =	shalt  }
0x6f: {  	_ =	shalt  }
0x70: {  	_ =	shalt  }
0x71: {  	_ =	shalt  }
0x72: {  	_ =	shalt  }
0x73: {  	_ =	shalt  }
0x74: {  	_ =	shalt  }
0x75: {  	_ =	shalt  }
0x76: {  	_ =	shalt  }
0x77: {  	_ =	shalt  }
0x78: {  	_ =	shalt  }
0x79: {  	_ =	shalt  }
0x7a: {  	_ =	shalt  }
0x7b: {  	_ =	shalt  }
0x7c: {  	_ =	shalt  }
0x7d: {  	_ =	shalt  }
0x7e: {  	_ =	shalt  }
0x7f: {  	_ =	shalt  }
0x80: {  	_ =	shalt  }
0x81: {  	_ =	shalt  }
0x82: {  	_ =	shalt  }
0x83: {  	_ =	shalt  }
0x84: {  	_ =	shalt  }
0x85: {  	_ =	shalt  }
0x86: {  	_ =	shalt  }
0x87: {  	_ =	shalt  }
.Lfunc_end0:
.L_simem_size_0:
called_computation.2_lowered:
.L_overlay_start_0:
0x88: {  	s2 =	sld [smem:$0x3FD9]  }
0x89: {  	s3 =	sld [smem:$0x3FFE];
	_ =	sdelay $0x1  }
0x8a: {  	s1 =	srdreg.scid  }
0x8b: {  	s0 =	sand.u32 $0x1, s1  }
0x8c: {  	s17 =	sshll.u32 s0, $0xA;
	s2 =	sadd.s32 s3, s2  }
0x8d: {  	s2 =	sadd.s32 s2, s17  }
0x8e: {  	[smem:$0x3FBB] =	sst s2  }
0x8f: {  	_ = 	snop  }
0x90: {  	s2 =	sld [smem:$0x3FD0];
	(tm) =	ssettm $0x1  }
0x91: {  	s18 =	sld [smem:$0x3FFB];
	_ =	sdelay $0x3  }
0x92: {  	_ =	strace s18  }
0x93: {  	s3 =	sld [smem:$0x3FFC];
	_ =	sdelay $0x3  }
0x94: {  	_ =	strace s3  }
0x95: {  	s3 =	sld [smem:$0x3FFD];
	_ =	sdelay $0x3  }
0x96: {  	_ =	strace s3  }
0x97: {  	_ =	strace $0x8FFFFFFF  }
0x98: {  	s19 =	sld [smem:$0x3FDB];
	_ =	sdelay $0x1  }
0x99: {  	s4 =	simm.s32 $_scs_section_size  }
0x9a: {  	s5 =	simm.s32 $_size__tile_overlayer_lowered;
	s6 =	simm.s32 $_tile_overlayer_lowered  }
0x9b: {  	s22 =	simm.s32 $0x1BFF;
	s21 =	sshll.u32 s6, $0x1;
	s3 =	sadd.s32 s4, s19  }
0x9c: {  	s7 =	simm.s32 $0x0;
	s20 =	sshll.u32 s5, $0x1;
	s5 =	sadd.s32 s21, s3  }
0x9d: {  	[timem:s7], [sflag:s22] =	dma.local [hbm:s5], s20  }
0x9e: {  	_ =	swait.ge [sflag:s22], s20  }
0x9f: {  	s4 =	ssub.s32 $0x0, s20;
	[sflag:s22] =	ssyncset.done $0x0  }
0xa0: {  	[sflag:s22] =	ssyncadd.s32 s4;
	_ =	sdelay $0x1  }
0xa1: {  	s23 =	simm.s32 $0x1B8B  }
0xa2: {  	_ =	swait.ge [sflag:s23], $0x1  }
0xa3: {  	[sflag:s23] =	ssyncset.done $0x0  }
0xa4: {  	s25 =	simm.s32 $0x1B8E;
	s24 =	sld [smem:$0x3FFE];
	[sflag:s23] =	ssyncadd.s32 $0xFFFFFFFF  }
0xa5: {  	s26 =	simm.s32 $execute0_lowered;
	[smem:$0x3FD2] =	sst s25  }
0xa6: {  	s5 =	sshll.u32 s26, $0x1;
	_ =	strace $0x8000004C;
	[dreg:$0x1] =	wrdreg $0xFFFFFFFF  }
0xa7: {  	s28 =	simm.s32 $_size_execute0_lowered;
	s3 =	sadd.s32 s3, s5;
	[dreg:$0x0] =	wrdreg $0x0  }
0xa8: {  	s5 =	sshll.u32 s28, $0x1;
	[dreg:$0x2] =	wrdreg s3  }
0xa9: {  	[dreg:$0x3] =	wrdreg s5  }
0xaa: {  	[dreg:$0x4] =	wrdreg $0xC0  }
0xab: {  	_ =	task [dreg:s7], $0x5FFFF  }
0xac: {  	[dreg:$0x1] =	wrdreg $0xFFFFFFFF  }
0xad: {  	[dreg:$0x0] =	wrdreg $0x60  }
0xae: {  	[dreg:$0x2] =	wrdreg s24  }
0xaf: {  	[dreg:$0x3] =	wrdreg s2  }
0xb0: {  	[dreg:$0x4] =	wrdreg $0x7B200  }
0xb1: {  	[dreg:$0x5] =	wrdreg $0x9  }
0xb2: {  	_ =	task.clear_ibuf [dreg:s7], $0x6FFFF;
	_ =	strace $0x9000004C  }
0xb3: {  	s29 =	simm.s32 $0x9;
	_ =	strace $0x8000004E  }
0xb4: {  	_ =	swait.ge [sflag:s29], $0x1  }
0xb5: {  	[sflag:s29] =	ssyncadd.s32 $0xFFFFFFFF  }
0xb6: {  	_ =	strace $0x9000004E  }
0xb7: {  	_ =	sfence  }
0xb8: {  	s30 =	sld [smem:$0x0];
	_ =	sdelay $0x2  }
0xb9: {  	s31 =	sshll.u32 s1, $0xD;
	s1 =	sshrl.u32 s1, $0x2  }
0xba: {  	s3 =	sand.u32 $0x4000, s31;
	s1 =	sadd.s32 s1, s30  }
0xbb: {  	s0 =	sor.u32 s3, s0;
	s1 =	sshll.u32 s1, $0x11  }
0xbc: {  	s0 =	sor.u32 s1, s0  }
0xbd: {  	s0 =	sadd.s32 $0x8F2B, s0  }
0xbe: {  	[sflag:s0] =	ssyncadd.remote.s32 $0x1  }
0xbf: {  	_ =	sfence.sel $0xFFFF  }
0xc0: {  	[dreg:$0x0] =	wrdreg $0xFFFFFFFF;
	(pc) =	sbr.abs _section_cstart, $3  }
0xc1: {  	[dreg:$0x1] =	wrdreg $0xFFFFFFFF  }
0xc2: {  	_ =	task.clear_ibuf [dreg:s7], $0x2FFFF;
	_ =	strace $0x9FFFFFFF  }
0xc3: {  	(tm) =	ssettm $0x7FFFFFFF  }
tec
execute0_lowered:
.L_overlay_start_1:
0x0: {  	(tag) =	ssettag $0x1  }
0x1: {  	s8 =	rddreg [dreg:$0x0]  }
0x2: {  	s2 =	rddreg [dreg:$0x1]  }
0x3: {  	s0 =	srdreg.scid;
	s3 =	rddreg [dreg:$0x2]  }
0x4: {  	s5 =	simm.s32 $0x0;
	s14 =	simm.s32 $0x5320;
	s15 =	simm.s32 $0x1  }
0x5: {  	s16 =	simm.s32 $0x2710;
	s17 =	simm.s32 $0x50;
	s18 =	simm.s32 $0x4E20  }
0x6: {  	s19 =	simm.s32 $0x0;
	s7 =	sand.u32 $0x1, s0;
	s0 =	stileid.u32  }
0x7: {  	[smem:$0x7FF] =	sst s5;
	s1 =	sshll.u32 s7, $0x4;
	s9 =	smul.u32 $0x27100, s7  }
0x8: {  	s7 =	ssub.s32 $0x2, s7;
	s12 =	smul.u32 $0xA000, s0;
	s1 =	sor.u32 s0, s1  }
0x9: {  	s31 =	ssub.s32 $0x8C, s0;
	s30 =	sshrl.u32 s7, $0x1;
	s4 =	smul.u32 $0x2710, s1  }
0xa: {  	s1 =	rddreg [dreg:$0x3];
	_ =	strace $0x8000004D;
	s11 =	sadd.s32 s9, s8  }
0xb: {  	s13 =	ssub.s32 s7, s30;
	s12 =	sshrl.u32 s12, $0x2;
	s6 =	sshrl.u32 s4, $0x3  }
0xc: {  	s7 =	sshrl.u32 s31, $0x4;
	s12 =	sadd.s32 s12, s3;
	s10 =	sadd.s32 s6, s8  }
0xd: {  	s6 =	sadd.s32 $0xF0C00, s8;
	s8 =	sadd.s32 $0xFA00, s10;
	s9 =	sadd.s32 $0x5C00, s10  }
0xe: {  	v0 =	vimm.f32 $0.0e+00;
	s10 =	sadd.s32 $0x40A00, s11;
	s11 =	smax.u32 s13, $0x1;
	s13 =	smul.u32 $0x500, s0  }
.LBB2_1:
0xf: {  	s20 =	simm.s32 $0x0;
	s21 =	simm.s32 $0x200  }
.LBB2_2:
0x10: {  	p0 =	sne.s32 s21, $0x9E00;
	[tilespmem:s20+$0x5390] =	vst v0  }
0x11: {  	[tilespmem:s20+$0x5320] =	vst v0  }
0x12: {  	[tilespmem:s20+$0x5330] =	vst v0  }
.Ltmp0:
0x13: {  	[tilespmem:s20+$0x5340] =	vst v0;
	(pc) =	sbr.rel @p0 .LBB2_2-.Ltmp0, $4  }
0x14: {  	[tilespmem:s20+$0x5350] =	vst v0  }
0x15: {  	[tilespmem:s20+$0x5360] =	vst v0  }
0x16: {  	[tilespmem:s20+$0x5370] =	vst v0  }
0x17: {  	[tilespmem:s20+$0x5380] =	vst v0;
	s20 =	sshra.s32 s21, $0x2;
	s21 =	sadd.s32 $0x200, s21  }
0x18: {  	[tilespmem:s20+$0x5390] =	vst v0  }
0x19: {  	[tilespmem:s20+$0x5320] =	vst v0  }
0x1a: {  	[tilespmem:s20+$0x5330] =	vst v0  }
0x1b: {  	[tilespmem:s20+$0x5340] =	vst v0  }
0x1c: {  	[tilespmem:s20+$0x5350] =	vst v0  }
0x1d: {  	[tilespmem:s20+$0x5360] =	vst v0;
	p0 =	sne.s32 s7, $0x1  }
.Ltmp1:
0x1e: {  	[tilespmem:s20+$0x5370] =	vst v0;
	(pc) =	sbr.rel @!p0 .LBB2_5-.Ltmp1, $4  }
0x1f: {  	[tilespmem:s20+$0x5380] =	vst v0  }
0x20: {  	[spmem:s12] =	stream.linear.scatter [tilespmem:s14], [sflag:$0x1], $0x2800, $0x38;
	[tilespmem:$0x1B3A0] =	vst v63  }
0x21: {  	_ =	swait.ge [sflag:s15], $0x2800  }
0x22: {  	s20 =	sadd.s32 $0xFFFFFFFF, s7;
	s21 =	smov.u32 s12;
	[sflag:s15] =	ssyncset.done $0x0  }
.LBB2_4:
0x23: {  	p1 =	sne.s32 s20, $0x1;
	[sflag:s15] =	ssyncadd.s32 $0xFFFFD800;
	s21 =	sadd.s32 $0x28000, s21  }
.Ltmp2:
0x24: {  	s20 =	sadd.s32 $0xFFFFFFFF, s20;
	(pc) =	sbr.rel @p1 .LBB2_4-.Ltmp2, $4  }
0x25: {  	_ = 	snop  }
0x26: {  	[spmem:s21] =	stream.linear.scatter [tilespmem:s14], [sflag:$0x1], $0x2800, $0x38;
	[tilespmem:$0x1B3A0] =	vst v63  }
0x27: {  	_ =	swait.ge [sflag:s15], $0x2800  }
0x28: {  	[sflag:s15] =	ssyncset.done $0x0  }
.LBB2_5:
0x29: {  	[sflag:s15] =	ssyncadd.s32 $0xFFFFD800;
	s20 =	simm.s32 $0x0  }
0x2a: {  	[tilespmem:s20], [sflag:$0x1] =	stream.linear.gather [hbm4b:s8+s20], $0x2710, $0x38;
	[tilespmem:$0x1B3A0] =	vst v63  }
0x2b: {  	_ =	swait.ge [sflag:s15], $0x2710  }
0x2c: {  	[sflag:s15] =	ssyncset.done $0x0  }
0x2d: {  	[sflag:s15] =	ssyncadd.s32 $0xFFFFD8F0  }
0x2e: {  	[tilespmem:s16], [sflag:$0x1] =	stream.linear.gather [hbm4b:s9+s20], $0x2710, $0x38;
	[tilespmem:$0x1B3A0] =	vst v63  }
0x2f: {  	_ =	swait.ge [sflag:s15], $0x2710  }
0x30: {  	[sflag:s15] =	ssyncset.done $0x0  }
0x31: {  	[sflag:s15] =	ssyncadd.s32 $0xFFFFD8F0  }
0x32: {  	s21 =	simm.s32 $0x0;
	[bflag:$0x0] =	sbarrier.arrive $0xFFFF  }
.LBB2_6:
0x33: {  	s22 =	smul.u32 $0x50, s21;
	_ =	sdelay $0x1  }
0x34: {  	[tilespmem:s14], [sflag:$0x1] =	stream.indirect.gather [hbm4b:s2+s17], $0x80, s22, s17, $0xb8;
	[tilespmem:$0x1B3A0] =	vst v63  }
0x35: {  	s23 =	sadd.s32 s4, s22;
	_ =	swait.ge [sflag:s15], $0x2800  }
0x36: {  	s23 =	sshll.u32 s23, $0x1;
	[sflag:s15] =	ssyncset.done $0x0  }
0x37: {  	s23 =	sadd.s32 s6, s23;
	[sflag:s15] =	ssyncadd.s32 $0xFFFFD800  }
0x38: {  	[tilespmem:s18], [sflag:$0x1] =	stream.linear.gather [hbm4b:s23+s20], $0x500, $0x38;
	[tilespmem:$0x1B3A0] =	vst v63  }
0x39: {  	_ =	swait.ge [sflag:s15], $0x500  }
0x3a: {  	[sflag:s15] =	ssyncset.done $0x0  }
0x3b: {  	s23 =	simm.s32 $0x5360;
	[sflag:s15] =	ssyncadd.s32 $0xFFFFFB00  }
0x3c: {  	s26 =	simm.s32 $0x0;
	s25 =	simm.s32 $0x40;
	s24 =	simm.s32 $0x5360;
	v1 =	vld [tilespmem:s23+$0xFFFFFFF0]  }
.LBB2_7:
0x3d: {  	p1 =	sne.s32 s25, $0x13C0;
	v2 =	vld [tilespmem:s26+$0x4E20]  }
0x3e: {  	v3 =	vld [tilespmem:s23+$0xFFFFFFD0]  }
0x3f: {  	v4 =	vld [tilespmem:s23+$0xFFFFFFC0]  }
0x40: {  	v5 =	vld [tilespmem:s23+$0xFFFFFFE0]  }
0x41: {  	v6 =	vld [tilespmem:s23+$0x30]  }
0x42: {  	v7 =	vbroadcast v2, $0x0;
	v8 =	vbroadcast v2, $0x1;
	v9 =	vld [tilespmem:s23+$0x10]  }
0x43: {  	v10 =	vbroadcast v2, $0x2;
	v11 =	vbroadcast v2, $0x3;
	v12 =	vld [tilespmem:s23+$0x0]  }
0x44: {  	v4 =	vmul.f32 v7, v4;
	v3 =	vmul.f32 v3, v8;
	v7 =	vld [tilespmem:s23+$0x20]  }
0x45: {  	v1 =	vmul.f32 v1, v11;
	v5 =	vmul.f32 v5, v10  }
0x46: {  	v8 =	vbroadcast v2, $0x5;
	[tilespmem:s23+$0xFFFFFFC0] =	vst v4;
	v4 =	vbroadcast v2, $0x4  }
0x47: {  	[tilespmem:s23+$0xFFFFFFD0] =	vst v3;
	v3 =	vbroadcast v2, $0x6;
	v2 =	vbroadcast v2, $0x7  }
0x48: {  	[tilespmem:s23+$0xFFFFFFE0] =	vst v5;
	v4 =	vmul.f32 v12, v4;
	v5 =	vmul.f32 v9, v8  }
.Ltmp3:
0x49: {  	[tilespmem:s23+$0xFFFFFFF0] =	vst v1;
	v1 =	vmul.f32 v7, v3;
	v2 =	vmul.f32 v6, v2;
	(pc) =	sbr.rel @p1 .LBB2_7-.Ltmp3, $4  }
0x4a: {  	[tilespmem:s23+$0x0] =	vst v4  }
0x4b: {  	[tilespmem:s23+$0x10] =	vst v5  }
0x4c: {  	s23 =	sadd.s32 $0x80, s23;
	[tilespmem:s24+$0x20] =	vst v1  }
0x4d: {  	s26 =	sshra.s32 s25, $0x2;
	s25 =	sadd.s32 $0x40, s25;
	v1 =	vld [tilespmem:s23+$0xFFFFFFF0];
	[tilespmem:s24+$0x30] =	vst v2;
	s24 =	smov.u32 s23  }
0x4e: {  	v2 =	vld [tilespmem:s26+$0x4E20];
	_ =	sdelay $0x1  }
0x4f: {  	v3 =	vld [tilespmem:s23+$0xFFFFFFC0]  }
0x50: {  	v4 =	vld [tilespmem:s23+$0xFFFFFFD0]  }
0x51: {  	v5 =	vld [tilespmem:s23+$0xFFFFFFE0]  }
0x52: {  	v6 =	vbroadcast v2, $0x0  }
0x53: {  	v9 =	vld [tilespmem:s23+$0x10];
	v7 =	vbroadcast v2, $0x1  }
0x54: {  	v8 =	vld [tilespmem:s23+$0x0];
	v10 =	vbroadcast v2, $0x2;
	v3 =	vmul.f32 v6, v3  }
0x55: {  	v60 =	vld [tilespmem:s23+$0x20];
	v59 =	vbroadcast v2, $0x3;
	v4 =	vmul.f32 v4, v7  }
0x56: {  	v11 =	vld [tilespmem:s23+$0x30];
	v61 =	vbroadcast v2, $0x5;
	v5 =	vmul.f32 v5, v10;
	[tilespmem:s23+$0xFFFFFFC0] =	vst v3  }
0x57: {  	v1 =	vmul.f32 v1, v59;
	v3 =	vbroadcast v2, $0x4;
	[tilespmem:s23+$0xFFFFFFD0] =	vst v4  }
0x58: {  	v62 =	vbroadcast v2, $0x6;
	v63 =	vmul.f32 v9, v61;
	[tilespmem:s23+$0xFFFFFFE0] =	vst v5  }
0x59: {  	v2 =	vbroadcast v2, $0x7;
	[tilespmem:s23+$0xFFFFFFF0] =	vst v1;
	v3 =	vmul.f32 v8, v3  }
0x5a: {  	v1 =	vmul.f32 v60, v62;
	[tilespmem:s23+$0x10] =	vst v63  }
0x5b: {  	s21 =	sadd.s32 $0x1, s21;
	v2 =	vmul.f32 v11, v2;
	[tilespmem:s23+$0x0] =	vst v3  }
0x5c: {  	p1 =	sne.s32 s21, $0x7D;
	[tilespmem:s24+$0x20] =	vst v1  }
.Ltmp4:
0x5d: {  	s22 =	sadd.s32 $0x2710, s22;
	[tilespmem:s24+$0x30] =	vst v2;
	(pc) =	sbr.rel @p1 .LBB2_6-.Ltmp4, $4  }
0x5e: {  	[spmem:s3] =	stream.indirect.scatter.add.f32 [tilespmem:s14], [sflag:$0x1], $0x80, s22, s17, $0xb8;
	[tilespmem:$0x1B3A0] =	vst v63  }
0x5f: {  	_ =	swait.ge [sflag:s15], $0x2800  }
0x60: {  	[sflag:s15] =	ssyncset.done $0x0  }
0x61: {  	[sflag:s15] =	ssyncadd.s32 $0xFFFFD800  }
0x62: {  	[bflag:$0x0] =	sbarrier.arrive $0xFFFF  }
0x63: {  	[tilespmem:s14], [sflag:$0x1] =	stream.linear.gather [spmem:s12], $0x2800, $0x38;
	[tilespmem:$0x1B3A0] =	vst v63  }
0x64: {  	_ =	swait.ge [sflag:s15], $0x2800  }
.Ltmp5:
0x65: {  	[sflag:s15] =	ssyncset.done $0x0;
	(pc) =	sbr.rel @!p0 .LBB2_11-.Ltmp5, $4  }
0x66: {  	s20 =	sadd.s32 s13, s10;
	[sflag:s15] =	ssyncadd.s32 $0xFFFFD800  }
0x67: {  	[hbm4b:s20+s5] =	stream.linear.scatter [tilespmem:s14], [sflag:$0x1], $0x2800, $0x38;
	[tilespmem:$0x1B3A0] =	vst v63  }
0x68: {  	s21 =	smov.u32 s13;
	_ =	swait.ge [sflag:s15], $0x2800  }
0x69: {  	s22 =	smov.u32 s12;
	s20 =	sadd.s32 $0xFFFFFFFF, s7;
	[sflag:s15] =	ssyncset.done $0x0  }
.LBB2_10:
0x6a: {  	[sflag:s15] =	ssyncadd.s32 $0xFFFFD800;
	s21 =	sadd.s32 $0x5000, s21;
	s22 =	sadd.s32 $0x28000, s22  }
0x6b: {  	[tilespmem:s14], [sflag:$0x1] =	stream.linear.gather [spmem:s22], $0x2800, $0x38;
	[tilespmem:$0x1B3A0] =	vst v63  }
0x6c: {  	p0 =	sne.s32 s20, $0x1;
	s20 =	sadd.s32 $0xFFFFFFFF, s20;
	_ =	swait.ge [sflag:s15], $0x2800  }
.Ltmp6:
0x6d: {  	[sflag:s15] =	ssyncset.done $0x0;
	(pc) =	sbr.rel @p0 .LBB2_10-.Ltmp6, $4  }
0x6e: {  	s23 =	sadd.s32 s21, s10;
	[sflag:s15] =	ssyncadd.s32 $0xFFFFD800  }
0x6f: {  	[hbm4b:s23+s5] =	stream.linear.scatter [tilespmem:s14], [sflag:$0x1], $0x2800, $0x38;
	[tilespmem:$0x1B3A0] =	vst v63  }
0x70: {  	_ =	swait.ge [sflag:s15], $0x2800  }
0x71: {  	[sflag:s15] =	ssyncset.done $0x0  }
.LBB2_11:
0x72: {  	s19 =	sadd.s32 $0x1, s19  }
0x73: {  	p0 =	sne.s32 s19, s11  }
.Ltmp7:
0x74: {  	_ = 	snop;
	(pc) =	sbr.rel @p0 .LBB2_1-.Ltmp7, $2  }
0x75: {  	_ =	sdelay $0x2  }
0x76: {  	[sflag:s15] =	ssyncadd.s32 $0xFFFFD800  }
0x77: {  	_ =	sfence.sel $0x180000  }
0x78: {  	[bflag:$0x0] =	sbarrier.arrive $0xFFFF  }
0x79: {  	p0 =	sne.s32 s0, $0x0;
	_ =	strace $0x9000004D  }
0x7a: {  	s0 =	sadd.s32 @!p0 $0x100000, s1;
	[bflag:$0x2] =	sbarrier.arrive $0xFFFF  }
0x7b: {  	[sflag:s0] =	ssyncadd.tile.s32 @!p0 $0x1;
	_ =	shalt  }
.Lfunc_end2:
_tile_overlayer_lowered:
.L_overlay_start_2:
0x7c: {  	(tag) =	ssettag $0x2  }
0x7d: {  	s0 =	rddreg [dreg:$0x0];
	s2 =	stileid.u32  }
0x7e: {  	s1 =	rddreg [dreg:$0x1];
	p0 =	sne.s32 s2, $0x0  }
0x7f: {  	s3 =	rddreg [dreg:$0x2];
	[bflag:$0x3] =	sbarrier.arrive $0xFFFF;
	s2 =	simm.s32 @!p0 $0x1C01  }
0x80: {  	[timem:s3], [sflag:s2] =	dma.local @!p0 [hbm:s0], s1  }
0x81: {  	s0 =	simm.s32 @!p0 $0x1  }
0x82: {  	_ =	swait.ge @!p0 [sflag:s0], s1  }
0x83: {  	s1 =	ssub.s32 @!p0 $0x0, s1;
	[sflag:s0] =	ssyncset.done @!p0 $0x0  }
0x84: {  	[sflag:s0] =	ssyncadd.s32 @!p0 s1  }
0x85: {  	[bflag:$0x3] =	sbarrier.arrive $0xFFFF  }
0x86: {  	_ =	shalt  }

// kernel: kernel.24.cloned.1.call-start
scs
__scs_entry_jumppad:
0x0: {  	(pc) =	sbr.rel $0x88, $3  }
0x1: {  	(tag) =	ssettag $0x0;
	lr =	simm.s32 $0x1  }
0x2: {  	[smem:$0x3F94] =	sst lr;
	_ =	strace $0xD0000000  }
0x3: {  	_ = 	snop  }
0x4: {  	_ = 	snop  }
0x5: {  	_ = 	snop  }
0x6: {  	_ = 	snop  }
0x7: {  	_ = 	snop  }
__scs_overlays_trampoline_lowered:
0x8: {  	[smem:$0x3FA3] =	sst s0  }
0x9: {  	[smem:$0x3FA4] =	sst s1  }
0xa: {  	[smem:$0x3FA5] =	sst s2  }
0xb: {  	[smem:$0x3FA6] =	sst s3  }
0xc: {  	[smem:$0x3FA7] =	sst s4  }
0xd: {  	[smem:$0x3FA8] =	sst s5  }
0xe: {  	[smem:$0x3FA9] =	sst s6  }
0xf: {  	[smem:$0x3FAA] =	sst s7  }
0x10: {  	[smem:$0x3FAB] =	sst s8  }
0x11: {  	[smem:$0x3FAC] =	sst s9;
	s0 =	simm.s32 @!p0 $0x0  }
0x12: {  	s1 =	sld [smem:$0x3F92];
	s0 =	simm.s32 @p0 $0x1  }
0x13: {  	[smem:$0x3FAD] =	sst s0;
	s0 =	simm.s32 @!p1 $0x0  }
0x14: {  	s2 =	sld [smem:$0x3F91];
	s0 =	simm.s32 @p1 $0x1  }
0x15: {  	[smem:$0x3FAE] =	sst s0;
	s0 =	simm.s32 @!p2 $0x0  }
0x16: {  	s3 =	sld [smem:$0x3FDB];
	s0 =	simm.s32 @p2 $0x1  }
0x17: {  	s4 =	simm.s32 $0x1BF5;
	[smem:$0x3FB0] =	sst s0  }
0x18: {  	s0 =	sld [smem:$0x3F93];
	_ =	swait.ge [sflag:s4], $0x0  }
0x19: {  	s7 =	sld [smem:$0x3F94]  }
0x1a: {  	s8 =	sadd.s32 $0xFFFFE003, lr  }
0x1b: {  	s9 =	sadd.s32 $0xFFFFFEF7, lr;
	s5 =	simm.s32 $0xFFFFFFFF;
	p2 =	slt.u32 s8, $0xFFFFF086  }
0x1c: {  	p1 =	slt.u32 s9, $0xF7A;
	s5 =	simm.s32 @!p2 $0x0  }
0x1d: {  	s5 =	simm.s32 @p1 $0x1;
	p0 =	seq.s32 s7, s2  }
0x1e: {  	s7 =	smul.u32 @!p0 $0xF7A, s2;
	p2 =	seq.s32 @!p0 s5, $0x0  }
0x1f: {  	s9 =	smul.u32 $0xF7A, s1;
	s8 =	simm.s32 @!p0 $0x1BF5;
	p2 =	por !p2, p0  }
0x20: {  	[sflag:s8] =	ssyncset.s32 @!p0 $0xFFFFF086;
	s6 =	sadd.s32 @!p0 s3, s7;
	s7 =	simm.s32 @!p0 $0x108  }
0x21: {  	s3 =	sadd.s32 s3, s9;
	s6 =	sadd.s32 @!p0 $0x88, s6;
	s7 =	simm.s32 @p2 $0x1082  }
0x22: {  	[simem:s7], [sflag:s8] =	dma.local @!p0 [hbm:s6], $0xF7A  }
0x23: {  	s9 =	sor.u32 $0xD0000000, s2;
	s6 =	simm.s32 $0x108;
	_ =	swait.ge @!p0 [sflag:s8], $0x0  }
0x24: {  	s3 =	sadd.s32 $0x88, s3;
	s6 =	simm.s32 @!p1 $0x1082;
	[sflag:s4] =	ssyncset.s32 $0xFFFFF086  }
0x25: {  	[simem:s6], [sflag:s4] =	dma.local [hbm:s3], $0xF7A  }
0x26: {  	[smem:$0x3F94] =	sst s1;
	(tag) =	ssettag s2;
	_ =	strace s9  }
0x27: {  	s1 =	sld [smem:$0x3FA4]  }
0x28: {  	s2 =	sld [smem:$0x3FA5]  }
0x29: {  	s4 =	sld [smem:$0x3FA7]  }
0x2a: {  	p0 =	seq.s32 s5, $0x0;
	s5 =	sld [smem:$0x3FA8]  }
0x2b: {  	s6 =	sld [smem:$0x3FA9]  }
0x2c: {  	s7 =	sld [smem:$0x3FAA]  }
0x2d: {  	s3 =	simm.s32 $0x108;
	s8 =	sld [smem:$0x3FAB]  }
0x2e: {  	s3 =	simm.s32 @!p0 $0x1082;
	s9 =	sld [smem:$0x3FAC]  }
0x2f: {  	lr =	sadd.s32 s0, s3;
	s0 =	sld [smem:$0x3FA3]  }
0x30: {  	s3 =	sld [smem:$0x3FA6]  }
0x31: {  	[smem:$0x3FAF] =	sst s10  }
0x32: {  	s10 =	sld [smem:$0x3FAD];
	_ =	sdelay $0x3  }
0x33: {  	p0 =	seq.s32 s10, $0x1;
	s10 =	sld [smem:$0x3FAF];
	_ =	sdelay $0x3  }
0x34: {  	[smem:$0x3FAF] =	sst s10  }
0x35: {  	s10 =	sld [smem:$0x3FAE];
	_ =	sdelay $0x3  }
0x36: {  	p1 =	seq.s32 s10, $0x1;
	s10 =	sld [smem:$0x3FAF];
	_ =	sdelay $0x3  }
0x37: {  	[smem:$0x3FAF] =	sst s10  }
0x38: {  	s10 =	sld [smem:$0x3FB0]  }
0x39: {  	_ = 	snop;
	(pc) =	sbr.ind lr, $3  }
0x3a: {  	_ = 	snop  }
0x3b: {  	_ = 	snop  }
0x3c: {  	p2 =	seq.s32 s10, $0x1;
	s10 =	sld [smem:$0x3FAF]  }
0x3d: {  	_ =	shalt  }
0x3e: {  	_ =	shalt  }
0x3f: {  	_ =	shalt  }
0x40: {  	_ =	shalt  }
0x41: {  	_ =	shalt  }
0x42: {  	_ =	shalt  }
0x43: {  	_ =	shalt  }
0x44: {  	_ =	shalt  }
0x45: {  	_ =	shalt  }
0x46: {  	_ =	shalt  }
0x47: {  	_ =	shalt  }
0x48: {  	_ =	shalt  }
0x49: {  	_ =	shalt  }
0x4a: {  	_ =	shalt  }
0x4b: {  	_ =	shalt  }
0x4c: {  	_ =	shalt  }
0x4d: {  	_ =	shalt  }
0x4e: {  	_ =	shalt  }
0x4f: {  	_ =	shalt  }
0x50: {  	_ =	shalt  }
0x51: {  	_ =	shalt  }
0x52: {  	_ =	shalt  }
0x53: {  	_ =	shalt  }
0x54: {  	_ =	shalt  }
0x55: {  	_ =	shalt  }
0x56: {  	_ =	shalt  }
0x57: {  	_ =	shalt  }
0x58: {  	_ =	shalt  }
0x59: {  	_ =	shalt  }
0x5a: {  	_ =	shalt  }
0x5b: {  	_ =	shalt  }
0x5c: {  	_ =	shalt  }
0x5d: {  	_ =	shalt  }
0x5e: {  	_ =	shalt  }
0x5f: {  	_ =	shalt  }
0x60: {  	_ =	shalt  }
0x61: {  	_ =	shalt  }
0x62: {  	_ =	shalt  }
0x63: {  	_ =	shalt  }
0x64: {  	_ =	shalt  }
0x65: {  	_ =	shalt  }
0x66: {  	_ =	shalt  }
0x67: {  	_ =	shalt  }
0x68: {  	_ =	shalt  }
0x69: {  	_ =	shalt  }
0x6a: {  	_ =	shalt  }
0x6b: {  	_ =	shalt  }
0x6c: {  	_ =	shalt  }
0x6d: {  	_ =	shalt  }
0x6e: {  	_ =	shalt  }
0x6f: {  	_ =	shalt  }
0x70: {  	_ =	shalt  }
0x71: {  	_ =	shalt  }
0x72: {  	_ =	shalt  }
0x73: {  	_ =	shalt  }
0x74: {  	_ =	shalt  }
0x75: {  	_ =	shalt  }
0x76: {  	_ =	shalt  }
0x77: {  	_ =	shalt  }
0x78: {  	_ =	shalt  }
0x79: {  	_ =	shalt  }
0x7a: {  	_ =	shalt  }
0x7b: {  	_ =	shalt  }
0x7c: {  	_ =	shalt  }
0x7d: {  	_ =	shalt  }
0x7e: {  	_ =	shalt  }
0x7f: {  	_ =	shalt  }
0x80: {  	_ =	shalt  }
0x81: {  	_ =	shalt  }
0x82: {  	_ =	shalt  }
0x83: {  	_ =	shalt  }
0x84: {  	_ =	shalt  }
0x85: {  	_ =	shalt  }
0x86: {  	_ =	shalt  }
0x87: {  	_ =	shalt  }
.Lfunc_end0:
.L_simem_size_0:
called_computation.3_lowered:
.L_overlay_start_0:
0x88: {  	s2 =	sld [smem:$0x3FD9]  }
0x89: {  	s3 =	sld [smem:$0x3FFE];
	_ =	sdelay $0x1  }
0x8a: {  	s1 =	srdreg.scid  }
0x8b: {  	s0 =	sand.u32 $0x1, s1  }
0x8c: {  	s17 =	sshll.u32 s0, $0xA;
	s2 =	sadd.s32 s3, s2  }
0x8d: {  	s2 =	sadd.s32 s2, s17  }
0x8e: {  	[smem:$0x3FBB] =	sst s2  }
0x8f: {  	_ = 	snop  }
0x90: {  	s2 =	sld [smem:$0x3FD0];
	(tm) =	ssettm $0x1  }
0x91: {  	s18 =	sld [smem:$0x3FFB];
	_ =	sdelay $0x3  }
0x92: {  	_ =	strace s18  }
0x93: {  	s3 =	sld [smem:$0x3FFC];
	_ =	sdelay $0x3  }
0x94: {  	_ =	strace s3  }
0x95: {  	s3 =	sld [smem:$0x3FFD];
	_ =	sdelay $0x3  }
0x96: {  	_ =	strace s3  }
0x97: {  	_ =	strace $0x8FFFFFFF  }
0x98: {  	s19 =	sld [smem:$0x3FDB];
	_ =	sdelay $0x1  }
0x99: {  	s4 =	simm.s32 $_scs_section_size  }
0x9a: {  	s5 =	simm.s32 $_size__tile_overlayer_lowered;
	s6 =	simm.s32 $_tile_overlayer_lowered  }
0x9b: {  	s22 =	simm.s32 $0x1BFF;
	s21 =	sshll.u32 s6, $0x1;
	s3 =	sadd.s32 s4, s19  }
0x9c: {  	s7 =	simm.s32 $0x0;
	s20 =	sshll.u32 s5, $0x1;
	s5 =	sadd.s32 s21, s3  }
0x9d: {  	[timem:s7], [sflag:s22] =	dma.local [hbm:s5], s20  }
0x9e: {  	_ =	swait.ge [sflag:s22], s20  }
0x9f: {  	s4 =	ssub.s32 $0x0, s20;
	[sflag:s22] =	ssyncset.done $0x0  }
0xa0: {  	[sflag:s22] =	ssyncadd.s32 s4;
	_ =	sdelay $0x1  }
0xa1: {  	s23 =	simm.s32 $0x1B8B  }
0xa2: {  	_ =	swait.ge [sflag:s23], $0x1  }
0xa3: {  	[sflag:s23] =	ssyncset.done $0x0  }
0xa4: {  	s25 =	simm.s32 $0x1B8E;
	s24 =	sld [smem:$0x3FFE];
	[sflag:s23] =	ssyncadd.s32 $0xFFFFFFFF  }
0xa5: {  	s26 =	simm.s32 $execute0_lowered;
	[smem:$0x3FD2] =	sst s25  }
0xa6: {  	s5 =	sshll.u32 s26, $0x1;
	_ =	strace $0x8000004F;
	[dreg:$0x1] =	wrdreg $0xFFFFFFFF  }
0xa7: {  	s28 =	simm.s32 $_size_execute0_lowered;
	s3 =	sadd.s32 s3, s5;
	[dreg:$0x0] =	wrdreg $0x0  }
0xa8: {  	s5 =	sshll.u32 s28, $0x1;
	[dreg:$0x2] =	wrdreg s3  }
0xa9: {  	[dreg:$0x3] =	wrdreg s5  }
0xaa: {  	[dreg:$0x4] =	wrdreg $0xC0  }
0xab: {  	_ =	task [dreg:s7], $0x5FFFF  }
0xac: {  	[dreg:$0x1] =	wrdreg $0xFFFFFFFF  }
0xad: {  	[dreg:$0x0] =	wrdreg $0x60  }
0xae: {  	[dreg:$0x2] =	wrdreg s24  }
0xaf: {  	[dreg:$0x3] =	wrdreg s2  }
0xb0: {  	[dreg:$0x4] =	wrdreg $0x7B200  }
0xb1: {  	[dreg:$0x5] =	wrdreg $0x9  }
0xb2: {  	_ =	task.clear_ibuf [dreg:s7], $0x6FFFF;
	_ =	strace $0x9000004F  }
0xb3: {  	s29 =	simm.s32 $0x9;
	_ =	strace $0x80000051  }
0xb4: {  	_ =	swait.ge [sflag:s29], $0x1  }
0xb5: {  	[sflag:s29] =	ssyncadd.s32 $0xFFFFFFFF  }
0xb6: {  	_ =	strace $0x90000051  }
0xb7: {  	_ =	sfence  }
0xb8: {  	s30 =	sld [smem:$0x0];
	_ =	sdelay $0x2  }
0xb9: {  	s31 =	sshll.u32 s1, $0xD;
	s1 =	sshrl.u32 s1, $0x2  }
0xba: {  	s3 =	sand.u32 $0x4000, s31;
	s1 =	sadd.s32 s1, s30  }
0xbb: {  	s0 =	sor.u32 s3, s0;
	s1 =	sshll.u32 s1, $0x11  }
0xbc: {  	s0 =	sor.u32 s1, s0  }
0xbd: {  	s0 =	sadd.s32 $0x8F2B, s0  }
0xbe: {  	[sflag:s0] =	ssyncadd.remote.s32 $0x1  }
0xbf: {  	_ =	sfence.sel $0xFFFF  }
0xc0: {  	[dreg:$0x0] =	wrdreg $0xFFFFFFFF;
	(pc) =	sbr.abs _section_cstart, $3  }
0xc1: {  	[dreg:$0x1] =	wrdreg $0xFFFFFFFF  }
0xc2: {  	_ =	task.clear_ibuf [dreg:s7], $0x2FFFF;
	_ =	strace $0x9FFFFFFF  }
0xc3: {  	(tm) =	ssettm $0x7FFFFFFF  }
tec
execute0_lowered:
.L_overlay_start_1:
0x0: {  	(tag) =	ssettag $0x1  }
0x1: {  	s8 =	rddreg [dreg:$0x0]  }
0x2: {  	s2 =	rddreg [dreg:$0x1]  }
0x3: {  	s0 =	srdreg.scid;
	s3 =	rddreg [dreg:$0x2]  }
0x4: {  	s5 =	simm.s32 $0x0;
	s14 =	simm.s32 $0x5320;
	s15 =	simm.s32 $0x1  }
0x5: {  	s16 =	simm.s32 $0x2710;
	s17 =	simm.s32 $0x50;
	s18 =	simm.s32 $0x4E20  }
0x6: {  	s19 =	simm.s32 $0x0;
	s7 =	sand.u32 $0x1, s0;
	s0 =	stileid.u32  }
0x7: {  	[smem:$0x7FF] =	sst s5;
	s1 =	sshll.u32 s7, $0x4;
	s9 =	smul.u32 $0x27100, s7  }
0x8: {  	s7 =	ssub.s32 $0x2, s7;
	s12 =	smul.u32 $0xA000, s0;
	s1 =	sor.u32 s0, s1  }
0x9: {  	s31 =	ssub.s32 $0x8C, s0;
	s30 =	sshrl.u32 s7, $0x1;
	s4 =	smul.u32 $0x2710, s1  }
0xa: {  	s1 =	rddreg [dreg:$0x3];
	_ =	strace $0x80000050;
	s11 =	sadd.s32 s9, s8  }
0xb: {  	s13 =	ssub.s32 s7, s30;
	s12 =	sshrl.u32 s12, $0x2;
	s6 =	sshrl.u32 s4, $0x3  }
0xc: {  	s7 =	sshrl.u32 s31, $0x4;
	s12 =	sadd.s32 s12, s3;
	s10 =	sadd.s32 s6, s8  }
0xd: {  	s6 =	sadd.s32 $0xF0C00, s8;
	s8 =	sadd.s32 $0xFA00, s10;
	s9 =	sadd.s32 $0x5C00, s10  }
0xe: {  	v0 =	vimm.f32 $0.0e+00;
	s10 =	sadd.s32 $0x40A00, s11;
	s11 =	smax.u32 s13, $0x1;
	s13 =	smul.u32 $0x500, s0  }
.LBB2_1:
0xf: {  	s20 =	simm.s32 $0x0;
	s21 =	simm.s32 $0x200  }
.LBB2_2:
0x10: {  	p0 =	sne.s32 s21, $0x9E00;
	[tilespmem:s20+$0x5390] =	vst v0  }
0x11: {  	[tilespmem:s20+$0x5320] =	vst v0  }
0x12: {  	[tilespmem:s20+$0x5330] =	vst v0  }
.Ltmp0:
0x13: {  	[tilespmem:s20+$0x5340] =	vst v0;
	(pc) =	sbr.rel @p0 .LBB2_2-.Ltmp0, $4  }
0x14: {  	[tilespmem:s20+$0x5350] =	vst v0  }
0x15: {  	[tilespmem:s20+$0x5360] =	vst v0  }
0x16: {  	[tilespmem:s20+$0x5370] =	vst v0  }
0x17: {  	[tilespmem:s20+$0x5380] =	vst v0;
	s20 =	sshra.s32 s21, $0x2;
	s21 =	sadd.s32 $0x200, s21  }
0x18: {  	[tilespmem:s20+$0x5390] =	vst v0  }
0x19: {  	[tilespmem:s20+$0x5320] =	vst v0  }
0x1a: {  	[tilespmem:s20+$0x5330] =	vst v0  }
0x1b: {  	[tilespmem:s20+$0x5340] =	vst v0  }
0x1c: {  	[tilespmem:s20+$0x5350] =	vst v0  }
0x1d: {  	[tilespmem:s20+$0x5360] =	vst v0;
	p0 =	sne.s32 s7, $0x1  }
.Ltmp1:
0x1e: {  	[tilespmem:s20+$0x5370] =	vst v0;
	(pc) =	sbr.rel @!p0 .LBB2_5-.Ltmp1, $4  }
0x1f: {  	[tilespmem:s20+$0x5380] =	vst v0  }
0x20: {  	[spmem:s12] =	stream.linear.scatter [tilespmem:s14], [sflag:$0x1], $0x2800, $0x38;
	[tilespmem:$0x1B3A0] =	vst v63  }
0x21: {  	_ =	swait.ge [sflag:s15], $0x2800  }
0x22: {  	s20 =	sadd.s32 $0xFFFFFFFF, s7;
	s21 =	smov.u32 s12;
	[sflag:s15] =	ssyncset.done $0x0  }
.LBB2_4:
0x23: {  	p1 =	sne.s32 s20, $0x1;
	[sflag:s15] =	ssyncadd.s32 $0xFFFFD800;
	s21 =	sadd.s32 $0x28000, s21  }
.Ltmp2:
0x24: {  	s20 =	sadd.s32 $0xFFFFFFFF, s20;
	(pc) =	sbr.rel @p1 .LBB2_4-.Ltmp2, $4  }
0x25: {  	_ = 	snop  }
0x26: {  	[spmem:s21] =	stream.linear.scatter [tilespmem:s14], [sflag:$0x1], $0x2800, $0x38;
	[tilespmem:$0x1B3A0] =	vst v63  }
0x27: {  	_ =	swait.ge [sflag:s15], $0x2800  }
0x28: {  	[sflag:s15] =	ssyncset.done $0x0  }
.LBB2_5:
0x29: {  	[sflag:s15] =	ssyncadd.s32 $0xFFFFD800;
	s20 =	simm.s32 $0x0  }
0x2a: {  	[tilespmem:s20], [sflag:$0x1] =	stream.linear.gather [hbm4b:s8+s20], $0x2710, $0x38;
	[tilespmem:$0x1B3A0] =	vst v63  }
0x2b: {  	_ =	swait.ge [sflag:s15], $0x2710  }
0x2c: {  	[sflag:s15] =	ssyncset.done $0x0  }
0x2d: {  	[sflag:s15] =	ssyncadd.s32 $0xFFFFD8F0  }
0x2e: {  	[tilespmem:s16], [sflag:$0x1] =	stream.linear.gather [hbm4b:s9+s20], $0x2710, $0x38;
	[tilespmem:$0x1B3A0] =	vst v63  }
0x2f: {  	_ =	swait.ge [sflag:s15], $0x2710  }
0x30: {  	[sflag:s15] =	ssyncset.done $0x0  }
0x31: {  	[sflag:s15] =	ssyncadd.s32 $0xFFFFD8F0  }
0x32: {  	s21 =	simm.s32 $0x0;
	[bflag:$0x0] =	sbarrier.arrive $0xFFFF  }
.LBB2_6:
0x33: {  	s22 =	smul.u32 $0x50, s21;
	_ =	sdelay $0x1  }
0x34: {  	[tilespmem:s14], [sflag:$0x1] =	stream.indirect.gather [hbm4b:s2+s17], $0x80, s22, s17, $0xb8;
	[tilespmem:$0x1B3A0] =	vst v63  }
0x35: {  	s23 =	sadd.s32 s4, s22;
	_ =	swait.ge [sflag:s15], $0x2800  }
0x36: {  	s23 =	sshll.u32 s23, $0x1;
	[sflag:s15] =	ssyncset.done $0x0  }
0x37: {  	s23 =	sadd.s32 s6, s23;
	[sflag:s15] =	ssyncadd.s32 $0xFFFFD800  }
0x38: {  	[tilespmem:s18], [sflag:$0x1] =	stream.linear.gather [hbm4b:s23+s20], $0x500, $0x38;
	[tilespmem:$0x1B3A0] =	vst v63  }
0x39: {  	_ =	swait.ge [sflag:s15], $0x500  }
0x3a: {  	[sflag:s15] =	ssyncset.done $0x0  }
0x3b: {  	s23 =	simm.s32 $0x5360;
	[sflag:s15] =	ssyncadd.s32 $0xFFFFFB00  }
0x3c: {  	s26 =	simm.s32 $0x0;
	s25 =	simm.s32 $0x40;
	s24 =	simm.s32 $0x5360;
	v1 =	vld [tilespmem:s23+$0xFFFFFFF0]  }
.LBB2_7:
0x3d: {  	p1 =	sne.s32 s25, $0x13C0;
	v2 =	vld [tilespmem:s26+$0x4E20]  }
0x3e: {  	v3 =	vld [tilespmem:s23+$0xFFFFFFD0]  }
0x3f: {  	v4 =	vld [tilespmem:s23+$0xFFFFFFC0]  }
0x40: {  	v5 =	vld [tilespmem:s23+$0xFFFFFFE0]  }
0x41: {  	v6 =	vld [tilespmem:s23+$0x30]  }
0x42: {  	v7 =	vbroadcast v2, $0x0;
	v8 =	vbroadcast v2, $0x1;
	v9 =	vld [tilespmem:s23+$0x10]  }
0x43: {  	v10 =	vbroadcast v2, $0x2;
	v11 =	vbroadcast v2, $0x3;
	v12 =	vld [tilespmem:s23+$0x0]  }
0x44: {  	v4 =	vmul.f32 v7, v4;
	v3 =	vmul.f32 v3, v8;
	v7 =	vld [tilespmem:s23+$0x20]  }
0x45: {  	v1 =	vmul.f32 v1, v11;
	v5 =	vmul.f32 v5, v10  }
0x46: {  	v8 =	vbroadcast v2, $0x5;
	[tilespmem:s23+$0xFFFFFFC0] =	vst v4;
	v4 =	vbroadcast v2, $0x4  }
0x47: {  	[tilespmem:s23+$0xFFFFFFD0] =	vst v3;
	v3 =	vbroadcast v2, $0x6;
	v2 =	vbroadcast v2, $0x7  }
0x48: {  	[tilespmem:s23+$0xFFFFFFE0] =	vst v5;
	v4 =	vmul.f32 v12, v4;
	v5 =	vmul.f32 v9, v8  }
.Ltmp3:
0x49: {  	[tilespmem:s23+$0xFFFFFFF0] =	vst v1;
	v1 =	vmul.f32 v7, v3;
	v2 =	vmul.f32 v6, v2;
	(pc) =	sbr.rel @p1 .LBB2_7-.Ltmp3, $4  }
0x4a: {  	[tilespmem:s23+$0x0] =	vst v4  }
0x4b: {  	[tilespmem:s23+$0x10] =	vst v5  }
0x4c: {  	s23 =	sadd.s32 $0x80, s23;
	[tilespmem:s24+$0x20] =	vst v1  }
0x4d: {  	s26 =	sshra.s32 s25, $0x2;
	s25 =	sadd.s32 $0x40, s25;
	v1 =	vld [tilespmem:s23+$0xFFFFFFF0];
	[tilespmem:s24+$0x30] =	vst v2;
	s24 =	smov.u32 s23  }
0x4e: {  	v2 =	vld [tilespmem:s26+$0x4E20];
	_ =	sdelay $0x1  }
0x4f: {  	v3 =	vld [tilespmem:s23+$0xFFFFFFC0]  }
0x50: {  	v4 =	vld [tilespmem:s23+$0xFFFFFFD0]  }
0x51: {  	v5 =	vld [tilespmem:s23+$0xFFFFFFE0]  }
0x52: {  	v6 =	vbroadcast v2, $0x0  }
0x53: {  	v9 =	vld [tilespmem:s23+$0x10];
	v7 =	vbroadcast v2, $0x1  }
0x54: {  	v8 =	vld [tilespmem:s23+$0x0];
	v10 =	vbroadcast v2, $0x2;
	v3 =	vmul.f32 v6, v3  }
0x55: {  	v60 =	vld [tilespmem:s23+$0x20];
	v59 =	vbroadcast v2, $0x3;
	v4 =	vmul.f32 v4, v7  }
0x56: {  	v11 =	vld [tilespmem:s23+$0x30];
	v61 =	vbroadcast v2, $0x5;
	v5 =	vmul.f32 v5, v10;
	[tilespmem:s23+$0xFFFFFFC0] =	vst v3  }
0x57: {  	v1 =	vmul.f32 v1, v59;
	v3 =	vbroadcast v2, $0x4;
	[tilespmem:s23+$0xFFFFFFD0] =	vst v4  }
0x58: {  	v62 =	vbroadcast v2, $0x6;
	v63 =	vmul.f32 v9, v61;
	[tilespmem:s23+$0xFFFFFFE0] =	vst v5  }
0x59: {  	v2 =	vbroadcast v2, $0x7;
	[tilespmem:s23+$0xFFFFFFF0] =	vst v1;
	v3 =	vmul.f32 v8, v3  }
0x5a: {  	v1 =	vmul.f32 v60, v62;
	[tilespmem:s23+$0x10] =	vst v63  }
0x5b: {  	s21 =	sadd.s32 $0x1, s21;
	v2 =	vmul.f32 v11, v2;
	[tilespmem:s23+$0x0] =	vst v3  }
0x5c: {  	p1 =	sne.s32 s21, $0x7D;
	[tilespmem:s24+$0x20] =	vst v1  }
.Ltmp4:
0x5d: {  	s22 =	sadd.s32 $0x2710, s22;
	[tilespmem:s24+$0x30] =	vst v2;
	(pc) =	sbr.rel @p1 .LBB2_6-.Ltmp4, $4  }
0x5e: {  	[spmem:s3] =	stream.indirect.scatter.add.f32 [tilespmem:s14], [sflag:$0x1], $0x80, s22, s17, $0xb8;
	[tilespmem:$0x1B3A0] =	vst v63  }
0x5f: {  	_ =	swait.ge [sflag:s15], $0x2800  }
0x60: {  	[sflag:s15] =	ssyncset.done $0x0  }
0x61: {  	[sflag:s15] =	ssyncadd.s32 $0xFFFFD800  }
0x62: {  	[bflag:$0x0] =	sbarrier.arrive $0xFFFF  }
0x63: {  	[tilespmem:s14], [sflag:$0x1] =	stream.linear.gather [spmem:s12], $0x2800, $0x38;
	[tilespmem:$0x1B3A0] =	vst v63  }
0x64: {  	_ =	swait.ge [sflag:s15], $0x2800  }
.Ltmp5:
0x65: {  	[sflag:s15] =	ssyncset.done $0x0;
	(pc) =	sbr.rel @!p0 .LBB2_11-.Ltmp5, $4  }
0x66: {  	s20 =	sadd.s32 s13, s10;
	[sflag:s15] =	ssyncadd.s32 $0xFFFFD800  }
0x67: {  	[hbm4b:s20+s5] =	stream.linear.scatter [tilespmem:s14], [sflag:$0x1], $0x2800, $0x38;
	[tilespmem:$0x1B3A0] =	vst v63  }
0x68: {  	s21 =	smov.u32 s13;
	_ =	swait.ge [sflag:s15], $0x2800  }
0x69: {  	s22 =	smov.u32 s12;
	s20 =	sadd.s32 $0xFFFFFFFF, s7;
	[sflag:s15] =	ssyncset.done $0x0  }
.LBB2_10:
0x6a: {  	[sflag:s15] =	ssyncadd.s32 $0xFFFFD800;
	s21 =	sadd.s32 $0x5000, s21;
	s22 =	sadd.s32 $0x28000, s22  }
0x6b: {  	[tilespmem:s14], [sflag:$0x1] =	stream.linear.gather [spmem:s22], $0x2800, $0x38;
	[tilespmem:$0x1B3A0] =	vst v63  }
0x6c: {  	p0 =	sne.s32 s20, $0x1;
	s20 =	sadd.s32 $0xFFFFFFFF, s20;
	_ =	swait.ge [sflag:s15], $0x2800  }
.Ltmp6:
0x6d: {  	[sflag:s15] =	ssyncset.done $0x0;
	(pc) =	sbr.rel @p0 .LBB2_10-.Ltmp6, $4  }
0x6e: {  	s23 =	sadd.s32 s21, s10;
	[sflag:s15] =	ssyncadd.s32 $0xFFFFD800  }
0x6f: {  	[hbm4b:s23+s5] =	stream.linear.scatter [tilespmem:s14], [sflag:$0x1], $0x2800, $0x38;
	[tilespmem:$0x1B3A0] =	vst v63  }
0x70: {  	_ =	swait.ge [sflag:s15], $0x2800  }
0x71: {  	[sflag:s15] =	ssyncset.done $0x0  }
.LBB2_11:
0x72: {  	s19 =	sadd.s32 $0x1, s19  }
0x73: {  	p0 =	sne.s32 s19, s11  }
.Ltmp7:
0x74: {  	_ = 	snop;
	(pc) =	sbr.rel @p0 .LBB2_1-.Ltmp7, $2  }
0x75: {  	_ =	sdelay $0x2  }
0x76: {  	[sflag:s15] =	ssyncadd.s32 $0xFFFFD800  }
0x77: {  	_ =	sfence.sel $0x180000  }
0x78: {  	[bflag:$0x0] =	sbarrier.arrive $0xFFFF  }
0x79: {  	p0 =	sne.s32 s0, $0x0;
	_ =	strace $0x90000050  }
0x7a: {  	s0 =	sadd.s32 @!p0 $0x100000, s1;
	[bflag:$0x2] =	sbarrier.arrive $0xFFFF  }
0x7b: {  	[sflag:s0] =	ssyncadd.tile.s32 @!p0 $0x1;
	_ =	shalt  }
.Lfunc_end2:
_tile_overlayer_lowered:
.L_overlay_start_2:
0x7c: {  	(tag) =	ssettag $0x2  }
0x7d: {  	s0 =	rddreg [dreg:$0x0];
	s2 =	stileid.u32  }
0x7e: {  	s1 =	rddreg [dreg:$0x1];
	p0 =	sne.s32 s2, $0x0  }
0x7f: {  	s3 =	rddreg [dreg:$0x2];
	[bflag:$0x3] =	sbarrier.arrive $0xFFFF;
	s2 =	simm.s32 @!p0 $0x1C01  }
0x80: {  	[timem:s3], [sflag:s2] =	dma.local @!p0 [hbm:s0], s1  }
0x81: {  	s0 =	simm.s32 @!p0 $0x1  }
0x82: {  	_ =	swait.ge @!p0 [sflag:s0], s1  }
0x83: {  	s1 =	ssub.s32 @!p0 $0x0, s1;
	[sflag:s0] =	ssyncset.done @!p0 $0x0  }
0x84: {  	[sflag:s0] =	ssyncadd.s32 @!p0 s1  }
0x85: {  	[bflag:$0x3] =	sbarrier.arrive $0xFFFF  }
0x86: {  	_ =	shalt  }

// kernel: kernel.27.cloned.1.call-start
scs
__scs_entry_jumppad:
0x0: {  	(pc) =	sbr.rel $0x88, $3  }
0x1: {  	(tag) =	ssettag $0x0;
	lr =	simm.s32 $0x1  }
0x2: {  	[smem:$0x3F94] =	sst lr;
	_ =	strace $0xD0000000  }
0x3: {  	_ = 	snop  }
0x4: {  	_ = 	snop  }
0x5: {  	_ = 	snop  }
0x6: {  	_ = 	snop  }
0x7: {  	_ = 	snop  }
__scs_overlays_trampoline_lowered:
0x8: {  	[smem:$0x3FA3] =	sst s0  }
0x9: {  	[smem:$0x3FA4] =	sst s1  }
0xa: {  	[smem:$0x3FA5] =	sst s2  }
0xb: {  	[smem:$0x3FA6] =	sst s3  }
0xc: {  	[smem:$0x3FA7] =	sst s4  }
0xd: {  	[smem:$0x3FA8] =	sst s5  }
0xe: {  	[smem:$0x3FA9] =	sst s6  }
0xf: {  	[smem:$0x3FAA] =	sst s7  }
0x10: {  	[smem:$0x3FAB] =	sst s8  }
0x11: {  	[smem:$0x3FAC] =	sst s9;
	s0 =	simm.s32 @!p0 $0x0  }
0x12: {  	s1 =	sld [smem:$0x3F92];
	s0 =	simm.s32 @p0 $0x1  }
0x13: {  	[smem:$0x3FAD] =	sst s0;
	s0 =	simm.s32 @!p1 $0x0  }
0x14: {  	s2 =	sld [smem:$0x3F91];
	s0 =	simm.s32 @p1 $0x1  }
0x15: {  	[smem:$0x3FAE] =	sst s0;
	s0 =	simm.s32 @!p2 $0x0  }
0x16: {  	s3 =	sld [smem:$0x3FDB];
	s0 =	simm.s32 @p2 $0x1  }
0x17: {  	s4 =	simm.s32 $0x1BF5;
	[smem:$0x3FB0] =	sst s0  }
0x18: {  	s0 =	sld [smem:$0x3F93];
	_ =	swait.ge [sflag:s4], $0x0  }
0x19: {  	s7 =	sld [smem:$0x3F94]  }
0x1a: {  	s8 =	sadd.s32 $0xFFFFE003, lr  }
0x1b: {  	s9 =	sadd.s32 $0xFFFFFEF7, lr;
	s5 =	simm.s32 $0xFFFFFFFF;
	p2 =	slt.u32 s8, $0xFFFFF086  }
0x1c: {  	p1 =	slt.u32 s9, $0xF7A;
	s5 =	simm.s32 @!p2 $0x0  }
0x1d: {  	s5 =	simm.s32 @p1 $0x1;
	p0 =	seq.s32 s7, s2  }
0x1e: {  	s7 =	smul.u32 @!p0 $0xF7A, s2;
	p2 =	seq.s32 @!p0 s5, $0x0  }
0x1f: {  	s9 =	smul.u32 $0xF7A, s1;
	s8 =	simm.s32 @!p0 $0x1BF5;
	p2 =	por !p2, p0  }
0x20: {  	[sflag:s8] =	ssyncset.s32 @!p0 $0xFFFFF086;
	s6 =	sadd.s32 @!p0 s3, s7;
	s7 =	simm.s32 @!p0 $0x108  }
0x21: {  	s3 =	sadd.s32 s3, s9;
	s6 =	sadd.s32 @!p0 $0x88, s6;
	s7 =	simm.s32 @p2 $0x1082  }
0x22: {  	[simem:s7], [sflag:s8] =	dma.local @!p0 [hbm:s6], $0xF7A  }
0x23: {  	s9 =	sor.u32 $0xD0000000, s2;
	s6 =	simm.s32 $0x108;
	_ =	swait.ge @!p0 [sflag:s8], $0x0  }
0x24: {  	s3 =	sadd.s32 $0x88, s3;
	s6 =	simm.s32 @!p1 $0x1082;
	[sflag:s4] =	ssyncset.s32 $0xFFFFF086  }
0x25: {  	[simem:s6], [sflag:s4] =	dma.local [hbm:s3], $0xF7A  }
0x26: {  	[smem:$0x3F94] =	sst s1;
	(tag) =	ssettag s2;
	_ =	strace s9  }
0x27: {  	s1 =	sld [smem:$0x3FA4]  }
0x28: {  	s2 =	sld [smem:$0x3FA5]  }
0x29: {  	s4 =	sld [smem:$0x3FA7]  }
0x2a: {  	p0 =	seq.s32 s5, $0x0;
	s5 =	sld [smem:$0x3FA8]  }
0x2b: {  	s6 =	sld [smem:$0x3FA9]  }
0x2c: {  	s7 =	sld [smem:$0x3FAA]  }
0x2d: {  	s3 =	simm.s32 $0x108;
	s8 =	sld [smem:$0x3FAB]  }
0x2e: {  	s3 =	simm.s32 @!p0 $0x1082;
	s9 =	sld [smem:$0x3FAC]  }
0x2f: {  	lr =	sadd.s32 s0, s3;
	s0 =	sld [smem:$0x3FA3]  }
0x30: {  	s3 =	sld [smem:$0x3FA6]  }
0x31: {  	[smem:$0x3FAF] =	sst s10  }
0x32: {  	s10 =	sld [smem:$0x3FAD];
	_ =	sdelay $0x3  }
0x33: {  	p0 =	seq.s32 s10, $0x1;
	s10 =	sld [smem:$0x3FAF];
	_ =	sdelay $0x3  }
0x34: {  	[smem:$0x3FAF] =	sst s10  }
0x35: {  	s10 =	sld [smem:$0x3FAE];
	_ =	sdelay $0x3  }
0x36: {  	p1 =	seq.s32 s10, $0x1;
	s10 =	sld [smem:$0x3FAF];
	_ =	sdelay $0x3  }
0x37: {  	[smem:$0x3FAF] =	sst s10  }
0x38: {  	s10 =	sld [smem:$0x3FB0]  }
0x39: {  	_ = 	snop;
	(pc) =	sbr.ind lr, $3  }
0x3a: {  	_ = 	snop  }
0x3b: {  	_ = 	snop  }
0x3c: {  	p2 =	seq.s32 s10, $0x1;
	s10 =	sld [smem:$0x3FAF]  }
0x3d: {  	_ =	shalt  }
0x3e: {  	_ =	shalt  }
0x3f: {  	_ =	shalt  }
0x40: {  	_ =	shalt  }
0x41: {  	_ =	shalt  }
0x42: {  	_ =	shalt  }
0x43: {  	_ =	shalt  }
0x44: {  	_ =	shalt  }
0x45: {  	_ =	shalt  }
0x46: {  	_ =	shalt  }
0x47: {  	_ =	shalt  }
0x48: {  	_ =	shalt  }
0x49: {  	_ =	shalt  }
0x4a: {  	_ =	shalt  }
0x4b: {  	_ =	shalt  }
0x4c: {  	_ =	shalt  }
0x4d: {  	_ =	shalt  }
0x4e: {  	_ =	shalt  }
0x4f: {  	_ =	shalt  }
0x50: {  	_ =	shalt  }
0x51: {  	_ =	shalt  }
0x52: {  	_ =	shalt  }
0x53: {  	_ =	shalt  }
0x54: {  	_ =	shalt  }
0x55: {  	_ =	shalt  }
0x56: {  	_ =	shalt  }
0x57: {  	_ =	shalt  }
0x58: {  	_ =	shalt  }
0x59: {  	_ =	shalt  }
0x5a: {  	_ =	shalt  }
0x5b: {  	_ =	shalt  }
0x5c: {  	_ =	shalt  }
0x5d: {  	_ =	shalt  }
0x5e: {  	_ =	shalt  }
0x5f: {  	_ =	shalt  }
0x60: {  	_ =	shalt  }
0x61: {  	_ =	shalt  }
0x62: {  	_ =	shalt  }
0x63: {  	_ =	shalt  }
0x64: {  	_ =	shalt  }
0x65: {  	_ =	shalt  }
0x66: {  	_ =	shalt  }
0x67: {  	_ =	shalt  }
0x68: {  	_ =	shalt  }
0x69: {  	_ =	shalt  }
0x6a: {  	_ =	shalt  }
0x6b: {  	_ =	shalt  }
0x6c: {  	_ =	shalt  }
0x6d: {  	_ =	shalt  }
0x6e: {  	_ =	shalt  }
0x6f: {  	_ =	shalt  }
0x70: {  	_ =	shalt  }
0x71: {  	_ =	shalt  }
0x72: {  	_ =	shalt  }
0x73: {  	_ =	shalt  }
0x74: {  	_ =	shalt  }
0x75: {  	_ =	shalt  }
0x76: {  	_ =	shalt  }
0x77: {  	_ =	shalt  }
0x78: {  	_ =	shalt  }
0x79: {  	_ =	shalt  }
0x7a: {  	_ =	shalt  }
0x7b: {  	_ =	shalt  }
0x7c: {  	_ =	shalt  }
0x7d: {  	_ =	shalt  }
0x7e: {  	_ =	shalt  }
0x7f: {  	_ =	shalt  }
0x80: {  	_ =	shalt  }
0x81: {  	_ =	shalt  }
0x82: {  	_ =	shalt  }
0x83: {  	_ =	shalt  }
0x84: {  	_ =	shalt  }
0x85: {  	_ =	shalt  }
0x86: {  	_ =	shalt  }
0x87: {  	_ =	shalt  }
.Lfunc_end0:
.L_simem_size_0:
called_computation.4_lowered:
.L_overlay_start_0:
0x88: {  	s2 =	sld [smem:$0x3FD9]  }
0x89: {  	s3 =	sld [smem:$0x3FFE];
	_ =	sdelay $0x1  }
0x8a: {  	s1 =	srdreg.scid  }
0x8b: {  	s0 =	sand.u32 $0x1, s1  }
0x8c: {  	s17 =	sshll.u32 s0, $0xA;
	s2 =	sadd.s32 s3, s2  }
0x8d: {  	s2 =	sadd.s32 s2, s17  }
0x8e: {  	[smem:$0x3FBB] =	sst s2  }
0x8f: {  	_ = 	snop  }
0x90: {  	s2 =	sld [smem:$0x3FD0];
	(tm) =	ssettm $0x1  }
0x91: {  	s18 =	sld [smem:$0x3FFB];
	_ =	sdelay $0x3  }
0x92: {  	_ =	strace s18  }
0x93: {  	s3 =	sld [smem:$0x3FFC];
	_ =	sdelay $0x3  }
0x94: {  	_ =	strace s3  }
0x95: {  	s3 =	sld [smem:$0x3FFD];
	_ =	sdelay $0x3  }
0x96: {  	_ =	strace s3  }
0x97: {  	_ =	strace $0x8FFFFFFF  }
0x98: {  	s19 =	sld [smem:$0x3FDB];
	_ =	sdelay $0x1  }
0x99: {  	s4 =	simm.s32 $_scs_section_size  }
0x9a: {  	s5 =	simm.s32 $_size__tile_overlayer_lowered;
	s6 =	simm.s32 $_tile_overlayer_lowered  }
0x9b: {  	s22 =	simm.s32 $0x1BFF;
	s21 =	sshll.u32 s6, $0x1;
	s3 =	sadd.s32 s4, s19  }
0x9c: {  	s7 =	simm.s32 $0x0;
	s20 =	sshll.u32 s5, $0x1;
	s5 =	sadd.s32 s21, s3  }
0x9d: {  	[timem:s7], [sflag:s22] =	dma.local [hbm:s5], s20  }
0x9e: {  	_ =	swait.ge [sflag:s22], s20  }
0x9f: {  	s4 =	ssub.s32 $0x0, s20;
	[sflag:s22] =	ssyncset.done $0x0  }
0xa0: {  	[sflag:s22] =	ssyncadd.s32 s4;
	_ =	sdelay $0x1  }
0xa1: {  	s23 =	simm.s32 $0x1B8B  }
0xa2: {  	_ =	swait.ge [sflag:s23], $0x1  }
0xa3: {  	[sflag:s23] =	ssyncset.done $0x0  }
0xa4: {  	s25 =	simm.s32 $0x1B8E;
	s24 =	sld [smem:$0x3FFE];
	[sflag:s23] =	ssyncadd.s32 $0xFFFFFFFF  }
0xa5: {  	s26 =	simm.s32 $execute0_lowered;
	[smem:$0x3FD2] =	sst s25  }
0xa6: {  	s5 =	sshll.u32 s26, $0x1;
	_ =	strace $0x80000052;
	[dreg:$0x1] =	wrdreg $0xFFFFFFFF  }
0xa7: {  	s28 =	simm.s32 $_size_execute0_lowered;
	s3 =	sadd.s32 s3, s5;
	[dreg:$0x0] =	wrdreg $0x0  }
0xa8: {  	s5 =	sshll.u32 s28, $0x1;
	[dreg:$0x2] =	wrdreg s3  }
0xa9: {  	[dreg:$0x3] =	wrdreg s5  }
0xaa: {  	[dreg:$0x4] =	wrdreg $0xC0  }
0xab: {  	_ =	task [dreg:s7], $0x5FFFF  }
0xac: {  	[dreg:$0x1] =	wrdreg $0xFFFFFFFF  }
0xad: {  	[dreg:$0x0] =	wrdreg $0x60  }
0xae: {  	[dreg:$0x2] =	wrdreg s24  }
0xaf: {  	[dreg:$0x3] =	wrdreg s2  }
0xb0: {  	[dreg:$0x4] =	wrdreg $0x7B200  }
0xb1: {  	[dreg:$0x5] =	wrdreg $0x9  }
0xb2: {  	_ =	task.clear_ibuf [dreg:s7], $0x6FFFF;
	_ =	strace $0x90000052  }
0xb3: {  	s29 =	simm.s32 $0x9;
	_ =	strace $0x80000054  }
0xb4: {  	_ =	swait.ge [sflag:s29], $0x1  }
0xb5: {  	[sflag:s29] =	ssyncadd.s32 $0xFFFFFFFF  }
0xb6: {  	_ =	strace $0x90000054  }
0xb7: {  	_ =	sfence  }
0xb8: {  	s30 =	sld [smem:$0x0];
	_ =	sdelay $0x2  }
0xb9: {  	s31 =	sshll.u32 s1, $0xD;
	s1 =	sshrl.u32 s1, $0x2  }
0xba: {  	s3 =	sand.u32 $0x4000, s31;
	s1 =	sadd.s32 s1, s30  }
0xbb: {  	s0 =	sor.u32 s3, s0;
	s1 =	sshll.u32 s1, $0x11  }
0xbc: {  	s0 =	sor.u32 s1, s0  }
0xbd: {  	s0 =	sadd.s32 $0x8F2B, s0  }
0xbe: {  	[sflag:s0] =	ssyncadd.remote.s32 $0x1  }
0xbf: {  	_ =	sfence.sel $0xFFFF  }
0xc0: {  	[dreg:$0x0] =	wrdreg $0xFFFFFFFF;
	(pc) =	sbr.abs _section_cstart, $3  }
0xc1: {  	[dreg:$0x1] =	wrdreg $0xFFFFFFFF  }
0xc2: {  	_ =	task.clear_ibuf [dreg:s7], $0x2FFFF;
	_ =	strace $0x9FFFFFFF  }
0xc3: {  	(tm) =	ssettm $0x7FFFFFFF  }
tec
execute0_lowered:
.L_overlay_start_1:
0x0: {  	(tag) =	ssettag $0x1  }
0x1: {  	s8 =	rddreg [dreg:$0x0]  }
0x2: {  	s2 =	rddreg [dreg:$0x1]  }
0x3: {  	s0 =	srdreg.scid;
	s3 =	rddreg [dreg:$0x2]  }
0x4: {  	s5 =	simm.s32 $0x0;
	s14 =	simm.s32 $0x5320;
	s15 =	simm.s32 $0x1  }
0x5: {  	s16 =	simm.s32 $0x2710;
	s17 =	simm.s32 $0x50;
	s18 =	simm.s32 $0x4E20  }
0x6: {  	s19 =	simm.s32 $0x0;
	s7 =	sand.u32 $0x1, s0;
	s0 =	stileid.u32  }
0x7: {  	[smem:$0x7FF] =	sst s5;
	s1 =	sshll.u32 s7, $0x4;
	s9 =	smul.u32 $0x27100, s7  }
0x8: {  	s7 =	ssub.s32 $0x2, s7;
	s12 =	smul.u32 $0xA000, s0;
	s1 =	sor.u32 s0, s1  }
0x9: {  	s31 =	ssub.s32 $0x8C, s0;
	s30 =	sshrl.u32 s7, $0x1;
	s4 =	smul.u32 $0x2710, s1  }
0xa: {  	s1 =	rddreg [dreg:$0x3];
	_ =	strace $0x80000053;
	s11 =	sadd.s32 s9, s8  }
0xb: {  	s13 =	ssub.s32 s7, s30;
	s12 =	sshrl.u32 s12, $0x2;
	s6 =	sshrl.u32 s4, $0x3  }
0xc: {  	s7 =	sshrl.u32 s31, $0x4;
	s12 =	sadd.s32 s12, s3;
	s10 =	sadd.s32 s6, s8  }
0xd: {  	s6 =	sadd.s32 $0xF0C00, s8;
	s8 =	sadd.s32 $0xFA00, s10;
	s9 =	sadd.s32 $0x5C00, s10  }
0xe: {  	v0 =	vimm.f32 $0.0e+00;
	s10 =	sadd.s32 $0x40A00, s11;
	s11 =	smax.u32 s13, $0x1;
	s13 =	smul.u32 $0x500, s0  }
.LBB2_1:
0xf: {  	s20 =	simm.s32 $0x0;
	s21 =	simm.s32 $0x200  }
.LBB2_2:
0x10: {  	p0 =	sne.s32 s21, $0x9E00;
	[tilespmem:s20+$0x5390] =	vst v0  }
0x11: {  	[tilespmem:s20+$0x5320] =	vst v0  }
0x12: {  	[tilespmem:s20+$0x5330] =	vst v0  }
.Ltmp0:
0x13: {  	[tilespmem:s20+$0x5340] =	vst v0;
	(pc) =	sbr.rel @p0 .LBB2_2-.Ltmp0, $4  }
0x14: {  	[tilespmem:s20+$0x5350] =	vst v0  }
0x15: {  	[tilespmem:s20+$0x5360] =	vst v0  }
0x16: {  	[tilespmem:s20+$0x5370] =	vst v0  }
0x17: {  	[tilespmem:s20+$0x5380] =	vst v0;
	s20 =	sshra.s32 s21, $0x2;
	s21 =	sadd.s32 $0x200, s21  }
0x18: {  	[tilespmem:s20+$0x5390] =	vst v0  }
0x19: {  	[tilespmem:s20+$0x5320] =	vst v0  }
0x1a: {  	[tilespmem:s20+$0x5330] =	vst v0  }
0x1b: {  	[tilespmem:s20+$0x5340] =	vst v0  }
0x1c: {  	[tilespmem:s20+$0x5350] =	vst v0  }
0x1d: {  	[tilespmem:s20+$0x5360] =	vst v0;
	p0 =	sne.s32 s7, $0x1  }
.Ltmp1:
0x1e: {  	[tilespmem:s20+$0x5370] =	vst v0;
	(pc) =	sbr.rel @!p0 .LBB2_5-.Ltmp1, $4  }
0x1f: {  	[tilespmem:s20+$0x5380] =	vst v0  }
0x20: {  	[spmem:s12] =	stream.linear.scatter [tilespmem:s14], [sflag:$0x1], $0x2800, $0x38;
	[tilespmem:$0x1B3A0] =	vst v63  }
0x21: {  	_ =	swait.ge [sflag:s15], $0x2800  }
0x22: {  	s20 =	sadd.s32 $0xFFFFFFFF, s7;
	s21 =	smov.u32 s12;
	[sflag:s15] =	ssyncset.done $0x0  }
.LBB2_4:
0x23: {  	p1 =	sne.s32 s20, $0x1;
	[sflag:s15] =	ssyncadd.s32 $0xFFFFD800;
	s21 =	sadd.s32 $0x28000, s21  }
.Ltmp2:
0x24: {  	s20 =	sadd.s32 $0xFFFFFFFF, s20;
	(pc) =	sbr.rel @p1 .LBB2_4-.Ltmp2, $4  }
0x25: {  	_ = 	snop  }
0x26: {  	[spmem:s21] =	stream.linear.scatter [tilespmem:s14], [sflag:$0x1], $0x2800, $0x38;
	[tilespmem:$0x1B3A0] =	vst v63  }
0x27: {  	_ =	swait.ge [sflag:s15], $0x2800  }
0x28: {  	[sflag:s15] =	ssyncset.done $0x0  }
.LBB2_5:
0x29: {  	[sflag:s15] =	ssyncadd.s32 $0xFFFFD800;
	s20 =	simm.s32 $0x0  }
0x2a: {  	[tilespmem:s20], [sflag:$0x1] =	stream.linear.gather [hbm4b:s8+s20], $0x2710, $0x38;
	[tilespmem:$0x1B3A0] =	vst v63  }
0x2b: {  	_ =	swait.ge [sflag:s15], $0x2710  }
0x2c: {  	[sflag:s15] =	ssyncset.done $0x0  }
0x2d: {  	[sflag:s15] =	ssyncadd.s32 $0xFFFFD8F0  }
0x2e: {  	[tilespmem:s16], [sflag:$0x1] =	stream.linear.gather [hbm4b:s9+s20], $0x2710, $0x38;
	[tilespmem:$0x1B3A0] =	vst v63  }
0x2f: {  	_ =	swait.ge [sflag:s15], $0x2710  }
0x30: {  	[sflag:s15] =	ssyncset.done $0x0  }
0x31: {  	[sflag:s15] =	ssyncadd.s32 $0xFFFFD8F0  }
0x32: {  	s21 =	simm.s32 $0x0;
	[bflag:$0x0] =	sbarrier.arrive $0xFFFF  }
.LBB2_6:
0x33: {  	s22 =	smul.u32 $0x50, s21;
	_ =	sdelay $0x1  }
0x34: {  	[tilespmem:s14], [sflag:$0x1] =	stream.indirect.gather [hbm4b:s2+s17], $0x80, s22, s17, $0xb8;
	[tilespmem:$0x1B3A0] =	vst v63  }
0x35: {  	s23 =	sadd.s32 s4, s22;
	_ =	swait.ge [sflag:s15], $0x2800  }
0x36: {  	s23 =	sshll.u32 s23, $0x1;
	[sflag:s15] =	ssyncset.done $0x0  }
0x37: {  	s23 =	sadd.s32 s6, s23;
	[sflag:s15] =	ssyncadd.s32 $0xFFFFD800  }
0x38: {  	[tilespmem:s18], [sflag:$0x1] =	stream.linear.gather [hbm4b:s23+s20], $0x500, $0x38;
	[tilespmem:$0x1B3A0] =	vst v63  }
0x39: {  	_ =	swait.ge [sflag:s15], $0x500  }
0x3a: {  	[sflag:s15] =	ssyncset.done $0x0  }
0x3b: {  	s23 =	simm.s32 $0x5360;
	[sflag:s15] =	ssyncadd.s32 $0xFFFFFB00  }
0x3c: {  	s26 =	simm.s32 $0x0;
	s25 =	simm.s32 $0x40;
	s24 =	simm.s32 $0x5360;
	v1 =	vld [tilespmem:s23+$0xFFFFFFF0]  }
.LBB2_7:
0x3d: {  	p1 =	sne.s32 s25, $0x13C0;
	v2 =	vld [tilespmem:s26+$0x4E20]  }
0x3e: {  	v3 =	vld [tilespmem:s23+$0xFFFFFFD0]  }
0x3f: {  	v4 =	vld [tilespmem:s23+$0xFFFFFFC0]  }
0x40: {  	v5 =	vld [tilespmem:s23+$0xFFFFFFE0]  }
0x41: {  	v6 =	vld [tilespmem:s23+$0x30]  }
0x42: {  	v7 =	vbroadcast v2, $0x0;
	v8 =	vbroadcast v2, $0x1;
	v9 =	vld [tilespmem:s23+$0x10]  }
0x43: {  	v10 =	vbroadcast v2, $0x2;
	v11 =	vbroadcast v2, $0x3;
	v12 =	vld [tilespmem:s23+$0x0]  }
0x44: {  	v4 =	vmul.f32 v7, v4;
	v3 =	vmul.f32 v3, v8;
	v7 =	vld [tilespmem:s23+$0x20]  }
0x45: {  	v1 =	vmul.f32 v1, v11;
	v5 =	vmul.f32 v5, v10  }
0x46: {  	v8 =	vbroadcast v2, $0x5;
	[tilespmem:s23+$0xFFFFFFC0] =	vst v4;
	v4 =	vbroadcast v2, $0x4  }
0x47: {  	[tilespmem:s23+$0xFFFFFFD0] =	vst v3;
	v3 =	vbroadcast v2, $0x6;
	v2 =	vbroadcast v2, $0x7  }
0x48: {  	[tilespmem:s23+$0xFFFFFFE0] =	vst v5;
	v4 =	vmul.f32 v12, v4;
	v5 =	vmul.f32 v9, v8  }
.Ltmp3:
0x49: {  	[tilespmem:s23+$0xFFFFFFF0] =	vst v1;
	v1 =	vmul.f32 v7, v3;
	v2 =	vmul.f32 v6, v2;
	(pc) =	sbr.rel @p1 .LBB2_7-.Ltmp3, $4  }
0x4a: {  	[tilespmem:s23+$0x0] =	vst v4  }
0x4b: {  	[tilespmem:s23+$0x10] =	vst v5  }
0x4c: {  	s23 =	sadd.s32 $0x80, s23;
	[tilespmem:s24+$0x20] =	vst v1  }
0x4d: {  	s26 =	sshra.s32 s25, $0x2;
	s25 =	sadd.s32 $0x40, s25;
	v1 =	vld [tilespmem:s23+$0xFFFFFFF0];
	[tilespmem:s24+$0x30] =	vst v2;
	s24 =	smov.u32 s23  }
0x4e: {  	v2 =	vld [tilespmem:s26+$0x4E20];
	_ =	sdelay $0x1  }
0x4f: {  	v3 =	vld [tilespmem:s23+$0xFFFFFFC0]  }
0x50: {  	v4 =	vld [tilespmem:s23+$0xFFFFFFD0]  }
0x51: {  	v5 =	vld [tilespmem:s23+$0xFFFFFFE0]  }
0x52: {  	v6 =	vbroadcast v2, $0x0  }
0x53: {  	v9 =	vld [tilespmem:s23+$0x10];
	v7 =	vbroadcast v2, $0x1  }
0x54: {  	v8 =	vld [tilespmem:s23+$0x0];
	v10 =	vbroadcast v2, $0x2;
	v3 =	vmul.f32 v6, v3  }
0x55: {  	v60 =	vld [tilespmem:s23+$0x20];
	v59 =	vbroadcast v2, $0x3;
	v4 =	vmul.f32 v4, v7  }
0x56: {  	v11 =	vld [tilespmem:s23+$0x30];
	v61 =	vbroadcast v2, $0x5;
	v5 =	vmul.f32 v5, v10;
	[tilespmem:s23+$0xFFFFFFC0] =	vst v3  }
0x57: {  	v1 =	vmul.f32 v1, v59;
	v3 =	vbroadcast v2, $0x4;
	[tilespmem:s23+$0xFFFFFFD0] =	vst v4  }
0x58: {  	v62 =	vbroadcast v2, $0x6;
	v63 =	vmul.f32 v9, v61;
	[tilespmem:s23+$0xFFFFFFE0] =	vst v5  }
0x59: {  	v2 =	vbroadcast v2, $0x7;
	[tilespmem:s23+$0xFFFFFFF0] =	vst v1;
	v3 =	vmul.f32 v8, v3  }
0x5a: {  	v1 =	vmul.f32 v60, v62;
	[tilespmem:s23+$0x10] =	vst v63  }
0x5b: {  	s21 =	sadd.s32 $0x1, s21;
	v2 =	vmul.f32 v11, v2;
	[tilespmem:s23+$0x0] =	vst v3  }
0x5c: {  	p1 =	sne.s32 s21, $0x7D;
	[tilespmem:s24+$0x20] =	vst v1  }
.Ltmp4:
0x5d: {  	s22 =	sadd.s32 $0x2710, s22;
	[tilespmem:s24+$0x30] =	vst v2;
	(pc) =	sbr.rel @p1 .LBB2_6-.Ltmp4, $4  }
0x5e: {  	[spmem:s3] =	stream.indirect.scatter.add.f32 [tilespmem:s14], [sflag:$0x1], $0x80, s22, s17, $0xb8;
	[tilespmem:$0x1B3A0] =	vst v63  }
0x5f: {  	_ =	swait.ge [sflag:s15], $0x2800  }
0x60: {  	[sflag:s15] =	ssyncset.done $0x0  }
0x61: {  	[sflag:s15] =	ssyncadd.s32 $0xFFFFD800  }
0x62: {  	[bflag:$0x0] =	sbarrier.arrive $0xFFFF  }
0x63: {  	[tilespmem:s14], [sflag:$0x1] =	stream.linear.gather [spmem:s12], $0x2800, $0x38;
	[tilespmem:$0x1B3A0] =	vst v63  }
0x64: {  	_ =	swait.ge [sflag:s15], $0x2800  }
.Ltmp5:
0x65: {  	[sflag:s15] =	ssyncset.done $0x0;
	(pc) =	sbr.rel @!p0 .LBB2_11-.Ltmp5, $4  }
0x66: {  	s20 =	sadd.s32 s13, s10;
	[sflag:s15] =	ssyncadd.s32 $0xFFFFD800  }
0x67: {  	[hbm4b:s20+s5] =	stream.linear.scatter [tilespmem:s14], [sflag:$0x1], $0x2800, $0x38;
	[tilespmem:$0x1B3A0] =	vst v63  }
0x68: {  	s21 =	smov.u32 s13;
	_ =	swait.ge [sflag:s15], $0x2800  }
0x69: {  	s22 =	smov.u32 s12;
	s20 =	sadd.s32 $0xFFFFFFFF, s7;
	[sflag:s15] =	ssyncset.done $0x0  }
.LBB2_10:
0x6a: {  	[sflag:s15] =	ssyncadd.s32 $0xFFFFD800;
	s21 =	sadd.s32 $0x5000, s21;
	s22 =	sadd.s32 $0x28000, s22  }
0x6b: {  	[tilespmem:s14], [sflag:$0x1] =	stream.linear.gather [spmem:s22], $0x2800, $0x38;
	[tilespmem:$0x1B3A0] =	vst v63  }
0x6c: {  	p0 =	sne.s32 s20, $0x1;
	s20 =	sadd.s32 $0xFFFFFFFF, s20;
	_ =	swait.ge [sflag:s15], $0x2800  }
.Ltmp6:
0x6d: {  	[sflag:s15] =	ssyncset.done $0x0;
	(pc) =	sbr.rel @p0 .LBB2_10-.Ltmp6, $4  }
0x6e: {  	s23 =	sadd.s32 s21, s10;
	[sflag:s15] =	ssyncadd.s32 $0xFFFFD800  }
0x6f: {  	[hbm4b:s23+s5] =	stream.linear.scatter [tilespmem:s14], [sflag:$0x1], $0x2800, $0x38;
	[tilespmem:$0x1B3A0] =	vst v63  }
0x70: {  	_ =	swait.ge [sflag:s15], $0x2800  }
0x71: {  	[sflag:s15] =	ssyncset.done $0x0  }
.LBB2_11:
0x72: {  	s19 =	sadd.s32 $0x1, s19  }
0x73: {  	p0 =	sne.s32 s19, s11  }
.Ltmp7:
0x74: {  	_ = 	snop;
	(pc) =	sbr.rel @p0 .LBB2_1-.Ltmp7, $2  }
0x75: {  	_ =	sdelay $0x2  }
0x76: {  	[sflag:s15] =	ssyncadd.s32 $0xFFFFD800  }
0x77: {  	_ =	sfence.sel $0x180000  }
0x78: {  	[bflag:$0x0] =	sbarrier.arrive $0xFFFF  }
0x79: {  	p0 =	sne.s32 s0, $0x0;
	_ =	strace $0x90000053  }
0x7a: {  	s0 =	sadd.s32 @!p0 $0x100000, s1;
	[bflag:$0x2] =	sbarrier.arrive $0xFFFF  }
0x7b: {  	[sflag:s0] =	ssyncadd.tile.s32 @!p0 $0x1;
	_ =	shalt  }
.Lfunc_end2:
_tile_overlayer_lowered:
.L_overlay_start_2:
0x7c: {  	(tag) =	ssettag $0x2  }
0x7d: {  	s0 =	rddreg [dreg:$0x0];
	s2 =	stileid.u32  }
0x7e: {  	s1 =	rddreg [dreg:$0x1];
	p0 =	sne.s32 s2, $0x0  }
0x7f: {  	s3 =	rddreg [dreg:$0x2];
	[bflag:$0x3] =	sbarrier.arrive $0xFFFF;
	s2 =	simm.s32 @!p0 $0x1C01  }
0x80: {  	[timem:s3], [sflag:s2] =	dma.local @!p0 [hbm:s0], s1  }
0x81: {  	s0 =	simm.s32 @!p0 $0x1  }
0x82: {  	_ =	swait.ge @!p0 [sflag:s0], s1  }
0x83: {  	s1 =	ssub.s32 @!p0 $0x0, s1;
	[sflag:s0] =	ssyncset.done @!p0 $0x0  }
0x84: {  	[sflag:s0] =	ssyncadd.s32 @!p0 s1  }
0x85: {  	[bflag:$0x3] =	sbarrier.arrive $0xFFFF  }
0x86: {  	_ =	shalt  }

// kernel: kernel.30.cloned.1.call-start
scs
__scs_entry_jumppad:
0x0: {  	(pc) =	sbr.rel $0x88, $3  }
0x1: {  	(tag) =	ssettag $0x0;
	lr =	simm.s32 $0x1  }
0x2: {  	[smem:$0x3F94] =	sst lr;
	_ =	strace $0xD0000000  }
0x3: {  	_ = 	snop  }
0x4: {  	_ = 	snop  }
0x5: {  	_ = 	snop  }
0x6: {  	_ = 	snop  }
0x7: {  	_ = 	snop  }
__scs_overlays_trampoline_lowered:
0x8: {  	[smem:$0x3FA3] =	sst s0  }
0x9: {  	[smem:$0x3FA4] =	sst s1  }
0xa: {  	[smem:$0x3FA5] =	sst s2  }
0xb: {  	[smem:$0x3FA6] =	sst s3  }
0xc: {  	[smem:$0x3FA7] =	sst s4  }
0xd: {  	[smem:$0x3FA8] =	sst s5  }
0xe: {  	[smem:$0x3FA9] =	sst s6  }
0xf: {  	[smem:$0x3FAA] =	sst s7  }
0x10: {  	[smem:$0x3FAB] =	sst s8  }
0x11: {  	[smem:$0x3FAC] =	sst s9;
	s0 =	simm.s32 @!p0 $0x0  }
0x12: {  	s1 =	sld [smem:$0x3F92];
	s0 =	simm.s32 @p0 $0x1  }
0x13: {  	[smem:$0x3FAD] =	sst s0;
	s0 =	simm.s32 @!p1 $0x0  }
0x14: {  	s2 =	sld [smem:$0x3F91];
	s0 =	simm.s32 @p1 $0x1  }
0x15: {  	[smem:$0x3FAE] =	sst s0;
	s0 =	simm.s32 @!p2 $0x0  }
0x16: {  	s3 =	sld [smem:$0x3FDB];
	s0 =	simm.s32 @p2 $0x1  }
0x17: {  	s4 =	simm.s32 $0x1BF5;
	[smem:$0x3FB0] =	sst s0  }
0x18: {  	s0 =	sld [smem:$0x3F93];
	_ =	swait.ge [sflag:s4], $0x0  }
0x19: {  	s7 =	sld [smem:$0x3F94]  }
0x1a: {  	s8 =	sadd.s32 $0xFFFFE003, lr  }
0x1b: {  	s9 =	sadd.s32 $0xFFFFFEF7, lr;
	s5 =	simm.s32 $0xFFFFFFFF;
	p2 =	slt.u32 s8, $0xFFFFF086  }
0x1c: {  	p1 =	slt.u32 s9, $0xF7A;
	s5 =	simm.s32 @!p2 $0x0  }
0x1d: {  	s5 =	simm.s32 @p1 $0x1;
	p0 =	seq.s32 s7, s2  }
0x1e: {  	s7 =	smul.u32 @!p0 $0xF7A, s2;
	p2 =	seq.s32 @!p0 s5, $0x0  }
0x1f: {  	s9 =	smul.u32 $0xF7A, s1;
	s8 =	simm.s32 @!p0 $0x1BF5;
	p2 =	por !p2, p0  }
0x20: {  	[sflag:s8] =	ssyncset.s32 @!p0 $0xFFFFF086;
	s6 =	sadd.s32 @!p0 s3, s7;
	s7 =	simm.s32 @!p0 $0x108  }
0x21: {  	s3 =	sadd.s32 s3, s9;
	s6 =	sadd.s32 @!p0 $0x88, s6;
	s7 =	simm.s32 @p2 $0x1082  }
0x22: {  	[simem:s7], [sflag:s8] =	dma.local @!p0 [hbm:s6], $0xF7A  }
0x23: {  	s9 =	sor.u32 $0xD0000000, s2;
	s6 =	simm.s32 $0x108;
	_ =	swait.ge @!p0 [sflag:s8], $0x0  }
0x24: {  	s3 =	sadd.s32 $0x88, s3;
	s6 =	simm.s32 @!p1 $0x1082;
	[sflag:s4] =	ssyncset.s32 $0xFFFFF086  }
0x25: {  	[simem:s6], [sflag:s4] =	dma.local [hbm:s3], $0xF7A  }
0x26: {  	[smem:$0x3F94] =	sst s1;
	(tag) =	ssettag s2;
	_ =	strace s9  }
0x27: {  	s1 =	sld [smem:$0x3FA4]  }
0x28: {  	s2 =	sld [smem:$0x3FA5]  }
0x29: {  	s4 =	sld [smem:$0x3FA7]  }
0x2a: {  	p0 =	seq.s32 s5, $0x0;
	s5 =	sld [smem:$0x3FA8]  }
0x2b: {  	s6 =	sld [smem:$0x3FA9]  }
0x2c: {  	s7 =	sld [smem:$0x3FAA]  }
0x2d: {  	s3 =	simm.s32 $0x108;
	s8 =	sld [smem:$0x3FAB]  }
0x2e: {  	s3 =	simm.s32 @!p0 $0x1082;
	s9 =	sld [smem:$0x3FAC]  }
0x2f: {  	lr =	sadd.s32 s0, s3;
	s0 =	sld [smem:$0x3FA3]  }
0x30: {  	s3 =	sld [smem:$0x3FA6]  }
0x31: {  	[smem:$0x3FAF] =	sst s10  }
0x32: {  	s10 =	sld [smem:$0x3FAD];
	_ =	sdelay $0x3  }
0x33: {  	p0 =	seq.s32 s10, $0x1;
	s10 =	sld [smem:$0x3FAF];
	_ =	sdelay $0x3  }
0x34: {  	[smem:$0x3FAF] =	sst s10  }
0x35: {  	s10 =	sld [smem:$0x3FAE];
	_ =	sdelay $0x3  }
0x36: {  	p1 =	seq.s32 s10, $0x1;
	s10 =	sld [smem:$0x3FAF];
	_ =	sdelay $0x3  }
0x37: {  	[smem:$0x3FAF] =	sst s10  }
0x38: {  	s10 =	sld [smem:$0x3FB0]  }
0x39: {  	_ = 	snop;
	(pc) =	sbr.ind lr, $3  }
0x3a: {  	_ = 	snop  }
0x3b: {  	_ = 	snop  }
0x3c: {  	p2 =	seq.s32 s10, $0x1;
	s10 =	sld [smem:$0x3FAF]  }
0x3d: {  	_ =	shalt  }
0x3e: {  	_ =	shalt  }
0x3f: {  	_ =	shalt  }
0x40: {  	_ =	shalt  }
0x41: {  	_ =	shalt  }
0x42: {  	_ =	shalt  }
0x43: {  	_ =	shalt  }
0x44: {  	_ =	shalt  }
0x45: {  	_ =	shalt  }
0x46: {  	_ =	shalt  }
0x47: {  	_ =	shalt  }
0x48: {  	_ =	shalt  }
0x49: {  	_ =	shalt  }
0x4a: {  	_ =	shalt  }
0x4b: {  	_ =	shalt  }
0x4c: {  	_ =	shalt  }
0x4d: {  	_ =	shalt  }
0x4e: {  	_ =	shalt  }
0x4f: {  	_ =	shalt  }
0x50: {  	_ =	shalt  }
0x51: {  	_ =	shalt  }
0x52: {  	_ =	shalt  }
0x53: {  	_ =	shalt  }
0x54: {  	_ =	shalt  }
0x55: {  	_ =	shalt  }
0x56: {  	_ =	shalt  }
0x57: {  	_ =	shalt  }
0x58: {  	_ =	shalt  }
0x59: {  	_ =	shalt  }
0x5a: {  	_ =	shalt  }
0x5b: {  	_ =	shalt  }
0x5c: {  	_ =	shalt  }
0x5d: {  	_ =	shalt  }
0x5e: {  	_ =	shalt  }
0x5f: {  	_ =	shalt  }
0x60: {  	_ =	shalt  }
0x61: {  	_ =	shalt  }
0x62: {  	_ =	shalt  }
0x63: {  	_ =	shalt  }
0x64: {  	_ =	shalt  }
0x65: {  	_ =	shalt  }
0x66: {  	_ =	shalt  }
0x67: {  	_ =	shalt  }
0x68: {  	_ =	shalt  }
0x69: {  	_ =	shalt  }
0x6a: {  	_ =	shalt  }
0x6b: {  	_ =	shalt  }
0x6c: {  	_ =	shalt  }
0x6d: {  	_ =	shalt  }
0x6e: {  	_ =	shalt  }
0x6f: {  	_ =	shalt  }
0x70: {  	_ =	shalt  }
0x71: {  	_ =	shalt  }
0x72: {  	_ =	shalt  }
0x73: {  	_ =	shalt  }
0x74: {  	_ =	shalt  }
0x75: {  	_ =	shalt  }
0x76: {  	_ =	shalt  }
0x77: {  	_ =	shalt  }
0x78: {  	_ =	shalt  }
0x79: {  	_ =	shalt  }
0x7a: {  	_ =	shalt  }
0x7b: {  	_ =	shalt  }
0x7c: {  	_ =	shalt  }
0x7d: {  	_ =	shalt  }
0x7e: {  	_ =	shalt  }
0x7f: {  	_ =	shalt  }
0x80: {  	_ =	shalt  }
0x81: {  	_ =	shalt  }
0x82: {  	_ =	shalt  }
0x83: {  	_ =	shalt  }
0x84: {  	_ =	shalt  }
0x85: {  	_ =	shalt  }
0x86: {  	_ =	shalt  }
0x87: {  	_ =	shalt  }
.Lfunc_end0:
.L_simem_size_0:
called_computation.5_lowered:
.L_overlay_start_0:
0x88: {  	s2 =	sld [smem:$0x3FD9]  }
0x89: {  	s3 =	sld [smem:$0x3FFE];
	_ =	sdelay $0x1  }
0x8a: {  	s1 =	srdreg.scid  }
0x8b: {  	s0 =	sand.u32 $0x1, s1  }
0x8c: {  	s17 =	sshll.u32 s0, $0xA;
	s2 =	sadd.s32 s3, s2  }
0x8d: {  	s2 =	sadd.s32 s2, s17  }
0x8e: {  	[smem:$0x3FBB] =	sst s2  }
0x8f: {  	_ = 	snop  }
0x90: {  	s2 =	sld [smem:$0x3FD0];
	(tm) =	ssettm $0x1  }
0x91: {  	s18 =	sld [smem:$0x3FFB];
	_ =	sdelay $0x3  }
0x92: {  	_ =	strace s18  }
0x93: {  	s3 =	sld [smem:$0x3FFC];
	_ =	sdelay $0x3  }
0x94: {  	_ =	strace s3  }
0x95: {  	s3 =	sld [smem:$0x3FFD];
	_ =	sdelay $0x3  }
0x96: {  	_ =	strace s3  }
0x97: {  	_ =	strace $0x8FFFFFFF  }
0x98: {  	s19 =	sld [smem:$0x3FDB];
	_ =	sdelay $0x1  }
0x99: {  	s4 =	simm.s32 $_scs_section_size  }
0x9a: {  	s5 =	simm.s32 $_size__tile_overlayer_lowered;
	s6 =	simm.s32 $_tile_overlayer_lowered  }
0x9b: {  	s22 =	simm.s32 $0x1BFF;
	s21 =	sshll.u32 s6, $0x1;
	s3 =	sadd.s32 s4, s19  }
0x9c: {  	s7 =	simm.s32 $0x0;
	s20 =	sshll.u32 s5, $0x1;
	s5 =	sadd.s32 s21, s3  }
0x9d: {  	[timem:s7], [sflag:s22] =	dma.local [hbm:s5], s20  }
0x9e: {  	_ =	swait.ge [sflag:s22], s20  }
0x9f: {  	s4 =	ssub.s32 $0x0, s20;
	[sflag:s22] =	ssyncset.done $0x0  }
0xa0: {  	[sflag:s22] =	ssyncadd.s32 s4;
	_ =	sdelay $0x1  }
0xa1: {  	s23 =	simm.s32 $0x1B8B  }
0xa2: {  	_ =	swait.ge [sflag:s23], $0x1  }
0xa3: {  	[sflag:s23] =	ssyncset.done $0x0  }
0xa4: {  	s25 =	simm.s32 $0x1B8E;
	s24 =	sld [smem:$0x3FFE];
	[sflag:s23] =	ssyncadd.s32 $0xFFFFFFFF  }
0xa5: {  	s26 =	simm.s32 $execute0_lowered;
	[smem:$0x3FD2] =	sst s25  }
0xa6: {  	s5 =	sshll.u32 s26, $0x1;
	_ =	strace $0x80000055;
	[dreg:$0x1] =	wrdreg $0xFFFFFFFF  }
0xa7: {  	s28 =	simm.s32 $_size_execute0_lowered;
	s3 =	sadd.s32 s3, s5;
	[dreg:$0x0] =	wrdreg $0x0  }
0xa8: {  	s5 =	sshll.u32 s28, $0x1;
	[dreg:$0x2] =	wrdreg s3  }
0xa9: {  	[dreg:$0x3] =	wrdreg s5  }
0xaa: {  	[dreg:$0x4] =	wrdreg $0xC0  }
0xab: {  	_ =	task [dreg:s7], $0x5FFFF  }
0xac: {  	[dreg:$0x1] =	wrdreg $0xFFFFFFFF  }
0xad: {  	[dreg:$0x0] =	wrdreg $0x60  }
0xae: {  	[dreg:$0x2] =	wrdreg s24  }
0xaf: {  	[dreg:$0x3] =	wrdreg s2  }
0xb0: {  	[dreg:$0x4] =	wrdreg $0x7B200  }
0xb1: {  	[dreg:$0x5] =	wrdreg $0x9  }
0xb2: {  	_ =	task.clear_ibuf [dreg:s7], $0x6FFFF;
	_ =	strace $0x90000055  }
0xb3: {  	s29 =	simm.s32 $0x9;
	_ =	strace $0x80000057  }
0xb4: {  	_ =	swait.ge [sflag:s29], $0x1  }
0xb5: {  	[sflag:s29] =	ssyncadd.s32 $0xFFFFFFFF  }
0xb6: {  	_ =	strace $0x90000057  }
0xb7: {  	_ =	sfence  }
0xb8: {  	s30 =	sld [smem:$0x0];
	_ =	sdelay $0x2  }
0xb9: {  	s31 =	sshll.u32 s1, $0xD;
	s1 =	sshrl.u32 s1, $0x2  }
0xba: {  	s3 =	sand.u32 $0x4000, s31;
	s1 =	sadd.s32 s1, s30  }
0xbb: {  	s0 =	sor.u32 s3, s0;
	s1 =	sshll.u32 s1, $0x11  }
0xbc: {  	s0 =	sor.u32 s1, s0  }
0xbd: {  	s0 =	sadd.s32 $0x8F2B, s0  }
0xbe: {  	[sflag:s0] =	ssyncadd.remote.s32 $0x1  }
0xbf: {  	_ =	sfence.sel $0xFFFF  }
0xc0: {  	[dreg:$0x0] =	wrdreg $0xFFFFFFFF;
	(pc) =	sbr.abs _section_cstart, $3  }
0xc1: {  	[dreg:$0x1] =	wrdreg $0xFFFFFFFF  }
0xc2: {  	_ =	task.clear_ibuf [dreg:s7], $0x2FFFF;
	_ =	strace $0x9FFFFFFF  }
0xc3: {  	(tm) =	ssettm $0x7FFFFFFF  }
tec
execute0_lowered:
.L_overlay_start_1:
0x0: {  	(tag) =	ssettag $0x1  }
0x1: {  	s8 =	rddreg [dreg:$0x0]  }
0x2: {  	s2 =	rddreg [dreg:$0x1]  }
0x3: {  	s0 =	srdreg.scid;
	s3 =	rddreg [dreg:$0x2]  }
0x4: {  	s5 =	simm.s32 $0x0;
	s14 =	simm.s32 $0x5320;
	s15 =	simm.s32 $0x1  }
0x5: {  	s16 =	simm.s32 $0x2710;
	s17 =	simm.s32 $0x50;
	s18 =	simm.s32 $0x4E20  }
0x6: {  	s19 =	simm.s32 $0x0;
	s7 =	sand.u32 $0x1, s0;
	s0 =	stileid.u32  }
0x7: {  	[smem:$0x7FF] =	sst s5;
	s1 =	sshll.u32 s7, $0x4;
	s9 =	smul.u32 $0x27100, s7  }
0x8: {  	s7 =	ssub.s32 $0x2, s7;
	s12 =	smul.u32 $0xA000, s0;
	s1 =	sor.u32 s0, s1  }
0x9: {  	s31 =	ssub.s32 $0x8C, s0;
	s30 =	sshrl.u32 s7, $0x1;
	s4 =	smul.u32 $0x2710, s1  }
0xa: {  	s1 =	rddreg [dreg:$0x3];
	_ =	strace $0x80000056;
	s11 =	sadd.s32 s9, s8  }
0xb: {  	s13 =	ssub.s32 s7, s30;
	s12 =	sshrl.u32 s12, $0x2;
	s6 =	sshrl.u32 s4, $0x3  }
0xc: {  	s7 =	sshrl.u32 s31, $0x4;
	s12 =	sadd.s32 s12, s3;
	s10 =	sadd.s32 s6, s8  }
0xd: {  	s6 =	sadd.s32 $0xF0C00, s8;
	s8 =	sadd.s32 $0xFA00, s10;
	s9 =	sadd.s32 $0x5C00, s10  }
0xe: {  	v0 =	vimm.f32 $0.0e+00;
	s10 =	sadd.s32 $0x40A00, s11;
	s11 =	smax.u32 s13, $0x1;
	s13 =	smul.u32 $0x500, s0  }
.LBB2_1:
0xf: {  	s20 =	simm.s32 $0x0;
	s21 =	simm.s32 $0x200  }
.LBB2_2:
0x10: {  	p0 =	sne.s32 s21, $0x9E00;
	[tilespmem:s20+$0x5390] =	vst v0  }
0x11: {  	[tilespmem:s20+$0x5320] =	vst v0  }
0x12: {  	[tilespmem:s20+$0x5330] =	vst v0  }
.Ltmp0:
0x13: {  	[tilespmem:s20+$0x5340] =	vst v0;
	(pc) =	sbr.rel @p0 .LBB2_2-.Ltmp0, $4  }
0x14: {  	[tilespmem:s20+$0x5350] =	vst v0  }
0x15: {  	[tilespmem:s20+$0x5360] =	vst v0  }
0x16: {  	[tilespmem:s20+$0x5370] =	vst v0  }
0x17: {  	[tilespmem:s20+$0x5380] =	vst v0;
	s20 =	sshra.s32 s21, $0x2;
	s21 =	sadd.s32 $0x200, s21  }
0x18: {  	[tilespmem:s20+$0x5390] =	vst v0  }
0x19: {  	[tilespmem:s20+$0x5320] =	vst v0  }
0x1a: {  	[tilespmem:s20+$0x5330] =	vst v0  }
0x1b: {  	[tilespmem:s20+$0x5340] =	vst v0  }
0x1c: {  	[tilespmem:s20+$0x5350] =	vst v0  }
0x1d: {  	[tilespmem:s20+$0x5360] =	vst v0;
	p0 =	sne.s32 s7, $0x1  }
.Ltmp1:
0x1e: {  	[tilespmem:s20+$0x5370] =	vst v0;
	(pc) =	sbr.rel @!p0 .LBB2_5-.Ltmp1, $4  }
0x1f: {  	[tilespmem:s20+$0x5380] =	vst v0  }
0x20: {  	[spmem:s12] =	stream.linear.scatter [tilespmem:s14], [sflag:$0x1], $0x2800, $0x38;
	[tilespmem:$0x1B3A0] =	vst v63  }
0x21: {  	_ =	swait.ge [sflag:s15], $0x2800  }
0x22: {  	s20 =	sadd.s32 $0xFFFFFFFF, s7;
	s21 =	smov.u32 s12;
	[sflag:s15] =	ssyncset.done $0x0  }
.LBB2_4:
0x23: {  	p1 =	sne.s32 s20, $0x1;
	[sflag:s15] =	ssyncadd.s32 $0xFFFFD800;
	s21 =	sadd.s32 $0x28000, s21  }
.Ltmp2:
0x24: {  	s20 =	sadd.s32 $0xFFFFFFFF, s20;
	(pc) =	sbr.rel @p1 .LBB2_4-.Ltmp2, $4  }
0x25: {  	_ = 	snop  }
0x26: {  	[spmem:s21] =	stream.linear.scatter [tilespmem:s14], [sflag:$0x1], $0x2800, $0x38;
	[tilespmem:$0x1B3A0] =	vst v63  }
0x27: {  	_ =	swait.ge [sflag:s15], $0x2800  }
0x28: {  	[sflag:s15] =	ssyncset.done $0x0  }
.LBB2_5:
0x29: {  	[sflag:s15] =	ssyncadd.s32 $0xFFFFD800;
	s20 =	simm.s32 $0x0  }
0x2a: {  	[tilespmem:s20], [sflag:$0x1] =	stream.linear.gather [hbm4b:s8+s20], $0x2710, $0x38;
	[tilespmem:$0x1B3A0] =	vst v63  }
0x2b: {  	_ =	swait.ge [sflag:s15], $0x2710  }
0x2c: {  	[sflag:s15] =	ssyncset.done $0x0  }
0x2d: {  	[sflag:s15] =	ssyncadd.s32 $0xFFFFD8F0  }
0x2e: {  	[tilespmem:s16], [sflag:$0x1] =	stream.linear.gather [hbm4b:s9+s20], $0x2710, $0x38;
	[tilespmem:$0x1B3A0] =	vst v63  }
0x2f: {  	_ =	swait.ge [sflag:s15], $0x2710  }
0x30: {  	[sflag:s15] =	ssyncset.done $0x0  }
0x31: {  	[sflag:s15] =	ssyncadd.s32 $0xFFFFD8F0  }
0x32: {  	s21 =	simm.s32 $0x0;
	[bflag:$0x0] =	sbarrier.arrive $0xFFFF  }
.LBB2_6:
0x33: {  	s22 =	smul.u32 $0x50, s21;
	_ =	sdelay $0x1  }
0x34: {  	[tilespmem:s14], [sflag:$0x1] =	stream.indirect.gather [hbm4b:s2+s17], $0x80, s22, s17, $0xb8;
	[tilespmem:$0x1B3A0] =	vst v63  }
0x35: {  	s23 =	sadd.s32 s4, s22;
	_ =	swait.ge [sflag:s15], $0x2800  }
0x36: {  	s23 =	sshll.u32 s23, $0x1;
	[sflag:s15] =	ssyncset.done $0x0  }
0x37: {  	s23 =	sadd.s32 s6, s23;
	[sflag:s15] =	ssyncadd.s32 $0xFFFFD800  }
0x38: {  	[tilespmem:s18], [sflag:$0x1] =	stream.linear.gather [hbm4b:s23+s20], $0x500, $0x38;
	[tilespmem:$0x1B3A0] =	vst v63  }
0x39: {  	_ =	swait.ge [sflag:s15], $0x500  }
0x3a: {  	[sflag:s15] =	ssyncset.done $0x0  }
0x3b: {  	s23 =	simm.s32 $0x5360;
	[sflag:s15] =	ssyncadd.s32 $0xFFFFFB00  }
0x3c: {  	s26 =	simm.s32 $0x0;
	s25 =	simm.s32 $0x40;
	s24 =	simm.s32 $0x5360;
	v1 =	vld [tilespmem:s23+$0xFFFFFFF0]  }
.LBB2_7:
0x3d: {  	p1 =	sne.s32 s25, $0x13C0;
	v2 =	vld [tilespmem:s26+$0x4E20]  }
0x3e: {  	v3 =	vld [tilespmem:s23+$0xFFFFFFD0]  }
0x3f: {  	v4 =	vld [tilespmem:s23+$0xFFFFFFC0]  }
0x40: {  	v5 =	vld [tilespmem:s23+$0xFFFFFFE0]  }
0x41: {  	v6 =	vld [tilespmem:s23+$0x30]  }
0x42: {  	v7 =	vbroadcast v2, $0x0;
	v8 =	vbroadcast v2, $0x1;
	v9 =	vld [tilespmem:s23+$0x10]  }
0x43: {  	v10 =	vbroadcast v2, $0x2;
	v11 =	vbroadcast v2, $0x3;
	v12 =	vld [tilespmem:s23+$0x0]  }
0x44: {  	v4 =	vmul.f32 v7, v4;
	v3 =	vmul.f32 v3, v8;
	v7 =	vld [tilespmem:s23+$0x20]  }
0x45: {  	v1 =	vmul.f32 v1, v11;
	v5 =	vmul.f32 v5, v10  }
0x46: {  	v8 =	vbroadcast v2, $0x5;
	[tilespmem:s23+$0xFFFFFFC0] =	vst v4;
	v4 =	vbroadcast v2, $0x4  }
0x47: {  	[tilespmem:s23+$0xFFFFFFD0] =	vst v3;
	v3 =	vbroadcast v2, $0x6;
	v2 =	vbroadcast v2, $0x7  }
0x48: {  	[tilespmem:s23+$0xFFFFFFE0] =	vst v5;
	v4 =	vmul.f32 v12, v4;
	v5 =	vmul.f32 v9, v8  }
.Ltmp3:
0x49: {  	[tilespmem:s23+$0xFFFFFFF0] =	vst v1;
	v1 =	vmul.f32 v7, v3;
	v2 =	vmul.f32 v6, v2;
	(pc) =	sbr.rel @p1 .LBB2_7-.Ltmp3, $4  }
0x4a: {  	[tilespmem:s23+$0x0] =	vst v4  }
0x4b: {  	[tilespmem:s23+$0x10] =	vst v5  }
0x4c: {  	s23 =	sadd.s32 $0x80, s23;
	[tilespmem:s24+$0x20] =	vst v1  }
0x4d: {  	s26 =	sshra.s32 s25, $0x2;
	s25 =	sadd.s32 $0x40, s25;
	v1 =	vld [tilespmem:s23+$0xFFFFFFF0];
	[tilespmem:s24+$0x30] =	vst v2;
	s24 =	smov.u32 s23  }
0x4e: {  	v2 =	vld [tilespmem:s26+$0x4E20];
	_ =	sdelay $0x1  }
0x4f: {  	v3 =	vld [tilespmem:s23+$0xFFFFFFC0]  }
0x50: {  	v4 =	vld [tilespmem:s23+$0xFFFFFFD0]  }
0x51: {  	v5 =	vld [tilespmem:s23+$0xFFFFFFE0]  }
0x52: {  	v6 =	vbroadcast v2, $0x0  }
0x53: {  	v9 =	vld [tilespmem:s23+$0x10];
	v7 =	vbroadcast v2, $0x1  }
0x54: {  	v8 =	vld [tilespmem:s23+$0x0];
	v10 =	vbroadcast v2, $0x2;
	v3 =	vmul.f32 v6, v3  }
0x55: {  	v60 =	vld [tilespmem:s23+$0x20];
	v59 =	vbroadcast v2, $0x3;
	v4 =	vmul.f32 v4, v7  }
0x56: {  	v11 =	vld [tilespmem:s23+$0x30];
	v61 =	vbroadcast v2, $0x5;
	v5 =	vmul.f32 v5, v10;
	[tilespmem:s23+$0xFFFFFFC0] =	vst v3  }
0x57: {  	v1 =	vmul.f32 v1, v59;
	v3 =	vbroadcast v2, $0x4;
	[tilespmem:s23+$0xFFFFFFD0] =	vst v4  }
0x58: {  	v62 =	vbroadcast v2, $0x6;
	v63 =	vmul.f32 v9, v61;
	[tilespmem:s23+$0xFFFFFFE0] =	vst v5  }
0x59: {  	v2 =	vbroadcast v2, $0x7;
	[tilespmem:s23+$0xFFFFFFF0] =	vst v1;
	v3 =	vmul.f32 v8, v3  }
0x5a: {  	v1 =	vmul.f32 v60, v62;
	[tilespmem:s23+$0x10] =	vst v63  }
0x5b: {  	s21 =	sadd.s32 $0x1, s21;
	v2 =	vmul.f32 v11, v2;
	[tilespmem:s23+$0x0] =	vst v3  }
0x5c: {  	p1 =	sne.s32 s21, $0x7D;
	[tilespmem:s24+$0x20] =	vst v1  }
.Ltmp4:
0x5d: {  	s22 =	sadd.s32 $0x2710, s22;
	[tilespmem:s24+$0x30] =	vst v2;
	(pc) =	sbr.rel @p1 .LBB2_6-.Ltmp4, $4  }
0x5e: {  	[spmem:s3] =	stream.indirect.scatter.add.f32 [tilespmem:s14], [sflag:$0x1], $0x80, s22, s17, $0xb8;
	[tilespmem:$0x1B3A0] =	vst v63  }
0x5f: {  	_ =	swait.ge [sflag:s15], $0x2800  }
0x60: {  	[sflag:s15] =	ssyncset.done $0x0  }
0x61: {  	[sflag:s15] =	ssyncadd.s32 $0xFFFFD800  }
0x62: {  	[bflag:$0x0] =	sbarrier.arrive $0xFFFF  }
0x63: {  	[tilespmem:s14], [sflag:$0x1] =	stream.linear.gather [spmem:s12], $0x2800, $0x38;
	[tilespmem:$0x1B3A0] =	vst v63  }
0x64: {  	_ =	swait.ge [sflag:s15], $0x2800  }
.Ltmp5:
0x65: {  	[sflag:s15] =	ssyncset.done $0x0;
	(pc) =	sbr.rel @!p0 .LBB2_11-.Ltmp5, $4  }
0x66: {  	s20 =	sadd.s32 s13, s10;
	[sflag:s15] =	ssyncadd.s32 $0xFFFFD800  }
0x67: {  	[hbm4b:s20+s5] =	stream.linear.scatter [tilespmem:s14], [sflag:$0x1], $0x2800, $0x38;
	[tilespmem:$0x1B3A0] =	vst v63  }
0x68: {  	s21 =	smov.u32 s13;
	_ =	swait.ge [sflag:s15], $0x2800  }
0x69: {  	s22 =	smov.u32 s12;
	s20 =	sadd.s32 $0xFFFFFFFF, s7;
	[sflag:s15] =	ssyncset.done $0x0  }
.LBB2_10:
0x6a: {  	[sflag:s15] =	ssyncadd.s32 $0xFFFFD800;
	s21 =	sadd.s32 $0x5000, s21;
	s22 =	sadd.s32 $0x28000, s22  }
0x6b: {  	[tilespmem:s14], [sflag:$0x1] =	stream.linear.gather [spmem:s22], $0x2800, $0x38;
	[tilespmem:$0x1B3A0] =	vst v63  }
0x6c: {  	p0 =	sne.s32 s20, $0x1;
	s20 =	sadd.s32 $0xFFFFFFFF, s20;
	_ =	swait.ge [sflag:s15], $0x2800  }
.Ltmp6:
0x6d: {  	[sflag:s15] =	ssyncset.done $0x0;
	(pc) =	sbr.rel @p0 .LBB2_10-.Ltmp6, $4  }
0x6e: {  	s23 =	sadd.s32 s21, s10;
	[sflag:s15] =	ssyncadd.s32 $0xFFFFD800  }
0x6f: {  	[hbm4b:s23+s5] =	stream.linear.scatter [tilespmem:s14], [sflag:$0x1], $0x2800, $0x38;
	[tilespmem:$0x1B3A0] =	vst v63  }
0x70: {  	_ =	swait.ge [sflag:s15], $0x2800  }
0x71: {  	[sflag:s15] =	ssyncset.done $0x0  }
.LBB2_11:
0x72: {  	s19 =	sadd.s32 $0x1, s19  }
0x73: {  	p0 =	sne.s32 s19, s11  }
.Ltmp7:
0x74: {  	_ = 	snop;
	(pc) =	sbr.rel @p0 .LBB2_1-.Ltmp7, $2  }
0x75: {  	_ =	sdelay $0x2  }
0x76: {  	[sflag:s15] =	ssyncadd.s32 $0xFFFFD800  }
0x77: {  	_ =	sfence.sel $0x180000  }
0x78: {  	[bflag:$0x0] =	sbarrier.arrive $0xFFFF  }
0x79: {  	p0 =	sne.s32 s0, $0x0;
	_ =	strace $0x90000056  }
0x7a: {  	s0 =	sadd.s32 @!p0 $0x100000, s1;
	[bflag:$0x2] =	sbarrier.arrive $0xFFFF  }
0x7b: {  	[sflag:s0] =	ssyncadd.tile.s32 @!p0 $0x1;
	_ =	shalt  }
.Lfunc_end2:
_tile_overlayer_lowered:
.L_overlay_start_2:
0x7c: {  	(tag) =	ssettag $0x2  }
0x7d: {  	s0 =	rddreg [dreg:$0x0];
	s2 =	stileid.u32  }
0x7e: {  	s1 =	rddreg [dreg:$0x1];
	p0 =	sne.s32 s2, $0x0  }
0x7f: {  	s3 =	rddreg [dreg:$0x2];
	[bflag:$0x3] =	sbarrier.arrive $0xFFFF;
	s2 =	simm.s32 @!p0 $0x1C01  }
0x80: {  	[timem:s3], [sflag:s2] =	dma.local @!p0 [hbm:s0], s1  }
0x81: {  	s0 =	simm.s32 @!p0 $0x1  }
0x82: {  	_ =	swait.ge @!p0 [sflag:s0], s1  }
0x83: {  	s1 =	ssub.s32 @!p0 $0x0, s1;
	[sflag:s0] =	ssyncset.done @!p0 $0x0  }
0x84: {  	[sflag:s0] =	ssyncadd.s32 @!p0 s1  }
0x85: {  	[bflag:$0x3] =	sbarrier.arrive $0xFFFF  }
0x86: {  	_ =	shalt  }

// kernel: kernel.33.cloned.1.call-start
scs
__scs_entry_jumppad:
0x0: {  	(pc) =	sbr.rel $0x88, $3  }
0x1: {  	(tag) =	ssettag $0x0;
	lr =	simm.s32 $0x1  }
0x2: {  	[smem:$0x3F94] =	sst lr;
	_ =	strace $0xD0000000  }
0x3: {  	_ = 	snop  }
0x4: {  	_ = 	snop  }
0x5: {  	_ = 	snop  }
0x6: {  	_ = 	snop  }
0x7: {  	_ = 	snop  }
__scs_overlays_trampoline_lowered:
0x8: {  	[smem:$0x3FA3] =	sst s0  }
0x9: {  	[smem:$0x3FA4] =	sst s1  }
0xa: {  	[smem:$0x3FA5] =	sst s2  }
0xb: {  	[smem:$0x3FA6] =	sst s3  }
0xc: {  	[smem:$0x3FA7] =	sst s4  }
0xd: {  	[smem:$0x3FA8] =	sst s5  }
0xe: {  	[smem:$0x3FA9] =	sst s6  }
0xf: {  	[smem:$0x3FAA] =	sst s7  }
0x10: {  	[smem:$0x3FAB] =	sst s8  }
0x11: {  	[smem:$0x3FAC] =	sst s9;
	s0 =	simm.s32 @!p0 $0x0  }
0x12: {  	s1 =	sld [smem:$0x3F92];
	s0 =	simm.s32 @p0 $0x1  }
0x13: {  	[smem:$0x3FAD] =	sst s0;
	s0 =	simm.s32 @!p1 $0x0  }
0x14: {  	s2 =	sld [smem:$0x3F91];
	s0 =	simm.s32 @p1 $0x1  }
0x15: {  	[smem:$0x3FAE] =	sst s0;
	s0 =	simm.s32 @!p2 $0x0  }
0x16: {  	s3 =	sld [smem:$0x3FDB];
	s0 =	simm.s32 @p2 $0x1  }
0x17: {  	s4 =	simm.s32 $0x1BF5;
	[smem:$0x3FB0] =	sst s0  }
0x18: {  	s0 =	sld [smem:$0x3F93];
	_ =	swait.ge [sflag:s4], $0x0  }
0x19: {  	s7 =	sld [smem:$0x3F94]  }
0x1a: {  	s8 =	sadd.s32 $0xFFFFE003, lr  }
0x1b: {  	s9 =	sadd.s32 $0xFFFFFEF7, lr;
	s5 =	simm.s32 $0xFFFFFFFF;
	p2 =	slt.u32 s8, $0xFFFFF086  }
0x1c: {  	p1 =	slt.u32 s9, $0xF7A;
	s5 =	simm.s32 @!p2 $0x0  }
0x1d: {  	s5 =	simm.s32 @p1 $0x1;
	p0 =	seq.s32 s7, s2  }
0x1e: {  	s7 =	smul.u32 @!p0 $0xF7A, s2;
	p2 =	seq.s32 @!p0 s5, $0x0  }
0x1f: {  	s9 =	smul.u32 $0xF7A, s1;
	s8 =	simm.s32 @!p0 $0x1BF5;
	p2 =	por !p2, p0  }
0x20: {  	[sflag:s8] =	ssyncset.s32 @!p0 $0xFFFFF086;
	s6 =	sadd.s32 @!p0 s3, s7;
	s7 =	simm.s32 @!p0 $0x108  }
0x21: {  	s3 =	sadd.s32 s3, s9;
	s6 =	sadd.s32 @!p0 $0x88, s6;
	s7 =	simm.s32 @p2 $0x1082  }
0x22: {  	[simem:s7], [sflag:s8] =	dma.local @!p0 [hbm:s6], $0xF7A  }
0x23: {  	s9 =	sor.u32 $0xD0000000, s2;
	s6 =	simm.s32 $0x108;
	_ =	swait.ge @!p0 [sflag:s8], $0x0  }
0x24: {  	s3 =	sadd.s32 $0x88, s3;
	s6 =	simm.s32 @!p1 $0x1082;
	[sflag:s4] =	ssyncset.s32 $0xFFFFF086  }
0x25: {  	[simem:s6], [sflag:s4] =	dma.local [hbm:s3], $0xF7A  }
0x26: {  	[smem:$0x3F94] =	sst s1;
	(tag) =	ssettag s2;
	_ =	strace s9  }
0x27: {  	s1 =	sld [smem:$0x3FA4]  }
0x28: {  	s2 =	sld [smem:$0x3FA5]  }
0x29: {  	s4 =	sld [smem:$0x3FA7]  }
0x2a: {  	p0 =	seq.s32 s5, $0x0;
	s5 =	sld [smem:$0x3FA8]  }
0x2b: {  	s6 =	sld [smem:$0x3FA9]  }
0x2c: {  	s7 =	sld [smem:$0x3FAA]  }
0x2d: {  	s3 =	simm.s32 $0x108;
	s8 =	sld [smem:$0x3FAB]  }
0x2e: {  	s3 =	simm.s32 @!p0 $0x1082;
	s9 =	sld [smem:$0x3FAC]  }
0x2f: {  	lr =	sadd.s32 s0, s3;
	s0 =	sld [smem:$0x3FA3]  }
0x30: {  	s3 =	sld [smem:$0x3FA6]  }
0x31: {  	[smem:$0x3FAF] =	sst s10  }
0x32: {  	s10 =	sld [smem:$0x3FAD];
	_ =	sdelay $0x3  }
0x33: {  	p0 =	seq.s32 s10, $0x1;
	s10 =	sld [smem:$0x3FAF];
	_ =	sdelay $0x3  }
0x34: {  	[smem:$0x3FAF] =	sst s10  }
0x35: {  	s10 =	sld [smem:$0x3FAE];
	_ =	sdelay $0x3  }
0x36: {  	p1 =	seq.s32 s10, $0x1;
	s10 =	sld [smem:$0x3FAF];
	_ =	sdelay $0x3  }
0x37: {  	[smem:$0x3FAF] =	sst s10  }
0x38: {  	s10 =	sld [smem:$0x3FB0]  }
0x39: {  	_ = 	snop;
	(pc) =	sbr.ind lr, $3  }
0x3a: {  	_ = 	snop  }
0x3b: {  	_ = 	snop  }
0x3c: {  	p2 =	seq.s32 s10, $0x1;
	s10 =	sld [smem:$0x3FAF]  }
0x3d: {  	_ =	shalt  }
0x3e: {  	_ =	shalt  }
0x3f: {  	_ =	shalt  }
0x40: {  	_ =	shalt  }
0x41: {  	_ =	shalt  }
0x42: {  	_ =	shalt  }
0x43: {  	_ =	shalt  }
0x44: {  	_ =	shalt  }
0x45: {  	_ =	shalt  }
0x46: {  	_ =	shalt  }
0x47: {  	_ =	shalt  }
0x48: {  	_ =	shalt  }
0x49: {  	_ =	shalt  }
0x4a: {  	_ =	shalt  }
0x4b: {  	_ =	shalt  }
0x4c: {  	_ =	shalt  }
0x4d: {  	_ =	shalt  }
0x4e: {  	_ =	shalt  }
0x4f: {  	_ =	shalt  }
0x50: {  	_ =	shalt  }
0x51: {  	_ =	shalt  }
0x52: {  	_ =	shalt  }
0x53: {  	_ =	shalt  }
0x54: {  	_ =	shalt  }
0x55: {  	_ =	shalt  }
0x56: {  	_ =	shalt  }
0x57: {  	_ =	shalt  }
0x58: {  	_ =	shalt  }
0x59: {  	_ =	shalt  }
0x5a: {  	_ =	shalt  }
0x5b: {  	_ =	shalt  }
0x5c: {  	_ =	shalt  }
0x5d: {  	_ =	shalt  }
0x5e: {  	_ =	shalt  }
0x5f: {  	_ =	shalt  }
0x60: {  	_ =	shalt  }
0x61: {  	_ =	shalt  }
0x62: {  	_ =	shalt  }
0x63: {  	_ =	shalt  }
0x64: {  	_ =	shalt  }
0x65: {  	_ =	shalt  }
0x66: {  	_ =	shalt  }
0x67: {  	_ =	shalt  }
0x68: {  	_ =	shalt  }
0x69: {  	_ =	shalt  }
0x6a: {  	_ =	shalt  }
0x6b: {  	_ =	shalt  }
0x6c: {  	_ =	shalt  }
0x6d: {  	_ =	shalt  }
0x6e: {  	_ =	shalt  }
0x6f: {  	_ =	shalt  }
0x70: {  	_ =	shalt  }
0x71: {  	_ =	shalt  }
0x72: {  	_ =	shalt  }
0x73: {  	_ =	shalt  }
0x74: {  	_ =	shalt  }
0x75: {  	_ =	shalt  }
0x76: {  	_ =	shalt  }
0x77: {  	_ =	shalt  }
0x78: {  	_ =	shalt  }
0x79: {  	_ =	shalt  }
0x7a: {  	_ =	shalt  }
0x7b: {  	_ =	shalt  }
0x7c: {  	_ =	shalt  }
0x7d: {  	_ =	shalt  }
0x7e: {  	_ =	shalt  }
0x7f: {  	_ =	shalt  }
0x80: {  	_ =	shalt  }
0x81: {  	_ =	shalt  }
0x82: {  	_ =	shalt  }
0x83: {  	_ =	shalt  }
0x84: {  	_ =	shalt  }
0x85: {  	_ =	shalt  }
0x86: {  	_ =	shalt  }
0x87: {  	_ =	shalt  }
.Lfunc_end0:
.L_simem_size_0:
called_computation.6_lowered:
.L_overlay_start_0:
0x88: {  	s2 =	sld [smem:$0x3FD9]  }
0x89: {  	s3 =	sld [smem:$0x3FFE];
	_ =	sdelay $0x1  }
0x8a: {  	s1 =	srdreg.scid  }
0x8b: {  	s0 =	sand.u32 $0x1, s1  }
0x8c: {  	s17 =	sshll.u32 s0, $0xA;
	s2 =	sadd.s32 s3, s2  }
0x8d: {  	s2 =	sadd.s32 s2, s17  }
0x8e: {  	[smem:$0x3FBB] =	sst s2  }
0x8f: {  	_ = 	snop  }
0x90: {  	s2 =	sld [smem:$0x3FD0];
	(tm) =	ssettm $0x1  }
0x91: {  	s18 =	sld [smem:$0x3FFB];
	_ =	sdelay $0x3  }
0x92: {  	_ =	strace s18  }
0x93: {  	s3 =	sld [smem:$0x3FFC];
	_ =	sdelay $0x3  }
0x94: {  	_ =	strace s3  }
0x95: {  	s3 =	sld [smem:$0x3FFD];
	_ =	sdelay $0x3  }
0x96: {  	_ =	strace s3  }
0x97: {  	_ =	strace $0x8FFFFFFF  }
0x98: {  	s19 =	sld [smem:$0x3FDB];
	_ =	sdelay $0x1  }
0x99: {  	s4 =	simm.s32 $_scs_section_size  }
0x9a: {  	s5 =	simm.s32 $_size__tile_overlayer_lowered;
	s6 =	simm.s32 $_tile_overlayer_lowered  }
0x9b: {  	s22 =	simm.s32 $0x1BFF;
	s21 =	sshll.u32 s6, $0x1;
	s3 =	sadd.s32 s4, s19  }
0x9c: {  	s7 =	simm.s32 $0x0;
	s20 =	sshll.u32 s5, $0x1;
	s5 =	sadd.s32 s21, s3  }
0x9d: {  	[timem:s7], [sflag:s22] =	dma.local [hbm:s5], s20  }
0x9e: {  	_ =	swait.ge [sflag:s22], s20  }
0x9f: {  	s4 =	ssub.s32 $0x0, s20;
	[sflag:s22] =	ssyncset.done $0x0  }
0xa0: {  	[sflag:s22] =	ssyncadd.s32 s4;
	_ =	sdelay $0x1  }
0xa1: {  	s23 =	simm.s32 $0x1B8B  }
0xa2: {  	_ =	swait.ge [sflag:s23], $0x1  }
0xa3: {  	[sflag:s23] =	ssyncset.done $0x0  }
0xa4: {  	s25 =	simm.s32 $0x1B8E;
	s24 =	sld [smem:$0x3FFE];
	[sflag:s23] =	ssyncadd.s32 $0xFFFFFFFF  }
0xa5: {  	s26 =	simm.s32 $execute0_lowered;
	[smem:$0x3FD2] =	sst s25  }
0xa6: {  	s5 =	sshll.u32 s26, $0x1;
	_ =	strace $0x80000058;
	[dreg:$0x1] =	wrdreg $0xFFFFFFFF  }
0xa7: {  	s28 =	simm.s32 $_size_execute0_lowered;
	s3 =	sadd.s32 s3, s5;
	[dreg:$0x0] =	wrdreg $0x0  }
0xa8: {  	s5 =	sshll.u32 s28, $0x1;
	[dreg:$0x2] =	wrdreg s3  }
0xa9: {  	[dreg:$0x3] =	wrdreg s5  }
0xaa: {  	[dreg:$0x4] =	wrdreg $0xC0  }
0xab: {  	_ =	task [dreg:s7], $0x5FFFF  }
0xac: {  	[dreg:$0x1] =	wrdreg $0xFFFFFFFF  }
0xad: {  	[dreg:$0x0] =	wrdreg $0x60  }
0xae: {  	[dreg:$0x2] =	wrdreg s24  }
0xaf: {  	[dreg:$0x3] =	wrdreg s2  }
0xb0: {  	[dreg:$0x4] =	wrdreg $0x7B200  }
0xb1: {  	[dreg:$0x5] =	wrdreg $0x9  }
0xb2: {  	_ =	task.clear_ibuf [dreg:s7], $0x6FFFF;
	_ =	strace $0x90000058  }
0xb3: {  	s29 =	simm.s32 $0x9;
	_ =	strace $0x8000005A  }
0xb4: {  	_ =	swait.ge [sflag:s29], $0x1  }
0xb5: {  	[sflag:s29] =	ssyncadd.s32 $0xFFFFFFFF  }
0xb6: {  	_ =	strace $0x9000005A  }
0xb7: {  	_ =	sfence  }
0xb8: {  	s30 =	sld [smem:$0x0];
	_ =	sdelay $0x2  }
0xb9: {  	s31 =	sshll.u32 s1, $0xD;
	s1 =	sshrl.u32 s1, $0x2  }
0xba: {  	s3 =	sand.u32 $0x4000, s31;
	s1 =	sadd.s32 s1, s30  }
0xbb: {  	s0 =	sor.u32 s3, s0;
	s1 =	sshll.u32 s1, $0x11  }
0xbc: {  	s0 =	sor.u32 s1, s0  }
0xbd: {  	s0 =	sadd.s32 $0x8F2B, s0  }
0xbe: {  	[sflag:s0] =	ssyncadd.remote.s32 $0x1  }
0xbf: {  	_ =	sfence.sel $0xFFFF  }
0xc0: {  	[dreg:$0x0] =	wrdreg $0xFFFFFFFF;
	(pc) =	sbr.abs _section_cstart, $3  }
0xc1: {  	[dreg:$0x1] =	wrdreg $0xFFFFFFFF  }
0xc2: {  	_ =	task.clear_ibuf [dreg:s7], $0x2FFFF;
	_ =	strace $0x9FFFFFFF  }
0xc3: {  	(tm) =	ssettm $0x7FFFFFFF  }
tec
execute0_lowered:
.L_overlay_start_1:
0x0: {  	(tag) =	ssettag $0x1  }
0x1: {  	s8 =	rddreg [dreg:$0x0]  }
0x2: {  	s2 =	rddreg [dreg:$0x1]  }
0x3: {  	s0 =	srdreg.scid;
	s3 =	rddreg [dreg:$0x2]  }
0x4: {  	s5 =	simm.s32 $0x0;
	s14 =	simm.s32 $0x5320;
	s15 =	simm.s32 $0x1  }
0x5: {  	s16 =	simm.s32 $0x2710;
	s17 =	simm.s32 $0x50;
	s18 =	simm.s32 $0x4E20  }
0x6: {  	s19 =	simm.s32 $0x0;
	s7 =	sand.u32 $0x1, s0;
	s0 =	stileid.u32  }
0x7: {  	[smem:$0x7FF] =	sst s5;
	s1 =	sshll.u32 s7, $0x4;
	s9 =	smul.u32 $0x27100, s7  }
0x8: {  	s7 =	ssub.s32 $0x2, s7;
	s12 =	smul.u32 $0xA000, s0;
	s1 =	sor.u32 s0, s1  }
0x9: {  	s31 =	ssub.s32 $0x8C, s0;
	s30 =	sshrl.u32 s7, $0x1;
	s4 =	smul.u32 $0x2710, s1  }
0xa: {  	s1 =	rddreg [dreg:$0x3];
	_ =	strace $0x80000059;
	s11 =	sadd.s32 s9, s8  }
0xb: {  	s13 =	ssub.s32 s7, s30;
	s12 =	sshrl.u32 s12, $0x2;
	s6 =	sshrl.u32 s4, $0x3  }
0xc: {  	s7 =	sshrl.u32 s31, $0x4;
	s12 =	sadd.s32 s12, s3;
	s10 =	sadd.s32 s6, s8  }
0xd: {  	s6 =	sadd.s32 $0xF0C00, s8;
	s8 =	sadd.s32 $0xFA00, s10;
	s9 =	sadd.s32 $0x5C00, s10  }
0xe: {  	v0 =	vimm.f32 $0.0e+00;
	s10 =	sadd.s32 $0x40A00, s11;
	s11 =	smax.u32 s13, $0x1;
	s13 =	smul.u32 $0x500, s0  }
.LBB2_1:
0xf: {  	s20 =	simm.s32 $0x0;
	s21 =	simm.s32 $0x200  }
.LBB2_2:
0x10: {  	p0 =	sne.s32 s21, $0x9E00;
	[tilespmem:s20+$0x5390] =	vst v0  }
0x11: {  	[tilespmem:s20+$0x5320] =	vst v0  }
0x12: {  	[tilespmem:s20+$0x5330] =	vst v0  }
.Ltmp0:
0x13: {  	[tilespmem:s20+$0x5340] =	vst v0;
	(pc) =	sbr.rel @p0 .LBB2_2-.Ltmp0, $4  }
0x14: {  	[tilespmem:s20+$0x5350] =	vst v0  }
0x15: {  	[tilespmem:s20+$0x5360] =	vst v0  }
0x16: {  	[tilespmem:s20+$0x5370] =	vst v0  }
0x17: {  	[tilespmem:s20+$0x5380] =	vst v0;
	s20 =	sshra.s32 s21, $0x2;
	s21 =	sadd.s32 $0x200, s21  }
0x18: {  	[tilespmem:s20+$0x5390] =	vst v0  }
0x19: {  	[tilespmem:s20+$0x5320] =	vst v0  }
0x1a: {  	[tilespmem:s20+$0x5330] =	vst v0  }
0x1b: {  	[tilespmem:s20+$0x5340] =	vst v0  }
0x1c: {  	[tilespmem:s20+$0x5350] =	vst v0  }
0x1d: {  	[tilespmem:s20+$0x5360] =	vst v0;
	p0 =	sne.s32 s7, $0x1  }
.Ltmp1:
0x1e: {  	[tilespmem:s20+$0x5370] =	vst v0;
	(pc) =	sbr.rel @!p0 .LBB2_5-.Ltmp1, $4  }
0x1f: {  	[tilespmem:s20+$0x5380] =	vst v0  }
0x20: {  	[spmem:s12] =	stream.linear.scatter [tilespmem:s14], [sflag:$0x1], $0x2800, $0x38;
	[tilespmem:$0x1B3A0] =	vst v63  }
0x21: {  	_ =	swait.ge [sflag:s15], $0x2800  }
0x22: {  	s20 =	sadd.s32 $0xFFFFFFFF, s7;
	s21 =	smov.u32 s12;
	[sflag:s15] =	ssyncset.done $0x0  }
.LBB2_4:
0x23: {  	p1 =	sne.s32 s20, $0x1;
	[sflag:s15] =	ssyncadd.s32 $0xFFFFD800;
	s21 =	sadd.s32 $0x28000, s21  }
.Ltmp2:
0x24: {  	s20 =	sadd.s32 $0xFFFFFFFF, s20;
	(pc) =	sbr.rel @p1 .LBB2_4-.Ltmp2, $4  }
0x25: {  	_ = 	snop  }
0x26: {  	[spmem:s21] =	stream.linear.scatter [tilespmem:s14], [sflag:$0x1], $0x2800, $0x38;
	[tilespmem:$0x1B3A0] =	vst v63  }
0x27: {  	_ =	swait.ge [sflag:s15], $0x2800  }
0x28: {  	[sflag:s15] =	ssyncset.done $0x0  }
.LBB2_5:
0x29: {  	[sflag:s15] =	ssyncadd.s32 $0xFFFFD800;
	s20 =	simm.s32 $0x0  }
0x2a: {  	[tilespmem:s20], [sflag:$0x1] =	stream.linear.gather [hbm4b:s8+s20], $0x2710, $0x38;
	[tilespmem:$0x1B3A0] =	vst v63  }
0x2b: {  	_ =	swait.ge [sflag:s15], $0x2710  }
0x2c: {  	[sflag:s15] =	ssyncset.done $0x0  }
0x2d: {  	[sflag:s15] =	ssyncadd.s32 $0xFFFFD8F0  }
0x2e: {  	[tilespmem:s16], [sflag:$0x1] =	stream.linear.gather [hbm4b:s9+s20], $0x2710, $0x38;
	[tilespmem:$0x1B3A0] =	vst v63  }
0x2f: {  	_ =	swait.ge [sflag:s15], $0x2710  }
0x30: {  	[sflag:s15] =	ssyncset.done $0x0  }
0x31: {  	[sflag:s15] =	ssyncadd.s32 $0xFFFFD8F0  }
0x32: {  	s21 =	simm.s32 $0x0;
	[bflag:$0x0] =	sbarrier.arrive $0xFFFF  }
.LBB2_6:
0x33: {  	s22 =	smul.u32 $0x50, s21;
	_ =	sdelay $0x1  }
0x34: {  	[tilespmem:s14], [sflag:$0x1] =	stream.indirect.gather [hbm4b:s2+s17], $0x80, s22, s17, $0xb8;
	[tilespmem:$0x1B3A0] =	vst v63  }
0x35: {  	s23 =	sadd.s32 s4, s22;
	_ =	swait.ge [sflag:s15], $0x2800  }
0x36: {  	s23 =	sshll.u32 s23, $0x1;
	[sflag:s15] =	ssyncset.done $0x0  }
0x37: {  	s23 =	sadd.s32 s6, s23;
	[sflag:s15] =	ssyncadd.s32 $0xFFFFD800  }
0x38: {  	[tilespmem:s18], [sflag:$0x1] =	stream.linear.gather [hbm4b:s23+s20], $0x500, $0x38;
	[tilespmem:$0x1B3A0] =	vst v63  }
0x39: {  	_ =	swait.ge [sflag:s15], $0x500  }
0x3a: {  	[sflag:s15] =	ssyncset.done $0x0  }
0x3b: {  	s23 =	simm.s32 $0x5360;
	[sflag:s15] =	ssyncadd.s32 $0xFFFFFB00  }
0x3c: {  	s26 =	simm.s32 $0x0;
	s25 =	simm.s32 $0x40;
	s24 =	simm.s32 $0x5360;
	v1 =	vld [tilespmem:s23+$0xFFFFFFF0]  }
.LBB2_7:
0x3d: {  	p1 =	sne.s32 s25, $0x13C0;
	v2 =	vld [tilespmem:s26+$0x4E20]  }
0x3e: {  	v3 =	vld [tilespmem:s23+$0xFFFFFFD0]  }
0x3f: {  	v4 =	vld [tilespmem:s23+$0xFFFFFFC0]  }
0x40: {  	v5 =	vld [tilespmem:s23+$0xFFFFFFE0]  }
0x41: {  	v6 =	vld [tilespmem:s23+$0x30]  }
0x42: {  	v7 =	vbroadcast v2, $0x0;
	v8 =	vbroadcast v2, $0x1;
	v9 =	vld [tilespmem:s23+$0x10]  }
0x43: {  	v10 =	vbroadcast v2, $0x2;
	v11 =	vbroadcast v2, $0x3;
	v12 =	vld [tilespmem:s23+$0x0]  }
0x44: {  	v4 =	vmul.f32 v7, v4;
	v3 =	vmul.f32 v3, v8;
	v7 =	vld [tilespmem:s23+$0x20]  }
0x45: {  	v1 =	vmul.f32 v1, v11;
	v5 =	vmul.f32 v5, v10  }
0x46: {  	v8 =	vbroadcast v2, $0x5;
	[tilespmem:s23+$0xFFFFFFC0] =	vst v4;
	v4 =	vbroadcast v2, $0x4  }
0x47: {  	[tilespmem:s23+$0xFFFFFFD0] =	vst v3;
	v3 =	vbroadcast v2, $0x6;
	v2 =	vbroadcast v2, $0x7  }
0x48: {  	[tilespmem:s23+$0xFFFFFFE0] =	vst v5;
	v4 =	vmul.f32 v12, v4;
	v5 =	vmul.f32 v9, v8  }
.Ltmp3:
0x49: {  	[tilespmem:s23+$0xFFFFFFF0] =	vst v1;
	v1 =	vmul.f32 v7, v3;
	v2 =	vmul.f32 v6, v2;
	(pc) =	sbr.rel @p1 .LBB2_7-.Ltmp3, $4  }
0x4a: {  	[tilespmem:s23+$0x0] =	vst v4  }
0x4b: {  	[tilespmem:s23+$0x10] =	vst v5  }
0x4c: {  	s23 =	sadd.s32 $0x80, s23;
	[tilespmem:s24+$0x20] =	vst v1  }
0x4d: {  	s26 =	sshra.s32 s25, $0x2;
	s25 =	sadd.s32 $0x40, s25;
	v1 =	vld [tilespmem:s23+$0xFFFFFFF0];
	[tilespmem:s24+$0x30] =	vst v2;
	s24 =	smov.u32 s23  }
0x4e: {  	v2 =	vld [tilespmem:s26+$0x4E20];
	_ =	sdelay $0x1  }
0x4f: {  	v3 =	vld [tilespmem:s23+$0xFFFFFFC0]  }
0x50: {  	v4 =	vld [tilespmem:s23+$0xFFFFFFD0]  }
0x51: {  	v5 =	vld [tilespmem:s23+$0xFFFFFFE0]  }
0x52: {  	v6 =	vbroadcast v2, $0x0  }
0x53: {  	v9 =	vld [tilespmem:s23+$0x10];
	v7 =	vbroadcast v2, $0x1  }
0x54: {  	v8 =	vld [tilespmem:s23+$0x0];
	v10 =	vbroadcast v2, $0x2;
	v3 =	vmul.f32 v6, v3  }
0x55: {  	v60 =	vld [tilespmem:s23+$0x20];
	v59 =	vbroadcast v2, $0x3;
	v4 =	vmul.f32 v4, v7  }
0x56: {  	v11 =	vld [tilespmem:s23+$0x30];
	v61 =	vbroadcast v2, $0x5;
	v5 =	vmul.f32 v5, v10;
	[tilespmem:s23+$0xFFFFFFC0] =	vst v3  }
0x57: {  	v1 =	vmul.f32 v1, v59;
	v3 =	vbroadcast v2, $0x4;
	[tilespmem:s23+$0xFFFFFFD0] =	vst v4  }
0x58: {  	v62 =	vbroadcast v2, $0x6;
	v63 =	vmul.f32 v9, v61;
	[tilespmem:s23+$0xFFFFFFE0] =	vst v5  }
0x59: {  	v2 =	vbroadcast v2, $0x7;
	[tilespmem:s23+$0xFFFFFFF0] =	vst v1;
	v3 =	vmul.f32 v8, v3  }
0x5a: {  	v1 =	vmul.f32 v60, v62;
	[tilespmem:s23+$0x10] =	vst v63  }
0x5b: {  	s21 =	sadd.s32 $0x1, s21;
	v2 =	vmul.f32 v11, v2;
	[tilespmem:s23+$0x0] =	vst v3  }
0x5c: {  	p1 =	sne.s32 s21, $0x7D;
	[tilespmem:s24+$0x20] =	vst v1  }
.Ltmp4:
0x5d: {  	s22 =	sadd.s32 $0x2710, s22;
	[tilespmem:s24+$0x30] =	vst v2;
	(pc) =	sbr.rel @p1 .LBB2_6-.Ltmp4, $4  }
0x5e: {  	[spmem:s3] =	stream.indirect.scatter.add.f32 [tilespmem:s14], [sflag:$0x1], $0x80, s22, s17, $0xb8;
	[tilespmem:$0x1B3A0] =	vst v63  }
0x5f: {  	_ =	swait.ge [sflag:s15], $0x2800  }
0x60: {  	[sflag:s15] =	ssyncset.done $0x0  }
0x61: {  	[sflag:s15] =	ssyncadd.s32 $0xFFFFD800  }
0x62: {  	[bflag:$0x0] =	sbarrier.arrive $0xFFFF  }
0x63: {  	[tilespmem:s14], [sflag:$0x1] =	stream.linear.gather [spmem:s12], $0x2800, $0x38;
	[tilespmem:$0x1B3A0] =	vst v63  }
0x64: {  	_ =	swait.ge [sflag:s15], $0x2800  }
.Ltmp5:
0x65: {  	[sflag:s15] =	ssyncset.done $0x0;
	(pc) =	sbr.rel @!p0 .LBB2_11-.Ltmp5, $4  }
0x66: {  	s20 =	sadd.s32 s13, s10;
	[sflag:s15] =	ssyncadd.s32 $0xFFFFD800  }
0x67: {  	[hbm4b:s20+s5] =	stream.linear.scatter [tilespmem:s14], [sflag:$0x1], $0x2800, $0x38;
	[tilespmem:$0x1B3A0] =	vst v63  }
0x68: {  	s21 =	smov.u32 s13;
	_ =	swait.ge [sflag:s15], $0x2800  }
0x69: {  	s22 =	smov.u32 s12;
	s20 =	sadd.s32 $0xFFFFFFFF, s7;
	[sflag:s15] =	ssyncset.done $0x0  }
.LBB2_10:
0x6a: {  	[sflag:s15] =	ssyncadd.s32 $0xFFFFD800;
	s21 =	sadd.s32 $0x5000, s21;
	s22 =	sadd.s32 $0x28000, s22  }
0x6b: {  	[tilespmem:s14], [sflag:$0x1] =	stream.linear.gather [spmem:s22], $0x2800, $0x38;
	[tilespmem:$0x1B3A0] =	vst v63  }
0x6c: {  	p0 =	sne.s32 s20, $0x1;
	s20 =	sadd.s32 $0xFFFFFFFF, s20;
	_ =	swait.ge [sflag:s15], $0x2800  }
.Ltmp6:
0x6d: {  	[sflag:s15] =	ssyncset.done $0x0;
	(pc) =	sbr.rel @p0 .LBB2_10-.Ltmp6, $4  }
0x6e: {  	s23 =	sadd.s32 s21, s10;
	[sflag:s15] =	ssyncadd.s32 $0xFFFFD800  }
0x6f: {  	[hbm4b:s23+s5] =	stream.linear.scatter [tilespmem:s14], [sflag:$0x1], $0x2800, $0x38;
	[tilespmem:$0x1B3A0] =	vst v63  }
0x70: {  	_ =	swait.ge [sflag:s15], $0x2800  }
0x71: {  	[sflag:s15] =	ssyncset.done $0x0  }
.LBB2_11:
0x72: {  	s19 =	sadd.s32 $0x1, s19  }
0x73: {  	p0 =	sne.s32 s19, s11  }
.Ltmp7:
0x74: {  	_ = 	snop;
	(pc) =	sbr.rel @p0 .LBB2_1-.Ltmp7, $2  }
0x75: {  	_ =	sdelay $0x2  }
0x76: {  	[sflag:s15] =	ssyncadd.s32 $0xFFFFD800  }
0x77: {  	_ =	sfence.sel $0x180000  }
0x78: {  	[bflag:$0x0] =	sbarrier.arrive $0xFFFF  }
0x79: {  	p0 =	sne.s32 s0, $0x0;
	_ =	strace $0x90000059  }
0x7a: {  	s0 =	sadd.s32 @!p0 $0x100000, s1;
	[bflag:$0x2] =	sbarrier.arrive $0xFFFF  }
0x7b: {  	[sflag:s0] =	ssyncadd.tile.s32 @!p0 $0x1;
	_ =	shalt  }
.Lfunc_end2:
_tile_overlayer_lowered:
.L_overlay_start_2:
0x7c: {  	(tag) =	ssettag $0x2  }
0x7d: {  	s0 =	rddreg [dreg:$0x0];
	s2 =	stileid.u32  }
0x7e: {  	s1 =	rddreg [dreg:$0x1];
	p0 =	sne.s32 s2, $0x0  }
0x7f: {  	s3 =	rddreg [dreg:$0x2];
	[bflag:$0x3] =	sbarrier.arrive $0xFFFF;
	s2 =	simm.s32 @!p0 $0x1C01  }
0x80: {  	[timem:s3], [sflag:s2] =	dma.local @!p0 [hbm:s0], s1  }
0x81: {  	s0 =	simm.s32 @!p0 $0x1  }
0x82: {  	_ =	swait.ge @!p0 [sflag:s0], s1  }
0x83: {  	s1 =	ssub.s32 @!p0 $0x0, s1;
	[sflag:s0] =	ssyncset.done @!p0 $0x0  }
0x84: {  	[sflag:s0] =	ssyncadd.s32 @!p0 s1  }
0x85: {  	[bflag:$0x3] =	sbarrier.arrive $0xFFFF  }
0x86: {  	_ =	shalt  }

</sc_bundles>
